<compile_context>
chip_gen: v7x
topology: tpu7x:2x2x1
jax: 0.10.2.dev20260603
libtpu: 0.0.44.dev20260713+nightly
codegen_flags: <defaults>
</compile_context>

<pallas_src>
import functools

import jax
import jax.numpy as jnp
from jax import lax
from jax.experimental import pallas as pl
from jax.experimental.pallas import tpu as pltpu
from jax.experimental.pallas import tpu_sc as plsc

NC = 2
NS = 16
LANES = 16
CH = 128


def _sc_mesh():
    return plsc.VectorSubcoreMesh(core_axis_name="c", subcore_axis_name="s",
                                  num_cores=NC, num_subcores=NS)


def _worker_id():
    c = lax.axis_index("c")
    s = lax.axis_index("s")
    return s * NC + c, c, s


def _sc_prep_body(n_pad, n_chunks, pos_w, pos_hbm, src_hbm, dst_hbm,
                  posd_hbm, poss_hbm, degp_hbm,
                  src_v, dst_v, srows_v, drows_v, ones_v, zeros_v,
                  deg_sh):
    wid, c, s = _worker_id()
    nw = NC * NS
    base_chunks = n_chunks // nw
    rem = n_chunks - base_chunks * nw
    my_chunks = base_chunks + jnp.where(wid < rem, 1, 0)

    rows_per_tile = n_pad // NS

    def fill(i, _):
        ones_v[i, pl.ds(0, LANES)] = jnp.ones((LANES,), jnp.float32)
        zeros_v[i, pl.ds(0, LANES)] = jnp.zeros((LANES,), jnp.float32)
        return 0
    lax.fori_loop(0, CH, fill, 0)
    for b in range(rows_per_tile // CH):
        pltpu.sync_copy(zeros_v, deg_sh.at[pl.ds(s * rows_per_tile + b * CH, CH)])
    plsc.subcore_barrier()

    def chunk_body(t, _):
        cid = wid + nw * t
        ebase = cid * CH
        pltpu.sync_copy(src_hbm.at[pl.ds(ebase, CH)], src_v)
        pltpu.sync_copy(dst_hbm.at[pl.ds(ebase, CH)], dst_v)
        pltpu.sync_copy(pos_hbm.at[src_v], srows_v)
        pltpu.sync_copy(pos_hbm.at[dst_v], drows_v)
        pltpu.sync_copy(srows_v, poss_hbm.at[pl.ds(ebase, CH)])
        pltpu.sync_copy(drows_v, posd_hbm.at[pl.ds(ebase, CH)])
        pltpu.sync_copy(ones_v, deg_sh.at[dst_v], add=True)
        return 0

    lax.fori_loop(0, my_chunks, chunk_body, 0)
    plsc.subcore_barrier()
    pltpu.sync_copy(deg_sh.at[pl.ds(s * rows_per_tile, rows_per_tile)],
                    degp_hbm.at[c, pl.ds(s * rows_per_tile, rows_per_tile)])


def _sc_prep(pos, src, dst, n_pad):
    e = src.shape[0]
    pos_w = pos.shape[1]
    n_chunks = e // CH
    kern = functools.partial(
        pl.kernel,
        out_type=(jax.ShapeDtypeStruct((e, pos_w), jnp.float32),
                  jax.ShapeDtypeStruct((e, pos_w), jnp.float32),
                  jax.ShapeDtypeStruct((NC, n_pad, LANES), jnp.float32)),
        mesh=_sc_mesh(),
        compiler_params=pltpu.CompilerParams(use_tc_tiling_on_sc=False),
        scratch_types=[
            pltpu.VMEM((CH,), jnp.int32),
            pltpu.VMEM((CH,), jnp.int32),
            pltpu.VMEM((CH, pos_w), jnp.float32),
            pltpu.VMEM((CH, pos_w), jnp.float32),
            pltpu.VMEM((CH, LANES), jnp.float32),
            pltpu.VMEM((CH, LANES), jnp.float32),
            pltpu.VMEM_SHARED((n_pad, LANES), jnp.float32),
        ],
    )(functools.partial(_sc_prep_body, n_pad, n_chunks, pos_w))
    return kern(pos, src, dst)


def _sc_layer_body(n_pad, h_dim, n_chunks, h_hbm, kw_hbm, src_hbm, dst_hbm,
                   aggp_hbm,
                   src_v, dst_v, hrows_v, kw_v, zero_v, acc_sh):
    wid, c, s = _worker_id()
    nw = NC * NS
    base_chunks = n_chunks // nw
    rem = n_chunks - base_chunks * nw
    my_chunks = base_chunks + jnp.where(wid < rem, 1, 0)
    rows_per_tile = n_pad // NS

    zero16 = jnp.zeros((LANES,), jnp.float32)

    def zfill(i, _):
        for j in range(h_dim // LANES):
            zero_v[i, pl.ds(j * LANES, LANES)] = zero16
        return 0
    lax.fori_loop(0, CH, zfill, 0)
    for b in range(rows_per_tile // CH):
        pltpu.sync_copy(zero_v, acc_sh.at[pl.ds(s * rows_per_tile + b * CH, CH)])
    plsc.subcore_barrier()

    def chunk_body(t, _):
        cid = wid + nw * t
        ebase = cid * CH
        pltpu.sync_copy(src_hbm.at[pl.ds(ebase, CH)], src_v)
        pltpu.sync_copy(dst_hbm.at[pl.ds(ebase, CH)], dst_v)
        pltpu.sync_copy(h_hbm.at[src_v], hrows_v)
        pltpu.sync_copy(kw_hbm.at[pl.ds(ebase, CH)], kw_v)

        def row(i, _):
            for j in range(h_dim // LANES):
                sl = pl.ds(j * LANES, LANES)
                hrows_v[i, sl] = hrows_v[i, sl] * kw_v[i, sl]
            return 0
        lax.fori_loop(0, CH, row, 0)
        pltpu.sync_copy(hrows_v, acc_sh.at[dst_v], add=True)
        return 0

    lax.fori_loop(0, my_chunks, chunk_body, 0)
    plsc.subcore_barrier()
    pltpu.sync_copy(acc_sh.at[pl.ds(s * rows_per_tile, rows_per_tile)],
                    aggp_hbm.at[c, pl.ds(s * rows_per_tile, rows_per_tile)])


def _sc_layer(h, kw, src, dst, n_pad):
    e = src.shape[0]
    h_dim = h.shape[1]
    n_chunks = e // CH
    kern = functools.partial(
        pl.kernel,
        out_type=jax.ShapeDtypeStruct((NC, n_pad, h_dim), jnp.float32),
        mesh=_sc_mesh(),
        compiler_params=pltpu.CompilerParams(use_tc_tiling_on_sc=False),
        scratch_types=[
            pltpu.VMEM((CH,), jnp.int32),
            pltpu.VMEM((CH,), jnp.int32),
            pltpu.VMEM((CH, h_dim), jnp.float32),
            pltpu.VMEM((CH, h_dim), jnp.float32),
            pltpu.VMEM((CH, h_dim), jnp.float32),
            pltpu.VMEM_SHARED((n_pad, h_dim), jnp.float32),
        ],
    )(functools.partial(_sc_layer_body, n_pad, h_dim, n_chunks))
    return kern(h, kw, src, dst)


def _tc_lift(x2d, pos, wx, wp, b):
    n = x2d.shape[0]
    h_dim = wx.shape[1]
    bn = 2000 if n % 2000 == 0 else n

    def body(x_ref, p_ref, wx_ref, wp_ref, b_ref, o_ref):
        o_ref[...] = (jnp.dot(x_ref[...], wx_ref[...],
                              preferred_element_type=jnp.float32)
                      + jnp.dot(p_ref[...], wp_ref[...],
                                preferred_element_type=jnp.float32)
                      + b_ref[...])

    return pl.pallas_call(
        body,
        grid=(n // bn,),
        in_specs=[
            pl.BlockSpec((bn, x2d.shape[1]), lambda i: (i, 0)),
            pl.BlockSpec((bn, pos.shape[1]), lambda i: (i, 0)),
            pl.BlockSpec(wx.shape, lambda i: (0, 0)),
            pl.BlockSpec(wp.shape, lambda i: (0, 0)),
            pl.BlockSpec((1, h_dim), lambda i: (0, 0)),
        ],
        out_specs=pl.BlockSpec((bn, h_dim), lambda i: (i, 0)),
        out_shape=jax.ShapeDtypeStruct((n, h_dim), jnp.float32),
    )(x2d, pos, wx, wp, b.reshape(1, h_dim))


def _tc_kmlp(posd, poss, ew, w1, b1, w2, b2):
    e, pos_w = posd.shape
    l_num, _, h_dim = w1.shape
    be = 4000 if e % 4000 == 0 else e

    def body(pd_ref, ps_ref, ew_ref, w1_ref, b1_ref, w2_ref, b2_ref, o_ref):
        t = (jnp.dot(pd_ref[...], w1_ref[0, :pos_w],
                     preferred_element_type=jnp.float32)
             + jnp.dot(ps_ref[...], w1_ref[0, pos_w:],
                       preferred_element_type=jnp.float32)
             + b1_ref[0])
        t = jax.nn.gelu(t)
        k = jnp.dot(t, w2_ref[0], preferred_element_type=jnp.float32) + b2_ref[0]
        o_ref[0] = k * ew_ref[...]

    return pl.pallas_call(
        body,
        grid=(l_num, e // be),
        in_specs=[
            pl.BlockSpec((be, pos_w), lambda l, i: (i, 0)),
            pl.BlockSpec((be, pos_w), lambda l, i: (i, 0)),
            pl.BlockSpec((be, 1), lambda l, i: (i, 0)),
            pl.BlockSpec((1, 2 * pos_w, h_dim), lambda l, i: (l, 0, 0)),
            pl.BlockSpec((1, 1, h_dim), lambda l, i: (l, 0, 0)),
            pl.BlockSpec((1, h_dim, h_dim), lambda l, i: (l, 0, 0)),
            pl.BlockSpec((1, 1, h_dim), lambda l, i: (l, 0, 0)),
        ],
        out_specs=pl.BlockSpec((1, be, h_dim), lambda l, i: (l, i, 0)),
        out_shape=jax.ShapeDtypeStruct((l_num, e, h_dim), jnp.float32),
    )(posd, poss, ew.reshape(e, 1), w1, b1.reshape(l_num, 1, h_dim), w2,
      b2.reshape(l_num, 1, h_dim))


def _tc_combine(aggp, degp, h, proj_w=None, proj_b=None):
    n, h_dim = h.shape
    bn = 2000 if n % 2000 == 0 else n
    final = proj_w is not None

    def body(*refs):
        if final:
            a_ref, d_ref, h_ref, pw_ref, pb_ref, o_ref = refs
        else:
            a_ref, d_ref, h_ref, o_ref = refs
        agg = a_ref[0] + a_ref[1]
        deg = jnp.clip(d_ref[0, :, 0:1] + d_ref[1, :, 0:1], 1.0, None)
        hn = jax.nn.gelu(agg / deg + h_ref[...])
        if final:
            o_ref[...] = (jnp.dot(hn, pw_ref[...],
                                  preferred_element_type=jnp.float32)
                          + pb_ref[...])
        else:
            o_ref[...] = hn

    in_specs = [
        pl.BlockSpec((NC, bn, h_dim), lambda i: (0, i, 0)),
        pl.BlockSpec((NC, bn, LANES), lambda i: (0, i, 0)),
        pl.BlockSpec((bn, h_dim), lambda i: (i, 0)),
    ]
    args = [aggp, degp, h]
    if final:
        out_dim = proj_w.shape[1]
        in_specs += [pl.BlockSpec(proj_w.shape, lambda i: (0, 0)),
                     pl.BlockSpec((1, out_dim), lambda i: (0, 0))]
        args += [proj_w, proj_b.reshape(1, out_dim)]
        out_shape = jax.ShapeDtypeStruct((n, out_dim), jnp.float32)
        out_spec = pl.BlockSpec((bn, out_dim), lambda i: (i, 0))
    else:
        out_shape = jax.ShapeDtypeStruct((n, h_dim), jnp.float32)
        out_spec = pl.BlockSpec((bn, h_dim), lambda i: (i, 0))

    return pl.pallas_call(
        body, grid=(n // bn,), in_specs=in_specs, out_specs=out_spec,
        out_shape=out_shape,
    )(*args)


def kernel(x, pos, edge_index, edge_weights, lift_W, lift_b,
           ker_W1, ker_b1, ker_W2, ker_b2, proj_W, proj_b):
    b, n, c_in = x.shape
    e = edge_index.shape[1]
    h_dim = lift_W.shape[1]
    l_num = ker_W1.shape[0]
    n_pad = ((n + NS * CH - 1) // (NS * CH)) * (NS * CH)

    src = edge_index[0].astype(jnp.int32)
    dst = edge_index[1].astype(jnp.int32)
    x2d = x.reshape(n, c_in)

    h0 = _tc_lift(x2d, pos, lift_W[:c_in], lift_W[c_in:], lift_b)
    posd, poss, degp = _sc_prep(pos, src, dst, n_pad)
    kw = _tc_kmlp(posd, poss, edge_weights, ker_W1, ker_b1, ker_W2, ker_b2)

    h = h0
    for l in range(l_num):
        aggp = _sc_layer(h, kw[l], src, dst, n_pad)
        if l < l_num - 1:
            h = _tc_combine(aggp, degp, h)
        else:
            out = _tc_combine(aggp, degp, h, proj_W, proj_b)
    return out.reshape(b, 1, n) if proj_W.shape[1] == 1 else (
        out.reshape(b, n, proj_W.shape[1]).transpose(0, 2, 1))

# --- scband reference (transcript-rebuilt; emitter-appended) ---
"""Pipeline reference for scband-gno-89730456748242 (READ-ONLY COPY).

The authoritative reference and input builder live on the scoring server;
editing this copy changes nothing except your own understanding.
"""

import jax, jax.numpy as jnp
import numpy as np

N = 10000
E = 320000
C_IN = 128
POS = 2
H = 64
L = 4
OUT = 1


def setup_inputs(seed: int = 0) -> dict:
    key = jax.random.key(seed)
    ks = jax.random.split(key, 12)
    x = jax.random.normal(ks[0], (1, N, C_IN), dtype=jnp.float32)
    pos = jax.random.uniform(ks[1], (N, POS), dtype=jnp.float32)
    edge_index = jax.random.randint(ks[2], (2, E), 0, N)
    edge_weights = jax.random.uniform(ks[3], (E,), dtype=jnp.float32)
    eff_in = C_IN + POS
    lift_W = jax.random.normal(ks[4], (eff_in, H), dtype=jnp.float32) / np.sqrt(eff_in)
    lift_b = jnp.zeros((H,), dtype=jnp.float32)
    ker_W1 = jax.random.normal(ks[5], (L, 2 * POS, H), dtype=jnp.float32) / np.sqrt(2 * POS)
    ker_b1 = jnp.zeros((L, H), dtype=jnp.float32)
    ker_W2 = jax.random.normal(ks[6], (L, H, H), dtype=jnp.float32) / np.sqrt(H)
    ker_b2 = jnp.zeros((L, H), dtype=jnp.float32)
    proj_W = jax.random.normal(ks[7], (H, OUT), dtype=jnp.float32) / np.sqrt(H)
    proj_b = jnp.zeros((OUT,), dtype=jnp.float32)
    return {
        'x': x, 'pos': pos, 'edge_index': edge_index, 'edge_weights': edge_weights,
        'lift_W': lift_W, 'lift_b': lift_b,
        'ker_W1': ker_W1, 'ker_b1': ker_b1, 'ker_W2': ker_W2, 'ker_b2': ker_b2,
        'proj_W': proj_W, 'proj_b': proj_b,
    }


def reference(x, pos, edge_index, edge_weights, lift_W, lift_b, ker_W1, ker_b1, ker_W2, ker_b2, proj_W, proj_b):
    B, n, _ = x.shape
    pos_b = jnp.broadcast_to(pos[None], (B, n, pos.shape[-1]))
    # add_grid: append coordinates, then lift
    h = jnp.concatenate([x, pos_b], axis=-1)
    h = h @ lift_W + lift_b
    src = edge_index[0]
    dst = edge_index[1]
    ones = jnp.ones((src.shape[0],), dtype=h.dtype)
    deg = jax.ops.segment_sum(ones, dst, num_segments=n)
    deg = jnp.clip(deg, 1.0, None)[None, :, None]
    pe = jnp.concatenate([pos[dst], pos[src]], axis=-1)  # [E, 2*POS]
    n_layers = ker_W1.shape[0]
    for l in range(n_layers):
        # kernel MLP on edge endpoint positions (kernel integration weights)
        k = jax.nn.gelu(pe @ ker_W1[l] + ker_b1[l]) @ ker_W2[l] + ker_b2[l]  # [E, H]
        msg = k[None, :, :] * h[:, src, :] * edge_weights[None, :, None]  # gather + modulate
        agg = jax.vmap(lambda m: jax.ops.segment_sum(m, dst, num_segments=n))(msg)  # scatter-add
        h = jax.nn.gelu(agg / deg + h)  # mean aggregation + skip connection
    out = h @ proj_W + proj_b  # [B, n, OUT]
    return jnp.transpose(out, (0, 2, 1))  # [B, OUT, n]

if __name__ == "__main__":
    import jax
    _d = setup_inputs()
    print(jax.jit(kernel)(*tuple(_d.values())))

</pallas_src>

<mosaic_0001>
#map = affine_map<(d0, d1) -> (0, 0)>
#map1 = affine_map<(d0, d1) -> (0)>
#map2 = affine_map<(d0, d1) -> (0, 0, 0)>
module attributes {stable_mosaic.version = 14 : i64} {
  func.func @_sc_layer_body(%arg0: i32, %arg1: i32, %arg2: memref<10000x64xf32, #tpu.memory_space<hbm>>, %arg3: memref<320000x64xf32, #tpu.memory_space<hbm>>, %arg4: memref<320000xi32, #tpu.memory_space<hbm>>, %arg5: memref<320000xi32, #tpu.memory_space<hbm>>, %arg6: memref<2x10240x64xf32, #tpu.memory_space<hbm>>, %arg7: memref<128xi32, #tpu.memory_space<vmem>>, %arg8: memref<128xi32, #tpu.memory_space<vmem>>, %arg9: memref<128x64xf32, #tpu.memory_space<vmem>>, %arg10: memref<128x64xf32, #tpu.memory_space<vmem>>, %arg11: memref<128x64xf32, #tpu.memory_space<vmem>>, %arg12: memref<10240x64xf32, #tpu.memory_space<vmem_shared>>) attributes {dimension_semantics = [#tpu.dimension_semantics<core_parallel>, #tpu.dimension_semantics<subcore_parallel>], iteration_bounds = array<i64: 2, 16>, scalar_prefetch = 0 : i64, scratch_operands = 6 : i64, tpu.core_type = #tpu.core_type<sc_vector_subcore>, window_params = [{transform_indices = #map}, {transform_indices = #map}, {transform_indices = #map1}, {transform_indices = #map1}, {transform_indices = #map2}]} {
    %mul3A = arith.constant 2 : i32
    %mul3A_0 = arith.muli %arg1, %mul3A : i32
    %add3A = arith.addi %mul3A_0, %arg0 : i32
    %lt3A = arith.constant 4 : i32
    %lt3A_1 = arith.cmpi slt, %add3A, %lt3A : i32
    %jit3A = arith.constant 1 : i32
    %jit3A_2 = arith.constant 0 : i32
    %select_n3A = arith.select %lt3A_1, %jit3A, %jit3A_2 : i32
    %add3A_3 = arith.constant 78 : i32
    %add3A_4 = arith.addi %add3A_3, %select_n3A : i32
    %broadcast_in_dim3A = arith.constant 0.000000e+00 : f32
    %broadcast_in_dim3A_5 = vector.broadcast %broadcast_in_dim3A : f32 to vector<16xf32>
    %scan3A = arith.constant 0 : i32
    %scan3A_6 = arith.constant 0 : i32
    %scan3A_7 = arith.constant 128 : i32
    %scan3A_8 = arith.addi %scan3A_6, %scan3A_7 : i32
    %scan3A_9 = arith.constant 1 : i32
    %scan3A_10 = scf.for %scan3A_48 = %scan3A_6 to %scan3A_8 step %scan3A_9 iter_args(%scan3A_49 = %scan3A) -> (i32)  : i32 {
      %swap3A = arith.index_cast %scan3A_48 : i32 to index
      %swap3A_50 = arith.constant 0 : index
      %swap3A_51 = tpu.vector_load %arg11[%swap3A, %swap3A_50] {strides = array<i32>} : memref<128x64xf32, #tpu.memory_space<vmem>>, vector<1x16xf32>,
      %swap3A_52 = vector.shape_cast %swap3A_51 : vector<1x16xf32> to vector<16xf32>
      %swap3A_53 = vector.shape_cast %broadcast_in_dim3A_5 : vector<16xf32> to vector<1x16xf32>
      tpu.vector_store %arg11[%swap3A, %swap3A_50], %swap3A_53 {strides = array<i32>} : memref<128x64xf32, #tpu.memory_space<vmem>>, vector<1x16xf32>,
      %swap3A_54 = arith.index_cast %scan3A_48 : i32 to index
      %swap3A_55 = arith.constant 16 : index
      %swap3A_56 = tpu.vector_load %arg11[%swap3A_54, %swap3A_55] {strides = array<i32>} : memref<128x64xf32, #tpu.memory_space<vmem>>, vector<1x16xf32>,
      %swap3A_57 = vector.shape_cast %swap3A_56 : vector<1x16xf32> to vector<16xf32>
      %swap3A_58 = vector.shape_cast %broadcast_in_dim3A_5 : vector<16xf32> to vector<1x16xf32>
      tpu.vector_store %arg11[%swap3A_54, %swap3A_55], %swap3A_58 {strides = array<i32>} : memref<128x64xf32, #tpu.memory_space<vmem>>, vector<1x16xf32>,
      %swap3A_59 = arith.index_cast %scan3A_48 : i32 to index
      %swap3A_60 = arith.constant 32 : index
      %swap3A_61 = tpu.vector_load %arg11[%swap3A_59, %swap3A_60] {strides = array<i32>} : memref<128x64xf32, #tpu.memory_space<vmem>>, vector<1x16xf32>,
      %swap3A_62 = vector.shape_cast %swap3A_61 : vector<1x16xf32> to vector<16xf32>
      %swap3A_63 = vector.shape_cast %broadcast_in_dim3A_5 : vector<16xf32> to vector<1x16xf32>
      tpu.vector_store %arg11[%swap3A_59, %swap3A_60], %swap3A_63 {strides = array<i32>} : memref<128x64xf32, #tpu.memory_space<vmem>>, vector<1x16xf32>,
      %swap3A_64 = arith.index_cast %scan3A_48 : i32 to index
      %swap3A_65 = arith.constant 48 : index
      %swap3A_66 = tpu.vector_load %arg11[%swap3A_64, %swap3A_65] {strides = array<i32>} : memref<128x64xf32, #tpu.memory_space<vmem>>, vector<1x16xf32>,
      %swap3A_67 = vector.shape_cast %swap3A_66 : vector<1x16xf32> to vector<16xf32>
      %swap3A_68 = vector.shape_cast %broadcast_in_dim3A_5 : vector<16xf32> to vector<1x16xf32>
      tpu.vector_store %arg11[%swap3A_64, %swap3A_65], %swap3A_68 {strides = array<i32>} : memref<128x64xf32, #tpu.memory_space<vmem>>, vector<1x16xf32>,
      %scan3A_69 = arith.constant 0 : i32
      scf.yield %scan3A_69 : i32
    }
    %scan3A_11 = arith.constant 128 : i32
    %mul3A_12 = arith.constant 640 : i32
    %mul3A_13 = arith.muli %arg1, %mul3A_12 : i32
    %add3A_14 = arith.constant 0 : i32
    %add3A_15 = arith.addi %mul3A_13, %add3A_14 : i32
    "tpu.region"() ({
      %run_scoped3A = tpu.sem_alloc : memref<!tpu.dma_semaphore, #tpu.memory_space<semaphore_mem>>
      %dma_start3A = arith.constant 0 : i32
      %dma_start3A_48 = tpu.memref_slice %arg12[%add3A_15, %dma_start3A] : memref<10240x64xf32, #tpu.memory_space<vmem_shared>> -> memref<128x64xf32, #tpu.memory_space<vmem_shared>>
      %dma_start3A_49 = arith.constant 0 : i32
      %dma_start3A_50 = tpu.memref_slice %arg12[%add3A_15, %dma_start3A_49] : memref<10240x64xf32, #tpu.memory_space<vmem_shared>> -> memref<128x64xf32, #tpu.memory_space<vmem_shared>>
      tpu.enqueue_dma source(%arg11 : memref<128x64xf32, #tpu.memory_space<vmem>>) target(%dma_start3A_50 : memref<128x64xf32, #tpu.memory_space<vmem_shared>>) target_semaphore(%run_scoped3A : memref<!tpu.dma_semaphore, #tpu.memory_space<semaphore_mem>>)
      %dma_wait3A = arith.constant 0 : i32
      %dma_wait3A_51 = tpu.memref_slice %arg12[%add3A_15, %dma_wait3A] : memref<10240x64xf32, #tpu.memory_space<vmem_shared>> -> memref<128x64xf32, #tpu.memory_space<vmem_shared>>
      %dma_wait3A_52 = arith.constant 0 : i32
      %dma_wait3A_53 = tpu.memref_slice %arg12[%add3A_15, %dma_wait3A_52] : memref<10240x64xf32, #tpu.memory_space<vmem_shared>> -> memref<128x64xf32, #tpu.memory_space<vmem_shared>>
      tpu.wait_dma2 semaphore(%run_scoped3A : memref<!tpu.dma_semaphore, #tpu.memory_space<semaphore_mem>>) src(%arg11 : memref<128x64xf32, #tpu.memory_space<vmem>>) dst(%dma_wait3A_53 : memref<128x64xf32, #tpu.memory_space<vmem_shared>>)
      tpu.yield
    }) : () -> ()
    %mul3A_16 = arith.constant 640 : i32
    %mul3A_17 = arith.muli %arg1, %mul3A_16 : i32
    %add3A_18 = arith.constant 128 : i32
    %add3A_19 = arith.addi %mul3A_17, %add3A_18 : i32
    "tpu.region"() ({
      %run_scoped3A = tpu.sem_alloc : memref<!tpu.dma_semaphore, #tpu.memory_space<semaphore_mem>>
      %dma_start3A = arith.constant 0 : i32
      %dma_start3A_48 = tpu.memref_slice %arg12[%add3A_19, %dma_start3A] : memref<10240x64xf32, #tpu.memory_space<vmem_shared>> -> memref<128x64xf32, #tpu.memory_space<vmem_shared>>
      %dma_start3A_49 = arith.constant 0 : i32
      %dma_start3A_50 = tpu.memref_slice %arg12[%add3A_19, %dma_start3A_49] : memref<10240x64xf32, #tpu.memory_space<vmem_shared>> -> memref<128x64xf32, #tpu.memory_space<vmem_shared>>
      tpu.enqueue_dma source(%arg11 : memref<128x64xf32, #tpu.memory_space<vmem>>) target(%dma_start3A_50 : memref<128x64xf32, #tpu.memory_space<vmem_shared>>) target_semaphore(%run_scoped3A : memref<!tpu.dma_semaphore, #tpu.memory_space<semaphore_mem>>)
      %dma_wait3A = arith.constant 0 : i32
      %dma_wait3A_51 = tpu.memref_slice %arg12[%add3A_19, %dma_wait3A] : memref<10240x64xf32, #tpu.memory_space<vmem_shared>> -> memref<128x64xf32, #tpu.memory_space<vmem_shared>>
      %dma_wait3A_52 = arith.constant 0 : i32
      %dma_wait3A_53 = tpu.memref_slice %arg12[%add3A_19, %dma_wait3A_52] : memref<10240x64xf32, #tpu.memory_space<vmem_shared>> -> memref<128x64xf32, #tpu.memory_space<vmem_shared>>
      tpu.wait_dma2 semaphore(%run_scoped3A : memref<!tpu.dma_semaphore, #tpu.memory_space<semaphore_mem>>) src(%arg11 : memref<128x64xf32, #tpu.memory_space<vmem>>) dst(%dma_wait3A_53 : memref<128x64xf32, #tpu.memory_space<vmem_shared>>)
      tpu.yield
    }) : () -> ()
    %mul3A_20 = arith.constant 640 : i32
    %mul3A_21 = arith.muli %arg1, %mul3A_20 : i32
    %add3A_22 = arith.constant 256 : i32
    %add3A_23 = arith.addi %mul3A_21, %add3A_22 : i32
    "tpu.region"() ({
      %run_scoped3A = tpu.sem_alloc : memref<!tpu.dma_semaphore, #tpu.memory_space<semaphore_mem>>
      %dma_start3A = arith.constant 0 : i32
      %dma_start3A_48 = tpu.memref_slice %arg12[%add3A_23, %dma_start3A] : memref<10240x64xf32, #tpu.memory_space<vmem_shared>> -> memref<128x64xf32, #tpu.memory_space<vmem_shared>>
      %dma_start3A_49 = arith.constant 0 : i32
      %dma_start3A_50 = tpu.memref_slice %arg12[%add3A_23, %dma_start3A_49] : memref<10240x64xf32, #tpu.memory_space<vmem_shared>> -> memref<128x64xf32, #tpu.memory_space<vmem_shared>>
      tpu.enqueue_dma source(%arg11 : memref<128x64xf32, #tpu.memory_space<vmem>>) target(%dma_start3A_50 : memref<128x64xf32, #tpu.memory_space<vmem_shared>>) target_semaphore(%run_scoped3A : memref<!tpu.dma_semaphore, #tpu.memory_space<semaphore_mem>>)
      %dma_wait3A = arith.constant 0 : i32
      %dma_wait3A_51 = tpu.memref_slice %arg12[%add3A_23, %dma_wait3A] : memref<10240x64xf32, #tpu.memory_space<vmem_shared>> -> memref<128x64xf32, #tpu.memory_space<vmem_shared>>
      %dma_wait3A_52 = arith.constant 0 : i32
      %dma_wait3A_53 = tpu.memref_slice %arg12[%add3A_23, %dma_wait3A_52] : memref<10240x64xf32, #tpu.memory_space<vmem_shared>> -> memref<128x64xf32, #tpu.memory_space<vmem_shared>>
      tpu.wait_dma2 semaphore(%run_scoped3A : memref<!tpu.dma_semaphore, #tpu.memory_space<semaphore_mem>>) src(%arg11 : memref<128x64xf32, #tpu.memory_space<vmem>>) dst(%dma_wait3A_53 : memref<128x64xf32, #tpu.memory_space<vmem_shared>>)
      tpu.yield
    }) : () -> ()
    %mul3A_24 = arith.constant 640 : i32
    %mul3A_25 = arith.muli %arg1, %mul3A_24 : i32
    %add3A_26 = arith.constant 384 : i32
    %add3A_27 = arith.addi %mul3A_25, %add3A_26 : i32
    "tpu.region"() ({
      %run_scoped3A = tpu.sem_alloc : memref<!tpu.dma_semaphore, #tpu.memory_space<semaphore_mem>>
      %dma_start3A = arith.constant 0 : i32
      %dma_start3A_48 = tpu.memref_slice %arg12[%add3A_27, %dma_start3A] : memref<10240x64xf32, #tpu.memory_space<vmem_shared>> -> memref<128x64xf32, #tpu.memory_space<vmem_shared>>
      %dma_start3A_49 = arith.constant 0 : i32
      %dma_start3A_50 = tpu.memref_slice %arg12[%add3A_27, %dma_start3A_49] : memref<10240x64xf32, #tpu.memory_space<vmem_shared>> -> memref<128x64xf32, #tpu.memory_space<vmem_shared>>
      tpu.enqueue_dma source(%arg11 : memref<128x64xf32, #tpu.memory_space<vmem>>) target(%dma_start3A_50 : memref<128x64xf32, #tpu.memory_space<vmem_shared>>) target_semaphore(%run_scoped3A : memref<!tpu.dma_semaphore, #tpu.memory_space<semaphore_mem>>)
      %dma_wait3A = arith.constant 0 : i32
      %dma_wait3A_51 = tpu.memref_slice %arg12[%add3A_27, %dma_wait3A] : memref<10240x64xf32, #tpu.memory_space<vmem_shared>> -> memref<128x64xf32, #tpu.memory_space<vmem_shared>>
      %dma_wait3A_52 = arith.constant 0 : i32
      %dma_wait3A_53 = tpu.memref_slice %arg12[%add3A_27, %dma_wait3A_52] : memref<10240x64xf32, #tpu.memory_space<vmem_shared>> -> memref<128x64xf32, #tpu.memory_space<vmem_shared>>
      tpu.wait_dma2 semaphore(%run_scoped3A : memref<!tpu.dma_semaphore, #tpu.memory_space<semaphore_mem>>) src(%arg11 : memref<128x64xf32, #tpu.memory_space<vmem>>) dst(%dma_wait3A_53 : memref<128x64xf32, #tpu.memory_space<vmem_shared>>)
      tpu.yield
    }) : () -> ()
    %mul3A_28 = arith.constant 640 : i32
    %mul3A_29 = arith.muli %arg1, %mul3A_28 : i32
    %add3A_30 = arith.constant 512 : i32
    %add3A_31 = arith.addi %mul3A_29, %add3A_30 : i32
    "tpu.region"() ({
      %run_scoped3A = tpu.sem_alloc : memref<!tpu.dma_semaphore, #tpu.memory_space<semaphore_mem>>
      %dma_start3A = arith.constant 0 : i32
      %dma_start3A_48 = tpu.memref_slice %arg12[%add3A_31, %dma_start3A] : memref<10240x64xf32, #tpu.memory_space<vmem_shared>> -> memref<128x64xf32, #tpu.memory_space<vmem_shared>>
      %dma_start3A_49 = arith.constant 0 : i32
      %dma_start3A_50 = tpu.memref_slice %arg12[%add3A_31, %dma_start3A_49] : memref<10240x64xf32, #tpu.memory_space<vmem_shared>> -> memref<128x64xf32, #tpu.memory_space<vmem_shared>>
      tpu.enqueue_dma source(%arg11 : memref<128x64xf32, #tpu.memory_space<vmem>>) target(%dma_start3A_50 : memref<128x64xf32, #tpu.memory_space<vmem_shared>>) target_semaphore(%run_scoped3A : memref<!tpu.dma_semaphore, #tpu.memory_space<semaphore_mem>>)
      %dma_wait3A = arith.constant 0 : i32
      %dma_wait3A_51 = tpu.memref_slice %arg12[%add3A_31, %dma_wait3A] : memref<10240x64xf32, #tpu.memory_space<vmem_shared>> -> memref<128x64xf32, #tpu.memory_space<vmem_shared>>
      %dma_wait3A_52 = arith.constant 0 : i32
      %dma_wait3A_53 = tpu.memref_slice %arg12[%add3A_31, %dma_wait3A_52] : memref<10240x64xf32, #tpu.memory_space<vmem_shared>> -> memref<128x64xf32, #tpu.memory_space<vmem_shared>>
      tpu.wait_dma2 semaphore(%run_scoped3A : memref<!tpu.dma_semaphore, #tpu.memory_space<semaphore_mem>>) src(%arg11 : memref<128x64xf32, #tpu.memory_space<vmem>>) dst(%dma_wait3A_53 : memref<128x64xf32, #tpu.memory_space<vmem_shared>>)
      tpu.yield
    }) : () -> ()
    %barrier3A = arith.constant 0 : index
    tpu.barrier barrier_id(%barrier3A)
    %while3A = arith.constant 0 : i32
    %while3A_32 = arith.constant 0 : i32
    %while3A_33 = arith.subi %add3A_4, %while3A : i32
    %while3A_34 = arith.addi %while3A, %while3A_33 : i32
    %while3A_35 = arith.constant 1 : i32
    %while3A_36 = arith.divsi %while3A_33, %while3A_35 : i32
    %while3A_37 = arith.muli %while3A_36, %while3A_35 : i32
    %while3A_38 = arith.addi %while3A, %while3A_37 : i32
    %while3A_39 = arith.constant 1 : i32
    %while3A_40 = scf.for %while3A_48 = %while3A to %while3A_38 step %while3A_39 iter_args(%while3A_49 = %while3A_32) -> (i32)  : i32 {
      %mul3A_50 = arith.constant 32 : i32
      %mul3A_51 = arith.muli %mul3A_50, %while3A_48 : i32
      %add3A_52 = arith.addi %add3A, %mul3A_51 : i32
      %mul3A_53 = arith.constant 128 : i32
      %mul3A_54 = arith.muli %add3A_52, %mul3A_53 : i32
      "tpu.region"() ({
        %run_scoped3A = tpu.sem_alloc : memref<!tpu.dma_semaphore, #tpu.memory_space<semaphore_mem>>
        %dma_start3A = tpu.memref_slice %arg4[%mul3A_54] : memref<320000xi32, #tpu.memory_space<hbm>> -> memref<128xi32, #tpu.memory_space<hbm>>
        %dma_start3A_63 = tpu.memref_slice %arg4[%mul3A_54] : memref<320000xi32, #tpu.memory_space<hbm>> -> memref<128xi32, #tpu.memory_space<hbm>>
        tpu.enqueue_dma source(%dma_start3A_63 : memref<128xi32, #tpu.memory_space<hbm>>) target(%arg7 : memref<128xi32, #tpu.memory_space<vmem>>) target_semaphore(%run_scoped3A : memref<!tpu.dma_semaphore, #tpu.memory_space<semaphore_mem>>)
        %dma_wait3A = tpu.memref_slice %arg4[%mul3A_54] : memref<320000xi32, #tpu.memory_space<hbm>> -> memref<128xi32, #tpu.memory_space<hbm>>
        %dma_wait3A_64 = tpu.memref_slice %arg4[%mul3A_54] : memref<320000xi32, #tpu.memory_space<hbm>> -> memref<128xi32, #tpu.memory_space<hbm>>
        tpu.wait_dma2 semaphore(%run_scoped3A : memref<!tpu.dma_semaphore, #tpu.memory_space<semaphore_mem>>) src(%dma_wait3A_64 : memref<128xi32, #tpu.memory_space<hbm>>) dst(%arg7 : memref<128xi32, #tpu.memory_space<vmem>>)
        tpu.yield
      }) : () -> ()
      "tpu.region"() ({
        %run_scoped3A = tpu.sem_alloc : memref<!tpu.dma_semaphore, #tpu.memory_space<semaphore_mem>>
        %dma_start3A = tpu.memref_slice %arg5[%mul3A_54] : memref<320000xi32, #tpu.memory_space<hbm>> -> memref<128xi32, #tpu.memory_space<hbm>>
        %dma_start3A_63 = tpu.memref_slice %arg5[%mul3A_54] : memref<320000xi32, #tpu.memory_space<hbm>> -> memref<128xi32, #tpu.memory_space<hbm>>
        tpu.enqueue_dma source(%dma_start3A_63 : memref<128xi32, #tpu.memory_space<hbm>>) target(%arg8 : memref<128xi32, #tpu.memory_space<vmem>>) target_semaphore(%run_scoped3A : memref<!tpu.dma_semaphore, #tpu.memory_space<semaphore_mem>>)
        %dma_wait3A = tpu.memref_slice %arg5[%mul3A_54] : memref<320000xi32, #tpu.memory_space<hbm>> -> memref<128xi32, #tpu.memory_space<hbm>>
        %dma_wait3A_64 = tpu.memref_slice %arg5[%mul3A_54] : memref<320000xi32, #tpu.memory_space<hbm>> -> memref<128xi32, #tpu.memory_space<hbm>>
        tpu.wait_dma2 semaphore(%run_scoped3A : memref<!tpu.dma_semaphore, #tpu.memory_space<semaphore_mem>>) src(%dma_wait3A_64 : memref<128xi32, #tpu.memory_space<hbm>>) dst(%arg8 : memref<128xi32, #tpu.memory_space<vmem>>)
        tpu.yield
      }) : () -> ()
      "tpu.region"() ({
        %run_scoped3A = tpu.sem_alloc : memref<!tpu.dma_semaphore, #tpu.memory_space<semaphore_mem>>
        %dma_start3A = arith.constant 0 : i32
        %dma_start3A_63 = arith.constant 0 : i32
        %dma_start3A_64 = tpu.memref_slice %arg2[%dma_start3A, %dma_start3A_63] : memref<10000x64xf32, #tpu.memory_space<hbm>> -> memref<10000x64xf32, #tpu.memory_space<hbm>>
        tpu.enqueue_indirect_dma source(%dma_start3A_64 : memref<10000x64xf32, #tpu.memory_space<hbm>>) target(%arg9 : memref<128x64xf32, #tpu.memory_space<vmem>>) offsets(%arg7 : memref<128xi32, #tpu.memory_space<vmem>>) semaphore(%run_scoped3A : memref<!tpu.dma_semaphore, #tpu.memory_space<semaphore_mem>>)
        %dma_wait3A = arith.constant 0 : i32
        %dma_wait3A_65 = arith.constant 0 : i32
        %dma_wait3A_66 = tpu.memref_slice %arg2[%dma_wait3A, %dma_wait3A_65] : memref<10000x64xf32, #tpu.memory_space<hbm>> -> memref<10000x64xf32, #tpu.memory_space<hbm>>
        tpu.wait_indirect_dma semaphore(%run_scoped3A : memref<!tpu.dma_semaphore, #tpu.memory_space<semaphore_mem>>) src(%dma_wait3A_66 : memref<10000x64xf32, #tpu.memory_space<hbm>>) dst(%arg9 : memref<128x64xf32, #tpu.memory_space<vmem>>)
        tpu.yield
      }) : () -> ()
      "tpu.region"() ({
        %run_scoped3A = tpu.sem_alloc : memref<!tpu.dma_semaphore, #tpu.memory_space<semaphore_mem>>
        %dma_start3A = arith.constant 0 : i32
        %dma_start3A_63 = tpu.memref_slice %arg3[%mul3A_54, %dma_start3A] : memref<320000x64xf32, #tpu.memory_space<hbm>> -> memref<128x64xf32, #tpu.memory_space<hbm>>
        %dma_start3A_64 = arith.constant 0 : i32
        %dma_start3A_65 = tpu.memref_slice %arg3[%mul3A_54, %dma_start3A_64] : memref<320000x64xf32, #tpu.memory_space<hbm>> -> memref<128x64xf32, #tpu.memory_space<hbm>>
        tpu.enqueue_dma source(%dma_start3A_65 : memref<128x64xf32, #tpu.memory_space<hbm>>) target(%arg10 : memref<128x64xf32, #tpu.memory_space<vmem>>) target_semaphore(%run_scoped3A : memref<!tpu.dma_semaphore, #tpu.memory_space<semaphore_mem>>)
        %dma_wait3A = arith.constant 0 : i32
        %dma_wait3A_66 = tpu.memref_slice %arg3[%mul3A_54, %dma_wait3A] : memref<320000x64xf32, #tpu.memory_space<hbm>> -> memref<128x64xf32, #tpu.memory_space<hbm>>
        %dma_wait3A_67 = arith.constant 0 : i32
        %dma_wait3A_68 = tpu.memref_slice %arg3[%mul3A_54, %dma_wait3A_67] : memref<320000x64xf32, #tpu.memory_space<hbm>> -> memref<128x64xf32, #tpu.memory_space<hbm>>
        tpu.wait_dma2 semaphore(%run_scoped3A : memref<!tpu.dma_semaphore, #tpu.memory_space<semaphore_mem>>) src(%dma_wait3A_68 : memref<128x64xf32, #tpu.memory_space<hbm>>) dst(%arg10 : memref<128x64xf32, #tpu.memory_space<vmem>>)
        tpu.yield
      }) : () -> ()
      %scan3A_55 = arith.constant 0 : i32
      %scan3A_56 = arith.constant 0 : i32
      %scan3A_57 = arith.constant 128 : i32
      %scan3A_58 = arith.addi %scan3A_56, %scan3A_57 : i32
      %scan3A_59 = arith.constant 1 : i32
      %scan3A_60 = scf.for %scan3A_63 = %scan3A_56 to %scan3A_58 step %scan3A_59 iter_args(%scan3A_64 = %scan3A_55) -> (i32)  : i32 {
        %get3A = arith.index_cast %scan3A_63 : i32 to index
        %get3A_65 = arith.constant 0 : index
        %get3A_66 = tpu.vector_load %arg9[%get3A, %get3A_65] {strides = array<i32>} : memref<128x64xf32, #tpu.memory_space<vmem>>, vector<1x16xf32>,
        %get3A_67 = vector.shape_cast %get3A_66 : vector<1x16xf32> to vector<16xf32>
        %get3A_68 = arith.index_cast %scan3A_63 : i32 to index
        %get3A_69 = arith.constant 0 : index
        %get3A_70 = tpu.vector_load %arg10[%get3A_68, %get3A_69] {strides = array<i32>} : memref<128x64xf32, #tpu.memory_space<vmem>>, vector<1x16xf32>,
        %get3A_71 = vector.shape_cast %get3A_70 : vector<1x16xf32> to vector<16xf32>
        %mul3A_72 = arith.mulf %get3A_67, %get3A_71 : vector<16xf32>
        %swap3A = arith.index_cast %scan3A_63 : i32 to index
        %swap3A_73 = arith.constant 0 : index
        %swap3A_74 = tpu.vector_load %arg9[%swap3A, %swap3A_73] {strides = array<i32>} : memref<128x64xf32, #tpu.memory_space<vmem>>, vector<1x16xf32>,
        %swap3A_75 = vector.shape_cast %swap3A_74 : vector<1x16xf32> to vector<16xf32>
        %swap3A_76 = vector.shape_cast %mul3A_72 : vector<16xf32> to vector<1x16xf32>
        tpu.vector_store %arg9[%swap3A, %swap3A_73], %swap3A_76 {strides = array<i32>} : memref<128x64xf32, #tpu.memory_space<vmem>>, vector<1x16xf32>,
        %get3A_77 = arith.index_cast %scan3A_63 : i32 to index
        %get3A_78 = arith.constant 16 : index
        %get3A_79 = tpu.vector_load %arg9[%get3A_77, %get3A_78] {strides = array<i32>} : memref<128x64xf32, #tpu.memory_space<vmem>>, vector<1x16xf32>,
        %get3A_80 = vector.shape_cast %get3A_79 : vector<1x16xf32> to vector<16xf32>
        %get3A_81 = arith.index_cast %scan3A_63 : i32 to index
        %get3A_82 = arith.constant 16 : index
        %get3A_83 = tpu.vector_load %arg10[%get3A_81, %get3A_82] {strides = array<i32>} : memref<128x64xf32, #tpu.memory_space<vmem>>, vector<1x16xf32>,
        %get3A_84 = vector.shape_cast %get3A_83 : vector<1x16xf32> to vector<16xf32>
        %mul3A_85 = arith.mulf %get3A_80, %get3A_84 : vector<16xf32>
        %swap3A_86 = arith.index_cast %scan3A_63 : i32 to index
        %swap3A_87 = arith.constant 16 : index
        %swap3A_88 = tpu.vector_load %arg9[%swap3A_86, %swap3A_87] {strides = array<i32>} : memref<128x64xf32, #tpu.memory_space<vmem>>, vector<1x16xf32>,
        %swap3A_89 = vector.shape_cast %swap3A_88 : vector<1x16xf32> to vector<16xf32>
        %swap3A_90 = vector.shape_cast %mul3A_85 : vector<16xf32> to vector<1x16xf32>
        tpu.vector_store %arg9[%swap3A_86, %swap3A_87], %swap3A_90 {strides = array<i32>} : memref<128x64xf32, #tpu.memory_space<vmem>>, vector<1x16xf32>,
        %get3A_91 = arith.index_cast %scan3A_63 : i32 to index
        %get3A_92 = arith.constant 32 : index
        %get3A_93 = tpu.vector_load %arg9[%get3A_91, %get3A_92] {strides = array<i32>} : memref<128x64xf32, #tpu.memory_space<vmem>>, vector<1x16xf32>,
        %get3A_94 = vector.shape_cast %get3A_93 : vector<1x16xf32> to vector<16xf32>
        %get3A_95 = arith.index_cast %scan3A_63 : i32 to index
        %get3A_96 = arith.constant 32 : index
        %get3A_97 = tpu.vector_load %arg10[%get3A_95, %get3A_96] {strides = array<i32>} : memref<128x64xf32, #tpu.memory_space<vmem>>, vector<1x16xf32>,
        %get3A_98 = vector.shape_cast %get3A_97 : vector<1x16xf32> to vector<16xf32>
        %mul3A_99 = arith.mulf %get3A_94, %get3A_98 : vector<16xf32>
        %swap3A_100 = arith.index_cast %scan3A_63 : i32 to index
        %swap3A_101 = arith.constant 32 : index
        %swap3A_102 = tpu.vector_load %arg9[%swap3A_100, %swap3A_101] {strides = array<i32>} : memref<128x64xf32, #tpu.memory_space<vmem>>, vector<1x16xf32>,
        %swap3A_103 = vector.shape_cast %swap3A_102 : vector<1x16xf32> to vector<16xf32>
        %swap3A_104 = vector.shape_cast %mul3A_99 : vector<16xf32> to vector<1x16xf32>
        tpu.vector_store %arg9[%swap3A_100, %swap3A_101], %swap3A_104 {strides = array<i32>} : memref<128x64xf32, #tpu.memory_space<vmem>>, vector<1x16xf32>,
        %get3A_105 = arith.index_cast %scan3A_63 : i32 to index
        %get3A_106 = arith.constant 48 : index
        %get3A_107 = tpu.vector_load %arg9[%get3A_105, %get3A_106] {strides = array<i32>} : memref<128x64xf32, #tpu.memory_space<vmem>>, vector<1x16xf32>,
        %get3A_108 = vector.shape_cast %get3A_107 : vector<1x16xf32> to vector<16xf32>
        %get3A_109 = arith.index_cast %scan3A_63 : i32 to index
        %get3A_110 = arith.constant 48 : index
        %get3A_111 = tpu.vector_load %arg10[%get3A_109, %get3A_110] {strides = array<i32>} : memref<128x64xf32, #tpu.memory_space<vmem>>, vector<1x16xf32>,
        %get3A_112 = vector.shape_cast %get3A_111 : vector<1x16xf32> to vector<16xf32>
        %mul3A_113 = arith.mulf %get3A_108, %get3A_112 : vector<16xf32>
        %swap3A_114 = arith.index_cast %scan3A_63 : i32 to index
        %swap3A_115 = arith.constant 48 : index
        %swap3A_116 = tpu.vector_load %arg9[%swap3A_114, %swap3A_115] {strides = array<i32>} : memref<128x64xf32, #tpu.memory_space<vmem>>, vector<1x16xf32>,
        %swap3A_117 = vector.shape_cast %swap3A_116 : vector<1x16xf32> to vector<16xf32>
        %swap3A_118 = vector.shape_cast %mul3A_113 : vector<16xf32> to vector<1x16xf32>
        tpu.vector_store %arg9[%swap3A_114, %swap3A_115], %swap3A_118 {strides = array<i32>} : memref<128x64xf32, #tpu.memory_space<vmem>>, vector<1x16xf32>,
        %scan3A_119 = arith.constant 0 : i32
        scf.yield %scan3A_119 : i32
      }
      %scan3A_61 = arith.constant 128 : i32
      "tpu.region"() ({
        %run_scoped3A = tpu.sem_alloc : memref<!tpu.dma_semaphore, #tpu.memory_space<semaphore_mem>>
        %dma_start3A = arith.constant 0 : i32
        %dma_start3A_63 = arith.constant 0 : i32
        %dma_start3A_64 = tpu.memref_slice %arg12[%dma_start3A, %dma_start3A_63] : memref<10240x64xf32, #tpu.memory_space<vmem_shared>> -> memref<10240x64xf32, #tpu.memory_space<vmem_shared>>
        tpu.enqueue_indirect_dma source(%arg9 : memref<128x64xf32, #tpu.memory_space<vmem>>) target(%dma_start3A_64 : memref<10240x64xf32, #tpu.memory_space<vmem_shared>>) offsets(%arg8 : memref<128xi32, #tpu.memory_space<vmem>>) semaphore(%run_scoped3A : memref<!tpu.dma_semaphore, #tpu.memory_space<semaphore_mem>>) {add = true}
        %dma_wait3A = arith.constant 0 : i32
        %dma_wait3A_65 = arith.constant 0 : i32
        %dma_wait3A_66 = tpu.memref_slice %arg12[%dma_wait3A, %dma_wait3A_65] : memref<10240x64xf32, #tpu.memory_space<vmem_shared>> -> memref<10240x64xf32, #tpu.memory_space<vmem_shared>>
        tpu.wait_indirect_dma semaphore(%run_scoped3A : memref<!tpu.dma_semaphore, #tpu.memory_space<semaphore_mem>>) src(%arg9 : memref<128x64xf32, #tpu.memory_space<vmem>>) dst(%dma_wait3A_66 : memref<10240x64xf32, #tpu.memory_space<vmem_shared>>)
        tpu.yield
      }) : () -> ()
      %while3A_62 = arith.constant 0 : i32
      scf.yield %while3A_62 : i32
    }
    %while3A_41 = arith.constant 1 : i32
    %while3A_42 = scf.for %while3A_48 = %while3A_38 to %while3A_34 step %while3A_41 iter_args(%while3A_49 = %while3A_40) -> (i32)  : i32 {
      %mul3A_50 = arith.constant 32 : i32
      %mul3A_51 = arith.muli %mul3A_50, %while3A_48 : i32
      %add3A_52 = arith.addi %add3A, %mul3A_51 : i32
      %mul3A_53 = arith.constant 128 : i32
      %mul3A_54 = arith.muli %add3A_52, %mul3A_53 : i32
      "tpu.region"() ({
        %run_scoped3A = tpu.sem_alloc : memref<!tpu.dma_semaphore, #tpu.memory_space<semaphore_mem>>
        %dma_start3A = tpu.memref_slice %arg4[%mul3A_54] : memref<320000xi32, #tpu.memory_space<hbm>> -> memref<128xi32, #tpu.memory_space<hbm>>
        %dma_start3A_63 = tpu.memref_slice %arg4[%mul3A_54] : memref<320000xi32, #tpu.memory_space<hbm>> -> memref<128xi32, #tpu.memory_space<hbm>>
        tpu.enqueue_dma source(%dma_start3A_63 : memref<128xi32, #tpu.memory_space<hbm>>) target(%arg7 : memref<128xi32, #tpu.memory_space<vmem>>) target_semaphore(%run_scoped3A : memref<!tpu.dma_semaphore, #tpu.memory_space<semaphore_mem>>)
        %dma_wait3A = tpu.memref_slice %arg4[%mul3A_54] : memref<320000xi32, #tpu.memory_space<hbm>> -> memref<128xi32, #tpu.memory_space<hbm>>
        %dma_wait3A_64 = tpu.memref_slice %arg4[%mul3A_54] : memref<320000xi32, #tpu.memory_space<hbm>> -> memref<128xi32, #tpu.memory_space<hbm>>
        tpu.wait_dma2 semaphore(%run_scoped3A : memref<!tpu.dma_semaphore, #tpu.memory_space<semaphore_mem>>) src(%dma_wait3A_64 : memref<128xi32, #tpu.memory_space<hbm>>) dst(%arg7 : memref<128xi32, #tpu.memory_space<vmem>>)
        tpu.yield
      }) : () -> ()
      "tpu.region"() ({
        %run_scoped3A = tpu.sem_alloc : memref<!tpu.dma_semaphore, #tpu.memory_space<semaphore_mem>>
        %dma_start3A = tpu.memref_slice %arg5[%mul3A_54] : memref<320000xi32, #tpu.memory_space<hbm>> -> memref<128xi32, #tpu.memory_space<hbm>>
        %dma_start3A_63 = tpu.memref_slice %arg5[%mul3A_54] : memref<320000xi32, #tpu.memory_space<hbm>> -> memref<128xi32, #tpu.memory_space<hbm>>
        tpu.enqueue_dma source(%dma_start3A_63 : memref<128xi32, #tpu.memory_space<hbm>>) target(%arg8 : memref<128xi32, #tpu.memory_space<vmem>>) target_semaphore(%run_scoped3A : memref<!tpu.dma_semaphore, #tpu.memory_space<semaphore_mem>>)
        %dma_wait3A = tpu.memref_slice %arg5[%mul3A_54] : memref<320000xi32, #tpu.memory_space<hbm>> -> memref<128xi32, #tpu.memory_space<hbm>>
        %dma_wait3A_64 = tpu.memref_slice %arg5[%mul3A_54] : memref<320000xi32, #tpu.memory_space<hbm>> -> memref<128xi32, #tpu.memory_space<hbm>>
        tpu.wait_dma2 semaphore(%run_scoped3A : memref<!tpu.dma_semaphore, #tpu.memory_space<semaphore_mem>>) src(%dma_wait3A_64 : memref<128xi32, #tpu.memory_space<hbm>>) dst(%arg8 : memref<128xi32, #tpu.memory_space<vmem>>)
        tpu.yield
      }) : () -> ()
      "tpu.region"() ({
        %run_scoped3A = tpu.sem_alloc : memref<!tpu.dma_semaphore, #tpu.memory_space<semaphore_mem>>
        %dma_start3A = arith.constant 0 : i32
        %dma_start3A_63 = arith.constant 0 : i32
        %dma_start3A_64 = tpu.memref_slice %arg2[%dma_start3A, %dma_start3A_63] : memref<10000x64xf32, #tpu.memory_space<hbm>> -> memref<10000x64xf32, #tpu.memory_space<hbm>>
        tpu.enqueue_indirect_dma source(%dma_start3A_64 : memref<10000x64xf32, #tpu.memory_space<hbm>>) target(%arg9 : memref<128x64xf32, #tpu.memory_space<vmem>>) offsets(%arg7 : memref<128xi32, #tpu.memory_space<vmem>>) semaphore(%run_scoped3A : memref<!tpu.dma_semaphore, #tpu.memory_space<semaphore_mem>>)
        %dma_wait3A = arith.constant 0 : i32
        %dma_wait3A_65 = arith.constant 0 : i32
        %dma_wait3A_66 = tpu.memref_slice %arg2[%dma_wait3A, %dma_wait3A_65] : memref<10000x64xf32, #tpu.memory_space<hbm>> -> memref<10000x64xf32, #tpu.memory_space<hbm>>
        tpu.wait_indirect_dma semaphore(%run_scoped3A : memref<!tpu.dma_semaphore, #tpu.memory_space<semaphore_mem>>) src(%dma_wait3A_66 : memref<10000x64xf32, #tpu.memory_space<hbm>>) dst(%arg9 : memref<128x64xf32, #tpu.memory_space<vmem>>)
        tpu.yield
      }) : () -> ()
      "tpu.region"() ({
        %run_scoped3A = tpu.sem_alloc : memref<!tpu.dma_semaphore, #tpu.memory_space<semaphore_mem>>
        %dma_start3A = arith.constant 0 : i32
        %dma_start3A_63 = tpu.memref_slice %arg3[%mul3A_54, %dma_start3A] : memref<320000x64xf32, #tpu.memory_space<hbm>> -> memref<128x64xf32, #tpu.memory_space<hbm>>
        %dma_start3A_64 = arith.constant 0 : i32
        %dma_start3A_65 = tpu.memref_slice %arg3[%mul3A_54, %dma_start3A_64] : memref<320000x64xf32, #tpu.memory_space<hbm>> -> memref<128x64xf32, #tpu.memory_space<hbm>>
        tpu.enqueue_dma source(%dma_start3A_65 : memref<128x64xf32, #tpu.memory_space<hbm>>) target(%arg10 : memref<128x64xf32, #tpu.memory_space<vmem>>) target_semaphore(%run_scoped3A : memref<!tpu.dma_semaphore, #tpu.memory_space<semaphore_mem>>)
        %dma_wait3A = arith.constant 0 : i32
        %dma_wait3A_66 = tpu.memref_slice %arg3[%mul3A_54, %dma_wait3A] : memref<320000x64xf32, #tpu.memory_space<hbm>> -> memref<128x64xf32, #tpu.memory_space<hbm>>
        %dma_wait3A_67 = arith.constant 0 : i32
        %dma_wait3A_68 = tpu.memref_slice %arg3[%mul3A_54, %dma_wait3A_67] : memref<320000x64xf32, #tpu.memory_space<hbm>> -> memref<128x64xf32, #tpu.memory_space<hbm>>
        tpu.wait_dma2 semaphore(%run_scoped3A : memref<!tpu.dma_semaphore, #tpu.memory_space<semaphore_mem>>) src(%dma_wait3A_68 : memref<128x64xf32, #tpu.memory_space<hbm>>) dst(%arg10 : memref<128x64xf32, #tpu.memory_space<vmem>>)
        tpu.yield
      }) : () -> ()
      %scan3A_55 = arith.constant 0 : i32
      %scan3A_56 = arith.constant 0 : i32
      %scan3A_57 = arith.constant 128 : i32
      %scan3A_58 = arith.addi %scan3A_56, %scan3A_57 : i32
      %scan3A_59 = arith.constant 1 : i32
      %scan3A_60 = scf.for %scan3A_63 = %scan3A_56 to %scan3A_58 step %scan3A_59 iter_args(%scan3A_64 = %scan3A_55) -> (i32)  : i32 {
        %get3A = arith.index_cast %scan3A_63 : i32 to index
        %get3A_65 = arith.constant 0 : index
        %get3A_66 = tpu.vector_load %arg9[%get3A, %get3A_65] {strides = array<i32>} : memref<128x64xf32, #tpu.memory_space<vmem>>, vector<1x16xf32>,
        %get3A_67 = vector.shape_cast %get3A_66 : vector<1x16xf32> to vector<16xf32>
        %get3A_68 = arith.index_cast %scan3A_63 : i32 to index
        %get3A_69 = arith.constant 0 : index
        %get3A_70 = tpu.vector_load %arg10[%get3A_68, %get3A_69] {strides = array<i32>} : memref<128x64xf32, #tpu.memory_space<vmem>>, vector<1x16xf32>,
        %get3A_71 = vector.shape_cast %get3A_70 : vector<1x16xf32> to vector<16xf32>
        %mul3A_72 = arith.mulf %get3A_67, %get3A_71 : vector<16xf32>
        %swap3A = arith.index_cast %scan3A_63 : i32 to index
        %swap3A_73 = arith.constant 0 : index
        %swap3A_74 = tpu.vector_load %arg9[%swap3A, %swap3A_73] {strides = array<i32>} : memref<128x64xf32, #tpu.memory_space<vmem>>, vector<1x16xf32>,
        %swap3A_75 = vector.shape_cast %swap3A_74 : vector<1x16xf32> to vector<16xf32>
        %swap3A_76 = vector.shape_cast %mul3A_72 : vector<16xf32> to vector<1x16xf32>
        tpu.vector_store %arg9[%swap3A, %swap3A_73], %swap3A_76 {strides = array<i32>} : memref<128x64xf32, #tpu.memory_space<vmem>>, vector<1x16xf32>,
        %get3A_77 = arith.index_cast %scan3A_63 : i32 to index
        %get3A_78 = arith.constant 16 : index
        %get3A_79 = tpu.vector_load %arg9[%get3A_77, %get3A_78] {strides = array<i32>} : memref<128x64xf32, #tpu.memory_space<vmem>>, vector<1x16xf32>,
        %get3A_80 = vector.shape_cast %get3A_79 : vector<1x16xf32> to vector<16xf32>
        %get3A_81 = arith.index_cast %scan3A_63 : i32 to index
        %get3A_82 = arith.constant 16 : index
        %get3A_83 = tpu.vector_load %arg10[%get3A_81, %get3A_82] {strides = array<i32>} : memref<128x64xf32, #tpu.memory_space<vmem>>, vector<1x16xf32>,
        %get3A_84 = vector.shape_cast %get3A_83 : vector<1x16xf32> to vector<16xf32>
        %mul3A_85 = arith.mulf %get3A_80, %get3A_84 : vector<16xf32>
        %swap3A_86 = arith.index_cast %scan3A_63 : i32 to index
        %swap3A_87 = arith.constant 16 : index
        %swap3A_88 = tpu.vector_load %arg9[%swap3A_86, %swap3A_87] {strides = array<i32>} : memref<128x64xf32, #tpu.memory_space<vmem>>, vector<1x16xf32>,
        %swap3A_89 = vector.shape_cast %swap3A_88 : vector<1x16xf32> to vector<16xf32>
        %swap3A_90 = vector.shape_cast %mul3A_85 : vector<16xf32> to vector<1x16xf32>
        tpu.vector_store %arg9[%swap3A_86, %swap3A_87], %swap3A_90 {strides = array<i32>} : memref<128x64xf32, #tpu.memory_space<vmem>>, vector<1x16xf32>,
        %get3A_91 = arith.index_cast %scan3A_63 : i32 to index
        %get3A_92 = arith.constant 32 : index
        %get3A_93 = tpu.vector_load %arg9[%get3A_91, %get3A_92] {strides = array<i32>} : memref<128x64xf32, #tpu.memory_space<vmem>>, vector<1x16xf32>,
        %get3A_94 = vector.shape_cast %get3A_93 : vector<1x16xf32> to vector<16xf32>
        %get3A_95 = arith.index_cast %scan3A_63 : i32 to index
        %get3A_96 = arith.constant 32 : index
        %get3A_97 = tpu.vector_load %arg10[%get3A_95, %get3A_96] {strides = array<i32>} : memref<128x64xf32, #tpu.memory_space<vmem>>, vector<1x16xf32>,
        %get3A_98 = vector.shape_cast %get3A_97 : vector<1x16xf32> to vector<16xf32>
        %mul3A_99 = arith.mulf %get3A_94, %get3A_98 : vector<16xf32>
        %swap3A_100 = arith.index_cast %scan3A_63 : i32 to index
        %swap3A_101 = arith.constant 32 : index
        %swap3A_102 = tpu.vector_load %arg9[%swap3A_100, %swap3A_101] {strides = array<i32>} : memref<128x64xf32, #tpu.memory_space<vmem>>, vector<1x16xf32>,
        %swap3A_103 = vector.shape_cast %swap3A_102 : vector<1x16xf32> to vector<16xf32>
        %swap3A_104 = vector.shape_cast %mul3A_99 : vector<16xf32> to vector<1x16xf32>
        tpu.vector_store %arg9[%swap3A_100, %swap3A_101], %swap3A_104 {strides = array<i32>} : memref<128x64xf32, #tpu.memory_space<vmem>>, vector<1x16xf32>,
        %get3A_105 = arith.index_cast %scan3A_63 : i32 to index
        %get3A_106 = arith.constant 48 : index
        %get3A_107 = tpu.vector_load %arg9[%get3A_105, %get3A_106] {strides = array<i32>} : memref<128x64xf32, #tpu.memory_space<vmem>>, vector<1x16xf32>,
        %get3A_108 = vector.shape_cast %get3A_107 : vector<1x16xf32> to vector<16xf32>
        %get3A_109 = arith.index_cast %scan3A_63 : i32 to index
        %get3A_110 = arith.constant 48 : index
        %get3A_111 = tpu.vector_load %arg10[%get3A_109, %get3A_110] {strides = array<i32>} : memref<128x64xf32, #tpu.memory_space<vmem>>, vector<1x16xf32>,
        %get3A_112 = vector.shape_cast %get3A_111 : vector<1x16xf32> to vector<16xf32>
        %mul3A_113 = arith.mulf %get3A_108, %get3A_112 : vector<16xf32>
        %swap3A_114 = arith.index_cast %scan3A_63 : i32 to index
        %swap3A_115 = arith.constant 48 : index
        %swap3A_116 = tpu.vector_load %arg9[%swap3A_114, %swap3A_115] {strides = array<i32>} : memref<128x64xf32, #tpu.memory_space<vmem>>, vector<1x16xf32>,
        %swap3A_117 = vector.shape_cast %swap3A_116 : vector<1x16xf32> to vector<16xf32>
        %swap3A_118 = vector.shape_cast %mul3A_113 : vector<16xf32> to vector<1x16xf32>
        tpu.vector_store %arg9[%swap3A_114, %swap3A_115], %swap3A_118 {strides = array<i32>} : memref<128x64xf32, #tpu.memory_space<vmem>>, vector<1x16xf32>,
        %scan3A_119 = arith.constant 0 : i32
        scf.yield %scan3A_119 : i32
      }
      %scan3A_61 = arith.constant 128 : i32
      "tpu.region"() ({
        %run_scoped3A = tpu.sem_alloc : memref<!tpu.dma_semaphore, #tpu.memory_space<semaphore_mem>>
        %dma_start3A = arith.constant 0 : i32
        %dma_start3A_63 = arith.constant 0 : i32
        %dma_start3A_64 = tpu.memref_slice %arg12[%dma_start3A, %dma_start3A_63] : memref<10240x64xf32, #tpu.memory_space<vmem_shared>> -> memref<10240x64xf32, #tpu.memory_space<vmem_shared>>
        tpu.enqueue_indirect_dma source(%arg9 : memref<128x64xf32, #tpu.memory_space<vmem>>) target(%dma_start3A_64 : memref<10240x64xf32, #tpu.memory_space<vmem_shared>>) offsets(%arg8 : memref<128xi32, #tpu.memory_space<vmem>>) semaphore(%run_scoped3A : memref<!tpu.dma_semaphore, #tpu.memory_space<semaphore_mem>>) {add = true}
        %dma_wait3A = arith.constant 0 : i32
        %dma_wait3A_65 = arith.constant 0 : i32
        %dma_wait3A_66 = tpu.memref_slice %arg12[%dma_wait3A, %dma_wait3A_65] : memref<10240x64xf32, #tpu.memory_space<vmem_shared>> -> memref<10240x64xf32, #tpu.memory_space<vmem_shared>>
        tpu.wait_indirect_dma semaphore(%run_scoped3A : memref<!tpu.dma_semaphore, #tpu.memory_space<semaphore_mem>>) src(%arg9 : memref<128x64xf32, #tpu.memory_space<vmem>>) dst(%dma_wait3A_66 : memref<10240x64xf32, #tpu.memory_space<vmem_shared>>)
        tpu.yield
      }) : () -> ()
      %while3A_62 = arith.constant 0 : i32
      scf.yield %while3A_62 : i32
    }
    %barrier3A_43 = arith.constant 0 : index
    tpu.barrier barrier_id(%barrier3A_43)
    %mul3A_44 = arith.constant 640 : i32
    %mul3A_45 = arith.muli %arg1, %mul3A_44 : i32
    %mul3A_46 = arith.constant 640 : i32
    %mul3A_47 = arith.muli %arg1, %mul3A_46 : i32
    "tpu.region"() ({
      %run_scoped3A = tpu.sem_alloc : memref<!tpu.dma_semaphore, #tpu.memory_space<semaphore_mem>>
      %dma_start3A = arith.constant 0 : i32
      %dma_start3A_48 = tpu.memref_slice %arg6[%arg0, %mul3A_47, %dma_start3A] : memref<2x10240x64xf32, #tpu.memory_space<hbm>> -> memref<1x640x64xf32, #tpu.memory_space<hbm>>
      %dma_start3A_49 = tpu.memref_squeeze %dma_start3A_48 : memref<1x640x64xf32, #tpu.memory_space<hbm>> -> memref<640x64xf32, #tpu.memory_space<hbm>>
      %dma_start3A_50 = arith.constant 0 : i32
      %dma_start3A_51 = tpu.memref_slice %arg12[%mul3A_45, %dma_start3A_50] : memref<10240x64xf32, #tpu.memory_space<vmem_shared>> -> memref<640x64xf32, #tpu.memory_space<vmem_shared>>
      tpu.enqueue_dma source(%dma_start3A_51 : memref<640x64xf32, #tpu.memory_space<vmem_shared>>) target(%dma_start3A_49 : memref<640x64xf32, #tpu.memory_space<hbm>>) target_semaphore(%run_scoped3A : memref<!tpu.dma_semaphore, #tpu.memory_space<semaphore_mem>>)
      %dma_wait3A = arith.constant 0 : i32
      %dma_wait3A_52 = tpu.memref_slice %arg6[%arg0, %mul3A_47, %dma_wait3A] : memref<2x10240x64xf32, #tpu.memory_space<hbm>> -> memref<1x640x64xf32, #tpu.memory_space<hbm>>
      %dma_wait3A_53 = tpu.memref_squeeze %dma_wait3A_52 : memref<1x640x64xf32, #tpu.memory_space<hbm>> -> memref<640x64xf32, #tpu.memory_space<hbm>>
      %dma_wait3A_54 = arith.constant 0 : i32
      %dma_wait3A_55 = tpu.memref_slice %arg12[%mul3A_45, %dma_wait3A_54] : memref<10240x64xf32, #tpu.memory_space<vmem_shared>> -> memref<640x64xf32, #tpu.memory_space<vmem_shared>>
      tpu.wait_dma2 semaphore(%run_scoped3A : memref<!tpu.dma_semaphore, #tpu.memory_space<semaphore_mem>>) src(%dma_wait3A_55 : memref<640x64xf32, #tpu.memory_space<vmem_shared>>) dst(%dma_wait3A_53 : memref<640x64xf32, #tpu.memory_space<hbm>>)
      tpu.yield
    }) : () -> ()
    return
  }
}

#map = affine_map<(d0, d1) -> (0, 0)>
#map1 = affine_map<(d0, d1) -> (0)>
#map2 = affine_map<(d0, d1) -> (0, 0, 0)>
module attributes {stable_mosaic.version = 14 : i64} {
  func.func @_sc_prep_body(%arg0: i32, %arg1: i32, %arg2: memref<10000x2xf32, #tpu.memory_space<hbm>>, %arg3: memref<320000xi32, #tpu.memory_space<hbm>>, %arg4: memref<320000xi32, #tpu.memory_space<hbm>>, %arg5: memref<320000x2xf32, #tpu.memory_space<hbm>>, %arg6: memref<320000x2xf32, #tpu.memory_space<hbm>>, %arg7: memref<2x10240x16xf32, #tpu.memory_space<hbm>>, %arg8: memref<128xi32, #tpu.memory_space<vmem>>, %arg9: memref<128xi32, #tpu.memory_space<vmem>>, %arg10: memref<128x2xf32, #tpu.memory_space<vmem>>, %arg11: memref<128x2xf32, #tpu.memory_space<vmem>>, %arg12: memref<128x16xf32, #tpu.memory_space<vmem>>, %arg13: memref<128x16xf32, #tpu.memory_space<vmem>>, %arg14: memref<10240x16xf32, #tpu.memory_space<vmem_shared>>) attributes {dimension_semantics = [#tpu.dimension_semantics<core_parallel>, #tpu.dimension_semantics<subcore_parallel>], iteration_bounds = array<i64: 2, 16>, scalar_prefetch = 0 : i64, scratch_operands = 7 : i64, tpu.core_type = #tpu.core_type<sc_vector_subcore>, window_params = [{transform_indices = #map}, {transform_indices = #map1}, {transform_indices = #map1}, {transform_indices = #map}, {transform_indices = #map}, {transform_indices = #map2}]} {
    %mul3A = arith.constant 2 : i32
    %mul3A_0 = arith.muli %arg1, %mul3A : i32
    %add3A = arith.addi %mul3A_0, %arg0 : i32
    %lt3A = arith.constant 4 : i32
    %lt3A_1 = arith.cmpi slt, %add3A, %lt3A : i32
    %jit3A = arith.constant 1 : i32
    %jit3A_2 = arith.constant 0 : i32
    %select_n3A = arith.select %lt3A_1, %jit3A, %jit3A_2 : i32
    %add3A_3 = arith.constant 78 : i32
    %add3A_4 = arith.addi %add3A_3, %select_n3A : i32
    %scan3A = arith.constant 0 : i32
    %scan3A_5 = arith.constant 0 : i32
    %scan3A_6 = arith.constant 128 : i32
    %scan3A_7 = arith.addi %scan3A_5, %scan3A_6 : i32
    %scan3A_8 = arith.constant 1 : i32
    %scan3A_9 = scf.for %scan3A_47 = %scan3A_5 to %scan3A_7 step %scan3A_8 iter_args(%scan3A_48 = %scan3A) -> (i32)  : i32 {
      %broadcast_in_dim3A = arith.constant 1.000000e+00 : f32
      %broadcast_in_dim3A_49 = vector.broadcast %broadcast_in_dim3A : f32 to vector<16xf32>
      %swap3A = arith.index_cast %scan3A_47 : i32 to index
      %swap3A_50 = arith.constant 0 : index
      %swap3A_51 = tpu.vector_load %arg12[%swap3A, %swap3A_50] {strides = array<i32>} : memref<128x16xf32, #tpu.memory_space<vmem>>, vector<1x16xf32>,
      %swap3A_52 = vector.shape_cast %swap3A_51 : vector<1x16xf32> to vector<16xf32>
      %swap3A_53 = vector.shape_cast %broadcast_in_dim3A_49 : vector<16xf32> to vector<1x16xf32>
      tpu.vector_store %arg12[%swap3A, %swap3A_50], %swap3A_53 {strides = array<i32>} : memref<128x16xf32, #tpu.memory_space<vmem>>, vector<1x16xf32>,
      %broadcast_in_dim3A_54 = arith.constant 0.000000e+00 : f32
      %broadcast_in_dim3A_55 = vector.broadcast %broadcast_in_dim3A_54 : f32 to vector<16xf32>
      %swap3A_56 = arith.index_cast %scan3A_47 : i32 to index
      %swap3A_57 = arith.constant 0 : index
      %swap3A_58 = tpu.vector_load %arg13[%swap3A_56, %swap3A_57] {strides = array<i32>} : memref<128x16xf32, #tpu.memory_space<vmem>>, vector<1x16xf32>,
      %swap3A_59 = vector.shape_cast %swap3A_58 : vector<1x16xf32> to vector<16xf32>
      %swap3A_60 = vector.shape_cast %broadcast_in_dim3A_55 : vector<16xf32> to vector<1x16xf32>
      tpu.vector_store %arg13[%swap3A_56, %swap3A_57], %swap3A_60 {strides = array<i32>} : memref<128x16xf32, #tpu.memory_space<vmem>>, vector<1x16xf32>,
      %scan3A_61 = arith.constant 0 : i32
      scf.yield %scan3A_61 : i32
    }
    %scan3A_10 = arith.constant 128 : i32
    %mul3A_11 = arith.constant 640 : i32
    %mul3A_12 = arith.muli %arg1, %mul3A_11 : i32
    %add3A_13 = arith.constant 0 : i32
    %add3A_14 = arith.addi %mul3A_12, %add3A_13 : i32
    "tpu.region"() ({
      %run_scoped3A = tpu.sem_alloc : memref<!tpu.dma_semaphore, #tpu.memory_space<semaphore_mem>>
      %dma_start3A = arith.constant 0 : i32
      %dma_start3A_47 = tpu.memref_slice %arg14[%add3A_14, %dma_start3A] : memref<10240x16xf32, #tpu.memory_space<vmem_shared>> -> memref<128x16xf32, #tpu.memory_space<vmem_shared>>
      %dma_start3A_48 = arith.constant 0 : i32
      %dma_start3A_49 = tpu.memref_slice %arg14[%add3A_14, %dma_start3A_48] : memref<10240x16xf32, #tpu.memory_space<vmem_shared>> -> memref<128x16xf32, #tpu.memory_space<vmem_shared>>
      tpu.enqueue_dma source(%arg13 : memref<128x16xf32, #tpu.memory_space<vmem>>) target(%dma_start3A_49 : memref<128x16xf32, #tpu.memory_space<vmem_shared>>) target_semaphore(%run_scoped3A : memref<!tpu.dma_semaphore, #tpu.memory_space<semaphore_mem>>)
      %dma_wait3A = arith.constant 0 : i32
      %dma_wait3A_50 = tpu.memref_slice %arg14[%add3A_14, %dma_wait3A] : memref<10240x16xf32, #tpu.memory_space<vmem_shared>> -> memref<128x16xf32, #tpu.memory_space<vmem_shared>>
      %dma_wait3A_51 = arith.constant 0 : i32
      %dma_wait3A_52 = tpu.memref_slice %arg14[%add3A_14, %dma_wait3A_51] : memref<10240x16xf32, #tpu.memory_space<vmem_shared>> -> memref<128x16xf32, #tpu.memory_space<vmem_shared>>
      tpu.wait_dma2 semaphore(%run_scoped3A : memref<!tpu.dma_semaphore, #tpu.memory_space<semaphore_mem>>) src(%arg13 : memref<128x16xf32, #tpu.memory_space<vmem>>) dst(%dma_wait3A_52 : memref<128x16xf32, #tpu.memory_space<vmem_shared>>)
      tpu.yield
    }) : () -> ()
    %mul3A_15 = arith.constant 640 : i32
    %mul3A_16 = arith.muli %arg1, %mul3A_15 : i32
    %add3A_17 = arith.constant 128 : i32
    %add3A_18 = arith.addi %mul3A_16, %add3A_17 : i32
    "tpu.region"() ({
      %run_scoped3A = tpu.sem_alloc : memref<!tpu.dma_semaphore, #tpu.memory_space<semaphore_mem>>
      %dma_start3A = arith.constant 0 : i32
      %dma_start3A_47 = tpu.memref_slice %arg14[%add3A_18, %dma_start3A] : memref<10240x16xf32, #tpu.memory_space<vmem_shared>> -> memref<128x16xf32, #tpu.memory_space<vmem_shared>>
      %dma_start3A_48 = arith.constant 0 : i32
      %dma_start3A_49 = tpu.memref_slice %arg14[%add3A_18, %dma_start3A_48] : memref<10240x16xf32, #tpu.memory_space<vmem_shared>> -> memref<128x16xf32, #tpu.memory_space<vmem_shared>>
      tpu.enqueue_dma source(%arg13 : memref<128x16xf32, #tpu.memory_space<vmem>>) target(%dma_start3A_49 : memref<128x16xf32, #tpu.memory_space<vmem_shared>>) target_semaphore(%run_scoped3A : memref<!tpu.dma_semaphore, #tpu.memory_space<semaphore_mem>>)
      %dma_wait3A = arith.constant 0 : i32
      %dma_wait3A_50 = tpu.memref_slice %arg14[%add3A_18, %dma_wait3A] : memref<10240x16xf32, #tpu.memory_space<vmem_shared>> -> memref<128x16xf32, #tpu.memory_space<vmem_shared>>
      %dma_wait3A_51 = arith.constant 0 : i32
      %dma_wait3A_52 = tpu.memref_slice %arg14[%add3A_18, %dma_wait3A_51] : memref<10240x16xf32, #tpu.memory_space<vmem_shared>> -> memref<128x16xf32, #tpu.memory_space<vmem_shared>>
      tpu.wait_dma2 semaphore(%run_scoped3A : memref<!tpu.dma_semaphore, #tpu.memory_space<semaphore_mem>>) src(%arg13 : memref<128x16xf32, #tpu.memory_space<vmem>>) dst(%dma_wait3A_52 : memref<128x16xf32, #tpu.memory_space<vmem_shared>>)
      tpu.yield
    }) : () -> ()
    %mul3A_19 = arith.constant 640 : i32
    %mul3A_20 = arith.muli %arg1, %mul3A_19 : i32
    %add3A_21 = arith.constant 256 : i32
    %add3A_22 = arith.addi %mul3A_20, %add3A_21 : i32
    "tpu.region"() ({
      %run_scoped3A = tpu.sem_alloc : memref<!tpu.dma_semaphore, #tpu.memory_space<semaphore_mem>>
      %dma_start3A = arith.constant 0 : i32
      %dma_start3A_47 = tpu.memref_slice %arg14[%add3A_22, %dma_start3A] : memref<10240x16xf32, #tpu.memory_space<vmem_shared>> -> memref<128x16xf32, #tpu.memory_space<vmem_shared>>
      %dma_start3A_48 = arith.constant 0 : i32
      %dma_start3A_49 = tpu.memref_slice %arg14[%add3A_22, %dma_start3A_48] : memref<10240x16xf32, #tpu.memory_space<vmem_shared>> -> memref<128x16xf32, #tpu.memory_space<vmem_shared>>
      tpu.enqueue_dma source(%arg13 : memref<128x16xf32, #tpu.memory_space<vmem>>) target(%dma_start3A_49 : memref<128x16xf32, #tpu.memory_space<vmem_shared>>) target_semaphore(%run_scoped3A : memref<!tpu.dma_semaphore, #tpu.memory_space<semaphore_mem>>)
      %dma_wait3A = arith.constant 0 : i32
      %dma_wait3A_50 = tpu.memref_slice %arg14[%add3A_22, %dma_wait3A] : memref<10240x16xf32, #tpu.memory_space<vmem_shared>> -> memref<128x16xf32, #tpu.memory_space<vmem_shared>>
      %dma_wait3A_51 = arith.constant 0 : i32
      %dma_wait3A_52 = tpu.memref_slice %arg14[%add3A_22, %dma_wait3A_51] : memref<10240x16xf32, #tpu.memory_space<vmem_shared>> -> memref<128x16xf32, #tpu.memory_space<vmem_shared>>
      tpu.wait_dma2 semaphore(%run_scoped3A : memref<!tpu.dma_semaphore, #tpu.memory_space<semaphore_mem>>) src(%arg13 : memref<128x16xf32, #tpu.memory_space<vmem>>) dst(%dma_wait3A_52 : memref<128x16xf32, #tpu.memory_space<vmem_shared>>)
      tpu.yield
    }) : () -> ()
    %mul3A_23 = arith.constant 640 : i32
    %mul3A_24 = arith.muli %arg1, %mul3A_23 : i32
    %add3A_25 = arith.constant 384 : i32
    %add3A_26 = arith.addi %mul3A_24, %add3A_25 : i32
    "tpu.region"() ({
      %run_scoped3A = tpu.sem_alloc : memref<!tpu.dma_semaphore, #tpu.memory_space<semaphore_mem>>
      %dma_start3A = arith.constant 0 : i32
      %dma_start3A_47 = tpu.memref_slice %arg14[%add3A_26, %dma_start3A] : memref<10240x16xf32, #tpu.memory_space<vmem_shared>> -> memref<128x16xf32, #tpu.memory_space<vmem_shared>>
      %dma_start3A_48 = arith.constant 0 : i32
      %dma_start3A_49 = tpu.memref_slice %arg14[%add3A_26, %dma_start3A_48] : memref<10240x16xf32, #tpu.memory_space<vmem_shared>> -> memref<128x16xf32, #tpu.memory_space<vmem_shared>>
      tpu.enqueue_dma source(%arg13 : memref<128x16xf32, #tpu.memory_space<vmem>>) target(%dma_start3A_49 : memref<128x16xf32, #tpu.memory_space<vmem_shared>>) target_semaphore(%run_scoped3A : memref<!tpu.dma_semaphore, #tpu.memory_space<semaphore_mem>>)
      %dma_wait3A = arith.constant 0 : i32
      %dma_wait3A_50 = tpu.memref_slice %arg14[%add3A_26, %dma_wait3A] : memref<10240x16xf32, #tpu.memory_space<vmem_shared>> -> memref<128x16xf32, #tpu.memory_space<vmem_shared>>
      %dma_wait3A_51 = arith.constant 0 : i32
      %dma_wait3A_52 = tpu.memref_slice %arg14[%add3A_26, %dma_wait3A_51] : memref<10240x16xf32, #tpu.memory_space<vmem_shared>> -> memref<128x16xf32, #tpu.memory_space<vmem_shared>>
      tpu.wait_dma2 semaphore(%run_scoped3A : memref<!tpu.dma_semaphore, #tpu.memory_space<semaphore_mem>>) src(%arg13 : memref<128x16xf32, #tpu.memory_space<vmem>>) dst(%dma_wait3A_52 : memref<128x16xf32, #tpu.memory_space<vmem_shared>>)
      tpu.yield
    }) : () -> ()
    %mul3A_27 = arith.constant 640 : i32
    %mul3A_28 = arith.muli %arg1, %mul3A_27 : i32
    %add3A_29 = arith.constant 512 : i32
    %add3A_30 = arith.addi %mul3A_28, %add3A_29 : i32
    "tpu.region"() ({
      %run_scoped3A = tpu.sem_alloc : memref<!tpu.dma_semaphore, #tpu.memory_space<semaphore_mem>>
      %dma_start3A = arith.constant 0 : i32
      %dma_start3A_47 = tpu.memref_slice %arg14[%add3A_30, %dma_start3A] : memref<10240x16xf32, #tpu.memory_space<vmem_shared>> -> memref<128x16xf32, #tpu.memory_space<vmem_shared>>
      %dma_start3A_48 = arith.constant 0 : i32
      %dma_start3A_49 = tpu.memref_slice %arg14[%add3A_30, %dma_start3A_48] : memref<10240x16xf32, #tpu.memory_space<vmem_shared>> -> memref<128x16xf32, #tpu.memory_space<vmem_shared>>
      tpu.enqueue_dma source(%arg13 : memref<128x16xf32, #tpu.memory_space<vmem>>) target(%dma_start3A_49 : memref<128x16xf32, #tpu.memory_space<vmem_shared>>) target_semaphore(%run_scoped3A : memref<!tpu.dma_semaphore, #tpu.memory_space<semaphore_mem>>)
      %dma_wait3A = arith.constant 0 : i32
      %dma_wait3A_50 = tpu.memref_slice %arg14[%add3A_30, %dma_wait3A] : memref<10240x16xf32, #tpu.memory_space<vmem_shared>> -> memref<128x16xf32, #tpu.memory_space<vmem_shared>>
      %dma_wait3A_51 = arith.constant 0 : i32
      %dma_wait3A_52 = tpu.memref_slice %arg14[%add3A_30, %dma_wait3A_51] : memref<10240x16xf32, #tpu.memory_space<vmem_shared>> -> memref<128x16xf32, #tpu.memory_space<vmem_shared>>
      tpu.wait_dma2 semaphore(%run_scoped3A : memref<!tpu.dma_semaphore, #tpu.memory_space<semaphore_mem>>) src(%arg13 : memref<128x16xf32, #tpu.memory_space<vmem>>) dst(%dma_wait3A_52 : memref<128x16xf32, #tpu.memory_space<vmem_shared>>)
      tpu.yield
    }) : () -> ()
    %barrier3A = arith.constant 0 : index
    tpu.barrier barrier_id(%barrier3A)
    %while3A = arith.constant 0 : i32
    %while3A_31 = arith.constant 0 : i32
    %while3A_32 = arith.subi %add3A_4, %while3A : i32
    %while3A_33 = arith.addi %while3A, %while3A_32 : i32
    %while3A_34 = arith.constant 1 : i32
    %while3A_35 = arith.divsi %while3A_32, %while3A_34 : i32
    %while3A_36 = arith.muli %while3A_35, %while3A_34 : i32
    %while3A_37 = arith.addi %while3A, %while3A_36 : i32
    %while3A_38 = arith.constant 1 : i32
    %while3A_39 = scf.for %while3A_47 = %while3A to %while3A_37 step %while3A_38 iter_args(%while3A_48 = %while3A_31) -> (i32)  : i32 {
      %mul3A_49 = arith.constant 32 : i32
      %mul3A_50 = arith.muli %mul3A_49, %while3A_47 : i32
      %add3A_51 = arith.addi %add3A, %mul3A_50 : i32
      %mul3A_52 = arith.constant 128 : i32
      %mul3A_53 = arith.muli %add3A_51, %mul3A_52 : i32
      "tpu.region"() ({
        %run_scoped3A = tpu.sem_alloc : memref<!tpu.dma_semaphore, #tpu.memory_space<semaphore_mem>>
        %dma_start3A = tpu.memref_slice %arg3[%mul3A_53] : memref<320000xi32, #tpu.memory_space<hbm>> -> memref<128xi32, #tpu.memory_space<hbm>>
        %dma_start3A_55 = tpu.memref_slice %arg3[%mul3A_53] : memref<320000xi32, #tpu.memory_space<hbm>> -> memref<128xi32, #tpu.memory_space<hbm>>
        tpu.enqueue_dma source(%dma_start3A_55 : memref<128xi32, #tpu.memory_space<hbm>>) target(%arg8 : memref<128xi32, #tpu.memory_space<vmem>>) target_semaphore(%run_scoped3A : memref<!tpu.dma_semaphore, #tpu.memory_space<semaphore_mem>>)
        %dma_wait3A = tpu.memref_slice %arg3[%mul3A_53] : memref<320000xi32, #tpu.memory_space<hbm>> -> memref<128xi32, #tpu.memory_space<hbm>>
        %dma_wait3A_56 = tpu.memref_slice %arg3[%mul3A_53] : memref<320000xi32, #tpu.memory_space<hbm>> -> memref<128xi32, #tpu.memory_space<hbm>>
        tpu.wait_dma2 semaphore(%run_scoped3A : memref<!tpu.dma_semaphore, #tpu.memory_space<semaphore_mem>>) src(%dma_wait3A_56 : memref<128xi32, #tpu.memory_space<hbm>>) dst(%arg8 : memref<128xi32, #tpu.memory_space<vmem>>)
        tpu.yield
      }) : () -> ()
      "tpu.region"() ({
        %run_scoped3A = tpu.sem_alloc : memref<!tpu.dma_semaphore, #tpu.memory_space<semaphore_mem>>
        %dma_start3A = tpu.memref_slice %arg4[%mul3A_53] : memref<320000xi32, #tpu.memory_space<hbm>> -> memref<128xi32, #tpu.memory_space<hbm>>
        %dma_start3A_55 = tpu.memref_slice %arg4[%mul3A_53] : memref<320000xi32, #tpu.memory_space<hbm>> -> memref<128xi32, #tpu.memory_space<hbm>>
        tpu.enqueue_dma source(%dma_start3A_55 : memref<128xi32, #tpu.memory_space<hbm>>) target(%arg9 : memref<128xi32, #tpu.memory_space<vmem>>) target_semaphore(%run_scoped3A : memref<!tpu.dma_semaphore, #tpu.memory_space<semaphore_mem>>)
        %dma_wait3A = tpu.memref_slice %arg4[%mul3A_53] : memref<320000xi32, #tpu.memory_space<hbm>> -> memref<128xi32, #tpu.memory_space<hbm>>
        %dma_wait3A_56 = tpu.memref_slice %arg4[%mul3A_53] : memref<320000xi32, #tpu.memory_space<hbm>> -> memref<128xi32, #tpu.memory_space<hbm>>
        tpu.wait_dma2 semaphore(%run_scoped3A : memref<!tpu.dma_semaphore, #tpu.memory_space<semaphore_mem>>) src(%dma_wait3A_56 : memref<128xi32, #tpu.memory_space<hbm>>) dst(%arg9 : memref<128xi32, #tpu.memory_space<vmem>>)
        tpu.yield
      }) : () -> ()
      "tpu.region"() ({
        %run_scoped3A = tpu.sem_alloc : memref<!tpu.dma_semaphore, #tpu.memory_space<semaphore_mem>>
        %dma_start3A = arith.constant 0 : i32
        %dma_start3A_55 = arith.constant 0 : i32
        %dma_start3A_56 = tpu.memref_slice %arg2[%dma_start3A, %dma_start3A_55] : memref<10000x2xf32, #tpu.memory_space<hbm>> -> memref<10000x2xf32, #tpu.memory_space<hbm>>
        tpu.enqueue_indirect_dma source(%dma_start3A_56 : memref<10000x2xf32, #tpu.memory_space<hbm>>) target(%arg10 : memref<128x2xf32, #tpu.memory_space<vmem>>) offsets(%arg8 : memref<128xi32, #tpu.memory_space<vmem>>) semaphore(%run_scoped3A : memref<!tpu.dma_semaphore, #tpu.memory_space<semaphore_mem>>)
        %dma_wait3A = arith.constant 0 : i32
        %dma_wait3A_57 = arith.constant 0 : i32
        %dma_wait3A_58 = tpu.memref_slice %arg2[%dma_wait3A, %dma_wait3A_57] : memref<10000x2xf32, #tpu.memory_space<hbm>> -> memref<10000x2xf32, #tpu.memory_space<hbm>>
        tpu.wait_indirect_dma semaphore(%run_scoped3A : memref<!tpu.dma_semaphore, #tpu.memory_space<semaphore_mem>>) src(%dma_wait3A_58 : memref<10000x2xf32, #tpu.memory_space<hbm>>) dst(%arg10 : memref<128x2xf32, #tpu.memory_space<vmem>>)
        tpu.yield
      }) : () -> ()
      "tpu.region"() ({
        %run_scoped3A = tpu.sem_alloc : memref<!tpu.dma_semaphore, #tpu.memory_space<semaphore_mem>>
        %dma_start3A = arith.constant 0 : i32
        %dma_start3A_55 = arith.constant 0 : i32
        %dma_start3A_56 = tpu.memref_slice %arg2[%dma_start3A, %dma_start3A_55] : memref<10000x2xf32, #tpu.memory_space<hbm>> -> memref<10000x2xf32, #tpu.memory_space<hbm>>
        tpu.enqueue_indirect_dma source(%dma_start3A_56 : memref<10000x2xf32, #tpu.memory_space<hbm>>) target(%arg11 : memref<128x2xf32, #tpu.memory_space<vmem>>) offsets(%arg9 : memref<128xi32, #tpu.memory_space<vmem>>) semaphore(%run_scoped3A : memref<!tpu.dma_semaphore, #tpu.memory_space<semaphore_mem>>)
        %dma_wait3A = arith.constant 0 : i32
        %dma_wait3A_57 = arith.constant 0 : i32
        %dma_wait3A_58 = tpu.memref_slice %arg2[%dma_wait3A, %dma_wait3A_57] : memref<10000x2xf32, #tpu.memory_space<hbm>> -> memref<10000x2xf32, #tpu.memory_space<hbm>>
        tpu.wait_indirect_dma semaphore(%run_scoped3A : memref<!tpu.dma_semaphore, #tpu.memory_space<semaphore_mem>>) src(%dma_wait3A_58 : memref<10000x2xf32, #tpu.memory_space<hbm>>) dst(%arg11 : memref<128x2xf32, #tpu.memory_space<vmem>>)
        tpu.yield
      }) : () -> ()
      "tpu.region"() ({
        %run_scoped3A = tpu.sem_alloc : memref<!tpu.dma_semaphore, #tpu.memory_space<semaphore_mem>>
        %dma_start3A = arith.constant 0 : i32
        %dma_start3A_55 = tpu.memref_slice %arg6[%mul3A_53, %dma_start3A] : memref<320000x2xf32, #tpu.memory_space<hbm>> -> memref<128x2xf32, #tpu.memory_space<hbm>>
        %dma_start3A_56 = arith.constant 0 : i32
        %dma_start3A_57 = tpu.memref_slice %arg6[%mul3A_53, %dma_start3A_56] : memref<320000x2xf32, #tpu.memory_space<hbm>> -> memref<128x2xf32, #tpu.memory_space<hbm>>
        tpu.enqueue_dma source(%arg10 : memref<128x2xf32, #tpu.memory_space<vmem>>) target(%dma_start3A_57 : memref<128x2xf32, #tpu.memory_space<hbm>>) target_semaphore(%run_scoped3A : memref<!tpu.dma_semaphore, #tpu.memory_space<semaphore_mem>>)
        %dma_wait3A = arith.constant 0 : i32
        %dma_wait3A_58 = tpu.memref_slice %arg6[%mul3A_53, %dma_wait3A] : memref<320000x2xf32, #tpu.memory_space<hbm>> -> memref<128x2xf32, #tpu.memory_space<hbm>>
        %dma_wait3A_59 = arith.constant 0 : i32
        %dma_wait3A_60 = tpu.memref_slice %arg6[%mul3A_53, %dma_wait3A_59] : memref<320000x2xf32, #tpu.memory_space<hbm>> -> memref<128x2xf32, #tpu.memory_space<hbm>>
        tpu.wait_dma2 semaphore(%run_scoped3A : memref<!tpu.dma_semaphore, #tpu.memory_space<semaphore_mem>>) src(%arg10 : memref<128x2xf32, #tpu.memory_space<vmem>>) dst(%dma_wait3A_60 : memref<128x2xf32, #tpu.memory_space<hbm>>)
        tpu.yield
      }) : () -> ()
      "tpu.region"() ({
        %run_scoped3A = tpu.sem_alloc : memref<!tpu.dma_semaphore, #tpu.memory_space<semaphore_mem>>
        %dma_start3A = arith.constant 0 : i32
        %dma_start3A_55 = tpu.memref_slice %arg5[%mul3A_53, %dma_start3A] : memref<320000x2xf32, #tpu.memory_space<hbm>> -> memref<128x2xf32, #tpu.memory_space<hbm>>
        %dma_start3A_56 = arith.constant 0 : i32
        %dma_start3A_57 = tpu.memref_slice %arg5[%mul3A_53, %dma_start3A_56] : memref<320000x2xf32, #tpu.memory_space<hbm>> -> memref<128x2xf32, #tpu.memory_space<hbm>>
        tpu.enqueue_dma source(%arg11 : memref<128x2xf32, #tpu.memory_space<vmem>>) target(%dma_start3A_57 : memref<128x2xf32, #tpu.memory_space<hbm>>) target_semaphore(%run_scoped3A : memref<!tpu.dma_semaphore, #tpu.memory_space<semaphore_mem>>)
        %dma_wait3A = arith.constant 0 : i32
        %dma_wait3A_58 = tpu.memref_slice %arg5[%mul3A_53, %dma_wait3A] : memref<320000x2xf32, #tpu.memory_space<hbm>> -> memref<128x2xf32, #tpu.memory_space<hbm>>
        %dma_wait3A_59 = arith.constant 0 : i32
        %dma_wait3A_60 = tpu.memref_slice %arg5[%mul3A_53, %dma_wait3A_59] : memref<320000x2xf32, #tpu.memory_space<hbm>> -> memref<128x2xf32, #tpu.memory_space<hbm>>
        tpu.wait_dma2 semaphore(%run_scoped3A : memref<!tpu.dma_semaphore, #tpu.memory_space<semaphore_mem>>) src(%arg11 : memref<128x2xf32, #tpu.memory_space<vmem>>) dst(%dma_wait3A_60 : memref<128x2xf32, #tpu.memory_space<hbm>>)
        tpu.yield
      }) : () -> ()
      "tpu.region"() ({
        %run_scoped3A = tpu.sem_alloc : memref<!tpu.dma_semaphore, #tpu.memory_space<semaphore_mem>>
        %dma_start3A = arith.constant 0 : i32
        %dma_start3A_55 = arith.constant 0 : i32
        %dma_start3A_56 = tpu.memref_slice %arg14[%dma_start3A, %dma_start3A_55] : memref<10240x16xf32, #tpu.memory_space<vmem_shared>> -> memref<10240x16xf32, #tpu.memory_space<vmem_shared>>
        tpu.enqueue_indirect_dma source(%arg12 : memref<128x16xf32, #tpu.memory_space<vmem>>) target(%dma_start3A_56 : memref<10240x16xf32, #tpu.memory_space<vmem_shared>>) offsets(%arg9 : memref<128xi32, #tpu.memory_space<vmem>>) semaphore(%run_scoped3A : memref<!tpu.dma_semaphore, #tpu.memory_space<semaphore_mem>>) {add = true}
        %dma_wait3A = arith.constant 0 : i32
        %dma_wait3A_57 = arith.constant 0 : i32
        %dma_wait3A_58 = tpu.memref_slice %arg14[%dma_wait3A, %dma_wait3A_57] : memref<10240x16xf32, #tpu.memory_space<vmem_shared>> -> memref<10240x16xf32, #tpu.memory_space<vmem_shared>>
        tpu.wait_indirect_dma semaphore(%run_scoped3A : memref<!tpu.dma_semaphore, #tpu.memory_space<semaphore_mem>>) src(%arg12 : memref<128x16xf32, #tpu.memory_space<vmem>>) dst(%dma_wait3A_58 : memref<10240x16xf32, #tpu.memory_space<vmem_shared>>)
        tpu.yield
      }) : () -> ()
      %while3A_54 = arith.constant 0 : i32
      scf.yield %while3A_54 : i32
    }
    %while3A_40 = arith.constant 1 : i32
    %while3A_41 = scf.for %while3A_47 = %while3A_37 to %while3A_33 step %while3A_40 iter_args(%while3A_48 = %while3A_39) -> (i32)  : i32 {
      %mul3A_49 = arith.constant 32 : i32
      %mul3A_50 = arith.muli %mul3A_49, %while3A_47 : i32
      %add3A_51 = arith.addi %add3A, %mul3A_50 : i32
      %mul3A_52 = arith.constant 128 : i32
      %mul3A_53 = arith.muli %add3A_51, %mul3A_52 : i32
      "tpu.region"() ({
        %run_scoped3A = tpu.sem_alloc : memref<!tpu.dma_semaphore, #tpu.memory_space<semaphore_mem>>
        %dma_start3A = tpu.memref_slice %arg3[%mul3A_53] : memref<320000xi32, #tpu.memory_space<hbm>> -> memref<128xi32, #tpu.memory_space<hbm>>
        %dma_start3A_55 = tpu.memref_slice %arg3[%mul3A_53] : memref<320000xi32, #tpu.memory_space<hbm>> -> memref<128xi32, #tpu.memory_space<hbm>>
        tpu.enqueue_dma source(%dma_start3A_55 : memref<128xi32, #tpu.memory_space<hbm>>) target(%arg8 : memref<128xi32, #tpu.memory_space<vmem>>) target_semaphore(%run_scoped3A : memref<!tpu.dma_semaphore, #tpu.memory_space<semaphore_mem>>)
        %dma_wait3A = tpu.memref_slice %arg3[%mul3A_53] : memref<320000xi32, #tpu.memory_space<hbm>> -> memref<128xi32, #tpu.memory_space<hbm>>
        %dma_wait3A_56 = tpu.memref_slice %arg3[%mul3A_53] : memref<320000xi32, #tpu.memory_space<hbm>> -> memref<128xi32, #tpu.memory_space<hbm>>
        tpu.wait_dma2 semaphore(%run_scoped3A : memref<!tpu.dma_semaphore, #tpu.memory_space<semaphore_mem>>) src(%dma_wait3A_56 : memref<128xi32, #tpu.memory_space<hbm>>) dst(%arg8 : memref<128xi32, #tpu.memory_space<vmem>>)
        tpu.yield
      }) : () -> ()
      "tpu.region"() ({
        %run_scoped3A = tpu.sem_alloc : memref<!tpu.dma_semaphore, #tpu.memory_space<semaphore_mem>>
        %dma_start3A = tpu.memref_slice %arg4[%mul3A_53] : memref<320000xi32, #tpu.memory_space<hbm>> -> memref<128xi32, #tpu.memory_space<hbm>>
        %dma_start3A_55 = tpu.memref_slice %arg4[%mul3A_53] : memref<320000xi32, #tpu.memory_space<hbm>> -> memref<128xi32, #tpu.memory_space<hbm>>
        tpu.enqueue_dma source(%dma_start3A_55 : memref<128xi32, #tpu.memory_space<hbm>>) target(%arg9 : memref<128xi32, #tpu.memory_space<vmem>>) target_semaphore(%run_scoped3A : memref<!tpu.dma_semaphore, #tpu.memory_space<semaphore_mem>>)
        %dma_wait3A = tpu.memref_slice %arg4[%mul3A_53] : memref<320000xi32, #tpu.memory_space<hbm>> -> memref<128xi32, #tpu.memory_space<hbm>>
        %dma_wait3A_56 = tpu.memref_slice %arg4[%mul3A_53] : memref<320000xi32, #tpu.memory_space<hbm>> -> memref<128xi32, #tpu.memory_space<hbm>>
        tpu.wait_dma2 semaphore(%run_scoped3A : memref<!tpu.dma_semaphore, #tpu.memory_space<semaphore_mem>>) src(%dma_wait3A_56 : memref<128xi32, #tpu.memory_space<hbm>>) dst(%arg9 : memref<128xi32, #tpu.memory_space<vmem>>)
        tpu.yield
      }) : () -> ()
      "tpu.region"() ({
        %run_scoped3A = tpu.sem_alloc : memref<!tpu.dma_semaphore, #tpu.memory_space<semaphore_mem>>
        %dma_start3A = arith.constant 0 : i32
        %dma_start3A_55 = arith.constant 0 : i32
        %dma_start3A_56 = tpu.memref_slice %arg2[%dma_start3A, %dma_start3A_55] : memref<10000x2xf32, #tpu.memory_space<hbm>> -> memref<10000x2xf32, #tpu.memory_space<hbm>>
        tpu.enqueue_indirect_dma source(%dma_start3A_56 : memref<10000x2xf32, #tpu.memory_space<hbm>>) target(%arg10 : memref<128x2xf32, #tpu.memory_space<vmem>>) offsets(%arg8 : memref<128xi32, #tpu.memory_space<vmem>>) semaphore(%run_scoped3A : memref<!tpu.dma_semaphore, #tpu.memory_space<semaphore_mem>>)
        %dma_wait3A = arith.constant 0 : i32
        %dma_wait3A_57 = arith.constant 0 : i32
        %dma_wait3A_58 = tpu.memref_slice %arg2[%dma_wait3A, %dma_wait3A_57] : memref<10000x2xf32, #tpu.memory_space<hbm>> -> memref<10000x2xf32, #tpu.memory_space<hbm>>
        tpu.wait_indirect_dma semaphore(%run_scoped3A : memref<!tpu.dma_semaphore, #tpu.memory_space<semaphore_mem>>) src(%dma_wait3A_58 : memref<10000x2xf32, #tpu.memory_space<hbm>>) dst(%arg10 : memref<128x2xf32, #tpu.memory_space<vmem>>)
        tpu.yield
      }) : () -> ()
      "tpu.region"() ({
        %run_scoped3A = tpu.sem_alloc : memref<!tpu.dma_semaphore, #tpu.memory_space<semaphore_mem>>
        %dma_start3A = arith.constant 0 : i32
        %dma_start3A_55 = arith.constant 0 : i32
        %dma_start3A_56 = tpu.memref_slice %arg2[%dma_start3A, %dma_start3A_55] : memref<10000x2xf32, #tpu.memory_space<hbm>> -> memref<10000x2xf32, #tpu.memory_space<hbm>>
        tpu.enqueue_indirect_dma source(%dma_start3A_56 : memref<10000x2xf32, #tpu.memory_space<hbm>>) target(%arg11 : memref<128x2xf32, #tpu.memory_space<vmem>>) offsets(%arg9 : memref<128xi32, #tpu.memory_space<vmem>>) semaphore(%run_scoped3A : memref<!tpu.dma_semaphore, #tpu.memory_space<semaphore_mem>>)
        %dma_wait3A = arith.constant 0 : i32
        %dma_wait3A_57 = arith.constant 0 : i32
        %dma_wait3A_58 = tpu.memref_slice %arg2[%dma_wait3A, %dma_wait3A_57] : memref<10000x2xf32, #tpu.memory_space<hbm>> -> memref<10000x2xf32, #tpu.memory_space<hbm>>
        tpu.wait_indirect_dma semaphore(%run_scoped3A : memref<!tpu.dma_semaphore, #tpu.memory_space<semaphore_mem>>) src(%dma_wait3A_58 : memref<10000x2xf32, #tpu.memory_space<hbm>>) dst(%arg11 : memref<128x2xf32, #tpu.memory_space<vmem>>)
        tpu.yield
      }) : () -> ()
      "tpu.region"() ({
        %run_scoped3A = tpu.sem_alloc : memref<!tpu.dma_semaphore, #tpu.memory_space<semaphore_mem>>
        %dma_start3A = arith.constant 0 : i32
        %dma_start3A_55 = tpu.memref_slice %arg6[%mul3A_53, %dma_start3A] : memref<320000x2xf32, #tpu.memory_space<hbm>> -> memref<128x2xf32, #tpu.memory_space<hbm>>
        %dma_start3A_56 = arith.constant 0 : i32
        %dma_start3A_57 = tpu.memref_slice %arg6[%mul3A_53, %dma_start3A_56] : memref<320000x2xf32, #tpu.memory_space<hbm>> -> memref<128x2xf32, #tpu.memory_space<hbm>>
        tpu.enqueue_dma source(%arg10 : memref<128x2xf32, #tpu.memory_space<vmem>>) target(%dma_start3A_57 : memref<128x2xf32, #tpu.memory_space<hbm>>) target_semaphore(%run_scoped3A : memref<!tpu.dma_semaphore, #tpu.memory_space<semaphore_mem>>)
        %dma_wait3A = arith.constant 0 : i32
        %dma_wait3A_58 = tpu.memref_slice %arg6[%mul3A_53, %dma_wait3A] : memref<320000x2xf32, #tpu.memory_space<hbm>> -> memref<128x2xf32, #tpu.memory_space<hbm>>
        %dma_wait3A_59 = arith.constant 0 : i32
        %dma_wait3A_60 = tpu.memref_slice %arg6[%mul3A_53, %dma_wait3A_59] : memref<320000x2xf32, #tpu.memory_space<hbm>> -> memref<128x2xf32, #tpu.memory_space<hbm>>
        tpu.wait_dma2 semaphore(%run_scoped3A : memref<!tpu.dma_semaphore, #tpu.memory_space<semaphore_mem>>) src(%arg10 : memref<128x2xf32, #tpu.memory_space<vmem>>) dst(%dma_wait3A_60 : memref<128x2xf32, #tpu.memory_space<hbm>>)
        tpu.yield
      }) : () -> ()
      "tpu.region"() ({
        %run_scoped3A = tpu.sem_alloc : memref<!tpu.dma_semaphore, #tpu.memory_space<semaphore_mem>>
        %dma_start3A = arith.constant 0 : i32
        %dma_start3A_55 = tpu.memref_slice %arg5[%mul3A_53, %dma_start3A] : memref<320000x2xf32, #tpu.memory_space<hbm>> -> memref<128x2xf32, #tpu.memory_space<hbm>>
        %dma_start3A_56 = arith.constant 0 : i32
        %dma_start3A_57 = tpu.memref_slice %arg5[%mul3A_53, %dma_start3A_56] : memref<320000x2xf32, #tpu.memory_space<hbm>> -> memref<128x2xf32, #tpu.memory_space<hbm>>
        tpu.enqueue_dma source(%arg11 : memref<128x2xf32, #tpu.memory_space<vmem>>) target(%dma_start3A_57 : memref<128x2xf32, #tpu.memory_space<hbm>>) target_semaphore(%run_scoped3A : memref<!tpu.dma_semaphore, #tpu.memory_space<semaphore_mem>>)
        %dma_wait3A = arith.constant 0 : i32
        %dma_wait3A_58 = tpu.memref_slice %arg5[%mul3A_53, %dma_wait3A] : memref<320000x2xf32, #tpu.memory_space<hbm>> -> memref<128x2xf32, #tpu.memory_space<hbm>>
        %dma_wait3A_59 = arith.constant 0 : i32
        %dma_wait3A_60 = tpu.memref_slice %arg5[%mul3A_53, %dma_wait3A_59] : memref<320000x2xf32, #tpu.memory_space<hbm>> -> memref<128x2xf32, #tpu.memory_space<hbm>>
        tpu.wait_dma2 semaphore(%run_scoped3A : memref<!tpu.dma_semaphore, #tpu.memory_space<semaphore_mem>>) src(%arg11 : memref<128x2xf32, #tpu.memory_space<vmem>>) dst(%dma_wait3A_60 : memref<128x2xf32, #tpu.memory_space<hbm>>)
        tpu.yield
      }) : () -> ()
      "tpu.region"() ({
        %run_scoped3A = tpu.sem_alloc : memref<!tpu.dma_semaphore, #tpu.memory_space<semaphore_mem>>
        %dma_start3A = arith.constant 0 : i32
        %dma_start3A_55 = arith.constant 0 : i32
        %dma_start3A_56 = tpu.memref_slice %arg14[%dma_start3A, %dma_start3A_55] : memref<10240x16xf32, #tpu.memory_space<vmem_shared>> -> memref<10240x16xf32, #tpu.memory_space<vmem_shared>>
        tpu.enqueue_indirect_dma source(%arg12 : memref<128x16xf32, #tpu.memory_space<vmem>>) target(%dma_start3A_56 : memref<10240x16xf32, #tpu.memory_space<vmem_shared>>) offsets(%arg9 : memref<128xi32, #tpu.memory_space<vmem>>) semaphore(%run_scoped3A : memref<!tpu.dma_semaphore, #tpu.memory_space<semaphore_mem>>) {add = true}
        %dma_wait3A = arith.constant 0 : i32
        %dma_wait3A_57 = arith.constant 0 : i32
        %dma_wait3A_58 = tpu.memref_slice %arg14[%dma_wait3A, %dma_wait3A_57] : memref<10240x16xf32, #tpu.memory_space<vmem_shared>> -> memref<10240x16xf32, #tpu.memory_space<vmem_shared>>
        tpu.wait_indirect_dma semaphore(%run_scoped3A : memref<!tpu.dma_semaphore, #tpu.memory_space<semaphore_mem>>) src(%arg12 : memref<128x16xf32, #tpu.memory_space<vmem>>) dst(%dma_wait3A_58 : memref<10240x16xf32, #tpu.memory_space<vmem_shared>>)
        tpu.yield
      }) : () -> ()
      %while3A_54 = arith.constant 0 : i32
      scf.yield %while3A_54 : i32
    }
    %barrier3A_42 = arith.constant 0 : index
    tpu.barrier barrier_id(%barrier3A_42)
    %mul3A_43 = arith.constant 640 : i32
    %mul3A_44 = arith.muli %arg1, %mul3A_43 : i32
    %mul3A_45 = arith.constant 640 : i32
    %mul3A_46 = arith.muli %arg1, %mul3A_45 : i32
    "tpu.region"() ({
      %run_scoped3A = tpu.sem_alloc : memref<!tpu.dma_semaphore, #tpu.memory_space<semaphore_mem>>
      %dma_start3A = arith.constant 0 : i32
      %dma_start3A_47 = tpu.memref_slice %arg7[%arg0, %mul3A_46, %dma_start3A] : memref<2x10240x16xf32, #tpu.memory_space<hbm>> -> memref<1x640x16xf32, #tpu.memory_space<hbm>>
      %dma_start3A_48 = tpu.memref_squeeze %dma_start3A_47 : memref<1x640x16xf32, #tpu.memory_space<hbm>> -> memref<640x16xf32, #tpu.memory_space<hbm>>
      %dma_start3A_49 = arith.constant 0 : i32
      %dma_start3A_50 = tpu.memref_slice %arg14[%mul3A_44, %dma_start3A_49] : memref<10240x16xf32, #tpu.memory_space<vmem_shared>> -> memref<640x16xf32, #tpu.memory_space<vmem_shared>>
      tpu.enqueue_dma source(%dma_start3A_50 : memref<640x16xf32, #tpu.memory_space<vmem_shared>>) target(%dma_start3A_48 : memref<640x16xf32, #tpu.memory_space<hbm>>) target_semaphore(%run_scoped3A : memref<!tpu.dma_semaphore, #tpu.memory_space<semaphore_mem>>)
      %dma_wait3A = arith.constant 0 : i32
      %dma_wait3A_51 = tpu.memref_slice %arg7[%arg0, %mul3A_46, %dma_wait3A] : memref<2x10240x16xf32, #tpu.memory_space<hbm>> -> memref<1x640x16xf32, #tpu.memory_space<hbm>>
      %dma_wait3A_52 = tpu.memref_squeeze %dma_wait3A_51 : memref<1x640x16xf32, #tpu.memory_space<hbm>> -> memref<640x16xf32, #tpu.memory_space<hbm>>
      %dma_wait3A_53 = arith.constant 0 : i32
      %dma_wait3A_54 = tpu.memref_slice %arg14[%mul3A_44, %dma_wait3A_53] : memref<10240x16xf32, #tpu.memory_space<vmem_shared>> -> memref<640x16xf32, #tpu.memory_space<vmem_shared>>
      tpu.wait_dma2 semaphore(%run_scoped3A : memref<!tpu.dma_semaphore, #tpu.memory_space<semaphore_mem>>) src(%dma_wait3A_54 : memref<640x16xf32, #tpu.memory_space<vmem_shared>>) dst(%dma_wait3A_52 : memref<640x16xf32, #tpu.memory_space<hbm>>)
      tpu.yield
    }) : () -> ()
    return
  }
}

#map = affine_map<(d0, d1) -> (0, 0)>
#map1 = affine_map<(d0, d1) -> (0)>
#map2 = affine_map<(d0, d1) -> (0, 0, 0)>
module attributes {stable_mosaic.version = 14 : i64} {
  func.func @_sc_layer_body(%arg0: i32, %arg1: i32, %arg2: memref<10000x64xf32, #tpu.memory_space<hbm>>, %arg3: memref<320000x64xf32, #tpu.memory_space<hbm>>, %arg4: memref<320000xi32, #tpu.memory_space<hbm>>, %arg5: memref<320000xi32, #tpu.memory_space<hbm>>, %arg6: memref<2x10240x64xf32, #tpu.memory_space<hbm>>, %arg7: memref<128xi32, #tpu.memory_space<vmem>>, %arg8: memref<128xi32, #tpu.memory_space<vmem>>, %arg9: memref<128x64xf32, #tpu.memory_space<vmem>>, %arg10: memref<128x64xf32, #tpu.memory_space<vmem>>, %arg11: memref<128x64xf32, #tpu.memory_space<vmem>>, %arg12: memref<10240x64xf32, #tpu.memory_space<vmem_shared>>) attributes {dimension_semantics = [#tpu.dimension_semantics<core_parallel>, #tpu.dimension_semantics<subcore_parallel>], iteration_bounds = array<i64: 2, 16>, scalar_prefetch = 0 : i64, scratch_operands = 6 : i64, tpu.core_type = #tpu.core_type<sc_vector_subcore>, window_params = [{transform_indices = #map}, {transform_indices = #map}, {transform_indices = #map1}, {transform_indices = #map1}, {transform_indices = #map2}]} {
    %mul3A = arith.constant 2 : i32
    %mul3A_0 = arith.muli %arg1, %mul3A : i32
    %add3A = arith.addi %mul3A_0, %arg0 : i32
    %lt3A = arith.constant 4 : i32
    %lt3A_1 = arith.cmpi slt, %add3A, %lt3A : i32
    %jit3A = arith.constant 1 : i32
    %jit3A_2 = arith.constant 0 : i32
    %select_n3A = arith.select %lt3A_1, %jit3A, %jit3A_2 : i32
    %add3A_3 = arith.constant 78 : i32
    %add3A_4 = arith.addi %add3A_3, %select_n3A : i32
    %broadcast_in_dim3A = arith.constant 0.000000e+00 : f32
    %broadcast_in_dim3A_5 = vector.broadcast %broadcast_in_dim3A : f32 to vector<16xf32>
    %scan3A = arith.constant 0 : i32
    %scan3A_6 = arith.constant 0 : i32
    %scan3A_7 = arith.constant 128 : i32
    %scan3A_8 = arith.addi %scan3A_6, %scan3A_7 : i32
    %scan3A_9 = arith.constant 1 : i32
    %scan3A_10 = scf.for %scan3A_48 = %scan3A_6 to %scan3A_8 step %scan3A_9 iter_args(%scan3A_49 = %scan3A) -> (i32)  : i32 {
      %swap3A = arith.index_cast %scan3A_48 : i32 to index
      %swap3A_50 = arith.constant 0 : index
      %swap3A_51 = tpu.vector_load %arg11[%swap3A, %swap3A_50] {strides = array<i32>} : memref<128x64xf32, #tpu.memory_space<vmem>>, vector<1x16xf32>,
      %swap3A_52 = vector.shape_cast %swap3A_51 : vector<1x16xf32> to vector<16xf32>
      %swap3A_53 = vector.shape_cast %broadcast_in_dim3A_5 : vector<16xf32> to vector<1x16xf32>
      tpu.vector_store %arg11[%swap3A, %swap3A_50], %swap3A_53 {strides = array<i32>} : memref<128x64xf32, #tpu.memory_space<vmem>>, vector<1x16xf32>,
      %swap3A_54 = arith.index_cast %scan3A_48 : i32 to index
      %swap3A_55 = arith.constant 16 : index
      %swap3A_56 = tpu.vector_load %arg11[%swap3A_54, %swap3A_55] {strides = array<i32>} : memref<128x64xf32, #tpu.memory_space<vmem>>, vector<1x16xf32>,
      %swap3A_57 = vector.shape_cast %swap3A_56 : vector<1x16xf32> to vector<16xf32>
      %swap3A_58 = vector.shape_cast %broadcast_in_dim3A_5 : vector<16xf32> to vector<1x16xf32>
      tpu.vector_store %arg11[%swap3A_54, %swap3A_55], %swap3A_58 {strides = array<i32>} : memref<128x64xf32, #tpu.memory_space<vmem>>, vector<1x16xf32>,
      %swap3A_59 = arith.index_cast %scan3A_48 : i32 to index
      %swap3A_60 = arith.constant 32 : index
      %swap3A_61 = tpu.vector_load %arg11[%swap3A_59, %swap3A_60] {strides = array<i32>} : memref<128x64xf32, #tpu.memory_space<vmem>>, vector<1x16xf32>,
      %swap3A_62 = vector.shape_cast %swap3A_61 : vector<1x16xf32> to vector<16xf32>
      %swap3A_63 = vector.shape_cast %broadcast_in_dim3A_5 : vector<16xf32> to vector<1x16xf32>
      tpu.vector_store %arg11[%swap3A_59, %swap3A_60], %swap3A_63 {strides = array<i32>} : memref<128x64xf32, #tpu.memory_space<vmem>>, vector<1x16xf32>,
      %swap3A_64 = arith.index_cast %scan3A_48 : i32 to index
      %swap3A_65 = arith.constant 48 : index
      %swap3A_66 = tpu.vector_load %arg11[%swap3A_64, %swap3A_65] {strides = array<i32>} : memref<128x64xf32, #tpu.memory_space<vmem>>, vector<1x16xf32>,
      %swap3A_67 = vector.shape_cast %swap3A_66 : vector<1x16xf32> to vector<16xf32>
      %swap3A_68 = vector.shape_cast %broadcast_in_dim3A_5 : vector<16xf32> to vector<1x16xf32>
      tpu.vector_store %arg11[%swap3A_64, %swap3A_65], %swap3A_68 {strides = array<i32>} : memref<128x64xf32, #tpu.memory_space<vmem>>, vector<1x16xf32>,
      %scan3A_69 = arith.constant 0 : i32
      scf.yield %scan3A_69 : i32
    }
    %scan3A_11 = arith.constant 128 : i32
    %mul3A_12 = arith.constant 640 : i32
    %mul3A_13 = arith.muli %arg1, %mul3A_12 : i32
    %add3A_14 = arith.constant 0 : i32
    %add3A_15 = arith.addi %mul3A_13, %add3A_14 : i32
    "tpu.region"() ({
      %run_scoped3A = tpu.sem_alloc : memref<!tpu.dma_semaphore, #tpu.memory_space<semaphore_mem>>
      %dma_start3A = arith.constant 0 : i32
      %dma_start3A_48 = tpu.memref_slice %arg12[%add3A_15, %dma_start3A] : memref<10240x64xf32, #tpu.memory_space<vmem_shared>> -> memref<128x64xf32, #tpu.memory_space<vmem_shared>>
      %dma_start3A_49 = arith.constant 0 : i32
      %dma_start3A_50 = tpu.memref_slice %arg12[%add3A_15, %dma_start3A_49] : memref<10240x64xf32, #tpu.memory_space<vmem_shared>> -> memref<128x64xf32, #tpu.memory_space<vmem_shared>>
      tpu.enqueue_dma source(%arg11 : memref<128x64xf32, #tpu.memory_space<vmem>>) target(%dma_start3A_50 : memref<128x64xf32, #tpu.memory_space<vmem_shared>>) target_semaphore(%run_scoped3A : memref<!tpu.dma_semaphore, #tpu.memory_space<semaphore_mem>>)
      %dma_wait3A = arith.constant 0 : i32
      %dma_wait3A_51 = tpu.memref_slice %arg12[%add3A_15, %dma_wait3A] : memref<10240x64xf32, #tpu.memory_space<vmem_shared>> -> memref<128x64xf32, #tpu.memory_space<vmem_shared>>
      %dma_wait3A_52 = arith.constant 0 : i32
      %dma_wait3A_53 = tpu.memref_slice %arg12[%add3A_15, %dma_wait3A_52] : memref<10240x64xf32, #tpu.memory_space<vmem_shared>> -> memref<128x64xf32, #tpu.memory_space<vmem_shared>>
      tpu.wait_dma2 semaphore(%run_scoped3A : memref<!tpu.dma_semaphore, #tpu.memory_space<semaphore_mem>>) src(%arg11 : memref<128x64xf32, #tpu.memory_space<vmem>>) dst(%dma_wait3A_53 : memref<128x64xf32, #tpu.memory_space<vmem_shared>>)
      tpu.yield
    }) : () -> ()
    %mul3A_16 = arith.constant 640 : i32
    %mul3A_17 = arith.muli %arg1, %mul3A_16 : i32
    %add3A_18 = arith.constant 128 : i32
    %add3A_19 = arith.addi %mul3A_17, %add3A_18 : i32
    "tpu.region"() ({
      %run_scoped3A = tpu.sem_alloc : memref<!tpu.dma_semaphore, #tpu.memory_space<semaphore_mem>>
      %dma_start3A = arith.constant 0 : i32
      %dma_start3A_48 = tpu.memref_slice %arg12[%add3A_19, %dma_start3A] : memref<10240x64xf32, #tpu.memory_space<vmem_shared>> -> memref<128x64xf32, #tpu.memory_space<vmem_shared>>
      %dma_start3A_49 = arith.constant 0 : i32
      %dma_start3A_50 = tpu.memref_slice %arg12[%add3A_19, %dma_start3A_49] : memref<10240x64xf32, #tpu.memory_space<vmem_shared>> -> memref<128x64xf32, #tpu.memory_space<vmem_shared>>
      tpu.enqueue_dma source(%arg11 : memref<128x64xf32, #tpu.memory_space<vmem>>) target(%dma_start3A_50 : memref<128x64xf32, #tpu.memory_space<vmem_shared>>) target_semaphore(%run_scoped3A : memref<!tpu.dma_semaphore, #tpu.memory_space<semaphore_mem>>)
      %dma_wait3A = arith.constant 0 : i32
      %dma_wait3A_51 = tpu.memref_slice %arg12[%add3A_19, %dma_wait3A] : memref<10240x64xf32, #tpu.memory_space<vmem_shared>> -> memref<128x64xf32, #tpu.memory_space<vmem_shared>>
      %dma_wait3A_52 = arith.constant 0 : i32
      %dma_wait3A_53 = tpu.memref_slice %arg12[%add3A_19, %dma_wait3A_52] : memref<10240x64xf32, #tpu.memory_space<vmem_shared>> -> memref<128x64xf32, #tpu.memory_space<vmem_shared>>
      tpu.wait_dma2 semaphore(%run_scoped3A : memref<!tpu.dma_semaphore, #tpu.memory_space<semaphore_mem>>) src(%arg11 : memref<128x64xf32, #tpu.memory_space<vmem>>) dst(%dma_wait3A_53 : memref<128x64xf32, #tpu.memory_space<vmem_shared>>)
      tpu.yield
    }) : () -> ()
    %mul3A_20 = arith.constant 640 : i32
    %mul3A_21 = arith.muli %arg1, %mul3A_20 : i32
    %add3A_22 = arith.constant 256 : i32
    %add3A_23 = arith.addi %mul3A_21, %add3A_22 : i32
    "tpu.region"() ({
      %run_scoped3A = tpu.sem_alloc : memref<!tpu.dma_semaphore, #tpu.memory_space<semaphore_mem>>
      %dma_start3A = arith.constant 0 : i32
      %dma_start3A_48 = tpu.memref_slice %arg12[%add3A_23, %dma_start3A] : memref<10240x64xf32, #tpu.memory_space<vmem_shared>> -> memref<128x64xf32, #tpu.memory_space<vmem_shared>>
      %dma_start3A_49 = arith.constant 0 : i32
      %dma_start3A_50 = tpu.memref_slice %arg12[%add3A_23, %dma_start3A_49] : memref<10240x64xf32, #tpu.memory_space<vmem_shared>> -> memref<128x64xf32, #tpu.memory_space<vmem_shared>>
      tpu.enqueue_dma source(%arg11 : memref<128x64xf32, #tpu.memory_space<vmem>>) target(%dma_start3A_50 : memref<128x64xf32, #tpu.memory_space<vmem_shared>>) target_semaphore(%run_scoped3A : memref<!tpu.dma_semaphore, #tpu.memory_space<semaphore_mem>>)
      %dma_wait3A = arith.constant 0 : i32
      %dma_wait3A_51 = tpu.memref_slice %arg12[%add3A_23, %dma_wait3A] : memref<10240x64xf32, #tpu.memory_space<vmem_shared>> -> memref<128x64xf32, #tpu.memory_space<vmem_shared>>
      %dma_wait3A_52 = arith.constant 0 : i32
      %dma_wait3A_53 = tpu.memref_slice %arg12[%add3A_23, %dma_wait3A_52] : memref<10240x64xf32, #tpu.memory_space<vmem_shared>> -> memref<128x64xf32, #tpu.memory_space<vmem_shared>>
      tpu.wait_dma2 semaphore(%run_scoped3A : memref<!tpu.dma_semaphore, #tpu.memory_space<semaphore_mem>>) src(%arg11 : memref<128x64xf32, #tpu.memory_space<vmem>>) dst(%dma_wait3A_53 : memref<128x64xf32, #tpu.memory_space<vmem_shared>>)
      tpu.yield
    }) : () -> ()
    %mul3A_24 = arith.constant 640 : i32
    %mul3A_25 = arith.muli %arg1, %mul3A_24 : i32
    %add3A_26 = arith.constant 384 : i32
    %add3A_27 = arith.addi %mul3A_25, %add3A_26 : i32
    "tpu.region"() ({
      %run_scoped3A = tpu.sem_alloc : memref<!tpu.dma_semaphore, #tpu.memory_space<semaphore_mem>>
      %dma_start3A = arith.constant 0 : i32
      %dma_start3A_48 = tpu.memref_slice %arg12[%add3A_27, %dma_start3A] : memref<10240x64xf32, #tpu.memory_space<vmem_shared>> -> memref<128x64xf32, #tpu.memory_space<vmem_shared>>
      %dma_start3A_49 = arith.constant 0 : i32
      %dma_start3A_50 = tpu.memref_slice %arg12[%add3A_27, %dma_start3A_49] : memref<10240x64xf32, #tpu.memory_space<vmem_shared>> -> memref<128x64xf32, #tpu.memory_space<vmem_shared>>
      tpu.enqueue_dma source(%arg11 : memref<128x64xf32, #tpu.memory_space<vmem>>) target(%dma_start3A_50 : memref<128x64xf32, #tpu.memory_space<vmem_shared>>) target_semaphore(%run_scoped3A : memref<!tpu.dma_semaphore, #tpu.memory_space<semaphore_mem>>)
      %dma_wait3A = arith.constant 0 : i32
      %dma_wait3A_51 = tpu.memref_slice %arg12[%add3A_27, %dma_wait3A] : memref<10240x64xf32, #tpu.memory_space<vmem_shared>> -> memref<128x64xf32, #tpu.memory_space<vmem_shared>>
      %dma_wait3A_52 = arith.constant 0 : i32
      %dma_wait3A_53 = tpu.memref_slice %arg12[%add3A_27, %dma_wait3A_52] : memref<10240x64xf32, #tpu.memory_space<vmem_shared>> -> memref<128x64xf32, #tpu.memory_space<vmem_shared>>
      tpu.wait_dma2 semaphore(%run_scoped3A : memref<!tpu.dma_semaphore, #tpu.memory_space<semaphore_mem>>) src(%arg11 : memref<128x64xf32, #tpu.memory_space<vmem>>) dst(%dma_wait3A_53 : memref<128x64xf32, #tpu.memory_space<vmem_shared>>)
      tpu.yield
    }) : () -> ()
    %mul3A_28 = arith.constant 640 : i32
    %mul3A_29 = arith.muli %arg1, %mul3A_28 : i32
    %add3A_30 = arith.constant 512 : i32
    %add3A_31 = arith.addi %mul3A_29, %add3A_30 : i32
    "tpu.region"() ({
      %run_scoped3A = tpu.sem_alloc : memref<!tpu.dma_semaphore, #tpu.memory_space<semaphore_mem>>
      %dma_start3A = arith.constant 0 : i32
      %dma_start3A_48 = tpu.memref_slice %arg12[%add3A_31, %dma_start3A] : memref<10240x64xf32, #tpu.memory_space<vmem_shared>> -> memref<128x64xf32, #tpu.memory_space<vmem_shared>>
      %dma_start3A_49 = arith.constant 0 : i32
      %dma_start3A_50 = tpu.memref_slice %arg12[%add3A_31, %dma_start3A_49] : memref<10240x64xf32, #tpu.memory_space<vmem_shared>> -> memref<128x64xf32, #tpu.memory_space<vmem_shared>>
      tpu.enqueue_dma source(%arg11 : memref<128x64xf32, #tpu.memory_space<vmem>>) target(%dma_start3A_50 : memref<128x64xf32, #tpu.memory_space<vmem_shared>>) target_semaphore(%run_scoped3A : memref<!tpu.dma_semaphore, #tpu.memory_space<semaphore_mem>>)
      %dma_wait3A = arith.constant 0 : i32
      %dma_wait3A_51 = tpu.memref_slice %arg12[%add3A_31, %dma_wait3A] : memref<10240x64xf32, #tpu.memory_space<vmem_shared>> -> memref<128x64xf32, #tpu.memory_space<vmem_shared>>
      %dma_wait3A_52 = arith.constant 0 : i32
      %dma_wait3A_53 = tpu.memref_slice %arg12[%add3A_31, %dma_wait3A_52] : memref<10240x64xf32, #tpu.memory_space<vmem_shared>> -> memref<128x64xf32, #tpu.memory_space<vmem_shared>>
      tpu.wait_dma2 semaphore(%run_scoped3A : memref<!tpu.dma_semaphore, #tpu.memory_space<semaphore_mem>>) src(%arg11 : memref<128x64xf32, #tpu.memory_space<vmem>>) dst(%dma_wait3A_53 : memref<128x64xf32, #tpu.memory_space<vmem_shared>>)
      tpu.yield
    }) : () -> ()
    %barrier3A = arith.constant 0 : index
    tpu.barrier barrier_id(%barrier3A)
    %while3A = arith.constant 0 : i32
    %while3A_32 = arith.constant 0 : i32
    %while3A_33 = arith.subi %add3A_4, %while3A : i32
    %while3A_34 = arith.addi %while3A, %while3A_33 : i32
    %while3A_35 = arith.constant 1 : i32
    %while3A_36 = arith.divsi %while3A_33, %while3A_35 : i32
    %while3A_37 = arith.muli %while3A_36, %while3A_35 : i32
    %while3A_38 = arith.addi %while3A, %while3A_37 : i32
    %while3A_39 = arith.constant 1 : i32
    %while3A_40 = scf.for %while3A_48 = %while3A to %while3A_38 step %while3A_39 iter_args(%while3A_49 = %while3A_32) -> (i32)  : i32 {
      %mul3A_50 = arith.constant 32 : i32
      %mul3A_51 = arith.muli %mul3A_50, %while3A_48 : i32
      %add3A_52 = arith.addi %add3A, %mul3A_51 : i32
      %mul3A_53 = arith.constant 128 : i32
      %mul3A_54 = arith.muli %add3A_52, %mul3A_53 : i32
      "tpu.region"() ({
        %run_scoped3A = tpu.sem_alloc : memref<!tpu.dma_semaphore, #tpu.memory_space<semaphore_mem>>
        %dma_start3A = tpu.memref_slice %arg4[%mul3A_54] : memref<320000xi32, #tpu.memory_space<hbm>> -> memref<128xi32, #tpu.memory_space<hbm>>
        %dma_start3A_63 = tpu.memref_slice %arg4[%mul3A_54] : memref<320000xi32, #tpu.memory_space<hbm>> -> memref<128xi32, #tpu.memory_space<hbm>>
        tpu.enqueue_dma source(%dma_start3A_63 : memref<128xi32, #tpu.memory_space<hbm>>) target(%arg7 : memref<128xi32, #tpu.memory_space<vmem>>) target_semaphore(%run_scoped3A : memref<!tpu.dma_semaphore, #tpu.memory_space<semaphore_mem>>)
        %dma_wait3A = tpu.memref_slice %arg4[%mul3A_54] : memref<320000xi32, #tpu.memory_space<hbm>> -> memref<128xi32, #tpu.memory_space<hbm>>
        %dma_wait3A_64 = tpu.memref_slice %arg4[%mul3A_54] : memref<320000xi32, #tpu.memory_space<hbm>> -> memref<128xi32, #tpu.memory_space<hbm>>
        tpu.wait_dma2 semaphore(%run_scoped3A : memref<!tpu.dma_semaphore, #tpu.memory_space<semaphore_mem>>) src(%dma_wait3A_64 : memref<128xi32, #tpu.memory_space<hbm>>) dst(%arg7 : memref<128xi32, #tpu.memory_space<vmem>>)
        tpu.yield
      }) : () -> ()
      "tpu.region"() ({
        %run_scoped3A = tpu.sem_alloc : memref<!tpu.dma_semaphore, #tpu.memory_space<semaphore_mem>>
        %dma_start3A = tpu.memref_slice %arg5[%mul3A_54] : memref<320000xi32, #tpu.memory_space<hbm>> -> memref<128xi32, #tpu.memory_space<hbm>>
        %dma_start3A_63 = tpu.memref_slice %arg5[%mul3A_54] : memref<320000xi32, #tpu.memory_space<hbm>> -> memref<128xi32, #tpu.memory_space<hbm>>
        tpu.enqueue_dma source(%dma_start3A_63 : memref<128xi32, #tpu.memory_space<hbm>>) target(%arg8 : memref<128xi32, #tpu.memory_space<vmem>>) target_semaphore(%run_scoped3A : memref<!tpu.dma_semaphore, #tpu.memory_space<semaphore_mem>>)
        %dma_wait3A = tpu.memref_slice %arg5[%mul3A_54] : memref<320000xi32, #tpu.memory_space<hbm>> -> memref<128xi32, #tpu.memory_space<hbm>>
        %dma_wait3A_64 = tpu.memref_slice %arg5[%mul3A_54] : memref<320000xi32, #tpu.memory_space<hbm>> -> memref<128xi32, #tpu.memory_space<hbm>>
        tpu.wait_dma2 semaphore(%run_scoped3A : memref<!tpu.dma_semaphore, #tpu.memory_space<semaphore_mem>>) src(%dma_wait3A_64 : memref<128xi32, #tpu.memory_space<hbm>>) dst(%arg8 : memref<128xi32, #tpu.memory_space<vmem>>)
        tpu.yield
      }) : () -> ()
      "tpu.region"() ({
        %run_scoped3A = tpu.sem_alloc : memref<!tpu.dma_semaphore, #tpu.memory_space<semaphore_mem>>
        %dma_start3A = arith.constant 0 : i32
        %dma_start3A_63 = arith.constant 0 : i32
        %dma_start3A_64 = tpu.memref_slice %arg2[%dma_start3A, %dma_start3A_63] : memref<10000x64xf32, #tpu.memory_space<hbm>> -> memref<10000x64xf32, #tpu.memory_space<hbm>>
        tpu.enqueue_indirect_dma source(%dma_start3A_64 : memref<10000x64xf32, #tpu.memory_space<hbm>>) target(%arg9 : memref<128x64xf32, #tpu.memory_space<vmem>>) offsets(%arg7 : memref<128xi32, #tpu.memory_space<vmem>>) semaphore(%run_scoped3A : memref<!tpu.dma_semaphore, #tpu.memory_space<semaphore_mem>>)
        %dma_wait3A = arith.constant 0 : i32
        %dma_wait3A_65 = arith.constant 0 : i32
        %dma_wait3A_66 = tpu.memref_slice %arg2[%dma_wait3A, %dma_wait3A_65] : memref<10000x64xf32, #tpu.memory_space<hbm>> -> memref<10000x64xf32, #tpu.memory_space<hbm>>
        tpu.wait_indirect_dma semaphore(%run_scoped3A : memref<!tpu.dma_semaphore, #tpu.memory_space<semaphore_mem>>) src(%dma_wait3A_66 : memref<10000x64xf32, #tpu.memory_space<hbm>>) dst(%arg9 : memref<128x64xf32, #tpu.memory_space<vmem>>)
        tpu.yield
      }) : () -> ()
      "tpu.region"() ({
        %run_scoped3A = tpu.sem_alloc : memref<!tpu.dma_semaphore, #tpu.memory_space<semaphore_mem>>
        %dma_start3A = arith.constant 0 : i32
        %dma_start3A_63 = tpu.memref_slice %arg3[%mul3A_54, %dma_start3A] : memref<320000x64xf32, #tpu.memory_space<hbm>> -> memref<128x64xf32, #tpu.memory_space<hbm>>
        %dma_start3A_64 = arith.constant 0 : i32
        %dma_start3A_65 = tpu.memref_slice %arg3[%mul3A_54, %dma_start3A_64] : memref<320000x64xf32, #tpu.memory_space<hbm>> -> memref<128x64xf32, #tpu.memory_space<hbm>>
        tpu.enqueue_dma source(%dma_start3A_65 : memref<128x64xf32, #tpu.memory_space<hbm>>) target(%arg10 : memref<128x64xf32, #tpu.memory_space<vmem>>) target_semaphore(%run_scoped3A : memref<!tpu.dma_semaphore, #tpu.memory_space<semaphore_mem>>)
        %dma_wait3A = arith.constant 0 : i32
        %dma_wait3A_66 = tpu.memref_slice %arg3[%mul3A_54, %dma_wait3A] : memref<320000x64xf32, #tpu.memory_space<hbm>> -> memref<128x64xf32, #tpu.memory_space<hbm>>
        %dma_wait3A_67 = arith.constant 0 : i32
        %dma_wait3A_68 = tpu.memref_slice %arg3[%mul3A_54, %dma_wait3A_67] : memref<320000x64xf32, #tpu.memory_space<hbm>> -> memref<128x64xf32, #tpu.memory_space<hbm>>
        tpu.wait_dma2 semaphore(%run_scoped3A : memref<!tpu.dma_semaphore, #tpu.memory_space<semaphore_mem>>) src(%dma_wait3A_68 : memref<128x64xf32, #tpu.memory_space<hbm>>) dst(%arg10 : memref<128x64xf32, #tpu.memory_space<vmem>>)
        tpu.yield
      }) : () -> ()
      %scan3A_55 = arith.constant 0 : i32
      %scan3A_56 = arith.constant 0 : i32
      %scan3A_57 = arith.constant 128 : i32
      %scan3A_58 = arith.addi %scan3A_56, %scan3A_57 : i32
      %scan3A_59 = arith.constant 1 : i32
      %scan3A_60 = scf.for %scan3A_63 = %scan3A_56 to %scan3A_58 step %scan3A_59 iter_args(%scan3A_64 = %scan3A_55) -> (i32)  : i32 {
        %get3A = arith.index_cast %scan3A_63 : i32 to index
        %get3A_65 = arith.constant 0 : index
        %get3A_66 = tpu.vector_load %arg9[%get3A, %get3A_65] {strides = array<i32>} : memref<128x64xf32, #tpu.memory_space<vmem>>, vector<1x16xf32>,
        %get3A_67 = vector.shape_cast %get3A_66 : vector<1x16xf32> to vector<16xf32>
        %get3A_68 = arith.index_cast %scan3A_63 : i32 to index
        %get3A_69 = arith.constant 0 : index
        %get3A_70 = tpu.vector_load %arg10[%get3A_68, %get3A_69] {strides = array<i32>} : memref<128x64xf32, #tpu.memory_space<vmem>>, vector<1x16xf32>,
        %get3A_71 = vector.shape_cast %get3A_70 : vector<1x16xf32> to vector<16xf32>
        %mul3A_72 = arith.mulf %get3A_67, %get3A_71 : vector<16xf32>
        %swap3A = arith.index_cast %scan3A_63 : i32 to index
        %swap3A_73 = arith.constant 0 : index
        %swap3A_74 = tpu.vector_load %arg9[%swap3A, %swap3A_73] {strides = array<i32>} : memref<128x64xf32, #tpu.memory_space<vmem>>, vector<1x16xf32>,
        %swap3A_75 = vector.shape_cast %swap3A_74 : vector<1x16xf32> to vector<16xf32>
        %swap3A_76 = vector.shape_cast %mul3A_72 : vector<16xf32> to vector<1x16xf32>
        tpu.vector_store %arg9[%swap3A, %swap3A_73], %swap3A_76 {strides = array<i32>} : memref<128x64xf32, #tpu.memory_space<vmem>>, vector<1x16xf32>,
        %get3A_77 = arith.index_cast %scan3A_63 : i32 to index
        %get3A_78 = arith.constant 16 : index
        %get3A_79 = tpu.vector_load %arg9[%get3A_77, %get3A_78] {strides = array<i32>} : memref<128x64xf32, #tpu.memory_space<vmem>>, vector<1x16xf32>,
        %get3A_80 = vector.shape_cast %get3A_79 : vector<1x16xf32> to vector<16xf32>
        %get3A_81 = arith.index_cast %scan3A_63 : i32 to index
        %get3A_82 = arith.constant 16 : index
        %get3A_83 = tpu.vector_load %arg10[%get3A_81, %get3A_82] {strides = array<i32>} : memref<128x64xf32, #tpu.memory_space<vmem>>, vector<1x16xf32>,
        %get3A_84 = vector.shape_cast %get3A_83 : vector<1x16xf32> to vector<16xf32>
        %mul3A_85 = arith.mulf %get3A_80, %get3A_84 : vector<16xf32>
        %swap3A_86 = arith.index_cast %scan3A_63 : i32 to index
        %swap3A_87 = arith.constant 16 : index
        %swap3A_88 = tpu.vector_load %arg9[%swap3A_86, %swap3A_87] {strides = array<i32>} : memref<128x64xf32, #tpu.memory_space<vmem>>, vector<1x16xf32>,
        %swap3A_89 = vector.shape_cast %swap3A_88 : vector<1x16xf32> to vector<16xf32>
        %swap3A_90 = vector.shape_cast %mul3A_85 : vector<16xf32> to vector<1x16xf32>
        tpu.vector_store %arg9[%swap3A_86, %swap3A_87], %swap3A_90 {strides = array<i32>} : memref<128x64xf32, #tpu.memory_space<vmem>>, vector<1x16xf32>,
        %get3A_91 = arith.index_cast %scan3A_63 : i32 to index
        %get3A_92 = arith.constant 32 : index
        %get3A_93 = tpu.vector_load %arg9[%get3A_91, %get3A_92] {strides = array<i32>} : memref<128x64xf32, #tpu.memory_space<vmem>>, vector<1x16xf32>,
        %get3A_94 = vector.shape_cast %get3A_93 : vector<1x16xf32> to vector<16xf32>
        %get3A_95 = arith.index_cast %scan3A_63 : i32 to index
        %get3A_96 = arith.constant 32 : index
        %get3A_97 = tpu.vector_load %arg10[%get3A_95, %get3A_96] {strides = array<i32>} : memref<128x64xf32, #tpu.memory_space<vmem>>, vector<1x16xf32>,
        %get3A_98 = vector.shape_cast %get3A_97 : vector<1x16xf32> to vector<16xf32>
        %mul3A_99 = arith.mulf %get3A_94, %get3A_98 : vector<16xf32>
        %swap3A_100 = arith.index_cast %scan3A_63 : i32 to index
        %swap3A_101 = arith.constant 32 : index
        %swap3A_102 = tpu.vector_load %arg9[%swap3A_100, %swap3A_101] {strides = array<i32>} : memref<128x64xf32, #tpu.memory_space<vmem>>, vector<1x16xf32>,
        %swap3A_103 = vector.shape_cast %swap3A_102 : vector<1x16xf32> to vector<16xf32>
        %swap3A_104 = vector.shape_cast %mul3A_99 : vector<16xf32> to vector<1x16xf32>
        tpu.vector_store %arg9[%swap3A_100, %swap3A_101], %swap3A_104 {strides = array<i32>} : memref<128x64xf32, #tpu.memory_space<vmem>>, vector<1x16xf32>,
        %get3A_105 = arith.index_cast %scan3A_63 : i32 to index
        %get3A_106 = arith.constant 48 : index
        %get3A_107 = tpu.vector_load %arg9[%get3A_105, %get3A_106] {strides = array<i32>} : memref<128x64xf32, #tpu.memory_space<vmem>>, vector<1x16xf32>,
        %get3A_108 = vector.shape_cast %get3A_107 : vector<1x16xf32> to vector<16xf32>
        %get3A_109 = arith.index_cast %scan3A_63 : i32 to index
        %get3A_110 = arith.constant 48 : index
        %get3A_111 = tpu.vector_load %arg10[%get3A_109, %get3A_110] {strides = array<i32>} : memref<128x64xf32, #tpu.memory_space<vmem>>, vector<1x16xf32>,
        %get3A_112 = vector.shape_cast %get3A_111 : vector<1x16xf32> to vector<16xf32>
        %mul3A_113 = arith.mulf %get3A_108, %get3A_112 : vector<16xf32>
        %swap3A_114 = arith.index_cast %scan3A_63 : i32 to index
        %swap3A_115 = arith.constant 48 : index
        %swap3A_116 = tpu.vector_load %arg9[%swap3A_114, %swap3A_115] {strides = array<i32>} : memref<128x64xf32, #tpu.memory_space<vmem>>, vector<1x16xf32>,
        %swap3A_117 = vector.shape_cast %swap3A_116 : vector<1x16xf32> to vector<16xf32>
        %swap3A_118 = vector.shape_cast %mul3A_113 : vector<16xf32> to vector<1x16xf32>
        tpu.vector_store %arg9[%swap3A_114, %swap3A_115], %swap3A_118 {strides = array<i32>} : memref<128x64xf32, #tpu.memory_space<vmem>>, vector<1x16xf32>,
        %scan3A_119 = arith.constant 0 : i32
        scf.yield %scan3A_119 : i32
      }
      %scan3A_61 = arith.constant 128 : i32
      "tpu.region"() ({
        %run_scoped3A = tpu.sem_alloc : memref<!tpu.dma_semaphore, #tpu.memory_space<semaphore_mem>>
        %dma_start3A = arith.constant 0 : i32
        %dma_start3A_63 = arith.constant 0 : i32
        %dma_start3A_64 = tpu.memref_slice %arg12[%dma_start3A, %dma_start3A_63] : memref<10240x64xf32, #tpu.memory_space<vmem_shared>> -> memref<10240x64xf32, #tpu.memory_space<vmem_shared>>
        tpu.enqueue_indirect_dma source(%arg9 : memref<128x64xf32, #tpu.memory_space<vmem>>) target(%dma_start3A_64 : memref<10240x64xf32, #tpu.memory_space<vmem_shared>>) offsets(%arg8 : memref<128xi32, #tpu.memory_space<vmem>>) semaphore(%run_scoped3A : memref<!tpu.dma_semaphore, #tpu.memory_space<semaphore_mem>>) {add = true}
        %dma_wait3A = arith.constant 0 : i32
        %dma_wait3A_65 = arith.constant 0 : i32
        %dma_wait3A_66 = tpu.memref_slice %arg12[%dma_wait3A, %dma_wait3A_65] : memref<10240x64xf32, #tpu.memory_space<vmem_shared>> -> memref<10240x64xf32, #tpu.memory_space<vmem_shared>>
        tpu.wait_indirect_dma semaphore(%run_scoped3A : memref<!tpu.dma_semaphore, #tpu.memory_space<semaphore_mem>>) src(%arg9 : memref<128x64xf32, #tpu.memory_space<vmem>>) dst(%dma_wait3A_66 : memref<10240x64xf32, #tpu.memory_space<vmem_shared>>)
        tpu.yield
      }) : () -> ()
      %while3A_62 = arith.constant 0 : i32
      scf.yield %while3A_62 : i32
    }
    %while3A_41 = arith.constant 1 : i32
    %while3A_42 = scf.for %while3A_48 = %while3A_38 to %while3A_34 step %while3A_41 iter_args(%while3A_49 = %while3A_40) -> (i32)  : i32 {
      %mul3A_50 = arith.constant 32 : i32
      %mul3A_51 = arith.muli %mul3A_50, %while3A_48 : i32
      %add3A_52 = arith.addi %add3A, %mul3A_51 : i32
      %mul3A_53 = arith.constant 128 : i32
      %mul3A_54 = arith.muli %add3A_52, %mul3A_53 : i32
      "tpu.region"() ({
        %run_scoped3A = tpu.sem_alloc : memref<!tpu.dma_semaphore, #tpu.memory_space<semaphore_mem>>
        %dma_start3A = tpu.memref_slice %arg4[%mul3A_54] : memref<320000xi32, #tpu.memory_space<hbm>> -> memref<128xi32, #tpu.memory_space<hbm>>
        %dma_start3A_63 = tpu.memref_slice %arg4[%mul3A_54] : memref<320000xi32, #tpu.memory_space<hbm>> -> memref<128xi32, #tpu.memory_space<hbm>>
        tpu.enqueue_dma source(%dma_start3A_63 : memref<128xi32, #tpu.memory_space<hbm>>) target(%arg7 : memref<128xi32, #tpu.memory_space<vmem>>) target_semaphore(%run_scoped3A : memref<!tpu.dma_semaphore, #tpu.memory_space<semaphore_mem>>)
        %dma_wait3A = tpu.memref_slice %arg4[%mul3A_54] : memref<320000xi32, #tpu.memory_space<hbm>> -> memref<128xi32, #tpu.memory_space<hbm>>
        %dma_wait3A_64 = tpu.memref_slice %arg4[%mul3A_54] : memref<320000xi32, #tpu.memory_space<hbm>> -> memref<128xi32, #tpu.memory_space<hbm>>
        tpu.wait_dma2 semaphore(%run_scoped3A : memref<!tpu.dma_semaphore, #tpu.memory_space<semaphore_mem>>) src(%dma_wait3A_64 : memref<128xi32, #tpu.memory_space<hbm>>) dst(%arg7 : memref<128xi32, #tpu.memory_space<vmem>>)
        tpu.yield
      }) : () -> ()
      "tpu.region"() ({
        %run_scoped3A = tpu.sem_alloc : memref<!tpu.dma_semaphore, #tpu.memory_space<semaphore_mem>>
        %dma_start3A = tpu.memref_slice %arg5[%mul3A_54] : memref<320000xi32, #tpu.memory_space<hbm>> -> memref<128xi32, #tpu.memory_space<hbm>>
        %dma_start3A_63 = tpu.memref_slice %arg5[%mul3A_54] : memref<320000xi32, #tpu.memory_space<hbm>> -> memref<128xi32, #tpu.memory_space<hbm>>
        tpu.enqueue_dma source(%dma_start3A_63 : memref<128xi32, #tpu.memory_space<hbm>>) target(%arg8 : memref<128xi32, #tpu.memory_space<vmem>>) target_semaphore(%run_scoped3A : memref<!tpu.dma_semaphore, #tpu.memory_space<semaphore_mem>>)
        %dma_wait3A = tpu.memref_slice %arg5[%mul3A_54] : memref<320000xi32, #tpu.memory_space<hbm>> -> memref<128xi32, #tpu.memory_space<hbm>>
        %dma_wait3A_64 = tpu.memref_slice %arg5[%mul3A_54] : memref<320000xi32, #tpu.memory_space<hbm>> -> memref<128xi32, #tpu.memory_space<hbm>>
        tpu.wait_dma2 semaphore(%run_scoped3A : memref<!tpu.dma_semaphore, #tpu.memory_space<semaphore_mem>>) src(%dma_wait3A_64 : memref<128xi32, #tpu.memory_space<hbm>>) dst(%arg8 : memref<128xi32, #tpu.memory_space<vmem>>)
        tpu.yield
      }) : () -> ()
      "tpu.region"() ({
        %run_scoped3A = tpu.sem_alloc : memref<!tpu.dma_semaphore, #tpu.memory_space<semaphore_mem>>
        %dma_start3A = arith.constant 0 : i32
        %dma_start3A_63 = arith.constant 0 : i32
        %dma_start3A_64 = tpu.memref_slice %arg2[%dma_start3A, %dma_start3A_63] : memref<10000x64xf32, #tpu.memory_space<hbm>> -> memref<10000x64xf32, #tpu.memory_space<hbm>>
        tpu.enqueue_indirect_dma source(%dma_start3A_64 : memref<10000x64xf32, #tpu.memory_space<hbm>>) target(%arg9 : memref<128x64xf32, #tpu.memory_space<vmem>>) offsets(%arg7 : memref<128xi32, #tpu.memory_space<vmem>>) semaphore(%run_scoped3A : memref<!tpu.dma_semaphore, #tpu.memory_space<semaphore_mem>>)
        %dma_wait3A = arith.constant 0 : i32
        %dma_wait3A_65 = arith.constant 0 : i32
        %dma_wait3A_66 = tpu.memref_slice %arg2[%dma_wait3A, %dma_wait3A_65] : memref<10000x64xf32, #tpu.memory_space<hbm>> -> memref<10000x64xf32, #tpu.memory_space<hbm>>
        tpu.wait_indirect_dma semaphore(%run_scoped3A : memref<!tpu.dma_semaphore, #tpu.memory_space<semaphore_mem>>) src(%dma_wait3A_66 : memref<10000x64xf32, #tpu.memory_space<hbm>>) dst(%arg9 : memref<128x64xf32, #tpu.memory_space<vmem>>)
        tpu.yield
      }) : () -> ()
      "tpu.region"() ({
        %run_scoped3A = tpu.sem_alloc : memref<!tpu.dma_semaphore, #tpu.memory_space<semaphore_mem>>
        %dma_start3A = arith.constant 0 : i32
        %dma_start3A_63 = tpu.memref_slice %arg3[%mul3A_54, %dma_start3A] : memref<320000x64xf32, #tpu.memory_space<hbm>> -> memref<128x64xf32, #tpu.memory_space<hbm>>
        %dma_start3A_64 = arith.constant 0 : i32
        %dma_start3A_65 = tpu.memref_slice %arg3[%mul3A_54, %dma_start3A_64] : memref<320000x64xf32, #tpu.memory_space<hbm>> -> memref<128x64xf32, #tpu.memory_space<hbm>>
        tpu.enqueue_dma source(%dma_start3A_65 : memref<128x64xf32, #tpu.memory_space<hbm>>) target(%arg10 : memref<128x64xf32, #tpu.memory_space<vmem>>) target_semaphore(%run_scoped3A : memref<!tpu.dma_semaphore, #tpu.memory_space<semaphore_mem>>)
        %dma_wait3A = arith.constant 0 : i32
        %dma_wait3A_66 = tpu.memref_slice %arg3[%mul3A_54, %dma_wait3A] : memref<320000x64xf32, #tpu.memory_space<hbm>> -> memref<128x64xf32, #tpu.memory_space<hbm>>
        %dma_wait3A_67 = arith.constant 0 : i32
        %dma_wait3A_68 = tpu.memref_slice %arg3[%mul3A_54, %dma_wait3A_67] : memref<320000x64xf32, #tpu.memory_space<hbm>> -> memref<128x64xf32, #tpu.memory_space<hbm>>
        tpu.wait_dma2 semaphore(%run_scoped3A : memref<!tpu.dma_semaphore, #tpu.memory_space<semaphore_mem>>) src(%dma_wait3A_68 : memref<128x64xf32, #tpu.memory_space<hbm>>) dst(%arg10 : memref<128x64xf32, #tpu.memory_space<vmem>>)
        tpu.yield
      }) : () -> ()
      %scan3A_55 = arith.constant 0 : i32
      %scan3A_56 = arith.constant 0 : i32
      %scan3A_57 = arith.constant 128 : i32
      %scan3A_58 = arith.addi %scan3A_56, %scan3A_57 : i32
      %scan3A_59 = arith.constant 1 : i32
      %scan3A_60 = scf.for %scan3A_63 = %scan3A_56 to %scan3A_58 step %scan3A_59 iter_args(%scan3A_64 = %scan3A_55) -> (i32)  : i32 {
        %get3A = arith.index_cast %scan3A_63 : i32 to index
        %get3A_65 = arith.constant 0 : index
        %get3A_66 = tpu.vector_load %arg9[%get3A, %get3A_65] {strides = array<i32>} : memref<128x64xf32, #tpu.memory_space<vmem>>, vector<1x16xf32>,
        %get3A_67 = vector.shape_cast %get3A_66 : vector<1x16xf32> to vector<16xf32>
        %get3A_68 = arith.index_cast %scan3A_63 : i32 to index
        %get3A_69 = arith.constant 0 : index
        %get3A_70 = tpu.vector_load %arg10[%get3A_68, %get3A_69] {strides = array<i32>} : memref<128x64xf32, #tpu.memory_space<vmem>>, vector<1x16xf32>,
        %get3A_71 = vector.shape_cast %get3A_70 : vector<1x16xf32> to vector<16xf32>
        %mul3A_72 = arith.mulf %get3A_67, %get3A_71 : vector<16xf32>
        %swap3A = arith.index_cast %scan3A_63 : i32 to index
        %swap3A_73 = arith.constant 0 : index
        %swap3A_74 = tpu.vector_load %arg9[%swap3A, %swap3A_73] {strides = array<i32>} : memref<128x64xf32, #tpu.memory_space<vmem>>, vector<1x16xf32>,
        %swap3A_75 = vector.shape_cast %swap3A_74 : vector<1x16xf32> to vector<16xf32>
        %swap3A_76 = vector.shape_cast %mul3A_72 : vector<16xf32> to vector<1x16xf32>
        tpu.vector_store %arg9[%swap3A, %swap3A_73], %swap3A_76 {strides = array<i32>} : memref<128x64xf32, #tpu.memory_space<vmem>>, vector<1x16xf32>,
        %get3A_77 = arith.index_cast %scan3A_63 : i32 to index
        %get3A_78 = arith.constant 16 : index
        %get3A_79 = tpu.vector_load %arg9[%get3A_77, %get3A_78] {strides = array<i32>} : memref<128x64xf32, #tpu.memory_space<vmem>>, vector<1x16xf32>,
        %get3A_80 = vector.shape_cast %get3A_79 : vector<1x16xf32> to vector<16xf32>
        %get3A_81 = arith.index_cast %scan3A_63 : i32 to index
        %get3A_82 = arith.constant 16 : index
        %get3A_83 = tpu.vector_load %arg10[%get3A_81, %get3A_82] {strides = array<i32>} : memref<128x64xf32, #tpu.memory_space<vmem>>, vector<1x16xf32>,
        %get3A_84 = vector.shape_cast %get3A_83 : vector<1x16xf32> to vector<16xf32>
        %mul3A_85 = arith.mulf %get3A_80, %get3A_84 : vector<16xf32>
        %swap3A_86 = arith.index_cast %scan3A_63 : i32 to index
        %swap3A_87 = arith.constant 16 : index
        %swap3A_88 = tpu.vector_load %arg9[%swap3A_86, %swap3A_87] {strides = array<i32>} : memref<128x64xf32, #tpu.memory_space<vmem>>, vector<1x16xf32>,
        %swap3A_89 = vector.shape_cast %swap3A_88 : vector<1x16xf32> to vector<16xf32>
        %swap3A_90 = vector.shape_cast %mul3A_85 : vector<16xf32> to vector<1x16xf32>
        tpu.vector_store %arg9[%swap3A_86, %swap3A_87], %swap3A_90 {strides = array<i32>} : memref<128x64xf32, #tpu.memory_space<vmem>>, vector<1x16xf32>,
        %get3A_91 = arith.index_cast %scan3A_63 : i32 to index
        %get3A_92 = arith.constant 32 : index
        %get3A_93 = tpu.vector_load %arg9[%get3A_91, %get3A_92] {strides = array<i32>} : memref<128x64xf32, #tpu.memory_space<vmem>>, vector<1x16xf32>,
        %get3A_94 = vector.shape_cast %get3A_93 : vector<1x16xf32> to vector<16xf32>
        %get3A_95 = arith.index_cast %scan3A_63 : i32 to index
        %get3A_96 = arith.constant 32 : index
        %get3A_97 = tpu.vector_load %arg10[%get3A_95, %get3A_96] {strides = array<i32>} : memref<128x64xf32, #tpu.memory_space<vmem>>, vector<1x16xf32>,
        %get3A_98 = vector.shape_cast %get3A_97 : vector<1x16xf32> to vector<16xf32>
        %mul3A_99 = arith.mulf %get3A_94, %get3A_98 : vector<16xf32>
        %swap3A_100 = arith.index_cast %scan3A_63 : i32 to index
        %swap3A_101 = arith.constant 32 : index
        %swap3A_102 = tpu.vector_load %arg9[%swap3A_100, %swap3A_101] {strides = array<i32>} : memref<128x64xf32, #tpu.memory_space<vmem>>, vector<1x16xf32>,
        %swap3A_103 = vector.shape_cast %swap3A_102 : vector<1x16xf32> to vector<16xf32>
        %swap3A_104 = vector.shape_cast %mul3A_99 : vector<16xf32> to vector<1x16xf32>
        tpu.vector_store %arg9[%swap3A_100, %swap3A_101], %swap3A_104 {strides = array<i32>} : memref<128x64xf32, #tpu.memory_space<vmem>>, vector<1x16xf32>,
        %get3A_105 = arith.index_cast %scan3A_63 : i32 to index
        %get3A_106 = arith.constant 48 : index
        %get3A_107 = tpu.vector_load %arg9[%get3A_105, %get3A_106] {strides = array<i32>} : memref<128x64xf32, #tpu.memory_space<vmem>>, vector<1x16xf32>,
        %get3A_108 = vector.shape_cast %get3A_107 : vector<1x16xf32> to vector<16xf32>
        %get3A_109 = arith.index_cast %scan3A_63 : i32 to index
        %get3A_110 = arith.constant 48 : index
        %get3A_111 = tpu.vector_load %arg10[%get3A_109, %get3A_110] {strides = array<i32>} : memref<128x64xf32, #tpu.memory_space<vmem>>, vector<1x16xf32>,
        %get3A_112 = vector.shape_cast %get3A_111 : vector<1x16xf32> to vector<16xf32>
        %mul3A_113 = arith.mulf %get3A_108, %get3A_112 : vector<16xf32>
        %swap3A_114 = arith.index_cast %scan3A_63 : i32 to index
        %swap3A_115 = arith.constant 48 : index
        %swap3A_116 = tpu.vector_load %arg9[%swap3A_114, %swap3A_115] {strides = array<i32>} : memref<128x64xf32, #tpu.memory_space<vmem>>, vector<1x16xf32>,
        %swap3A_117 = vector.shape_cast %swap3A_116 : vector<1x16xf32> to vector<16xf32>
        %swap3A_118 = vector.shape_cast %mul3A_113 : vector<16xf32> to vector<1x16xf32>
        tpu.vector_store %arg9[%swap3A_114, %swap3A_115], %swap3A_118 {strides = array<i32>} : memref<128x64xf32, #tpu.memory_space<vmem>>, vector<1x16xf32>,
        %scan3A_119 = arith.constant 0 : i32
        scf.yield %scan3A_119 : i32
      }
      %scan3A_61 = arith.constant 128 : i32
      "tpu.region"() ({
        %run_scoped3A = tpu.sem_alloc : memref<!tpu.dma_semaphore, #tpu.memory_space<semaphore_mem>>
        %dma_start3A = arith.constant 0 : i32
        %dma_start3A_63 = arith.constant 0 : i32
        %dma_start3A_64 = tpu.memref_slice %arg12[%dma_start3A, %dma_start3A_63] : memref<10240x64xf32, #tpu.memory_space<vmem_shared>> -> memref<10240x64xf32, #tpu.memory_space<vmem_shared>>
        tpu.enqueue_indirect_dma source(%arg9 : memref<128x64xf32, #tpu.memory_space<vmem>>) target(%dma_start3A_64 : memref<10240x64xf32, #tpu.memory_space<vmem_shared>>) offsets(%arg8 : memref<128xi32, #tpu.memory_space<vmem>>) semaphore(%run_scoped3A : memref<!tpu.dma_semaphore, #tpu.memory_space<semaphore_mem>>) {add = true}
        %dma_wait3A = arith.constant 0 : i32
        %dma_wait3A_65 = arith.constant 0 : i32
        %dma_wait3A_66 = tpu.memref_slice %arg12[%dma_wait3A, %dma_wait3A_65] : memref<10240x64xf32, #tpu.memory_space<vmem_shared>> -> memref<10240x64xf32, #tpu.memory_space<vmem_shared>>
        tpu.wait_indirect_dma semaphore(%run_scoped3A : memref<!tpu.dma_semaphore, #tpu.memory_space<semaphore_mem>>) src(%arg9 : memref<128x64xf32, #tpu.memory_space<vmem>>) dst(%dma_wait3A_66 : memref<10240x64xf32, #tpu.memory_space<vmem_shared>>)
        tpu.yield
      }) : () -> ()
      %while3A_62 = arith.constant 0 : i32
      scf.yield %while3A_62 : i32
    }
    %barrier3A_43 = arith.constant 0 : index
    tpu.barrier barrier_id(%barrier3A_43)
    %mul3A_44 = arith.constant 640 : i32
    %mul3A_45 = arith.muli %arg1, %mul3A_44 : i32
    %mul3A_46 = arith.constant 640 : i32
    %mul3A_47 = arith.muli %arg1, %mul3A_46 : i32
    "tpu.region"() ({
      %run_scoped3A = tpu.sem_alloc : memref<!tpu.dma_semaphore, #tpu.memory_space<semaphore_mem>>
      %dma_start3A = arith.constant 0 : i32
      %dma_start3A_48 = tpu.memref_slice %arg6[%arg0, %mul3A_47, %dma_start3A] : memref<2x10240x64xf32, #tpu.memory_space<hbm>> -> memref<1x640x64xf32, #tpu.memory_space<hbm>>
      %dma_start3A_49 = tpu.memref_squeeze %dma_start3A_48 : memref<1x640x64xf32, #tpu.memory_space<hbm>> -> memref<640x64xf32, #tpu.memory_space<hbm>>
      %dma_start3A_50 = arith.constant 0 : i32
      %dma_start3A_51 = tpu.memref_slice %arg12[%mul3A_45, %dma_start3A_50] : memref<10240x64xf32, #tpu.memory_space<vmem_shared>> -> memref<640x64xf32, #tpu.memory_space<vmem_shared>>
      tpu.enqueue_dma source(%dma_start3A_51 : memref<640x64xf32, #tpu.memory_space<vmem_shared>>) target(%dma_start3A_49 : memref<640x64xf32, #tpu.memory_space<hbm>>) target_semaphore(%run_scoped3A : memref<!tpu.dma_semaphore, #tpu.memory_space<semaphore_mem>>)
      %dma_wait3A = arith.constant 0 : i32
      %dma_wait3A_52 = tpu.memref_slice %arg6[%arg0, %mul3A_47, %dma_wait3A] : memref<2x10240x64xf32, #tpu.memory_space<hbm>> -> memref<1x640x64xf32, #tpu.memory_space<hbm>>
      %dma_wait3A_53 = tpu.memref_squeeze %dma_wait3A_52 : memref<1x640x64xf32, #tpu.memory_space<hbm>> -> memref<640x64xf32, #tpu.memory_space<hbm>>
      %dma_wait3A_54 = arith.constant 0 : i32
      %dma_wait3A_55 = tpu.memref_slice %arg12[%mul3A_45, %dma_wait3A_54] : memref<10240x64xf32, #tpu.memory_space<vmem_shared>> -> memref<640x64xf32, #tpu.memory_space<vmem_shared>>
      tpu.wait_dma2 semaphore(%run_scoped3A : memref<!tpu.dma_semaphore, #tpu.memory_space<semaphore_mem>>) src(%dma_wait3A_55 : memref<640x64xf32, #tpu.memory_space<vmem_shared>>) dst(%dma_wait3A_53 : memref<640x64xf32, #tpu.memory_space<hbm>>)
      tpu.yield
    }) : () -> ()
    return
  }
}

#map = affine_map<(d0, d1) -> (0, 0)>
#map1 = affine_map<(d0, d1) -> (0)>
#map2 = affine_map<(d0, d1) -> (0, 0, 0)>
module attributes {stable_mosaic.version = 14 : i64} {
  func.func @_sc_layer_body(%arg0: i32, %arg1: i32, %arg2: memref<10000x64xf32, #tpu.memory_space<hbm>>, %arg3: memref<320000x64xf32, #tpu.memory_space<hbm>>, %arg4: memref<320000xi32, #tpu.memory_space<hbm>>, %arg5: memref<320000xi32, #tpu.memory_space<hbm>>, %arg6: memref<2x10240x64xf32, #tpu.memory_space<hbm>>, %arg7: memref<128xi32, #tpu.memory_space<vmem>>, %arg8: memref<128xi32, #tpu.memory_space<vmem>>, %arg9: memref<128x64xf32, #tpu.memory_space<vmem>>, %arg10: memref<128x64xf32, #tpu.memory_space<vmem>>, %arg11: memref<128x64xf32, #tpu.memory_space<vmem>>, %arg12: memref<10240x64xf32, #tpu.memory_space<vmem_shared>>) attributes {dimension_semantics = [#tpu.dimension_semantics<core_parallel>, #tpu.dimension_semantics<subcore_parallel>], iteration_bounds = array<i64: 2, 16>, scalar_prefetch = 0 : i64, scratch_operands = 6 : i64, tpu.core_type = #tpu.core_type<sc_vector_subcore>, window_params = [{transform_indices = #map}, {transform_indices = #map}, {transform_indices = #map1}, {transform_indices = #map1}, {transform_indices = #map2}]} {
    %mul3A = arith.constant 2 : i32
    %mul3A_0 = arith.muli %arg1, %mul3A : i32
    %add3A = arith.addi %mul3A_0, %arg0 : i32
    %lt3A = arith.constant 4 : i32
    %lt3A_1 = arith.cmpi slt, %add3A, %lt3A : i32
    %jit3A = arith.constant 1 : i32
    %jit3A_2 = arith.constant 0 : i32
    %select_n3A = arith.select %lt3A_1, %jit3A, %jit3A_2 : i32
    %add3A_3 = arith.constant 78 : i32
    %add3A_4 = arith.addi %add3A_3, %select_n3A : i32
    %broadcast_in_dim3A = arith.constant 0.000000e+00 : f32
    %broadcast_in_dim3A_5 = vector.broadcast %broadcast_in_dim3A : f32 to vector<16xf32>
    %scan3A = arith.constant 0 : i32
    %scan3A_6 = arith.constant 0 : i32
    %scan3A_7 = arith.constant 128 : i32
    %scan3A_8 = arith.addi %scan3A_6, %scan3A_7 : i32
    %scan3A_9 = arith.constant 1 : i32
    %scan3A_10 = scf.for %scan3A_48 = %scan3A_6 to %scan3A_8 step %scan3A_9 iter_args(%scan3A_49 = %scan3A) -> (i32)  : i32 {
      %swap3A = arith.index_cast %scan3A_48 : i32 to index
      %swap3A_50 = arith.constant 0 : index
      %swap3A_51 = tpu.vector_load %arg11[%swap3A, %swap3A_50] {strides = array<i32>} : memref<128x64xf32, #tpu.memory_space<vmem>>, vector<1x16xf32>,
      %swap3A_52 = vector.shape_cast %swap3A_51 : vector<1x16xf32> to vector<16xf32>
      %swap3A_53 = vector.shape_cast %broadcast_in_dim3A_5 : vector<16xf32> to vector<1x16xf32>
      tpu.vector_store %arg11[%swap3A, %swap3A_50], %swap3A_53 {strides = array<i32>} : memref<128x64xf32, #tpu.memory_space<vmem>>, vector<1x16xf32>,
      %swap3A_54 = arith.index_cast %scan3A_48 : i32 to index
      %swap3A_55 = arith.constant 16 : index
      %swap3A_56 = tpu.vector_load %arg11[%swap3A_54, %swap3A_55] {strides = array<i32>} : memref<128x64xf32, #tpu.memory_space<vmem>>, vector<1x16xf32>,
      %swap3A_57 = vector.shape_cast %swap3A_56 : vector<1x16xf32> to vector<16xf32>
      %swap3A_58 = vector.shape_cast %broadcast_in_dim3A_5 : vector<16xf32> to vector<1x16xf32>
      tpu.vector_store %arg11[%swap3A_54, %swap3A_55], %swap3A_58 {strides = array<i32>} : memref<128x64xf32, #tpu.memory_space<vmem>>, vector<1x16xf32>,
      %swap3A_59 = arith.index_cast %scan3A_48 : i32 to index
      %swap3A_60 = arith.constant 32 : index
      %swap3A_61 = tpu.vector_load %arg11[%swap3A_59, %swap3A_60] {strides = array<i32>} : memref<128x64xf32, #tpu.memory_space<vmem>>, vector<1x16xf32>,
      %swap3A_62 = vector.shape_cast %swap3A_61 : vector<1x16xf32> to vector<16xf32>
      %swap3A_63 = vector.shape_cast %broadcast_in_dim3A_5 : vector<16xf32> to vector<1x16xf32>
      tpu.vector_store %arg11[%swap3A_59, %swap3A_60], %swap3A_63 {strides = array<i32>} : memref<128x64xf32, #tpu.memory_space<vmem>>, vector<1x16xf32>,
      %swap3A_64 = arith.index_cast %scan3A_48 : i32 to index
      %swap3A_65 = arith.constant 48 : index
      %swap3A_66 = tpu.vector_load %arg11[%swap3A_64, %swap3A_65] {strides = array<i32>} : memref<128x64xf32, #tpu.memory_space<vmem>>, vector<1x16xf32>,
      %swap3A_67 = vector.shape_cast %swap3A_66 : vector<1x16xf32> to vector<16xf32>
      %swap3A_68 = vector.shape_cast %broadcast_in_dim3A_5 : vector<16xf32> to vector<1x16xf32>
      tpu.vector_store %arg11[%swap3A_64, %swap3A_65], %swap3A_68 {strides = array<i32>} : memref<128x64xf32, #tpu.memory_space<vmem>>, vector<1x16xf32>,
      %scan3A_69 = arith.constant 0 : i32
      scf.yield %scan3A_69 : i32
    }
    %scan3A_11 = arith.constant 128 : i32
    %mul3A_12 = arith.constant 640 : i32
    %mul3A_13 = arith.muli %arg1, %mul3A_12 : i32
    %add3A_14 = arith.constant 0 : i32
    %add3A_15 = arith.addi %mul3A_13, %add3A_14 : i32
    "tpu.region"() ({
      %run_scoped3A = tpu.sem_alloc : memref<!tpu.dma_semaphore, #tpu.memory_space<semaphore_mem>>
      %dma_start3A = arith.constant 0 : i32
      %dma_start3A_48 = tpu.memref_slice %arg12[%add3A_15, %dma_start3A] : memref<10240x64xf32, #tpu.memory_space<vmem_shared>> -> memref<128x64xf32, #tpu.memory_space<vmem_shared>>
      %dma_start3A_49 = arith.constant 0 : i32
      %dma_start3A_50 = tpu.memref_slice %arg12[%add3A_15, %dma_start3A_49] : memref<10240x64xf32, #tpu.memory_space<vmem_shared>> -> memref<128x64xf32, #tpu.memory_space<vmem_shared>>
      tpu.enqueue_dma source(%arg11 : memref<128x64xf32, #tpu.memory_space<vmem>>) target(%dma_start3A_50 : memref<128x64xf32, #tpu.memory_space<vmem_shared>>) target_semaphore(%run_scoped3A : memref<!tpu.dma_semaphore, #tpu.memory_space<semaphore_mem>>)
      %dma_wait3A = arith.constant 0 : i32
      %dma_wait3A_51 = tpu.memref_slice %arg12[%add3A_15, %dma_wait3A] : memref<10240x64xf32, #tpu.memory_space<vmem_shared>> -> memref<128x64xf32, #tpu.memory_space<vmem_shared>>
      %dma_wait3A_52 = arith.constant 0 : i32
      %dma_wait3A_53 = tpu.memref_slice %arg12[%add3A_15, %dma_wait3A_52] : memref<10240x64xf32, #tpu.memory_space<vmem_shared>> -> memref<128x64xf32, #tpu.memory_space<vmem_shared>>
      tpu.wait_dma2 semaphore(%run_scoped3A : memref<!tpu.dma_semaphore, #tpu.memory_space<semaphore_mem>>) src(%arg11 : memref<128x64xf32, #tpu.memory_space<vmem>>) dst(%dma_wait3A_53 : memref<128x64xf32, #tpu.memory_space<vmem_shared>>)
      tpu.yield
    }) : () -> ()
    %mul3A_16 = arith.constant 640 : i32
    %mul3A_17 = arith.muli %arg1, %mul3A_16 : i32
    %add3A_18 = arith.constant 128 : i32
    %add3A_19 = arith.addi %mul3A_17, %add3A_18 : i32
    "tpu.region"() ({
      %run_scoped3A = tpu.sem_alloc : memref<!tpu.dma_semaphore, #tpu.memory_space<semaphore_mem>>
      %dma_start3A = arith.constant 0 : i32
      %dma_start3A_48 = tpu.memref_slice %arg12[%add3A_19, %dma_start3A] : memref<10240x64xf32, #tpu.memory_space<vmem_shared>> -> memref<128x64xf32, #tpu.memory_space<vmem_shared>>
      %dma_start3A_49 = arith.constant 0 : i32
      %dma_start3A_50 = tpu.memref_slice %arg12[%add3A_19, %dma_start3A_49] : memref<10240x64xf32, #tpu.memory_space<vmem_shared>> -> memref<128x64xf32, #tpu.memory_space<vmem_shared>>
      tpu.enqueue_dma source(%arg11 : memref<128x64xf32, #tpu.memory_space<vmem>>) target(%dma_start3A_50 : memref<128x64xf32, #tpu.memory_space<vmem_shared>>) target_semaphore(%run_scoped3A : memref<!tpu.dma_semaphore, #tpu.memory_space<semaphore_mem>>)
      %dma_wait3A = arith.constant 0 : i32
      %dma_wait3A_51 = tpu.memref_slice %arg12[%add3A_19, %dma_wait3A] : memref<10240x64xf32, #tpu.memory_space<vmem_shared>> -> memref<128x64xf32, #tpu.memory_space<vmem_shared>>
      %dma_wait3A_52 = arith.constant 0 : i32
      %dma_wait3A_53 = tpu.memref_slice %arg12[%add3A_19, %dma_wait3A_52] : memref<10240x64xf32, #tpu.memory_space<vmem_shared>> -> memref<128x64xf32, #tpu.memory_space<vmem_shared>>
      tpu.wait_dma2 semaphore(%run_scoped3A : memref<!tpu.dma_semaphore, #tpu.memory_space<semaphore_mem>>) src(%arg11 : memref<128x64xf32, #tpu.memory_space<vmem>>) dst(%dma_wait3A_53 : memref<128x64xf32, #tpu.memory_space<vmem_shared>>)
      tpu.yield
    }) : () -> ()
    %mul3A_20 = arith.constant 640 : i32
    %mul3A_21 = arith.muli %arg1, %mul3A_20 : i32
    %add3A_22 = arith.constant 256 : i32
    %add3A_23 = arith.addi %mul3A_21, %add3A_22 : i32
    "tpu.region"() ({
      %run_scoped3A = tpu.sem_alloc : memref<!tpu.dma_semaphore, #tpu.memory_space<semaphore_mem>>
      %dma_start3A = arith.constant 0 : i32
      %dma_start3A_48 = tpu.memref_slice %arg12[%add3A_23, %dma_start3A] : memref<10240x64xf32, #tpu.memory_space<vmem_shared>> -> memref<128x64xf32, #tpu.memory_space<vmem_shared>>
      %dma_start3A_49 = arith.constant 0 : i32
      %dma_start3A_50 = tpu.memref_slice %arg12[%add3A_23, %dma_start3A_49] : memref<10240x64xf32, #tpu.memory_space<vmem_shared>> -> memref<128x64xf32, #tpu.memory_space<vmem_shared>>
      tpu.enqueue_dma source(%arg11 : memref<128x64xf32, #tpu.memory_space<vmem>>) target(%dma_start3A_50 : memref<128x64xf32, #tpu.memory_space<vmem_shared>>) target_semaphore(%run_scoped3A : memref<!tpu.dma_semaphore, #tpu.memory_space<semaphore_mem>>)
      %dma_wait3A = arith.constant 0 : i32
      %dma_wait3A_51 = tpu.memref_slice %arg12[%add3A_23, %dma_wait3A] : memref<10240x64xf32, #tpu.memory_space<vmem_shared>> -> memref<128x64xf32, #tpu.memory_space<vmem_shared>>
      %dma_wait3A_52 = arith.constant 0 : i32
      %dma_wait3A_53 = tpu.memref_slice %arg12[%add3A_23, %dma_wait3A_52] : memref<10240x64xf32, #tpu.memory_space<vmem_shared>> -> memref<128x64xf32, #tpu.memory_space<vmem_shared>>
      tpu.wait_dma2 semaphore(%run_scoped3A : memref<!tpu.dma_semaphore, #tpu.memory_space<semaphore_mem>>) src(%arg11 : memref<128x64xf32, #tpu.memory_space<vmem>>) dst(%dma_wait3A_53 : memref<128x64xf32, #tpu.memory_space<vmem_shared>>)
      tpu.yield
    }) : () -> ()
    %mul3A_24 = arith.constant 640 : i32
    %mul3A_25 = arith.muli %arg1, %mul3A_24 : i32
    %add3A_26 = arith.constant 384 : i32
    %add3A_27 = arith.addi %mul3A_25, %add3A_26 : i32
    "tpu.region"() ({
      %run_scoped3A = tpu.sem_alloc : memref<!tpu.dma_semaphore, #tpu.memory_space<semaphore_mem>>
      %dma_start3A = arith.constant 0 : i32
      %dma_start3A_48 = tpu.memref_slice %arg12[%add3A_27, %dma_start3A] : memref<10240x64xf32, #tpu.memory_space<vmem_shared>> -> memref<128x64xf32, #tpu.memory_space<vmem_shared>>
      %dma_start3A_49 = arith.constant 0 : i32
      %dma_start3A_50 = tpu.memref_slice %arg12[%add3A_27, %dma_start3A_49] : memref<10240x64xf32, #tpu.memory_space<vmem_shared>> -> memref<128x64xf32, #tpu.memory_space<vmem_shared>>
      tpu.enqueue_dma source(%arg11 : memref<128x64xf32, #tpu.memory_space<vmem>>) target(%dma_start3A_50 : memref<128x64xf32, #tpu.memory_space<vmem_shared>>) target_semaphore(%run_scoped3A : memref<!tpu.dma_semaphore, #tpu.memory_space<semaphore_mem>>)
      %dma_wait3A = arith.constant 0 : i32
      %dma_wait3A_51 = tpu.memref_slice %arg12[%add3A_27, %dma_wait3A] : memref<10240x64xf32, #tpu.memory_space<vmem_shared>> -> memref<128x64xf32, #tpu.memory_space<vmem_shared>>
      %dma_wait3A_52 = arith.constant 0 : i32
      %dma_wait3A_53 = tpu.memref_slice %arg12[%add3A_27, %dma_wait3A_52] : memref<10240x64xf32, #tpu.memory_space<vmem_shared>> -> memref<128x64xf32, #tpu.memory_space<vmem_shared>>
      tpu.wait_dma2 semaphore(%run_scoped3A : memref<!tpu.dma_semaphore, #tpu.memory_space<semaphore_mem>>) src(%arg11 : memref<128x64xf32, #tpu.memory_space<vmem>>) dst(%dma_wait3A_53 : memref<128x64xf32, #tpu.memory_space<vmem_shared>>)
      tpu.yield
    }) : () -> ()
    %mul3A_28 = arith.constant 640 : i32
    %mul3A_29 = arith.muli %arg1, %mul3A_28 : i32
    %add3A_30 = arith.constant 512 : i32
    %add3A_31 = arith.addi %mul3A_29, %add3A_30 : i32
    "tpu.region"() ({
      %run_scoped3A = tpu.sem_alloc : memref<!tpu.dma_semaphore, #tpu.memory_space<semaphore_mem>>
      %dma_start3A = arith.constant 0 : i32
      %dma_start3A_48 = tpu.memref_slice %arg12[%add3A_31, %dma_start3A] : memref<10240x64xf32, #tpu.memory_space<vmem_shared>> -> memref<128x64xf32, #tpu.memory_space<vmem_shared>>
      %dma_start3A_49 = arith.constant 0 : i32
      %dma_start3A_50 = tpu.memref_slice %arg12[%add3A_31, %dma_start3A_49] : memref<10240x64xf32, #tpu.memory_space<vmem_shared>> -> memref<128x64xf32, #tpu.memory_space<vmem_shared>>
      tpu.enqueue_dma source(%arg11 : memref<128x64xf32, #tpu.memory_space<vmem>>) target(%dma_start3A_50 : memref<128x64xf32, #tpu.memory_space<vmem_shared>>) target_semaphore(%run_scoped3A : memref<!tpu.dma_semaphore, #tpu.memory_space<semaphore_mem>>)
      %dma_wait3A = arith.constant 0 : i32
      %dma_wait3A_51 = tpu.memref_slice %arg12[%add3A_31, %dma_wait3A] : memref<10240x64xf32, #tpu.memory_space<vmem_shared>> -> memref<128x64xf32, #tpu.memory_space<vmem_shared>>
      %dma_wait3A_52 = arith.constant 0 : i32
      %dma_wait3A_53 = tpu.memref_slice %arg12[%add3A_31, %dma_wait3A_52] : memref<10240x64xf32, #tpu.memory_space<vmem_shared>> -> memref<128x64xf32, #tpu.memory_space<vmem_shared>>
      tpu.wait_dma2 semaphore(%run_scoped3A : memref<!tpu.dma_semaphore, #tpu.memory_space<semaphore_mem>>) src(%arg11 : memref<128x64xf32, #tpu.memory_space<vmem>>) dst(%dma_wait3A_53 : memref<128x64xf32, #tpu.memory_space<vmem_shared>>)
      tpu.yield
    }) : () -> ()
    %barrier3A = arith.constant 0 : index
    tpu.barrier barrier_id(%barrier3A)
    %while3A = arith.constant 0 : i32
    %while3A_32 = arith.constant 0 : i32
    %while3A_33 = arith.subi %add3A_4, %while3A : i32
    %while3A_34 = arith.addi %while3A, %while3A_33 : i32
    %while3A_35 = arith.constant 1 : i32
    %while3A_36 = arith.divsi %while3A_33, %while3A_35 : i32
    %while3A_37 = arith.muli %while3A_36, %while3A_35 : i32
    %while3A_38 = arith.addi %while3A, %while3A_37 : i32
    %while3A_39 = arith.constant 1 : i32
    %while3A_40 = scf.for %while3A_48 = %while3A to %while3A_38 step %while3A_39 iter_args(%while3A_49 = %while3A_32) -> (i32)  : i32 {
      %mul3A_50 = arith.constant 32 : i32
      %mul3A_51 = arith.muli %mul3A_50, %while3A_48 : i32
      %add3A_52 = arith.addi %add3A, %mul3A_51 : i32
      %mul3A_53 = arith.constant 128 : i32
      %mul3A_54 = arith.muli %add3A_52, %mul3A_53 : i32
      "tpu.region"() ({
        %run_scoped3A = tpu.sem_alloc : memref<!tpu.dma_semaphore, #tpu.memory_space<semaphore_mem>>
        %dma_start3A = tpu.memref_slice %arg4[%mul3A_54] : memref<320000xi32, #tpu.memory_space<hbm>> -> memref<128xi32, #tpu.memory_space<hbm>>
        %dma_start3A_63 = tpu.memref_slice %arg4[%mul3A_54] : memref<320000xi32, #tpu.memory_space<hbm>> -> memref<128xi32, #tpu.memory_space<hbm>>
        tpu.enqueue_dma source(%dma_start3A_63 : memref<128xi32, #tpu.memory_space<hbm>>) target(%arg7 : memref<128xi32, #tpu.memory_space<vmem>>) target_semaphore(%run_scoped3A : memref<!tpu.dma_semaphore, #tpu.memory_space<semaphore_mem>>)
        %dma_wait3A = tpu.memref_slice %arg4[%mul3A_54] : memref<320000xi32, #tpu.memory_space<hbm>> -> memref<128xi32, #tpu.memory_space<hbm>>
        %dma_wait3A_64 = tpu.memref_slice %arg4[%mul3A_54] : memref<320000xi32, #tpu.memory_space<hbm>> -> memref<128xi32, #tpu.memory_space<hbm>>
        tpu.wait_dma2 semaphore(%run_scoped3A : memref<!tpu.dma_semaphore, #tpu.memory_space<semaphore_mem>>) src(%dma_wait3A_64 : memref<128xi32, #tpu.memory_space<hbm>>) dst(%arg7 : memref<128xi32, #tpu.memory_space<vmem>>)
        tpu.yield
      }) : () -> ()
      "tpu.region"() ({
        %run_scoped3A = tpu.sem_alloc : memref<!tpu.dma_semaphore, #tpu.memory_space<semaphore_mem>>
        %dma_start3A = tpu.memref_slice %arg5[%mul3A_54] : memref<320000xi32, #tpu.memory_space<hbm>> -> memref<128xi32, #tpu.memory_space<hbm>>
        %dma_start3A_63 = tpu.memref_slice %arg5[%mul3A_54] : memref<320000xi32, #tpu.memory_space<hbm>> -> memref<128xi32, #tpu.memory_space<hbm>>
        tpu.enqueue_dma source(%dma_start3A_63 : memref<128xi32, #tpu.memory_space<hbm>>) target(%arg8 : memref<128xi32, #tpu.memory_space<vmem>>) target_semaphore(%run_scoped3A : memref<!tpu.dma_semaphore, #tpu.memory_space<semaphore_mem>>)
        %dma_wait3A = tpu.memref_slice %arg5[%mul3A_54] : memref<320000xi32, #tpu.memory_space<hbm>> -> memref<128xi32, #tpu.memory_space<hbm>>
        %dma_wait3A_64 = tpu.memref_slice %arg5[%mul3A_54] : memref<320000xi32, #tpu.memory_space<hbm>> -> memref<128xi32, #tpu.memory_space<hbm>>
        tpu.wait_dma2 semaphore(%run_scoped3A : memref<!tpu.dma_semaphore, #tpu.memory_space<semaphore_mem>>) src(%dma_wait3A_64 : memref<128xi32, #tpu.memory_space<hbm>>) dst(%arg8 : memref<128xi32, #tpu.memory_space<vmem>>)
        tpu.yield
      }) : () -> ()
      "tpu.region"() ({
        %run_scoped3A = tpu.sem_alloc : memref<!tpu.dma_semaphore, #tpu.memory_space<semaphore_mem>>
        %dma_start3A = arith.constant 0 : i32
        %dma_start3A_63 = arith.constant 0 : i32
        %dma_start3A_64 = tpu.memref_slice %arg2[%dma_start3A, %dma_start3A_63] : memref<10000x64xf32, #tpu.memory_space<hbm>> -> memref<10000x64xf32, #tpu.memory_space<hbm>>
        tpu.enqueue_indirect_dma source(%dma_start3A_64 : memref<10000x64xf32, #tpu.memory_space<hbm>>) target(%arg9 : memref<128x64xf32, #tpu.memory_space<vmem>>) offsets(%arg7 : memref<128xi32, #tpu.memory_space<vmem>>) semaphore(%run_scoped3A : memref<!tpu.dma_semaphore, #tpu.memory_space<semaphore_mem>>)
        %dma_wait3A = arith.constant 0 : i32
        %dma_wait3A_65 = arith.constant 0 : i32
        %dma_wait3A_66 = tpu.memref_slice %arg2[%dma_wait3A, %dma_wait3A_65] : memref<10000x64xf32, #tpu.memory_space<hbm>> -> memref<10000x64xf32, #tpu.memory_space<hbm>>
        tpu.wait_indirect_dma semaphore(%run_scoped3A : memref<!tpu.dma_semaphore, #tpu.memory_space<semaphore_mem>>) src(%dma_wait3A_66 : memref<10000x64xf32, #tpu.memory_space<hbm>>) dst(%arg9 : memref<128x64xf32, #tpu.memory_space<vmem>>)
        tpu.yield
      }) : () -> ()
      "tpu.region"() ({
        %run_scoped3A = tpu.sem_alloc : memref<!tpu.dma_semaphore, #tpu.memory_space<semaphore_mem>>
        %dma_start3A = arith.constant 0 : i32
        %dma_start3A_63 = tpu.memref_slice %arg3[%mul3A_54, %dma_start3A] : memref<320000x64xf32, #tpu.memory_space<hbm>> -> memref<128x64xf32, #tpu.memory_space<hbm>>
        %dma_start3A_64 = arith.constant 0 : i32
        %dma_start3A_65 = tpu.memref_slice %arg3[%mul3A_54, %dma_start3A_64] : memref<320000x64xf32, #tpu.memory_space<hbm>> -> memref<128x64xf32, #tpu.memory_space<hbm>>
        tpu.enqueue_dma source(%dma_start3A_65 : memref<128x64xf32, #tpu.memory_space<hbm>>) target(%arg10 : memref<128x64xf32, #tpu.memory_space<vmem>>) target_semaphore(%run_scoped3A : memref<!tpu.dma_semaphore, #tpu.memory_space<semaphore_mem>>)
        %dma_wait3A = arith.constant 0 : i32
        %dma_wait3A_66 = tpu.memref_slice %arg3[%mul3A_54, %dma_wait3A] : memref<320000x64xf32, #tpu.memory_space<hbm>> -> memref<128x64xf32, #tpu.memory_space<hbm>>
        %dma_wait3A_67 = arith.constant 0 : i32
        %dma_wait3A_68 = tpu.memref_slice %arg3[%mul3A_54, %dma_wait3A_67] : memref<320000x64xf32, #tpu.memory_space<hbm>> -> memref<128x64xf32, #tpu.memory_space<hbm>>
        tpu.wait_dma2 semaphore(%run_scoped3A : memref<!tpu.dma_semaphore, #tpu.memory_space<semaphore_mem>>) src(%dma_wait3A_68 : memref<128x64xf32, #tpu.memory_space<hbm>>) dst(%arg10 : memref<128x64xf32, #tpu.memory_space<vmem>>)
        tpu.yield
      }) : () -> ()
      %scan3A_55 = arith.constant 0 : i32
      %scan3A_56 = arith.constant 0 : i32
      %scan3A_57 = arith.constant 128 : i32
      %scan3A_58 = arith.addi %scan3A_56, %scan3A_57 : i32
      %scan3A_59 = arith.constant 1 : i32
      %scan3A_60 = scf.for %scan3A_63 = %scan3A_56 to %scan3A_58 step %scan3A_59 iter_args(%scan3A_64 = %scan3A_55) -> (i32)  : i32 {
        %get3A = arith.index_cast %scan3A_63 : i32 to index
        %get3A_65 = arith.constant 0 : index
        %get3A_66 = tpu.vector_load %arg9[%get3A, %get3A_65] {strides = array<i32>} : memref<128x64xf32, #tpu.memory_space<vmem>>, vector<1x16xf32>,
        %get3A_67 = vector.shape_cast %get3A_66 : vector<1x16xf32> to vector<16xf32>
        %get3A_68 = arith.index_cast %scan3A_63 : i32 to index
        %get3A_69 = arith.constant 0 : index
        %get3A_70 = tpu.vector_load %arg10[%get3A_68, %get3A_69] {strides = array<i32>} : memref<128x64xf32, #tpu.memory_space<vmem>>, vector<1x16xf32>,
        %get3A_71 = vector.shape_cast %get3A_70 : vector<1x16xf32> to vector<16xf32>
        %mul3A_72 = arith.mulf %get3A_67, %get3A_71 : vector<16xf32>
        %swap3A = arith.index_cast %scan3A_63 : i32 to index
        %swap3A_73 = arith.constant 0 : index
        %swap3A_74 = tpu.vector_load %arg9[%swap3A, %swap3A_73] {strides = array<i32>} : memref<128x64xf32, #tpu.memory_space<vmem>>, vector<1x16xf32>,
        %swap3A_75 = vector.shape_cast %swap3A_74 : vector<1x16xf32> to vector<16xf32>
        %swap3A_76 = vector.shape_cast %mul3A_72 : vector<16xf32> to vector<1x16xf32>
        tpu.vector_store %arg9[%swap3A, %swap3A_73], %swap3A_76 {strides = array<i32>} : memref<128x64xf32, #tpu.memory_space<vmem>>, vector<1x16xf32>,
        %get3A_77 = arith.index_cast %scan3A_63 : i32 to index
        %get3A_78 = arith.constant 16 : index
        %get3A_79 = tpu.vector_load %arg9[%get3A_77, %get3A_78] {strides = array<i32>} : memref<128x64xf32, #tpu.memory_space<vmem>>, vector<1x16xf32>,
        %get3A_80 = vector.shape_cast %get3A_79 : vector<1x16xf32> to vector<16xf32>
        %get3A_81 = arith.index_cast %scan3A_63 : i32 to index
        %get3A_82 = arith.constant 16 : index
        %get3A_83 = tpu.vector_load %arg10[%get3A_81, %get3A_82] {strides = array<i32>} : memref<128x64xf32, #tpu.memory_space<vmem>>, vector<1x16xf32>,
        %get3A_84 = vector.shape_cast %get3A_83 : vector<1x16xf32> to vector<16xf32>
        %mul3A_85 = arith.mulf %get3A_80, %get3A_84 : vector<16xf32>
        %swap3A_86 = arith.index_cast %scan3A_63 : i32 to index
        %swap3A_87 = arith.constant 16 : index
        %swap3A_88 = tpu.vector_load %arg9[%swap3A_86, %swap3A_87] {strides = array<i32>} : memref<128x64xf32, #tpu.memory_space<vmem>>, vector<1x16xf32>,
        %swap3A_89 = vector.shape_cast %swap3A_88 : vector<1x16xf32> to vector<16xf32>
        %swap3A_90 = vector.shape_cast %mul3A_85 : vector<16xf32> to vector<1x16xf32>
        tpu.vector_store %arg9[%swap3A_86, %swap3A_87], %swap3A_90 {strides = array<i32>} : memref<128x64xf32, #tpu.memory_space<vmem>>, vector<1x16xf32>,
        %get3A_91 = arith.index_cast %scan3A_63 : i32 to index
        %get3A_92 = arith.constant 32 : index
        %get3A_93 = tpu.vector_load %arg9[%get3A_91, %get3A_92] {strides = array<i32>} : memref<128x64xf32, #tpu.memory_space<vmem>>, vector<1x16xf32>,
        %get3A_94 = vector.shape_cast %get3A_93 : vector<1x16xf32> to vector<16xf32>
        %get3A_95 = arith.index_cast %scan3A_63 : i32 to index
        %get3A_96 = arith.constant 32 : index
        %get3A_97 = tpu.vector_load %arg10[%get3A_95, %get3A_96] {strides = array<i32>} : memref<128x64xf32, #tpu.memory_space<vmem>>, vector<1x16xf32>,
        %get3A_98 = vector.shape_cast %get3A_97 : vector<1x16xf32> to vector<16xf32>
        %mul3A_99 = arith.mulf %get3A_94, %get3A_98 : vector<16xf32>
        %swap3A_100 = arith.index_cast %scan3A_63 : i32 to index
        %swap3A_101 = arith.constant 32 : index
        %swap3A_102 = tpu.vector_load %arg9[%swap3A_100, %swap3A_101] {strides = array<i32>} : memref<128x64xf32, #tpu.memory_space<vmem>>, vector<1x16xf32>,
        %swap3A_103 = vector.shape_cast %swap3A_102 : vector<1x16xf32> to vector<16xf32>
        %swap3A_104 = vector.shape_cast %mul3A_99 : vector<16xf32> to vector<1x16xf32>
        tpu.vector_store %arg9[%swap3A_100, %swap3A_101], %swap3A_104 {strides = array<i32>} : memref<128x64xf32, #tpu.memory_space<vmem>>, vector<1x16xf32>,
        %get3A_105 = arith.index_cast %scan3A_63 : i32 to index
        %get3A_106 = arith.constant 48 : index
        %get3A_107 = tpu.vector_load %arg9[%get3A_105, %get3A_106] {strides = array<i32>} : memref<128x64xf32, #tpu.memory_space<vmem>>, vector<1x16xf32>,
        %get3A_108 = vector.shape_cast %get3A_107 : vector<1x16xf32> to vector<16xf32>
        %get3A_109 = arith.index_cast %scan3A_63 : i32 to index
        %get3A_110 = arith.constant 48 : index
        %get3A_111 = tpu.vector_load %arg10[%get3A_109, %get3A_110] {strides = array<i32>} : memref<128x64xf32, #tpu.memory_space<vmem>>, vector<1x16xf32>,
        %get3A_112 = vector.shape_cast %get3A_111 : vector<1x16xf32> to vector<16xf32>
        %mul3A_113 = arith.mulf %get3A_108, %get3A_112 : vector<16xf32>
        %swap3A_114 = arith.index_cast %scan3A_63 : i32 to index
        %swap3A_115 = arith.constant 48 : index
        %swap3A_116 = tpu.vector_load %arg9[%swap3A_114, %swap3A_115] {strides = array<i32>} : memref<128x64xf32, #tpu.memory_space<vmem>>, vector<1x16xf32>,
        %swap3A_117 = vector.shape_cast %swap3A_116 : vector<1x16xf32> to vector<16xf32>
        %swap3A_118 = vector.shape_cast %mul3A_113 : vector<16xf32> to vector<1x16xf32>
        tpu.vector_store %arg9[%swap3A_114, %swap3A_115], %swap3A_118 {strides = array<i32>} : memref<128x64xf32, #tpu.memory_space<vmem>>, vector<1x16xf32>,
        %scan3A_119 = arith.constant 0 : i32
        scf.yield %scan3A_119 : i32
      }
      %scan3A_61 = arith.constant 128 : i32
      "tpu.region"() ({
        %run_scoped3A = tpu.sem_alloc : memref<!tpu.dma_semaphore, #tpu.memory_space<semaphore_mem>>
        %dma_start3A = arith.constant 0 : i32
        %dma_start3A_63 = arith.constant 0 : i32
        %dma_start3A_64 = tpu.memref_slice %arg12[%dma_start3A, %dma_start3A_63] : memref<10240x64xf32, #tpu.memory_space<vmem_shared>> -> memref<10240x64xf32, #tpu.memory_space<vmem_shared>>
        tpu.enqueue_indirect_dma source(%arg9 : memref<128x64xf32, #tpu.memory_space<vmem>>) target(%dma_start3A_64 : memref<10240x64xf32, #tpu.memory_space<vmem_shared>>) offsets(%arg8 : memref<128xi32, #tpu.memory_space<vmem>>) semaphore(%run_scoped3A : memref<!tpu.dma_semaphore, #tpu.memory_space<semaphore_mem>>) {add = true}
        %dma_wait3A = arith.constant 0 : i32
        %dma_wait3A_65 = arith.constant 0 : i32
        %dma_wait3A_66 = tpu.memref_slice %arg12[%dma_wait3A, %dma_wait3A_65] : memref<10240x64xf32, #tpu.memory_space<vmem_shared>> -> memref<10240x64xf32, #tpu.memory_space<vmem_shared>>
        tpu.wait_indirect_dma semaphore(%run_scoped3A : memref<!tpu.dma_semaphore, #tpu.memory_space<semaphore_mem>>) src(%arg9 : memref<128x64xf32, #tpu.memory_space<vmem>>) dst(%dma_wait3A_66 : memref<10240x64xf32, #tpu.memory_space<vmem_shared>>)
        tpu.yield
      }) : () -> ()
      %while3A_62 = arith.constant 0 : i32
      scf.yield %while3A_62 : i32
    }
    %while3A_41 = arith.constant 1 : i32
    %while3A_42 = scf.for %while3A_48 = %while3A_38 to %while3A_34 step %while3A_41 iter_args(%while3A_49 = %while3A_40) -> (i32)  : i32 {
      %mul3A_50 = arith.constant 32 : i32
      %mul3A_51 = arith.muli %mul3A_50, %while3A_48 : i32
      %add3A_52 = arith.addi %add3A, %mul3A_51 : i32
      %mul3A_53 = arith.constant 128 : i32
      %mul3A_54 = arith.muli %add3A_52, %mul3A_53 : i32
      "tpu.region"() ({
        %run_scoped3A = tpu.sem_alloc : memref<!tpu.dma_semaphore, #tpu.memory_space<semaphore_mem>>
        %dma_start3A = tpu.memref_slice %arg4[%mul3A_54] : memref<320000xi32, #tpu.memory_space<hbm>> -> memref<128xi32, #tpu.memory_space<hbm>>
        %dma_start3A_63 = tpu.memref_slice %arg4[%mul3A_54] : memref<320000xi32, #tpu.memory_space<hbm>> -> memref<128xi32, #tpu.memory_space<hbm>>
        tpu.enqueue_dma source(%dma_start3A_63 : memref<128xi32, #tpu.memory_space<hbm>>) target(%arg7 : memref<128xi32, #tpu.memory_space<vmem>>) target_semaphore(%run_scoped3A : memref<!tpu.dma_semaphore, #tpu.memory_space<semaphore_mem>>)
        %dma_wait3A = tpu.memref_slice %arg4[%mul3A_54] : memref<320000xi32, #tpu.memory_space<hbm>> -> memref<128xi32, #tpu.memory_space<hbm>>
        %dma_wait3A_64 = tpu.memref_slice %arg4[%mul3A_54] : memref<320000xi32, #tpu.memory_space<hbm>> -> memref<128xi32, #tpu.memory_space<hbm>>
        tpu.wait_dma2 semaphore(%run_scoped3A : memref<!tpu.dma_semaphore, #tpu.memory_space<semaphore_mem>>) src(%dma_wait3A_64 : memref<128xi32, #tpu.memory_space<hbm>>) dst(%arg7 : memref<128xi32, #tpu.memory_space<vmem>>)
        tpu.yield
      }) : () -> ()
      "tpu.region"() ({
        %run_scoped3A = tpu.sem_alloc : memref<!tpu.dma_semaphore, #tpu.memory_space<semaphore_mem>>
        %dma_start3A = tpu.memref_slice %arg5[%mul3A_54] : memref<320000xi32, #tpu.memory_space<hbm>> -> memref<128xi32, #tpu.memory_space<hbm>>
        %dma_start3A_63 = tpu.memref_slice %arg5[%mul3A_54] : memref<320000xi32, #tpu.memory_space<hbm>> -> memref<128xi32, #tpu.memory_space<hbm>>
        tpu.enqueue_dma source(%dma_start3A_63 : memref<128xi32, #tpu.memory_space<hbm>>) target(%arg8 : memref<128xi32, #tpu.memory_space<vmem>>) target_semaphore(%run_scoped3A : memref<!tpu.dma_semaphore, #tpu.memory_space<semaphore_mem>>)
        %dma_wait3A = tpu.memref_slice %arg5[%mul3A_54] : memref<320000xi32, #tpu.memory_space<hbm>> -> memref<128xi32, #tpu.memory_space<hbm>>
        %dma_wait3A_64 = tpu.memref_slice %arg5[%mul3A_54] : memref<320000xi32, #tpu.memory_space<hbm>> -> memref<128xi32, #tpu.memory_space<hbm>>
        tpu.wait_dma2 semaphore(%run_scoped3A : memref<!tpu.dma_semaphore, #tpu.memory_space<semaphore_mem>>) src(%dma_wait3A_64 : memref<128xi32, #tpu.memory_space<hbm>>) dst(%arg8 : memref<128xi32, #tpu.memory_space<vmem>>)
        tpu.yield
      }) : () -> ()
      "tpu.region"() ({
        %run_scoped3A = tpu.sem_alloc : memref<!tpu.dma_semaphore, #tpu.memory_space<semaphore_mem>>
        %dma_start3A = arith.constant 0 : i32
        %dma_start3A_63 = arith.constant 0 : i32
        %dma_start3A_64 = tpu.memref_slice %arg2[%dma_start3A, %dma_start3A_63] : memref<10000x64xf32, #tpu.memory_space<hbm>> -> memref<10000x64xf32, #tpu.memory_space<hbm>>
        tpu.enqueue_indirect_dma source(%dma_start3A_64 : memref<10000x64xf32, #tpu.memory_space<hbm>>) target(%arg9 : memref<128x64xf32, #tpu.memory_space<vmem>>) offsets(%arg7 : memref<128xi32, #tpu.memory_space<vmem>>) semaphore(%run_scoped3A : memref<!tpu.dma_semaphore, #tpu.memory_space<semaphore_mem>>)
        %dma_wait3A = arith.constant 0 : i32
        %dma_wait3A_65 = arith.constant 0 : i32
        %dma_wait3A_66 = tpu.memref_slice %arg2[%dma_wait3A, %dma_wait3A_65] : memref<10000x64xf32, #tpu.memory_space<hbm>> -> memref<10000x64xf32, #tpu.memory_space<hbm>>
        tpu.wait_indirect_dma semaphore(%run_scoped3A : memref<!tpu.dma_semaphore, #tpu.memory_space<semaphore_mem>>) src(%dma_wait3A_66 : memref<10000x64xf32, #tpu.memory_space<hbm>>) dst(%arg9 : memref<128x64xf32, #tpu.memory_space<vmem>>)
        tpu.yield
      }) : () -> ()
      "tpu.region"() ({
        %run_scoped3A = tpu.sem_alloc : memref<!tpu.dma_semaphore, #tpu.memory_space<semaphore_mem>>
        %dma_start3A = arith.constant 0 : i32
        %dma_start3A_63 = tpu.memref_slice %arg3[%mul3A_54, %dma_start3A] : memref<320000x64xf32, #tpu.memory_space<hbm>> -> memref<128x64xf32, #tpu.memory_space<hbm>>
        %dma_start3A_64 = arith.constant 0 : i32
        %dma_start3A_65 = tpu.memref_slice %arg3[%mul3A_54, %dma_start3A_64] : memref<320000x64xf32, #tpu.memory_space<hbm>> -> memref<128x64xf32, #tpu.memory_space<hbm>>
        tpu.enqueue_dma source(%dma_start3A_65 : memref<128x64xf32, #tpu.memory_space<hbm>>) target(%arg10 : memref<128x64xf32, #tpu.memory_space<vmem>>) target_semaphore(%run_scoped3A : memref<!tpu.dma_semaphore, #tpu.memory_space<semaphore_mem>>)
        %dma_wait3A = arith.constant 0 : i32
        %dma_wait3A_66 = tpu.memref_slice %arg3[%mul3A_54, %dma_wait3A] : memref<320000x64xf32, #tpu.memory_space<hbm>> -> memref<128x64xf32, #tpu.memory_space<hbm>>
        %dma_wait3A_67 = arith.constant 0 : i32
        %dma_wait3A_68 = tpu.memref_slice %arg3[%mul3A_54, %dma_wait3A_67] : memref<320000x64xf32, #tpu.memory_space<hbm>> -> memref<128x64xf32, #tpu.memory_space<hbm>>
        tpu.wait_dma2 semaphore(%run_scoped3A : memref<!tpu.dma_semaphore, #tpu.memory_space<semaphore_mem>>) src(%dma_wait3A_68 : memref<128x64xf32, #tpu.memory_space<hbm>>) dst(%arg10 : memref<128x64xf32, #tpu.memory_space<vmem>>)
        tpu.yield
      }) : () -> ()
      %scan3A_55 = arith.constant 0 : i32
      %scan3A_56 = arith.constant 0 : i32
      %scan3A_57 = arith.constant 128 : i32
      %scan3A_58 = arith.addi %scan3A_56, %scan3A_57 : i32
      %scan3A_59 = arith.constant 1 : i32
      %scan3A_60 = scf.for %scan3A_63 = %scan3A_56 to %scan3A_58 step %scan3A_59 iter_args(%scan3A_64 = %scan3A_55) -> (i32)  : i32 {
        %get3A = arith.index_cast %scan3A_63 : i32 to index
        %get3A_65 = arith.constant 0 : index
        %get3A_66 = tpu.vector_load %arg9[%get3A, %get3A_65] {strides = array<i32>} : memref<128x64xf32, #tpu.memory_space<vmem>>, vector<1x16xf32>,
        %get3A_67 = vector.shape_cast %get3A_66 : vector<1x16xf32> to vector<16xf32>
        %get3A_68 = arith.index_cast %scan3A_63 : i32 to index
        %get3A_69 = arith.constant 0 : index
        %get3A_70 = tpu.vector_load %arg10[%get3A_68, %get3A_69] {strides = array<i32>} : memref<128x64xf32, #tpu.memory_space<vmem>>, vector<1x16xf32>,
        %get3A_71 = vector.shape_cast %get3A_70 : vector<1x16xf32> to vector<16xf32>
        %mul3A_72 = arith.mulf %get3A_67, %get3A_71 : vector<16xf32>
        %swap3A = arith.index_cast %scan3A_63 : i32 to index
        %swap3A_73 = arith.constant 0 : index
        %swap3A_74 = tpu.vector_load %arg9[%swap3A, %swap3A_73] {strides = array<i32>} : memref<128x64xf32, #tpu.memory_space<vmem>>, vector<1x16xf32>,
        %swap3A_75 = vector.shape_cast %swap3A_74 : vector<1x16xf32> to vector<16xf32>
        %swap3A_76 = vector.shape_cast %mul3A_72 : vector<16xf32> to vector<1x16xf32>
        tpu.vector_store %arg9[%swap3A, %swap3A_73], %swap3A_76 {strides = array<i32>} : memref<128x64xf32, #tpu.memory_space<vmem>>, vector<1x16xf32>,
        %get3A_77 = arith.index_cast %scan3A_63 : i32 to index
        %get3A_78 = arith.constant 16 : index
        %get3A_79 = tpu.vector_load %arg9[%get3A_77, %get3A_78] {strides = array<i32>} : memref<128x64xf32, #tpu.memory_space<vmem>>, vector<1x16xf32>,
        %get3A_80 = vector.shape_cast %get3A_79 : vector<1x16xf32> to vector<16xf32>
        %get3A_81 = arith.index_cast %scan3A_63 : i32 to index
        %get3A_82 = arith.constant 16 : index
        %get3A_83 = tpu.vector_load %arg10[%get3A_81, %get3A_82] {strides = array<i32>} : memref<128x64xf32, #tpu.memory_space<vmem>>, vector<1x16xf32>,
        %get3A_84 = vector.shape_cast %get3A_83 : vector<1x16xf32> to vector<16xf32>
        %mul3A_85 = arith.mulf %get3A_80, %get3A_84 : vector<16xf32>
        %swap3A_86 = arith.index_cast %scan3A_63 : i32 to index
        %swap3A_87 = arith.constant 16 : index
        %swap3A_88 = tpu.vector_load %arg9[%swap3A_86, %swap3A_87] {strides = array<i32>} : memref<128x64xf32, #tpu.memory_space<vmem>>, vector<1x16xf32>,
        %swap3A_89 = vector.shape_cast %swap3A_88 : vector<1x16xf32> to vector<16xf32>
        %swap3A_90 = vector.shape_cast %mul3A_85 : vector<16xf32> to vector<1x16xf32>
        tpu.vector_store %arg9[%swap3A_86, %swap3A_87], %swap3A_90 {strides = array<i32>} : memref<128x64xf32, #tpu.memory_space<vmem>>, vector<1x16xf32>,
        %get3A_91 = arith.index_cast %scan3A_63 : i32 to index
        %get3A_92 = arith.constant 32 : index
        %get3A_93 = tpu.vector_load %arg9[%get3A_91, %get3A_92] {strides = array<i32>} : memref<128x64xf32, #tpu.memory_space<vmem>>, vector<1x16xf32>,
        %get3A_94 = vector.shape_cast %get3A_93 : vector<1x16xf32> to vector<16xf32>
        %get3A_95 = arith.index_cast %scan3A_63 : i32 to index
        %get3A_96 = arith.constant 32 : index
        %get3A_97 = tpu.vector_load %arg10[%get3A_95, %get3A_96] {strides = array<i32>} : memref<128x64xf32, #tpu.memory_space<vmem>>, vector<1x16xf32>,
        %get3A_98 = vector.shape_cast %get3A_97 : vector<1x16xf32> to vector<16xf32>
        %mul3A_99 = arith.mulf %get3A_94, %get3A_98 : vector<16xf32>
        %swap3A_100 = arith.index_cast %scan3A_63 : i32 to index
        %swap3A_101 = arith.constant 32 : index
        %swap3A_102 = tpu.vector_load %arg9[%swap3A_100, %swap3A_101] {strides = array<i32>} : memref<128x64xf32, #tpu.memory_space<vmem>>, vector<1x16xf32>,
        %swap3A_103 = vector.shape_cast %swap3A_102 : vector<1x16xf32> to vector<16xf32>
        %swap3A_104 = vector.shape_cast %mul3A_99 : vector<16xf32> to vector<1x16xf32>
        tpu.vector_store %arg9[%swap3A_100, %swap3A_101], %swap3A_104 {strides = array<i32>} : memref<128x64xf32, #tpu.memory_space<vmem>>, vector<1x16xf32>,
        %get3A_105 = arith.index_cast %scan3A_63 : i32 to index
        %get3A_106 = arith.constant 48 : index
        %get3A_107 = tpu.vector_load %arg9[%get3A_105, %get3A_106] {strides = array<i32>} : memref<128x64xf32, #tpu.memory_space<vmem>>, vector<1x16xf32>,
        %get3A_108 = vector.shape_cast %get3A_107 : vector<1x16xf32> to vector<16xf32>
        %get3A_109 = arith.index_cast %scan3A_63 : i32 to index
        %get3A_110 = arith.constant 48 : index
        %get3A_111 = tpu.vector_load %arg10[%get3A_109, %get3A_110] {strides = array<i32>} : memref<128x64xf32, #tpu.memory_space<vmem>>, vector<1x16xf32>,
        %get3A_112 = vector.shape_cast %get3A_111 : vector<1x16xf32> to vector<16xf32>
        %mul3A_113 = arith.mulf %get3A_108, %get3A_112 : vector<16xf32>
        %swap3A_114 = arith.index_cast %scan3A_63 : i32 to index
        %swap3A_115 = arith.constant 48 : index
        %swap3A_116 = tpu.vector_load %arg9[%swap3A_114, %swap3A_115] {strides = array<i32>} : memref<128x64xf32, #tpu.memory_space<vmem>>, vector<1x16xf32>,
        %swap3A_117 = vector.shape_cast %swap3A_116 : vector<1x16xf32> to vector<16xf32>
        %swap3A_118 = vector.shape_cast %mul3A_113 : vector<16xf32> to vector<1x16xf32>
        tpu.vector_store %arg9[%swap3A_114, %swap3A_115], %swap3A_118 {strides = array<i32>} : memref<128x64xf32, #tpu.memory_space<vmem>>, vector<1x16xf32>,
        %scan3A_119 = arith.constant 0 : i32
        scf.yield %scan3A_119 : i32
      }
      %scan3A_61 = arith.constant 128 : i32
      "tpu.region"() ({
        %run_scoped3A = tpu.sem_alloc : memref<!tpu.dma_semaphore, #tpu.memory_space<semaphore_mem>>
        %dma_start3A = arith.constant 0 : i32
        %dma_start3A_63 = arith.constant 0 : i32
        %dma_start3A_64 = tpu.memref_slice %arg12[%dma_start3A, %dma_start3A_63] : memref<10240x64xf32, #tpu.memory_space<vmem_shared>> -> memref<10240x64xf32, #tpu.memory_space<vmem_shared>>
        tpu.enqueue_indirect_dma source(%arg9 : memref<128x64xf32, #tpu.memory_space<vmem>>) target(%dma_start3A_64 : memref<10240x64xf32, #tpu.memory_space<vmem_shared>>) offsets(%arg8 : memref<128xi32, #tpu.memory_space<vmem>>) semaphore(%run_scoped3A : memref<!tpu.dma_semaphore, #tpu.memory_space<semaphore_mem>>) {add = true}
        %dma_wait3A = arith.constant 0 : i32
        %dma_wait3A_65 = arith.constant 0 : i32
        %dma_wait3A_66 = tpu.memref_slice %arg12[%dma_wait3A, %dma_wait3A_65] : memref<10240x64xf32, #tpu.memory_space<vmem_shared>> -> memref<10240x64xf32, #tpu.memory_space<vmem_shared>>
        tpu.wait_indirect_dma semaphore(%run_scoped3A : memref<!tpu.dma_semaphore, #tpu.memory_space<semaphore_mem>>) src(%arg9 : memref<128x64xf32, #tpu.memory_space<vmem>>) dst(%dma_wait3A_66 : memref<10240x64xf32, #tpu.memory_space<vmem_shared>>)
        tpu.yield
      }) : () -> ()
      %while3A_62 = arith.constant 0 : i32
      scf.yield %while3A_62 : i32
    }
    %barrier3A_43 = arith.constant 0 : index
    tpu.barrier barrier_id(%barrier3A_43)
    %mul3A_44 = arith.constant 640 : i32
    %mul3A_45 = arith.muli %arg1, %mul3A_44 : i32
    %mul3A_46 = arith.constant 640 : i32
    %mul3A_47 = arith.muli %arg1, %mul3A_46 : i32
    "tpu.region"() ({
      %run_scoped3A = tpu.sem_alloc : memref<!tpu.dma_semaphore, #tpu.memory_space<semaphore_mem>>
      %dma_start3A = arith.constant 0 : i32
      %dma_start3A_48 = tpu.memref_slice %arg6[%arg0, %mul3A_47, %dma_start3A] : memref<2x10240x64xf32, #tpu.memory_space<hbm>> -> memref<1x640x64xf32, #tpu.memory_space<hbm>>
      %dma_start3A_49 = tpu.memref_squeeze %dma_start3A_48 : memref<1x640x64xf32, #tpu.memory_space<hbm>> -> memref<640x64xf32, #tpu.memory_space<hbm>>
      %dma_start3A_50 = arith.constant 0 : i32
      %dma_start3A_51 = tpu.memref_slice %arg12[%mul3A_45, %dma_start3A_50] : memref<10240x64xf32, #tpu.memory_space<vmem_shared>> -> memref<640x64xf32, #tpu.memory_space<vmem_shared>>
      tpu.enqueue_dma source(%dma_start3A_51 : memref<640x64xf32, #tpu.memory_space<vmem_shared>>) target(%dma_start3A_49 : memref<640x64xf32, #tpu.memory_space<hbm>>) target_semaphore(%run_scoped3A : memref<!tpu.dma_semaphore, #tpu.memory_space<semaphore_mem>>)
      %dma_wait3A = arith.constant 0 : i32
      %dma_wait3A_52 = tpu.memref_slice %arg6[%arg0, %mul3A_47, %dma_wait3A] : memref<2x10240x64xf32, #tpu.memory_space<hbm>> -> memref<1x640x64xf32, #tpu.memory_space<hbm>>
      %dma_wait3A_53 = tpu.memref_squeeze %dma_wait3A_52 : memref<1x640x64xf32, #tpu.memory_space<hbm>> -> memref<640x64xf32, #tpu.memory_space<hbm>>
      %dma_wait3A_54 = arith.constant 0 : i32
      %dma_wait3A_55 = tpu.memref_slice %arg12[%mul3A_45, %dma_wait3A_54] : memref<10240x64xf32, #tpu.memory_space<vmem_shared>> -> memref<640x64xf32, #tpu.memory_space<vmem_shared>>
      tpu.wait_dma2 semaphore(%run_scoped3A : memref<!tpu.dma_semaphore, #tpu.memory_space<semaphore_mem>>) src(%dma_wait3A_55 : memref<640x64xf32, #tpu.memory_space<vmem_shared>>) dst(%dma_wait3A_53 : memref<640x64xf32, #tpu.memory_space<hbm>>)
      tpu.yield
    }) : () -> ()
    return
  }
}

#map = affine_map<(d0, d1) -> (0, 0)>
#map1 = affine_map<(d0, d1) -> (0)>
#map2 = affine_map<(d0, d1) -> (0, 0, 0)>
module attributes {stable_mosaic.version = 14 : i64} {
  func.func @_sc_layer_body(%arg0: i32, %arg1: i32, %arg2: memref<10000x64xf32, #tpu.memory_space<hbm>>, %arg3: memref<320000x64xf32, #tpu.memory_space<hbm>>, %arg4: memref<320000xi32, #tpu.memory_space<hbm>>, %arg5: memref<320000xi32, #tpu.memory_space<hbm>>, %arg6: memref<2x10240x64xf32, #tpu.memory_space<hbm>>, %arg7: memref<128xi32, #tpu.memory_space<vmem>>, %arg8: memref<128xi32, #tpu.memory_space<vmem>>, %arg9: memref<128x64xf32, #tpu.memory_space<vmem>>, %arg10: memref<128x64xf32, #tpu.memory_space<vmem>>, %arg11: memref<128x64xf32, #tpu.memory_space<vmem>>, %arg12: memref<10240x64xf32, #tpu.memory_space<vmem_shared>>) attributes {dimension_semantics = [#tpu.dimension_semantics<core_parallel>, #tpu.dimension_semantics<subcore_parallel>], iteration_bounds = array<i64: 2, 16>, scalar_prefetch = 0 : i64, scratch_operands = 6 : i64, tpu.core_type = #tpu.core_type<sc_vector_subcore>, window_params = [{transform_indices = #map}, {transform_indices = #map}, {transform_indices = #map1}, {transform_indices = #map1}, {transform_indices = #map2}]} {
    %mul3A = arith.constant 2 : i32
    %mul3A_0 = arith.muli %arg1, %mul3A : i32
    %add3A = arith.addi %mul3A_0, %arg0 : i32
    %lt3A = arith.constant 4 : i32
    %lt3A_1 = arith.cmpi slt, %add3A, %lt3A : i32
    %jit3A = arith.constant 1 : i32
    %jit3A_2 = arith.constant 0 : i32
    %select_n3A = arith.select %lt3A_1, %jit3A, %jit3A_2 : i32
    %add3A_3 = arith.constant 78 : i32
    %add3A_4 = arith.addi %add3A_3, %select_n3A : i32
    %broadcast_in_dim3A = arith.constant 0.000000e+00 : f32
    %broadcast_in_dim3A_5 = vector.broadcast %broadcast_in_dim3A : f32 to vector<16xf32>
    %scan3A = arith.constant 0 : i32
    %scan3A_6 = arith.constant 0 : i32
    %scan3A_7 = arith.constant 128 : i32
    %scan3A_8 = arith.addi %scan3A_6, %scan3A_7 : i32
    %scan3A_9 = arith.constant 1 : i32
    %scan3A_10 = scf.for %scan3A_48 = %scan3A_6 to %scan3A_8 step %scan3A_9 iter_args(%scan3A_49 = %scan3A) -> (i32)  : i32 {
      %swap3A = arith.index_cast %scan3A_48 : i32 to index
      %swap3A_50 = arith.constant 0 : index
      %swap3A_51 = tpu.vector_load %arg11[%swap3A, %swap3A_50] {strides = array<i32>} : memref<128x64xf32, #tpu.memory_space<vmem>>, vector<1x16xf32>,
      %swap3A_52 = vector.shape_cast %swap3A_51 : vector<1x16xf32> to vector<16xf32>
      %swap3A_53 = vector.shape_cast %broadcast_in_dim3A_5 : vector<16xf32> to vector<1x16xf32>
      tpu.vector_store %arg11[%swap3A, %swap3A_50], %swap3A_53 {strides = array<i32>} : memref<128x64xf32, #tpu.memory_space<vmem>>, vector<1x16xf32>,
      %swap3A_54 = arith.index_cast %scan3A_48 : i32 to index
      %swap3A_55 = arith.constant 16 : index
      %swap3A_56 = tpu.vector_load %arg11[%swap3A_54, %swap3A_55] {strides = array<i32>} : memref<128x64xf32, #tpu.memory_space<vmem>>, vector<1x16xf32>,
      %swap3A_57 = vector.shape_cast %swap3A_56 : vector<1x16xf32> to vector<16xf32>
      %swap3A_58 = vector.shape_cast %broadcast_in_dim3A_5 : vector<16xf32> to vector<1x16xf32>
      tpu.vector_store %arg11[%swap3A_54, %swap3A_55], %swap3A_58 {strides = array<i32>} : memref<128x64xf32, #tpu.memory_space<vmem>>, vector<1x16xf32>,
      %swap3A_59 = arith.index_cast %scan3A_48 : i32 to index
      %swap3A_60 = arith.constant 32 : index
      %swap3A_61 = tpu.vector_load %arg11[%swap3A_59, %swap3A_60] {strides = array<i32>} : memref<128x64xf32, #tpu.memory_space<vmem>>, vector<1x16xf32>,
      %swap3A_62 = vector.shape_cast %swap3A_61 : vector<1x16xf32> to vector<16xf32>
      %swap3A_63 = vector.shape_cast %broadcast_in_dim3A_5 : vector<16xf32> to vector<1x16xf32>
      tpu.vector_store %arg11[%swap3A_59, %swap3A_60], %swap3A_63 {strides = array<i32>} : memref<128x64xf32, #tpu.memory_space<vmem>>, vector<1x16xf32>,
      %swap3A_64 = arith.index_cast %scan3A_48 : i32 to index
      %swap3A_65 = arith.constant 48 : index
      %swap3A_66 = tpu.vector_load %arg11[%swap3A_64, %swap3A_65] {strides = array<i32>} : memref<128x64xf32, #tpu.memory_space<vmem>>, vector<1x16xf32>,
      %swap3A_67 = vector.shape_cast %swap3A_66 : vector<1x16xf32> to vector<16xf32>
      %swap3A_68 = vector.shape_cast %broadcast_in_dim3A_5 : vector<16xf32> to vector<1x16xf32>
      tpu.vector_store %arg11[%swap3A_64, %swap3A_65], %swap3A_68 {strides = array<i32>} : memref<128x64xf32, #tpu.memory_space<vmem>>, vector<1x16xf32>,
      %scan3A_69 = arith.constant 0 : i32
      scf.yield %scan3A_69 : i32
    }
    %scan3A_11 = arith.constant 128 : i32
    %mul3A_12 = arith.constant 640 : i32
    %mul3A_13 = arith.muli %arg1, %mul3A_12 : i32
    %add3A_14 = arith.constant 0 : i32
    %add3A_15 = arith.addi %mul3A_13, %add3A_14 : i32
    "tpu.region"() ({
      %run_scoped3A = tpu.sem_alloc : memref<!tpu.dma_semaphore, #tpu.memory_space<semaphore_mem>>
      %dma_start3A = arith.constant 0 : i32
      %dma_start3A_48 = tpu.memref_slice %arg12[%add3A_15, %dma_start3A] : memref<10240x64xf32, #tpu.memory_space<vmem_shared>> -> memref<128x64xf32, #tpu.memory_space<vmem_shared>>
      %dma_start3A_49 = arith.constant 0 : i32
      %dma_start3A_50 = tpu.memref_slice %arg12[%add3A_15, %dma_start3A_49] : memref<10240x64xf32, #tpu.memory_space<vmem_shared>> -> memref<128x64xf32, #tpu.memory_space<vmem_shared>>
      tpu.enqueue_dma source(%arg11 : memref<128x64xf32, #tpu.memory_space<vmem>>) target(%dma_start3A_50 : memref<128x64xf32, #tpu.memory_space<vmem_shared>>) target_semaphore(%run_scoped3A : memref<!tpu.dma_semaphore, #tpu.memory_space<semaphore_mem>>)
      %dma_wait3A = arith.constant 0 : i32
      %dma_wait3A_51 = tpu.memref_slice %arg12[%add3A_15, %dma_wait3A] : memref<10240x64xf32, #tpu.memory_space<vmem_shared>> -> memref<128x64xf32, #tpu.memory_space<vmem_shared>>
      %dma_wait3A_52 = arith.constant 0 : i32
      %dma_wait3A_53 = tpu.memref_slice %arg12[%add3A_15, %dma_wait3A_52] : memref<10240x64xf32, #tpu.memory_space<vmem_shared>> -> memref<128x64xf32, #tpu.memory_space<vmem_shared>>
      tpu.wait_dma2 semaphore(%run_scoped3A : memref<!tpu.dma_semaphore, #tpu.memory_space<semaphore_mem>>) src(%arg11 : memref<128x64xf32, #tpu.memory_space<vmem>>) dst(%dma_wait3A_53 : memref<128x64xf32, #tpu.memory_space<vmem_shared>>)
      tpu.yield
    }) : () -> ()
    %mul3A_16 = arith.constant 640 : i32
    %mul3A_17 = arith.muli %arg1, %mul3A_16 : i32
    %add3A_18 = arith.constant 128 : i32
    %add3A_19 = arith.addi %mul3A_17, %add3A_18 : i32
    "tpu.region"() ({
      %run_scoped3A = tpu.sem_alloc : memref<!tpu.dma_semaphore, #tpu.memory_space<semaphore_mem>>
      %dma_start3A = arith.constant 0 : i32
      %dma_start3A_48 = tpu.memref_slice %arg12[%add3A_19, %dma_start3A] : memref<10240x64xf32, #tpu.memory_space<vmem_shared>> -> memref<128x64xf32, #tpu.memory_space<vmem_shared>>
      %dma_start3A_49 = arith.constant 0 : i32
      %dma_start3A_50 = tpu.memref_slice %arg12[%add3A_19, %dma_start3A_49] : memref<10240x64xf32, #tpu.memory_space<vmem_shared>> -> memref<128x64xf32, #tpu.memory_space<vmem_shared>>
      tpu.enqueue_dma source(%arg11 : memref<128x64xf32, #tpu.memory_space<vmem>>) target(%dma_start3A_50 : memref<128x64xf32, #tpu.memory_space<vmem_shared>>) target_semaphore(%run_scoped3A : memref<!tpu.dma_semaphore, #tpu.memory_space<semaphore_mem>>)
      %dma_wait3A = arith.constant 0 : i32
      %dma_wait3A_51 = tpu.memref_slice %arg12[%add3A_19, %dma_wait3A] : memref<10240x64xf32, #tpu.memory_space<vmem_shared>> -> memref<128x64xf32, #tpu.memory_space<vmem_shared>>
      %dma_wait3A_52 = arith.constant 0 : i32
      %dma_wait3A_53 = tpu.memref_slice %arg12[%add3A_19, %dma_wait3A_52] : memref<10240x64xf32, #tpu.memory_space<vmem_shared>> -> memref<128x64xf32, #tpu.memory_space<vmem_shared>>
      tpu.wait_dma2 semaphore(%run_scoped3A : memref<!tpu.dma_semaphore, #tpu.memory_space<semaphore_mem>>) src(%arg11 : memref<128x64xf32, #tpu.memory_space<vmem>>) dst(%dma_wait3A_53 : memref<128x64xf32, #tpu.memory_space<vmem_shared>>)
      tpu.yield
    }) : () -> ()
    %mul3A_20 = arith.constant 640 : i32
    %mul3A_21 = arith.muli %arg1, %mul3A_20 : i32
    %add3A_22 = arith.constant 256 : i32
    %add3A_23 = arith.addi %mul3A_21, %add3A_22 : i32
    "tpu.region"() ({
      %run_scoped3A = tpu.sem_alloc : memref<!tpu.dma_semaphore, #tpu.memory_space<semaphore_mem>>
      %dma_start3A = arith.constant 0 : i32
      %dma_start3A_48 = tpu.memref_slice %arg12[%add3A_23, %dma_start3A] : memref<10240x64xf32, #tpu.memory_space<vmem_shared>> -> memref<128x64xf32, #tpu.memory_space<vmem_shared>>
      %dma_start3A_49 = arith.constant 0 : i32
      %dma_start3A_50 = tpu.memref_slice %arg12[%add3A_23, %dma_start3A_49] : memref<10240x64xf32, #tpu.memory_space<vmem_shared>> -> memref<128x64xf32, #tpu.memory_space<vmem_shared>>
      tpu.enqueue_dma source(%arg11 : memref<128x64xf32, #tpu.memory_space<vmem>>) target(%dma_start3A_50 : memref<128x64xf32, #tpu.memory_space<vmem_shared>>) target_semaphore(%run_scoped3A : memref<!tpu.dma_semaphore, #tpu.memory_space<semaphore_mem>>)
      %dma_wait3A = arith.constant 0 : i32
      %dma_wait3A_51 = tpu.memref_slice %arg12[%add3A_23, %dma_wait3A] : memref<10240x64xf32, #tpu.memory_space<vmem_shared>> -> memref<128x64xf32, #tpu.memory_space<vmem_shared>>
      %dma_wait3A_52 = arith.constant 0 : i32
      %dma_wait3A_53 = tpu.memref_slice %arg12[%add3A_23, %dma_wait3A_52] : memref<10240x64xf32, #tpu.memory_space<vmem_shared>> -> memref<128x64xf32, #tpu.memory_space<vmem_shared>>
      tpu.wait_dma2 semaphore(%run_scoped3A : memref<!tpu.dma_semaphore, #tpu.memory_space<semaphore_mem>>) src(%arg11 : memref<128x64xf32, #tpu.memory_space<vmem>>) dst(%dma_wait3A_53 : memref<128x64xf32, #tpu.memory_space<vmem_shared>>)
      tpu.yield
    }) : () -> ()
    %mul3A_24 = arith.constant 640 : i32
    %mul3A_25 = arith.muli %arg1, %mul3A_24 : i32
    %add3A_26 = arith.constant 384 : i32
    %add3A_27 = arith.addi %mul3A_25, %add3A_26 : i32
    "tpu.region"() ({
      %run_scoped3A = tpu.sem_alloc : memref<!tpu.dma_semaphore, #tpu.memory_space<semaphore_mem>>
      %dma_start3A = arith.constant 0 : i32
      %dma_start3A_48 = tpu.memref_slice %arg12[%add3A_27, %dma_start3A] : memref<10240x64xf32, #tpu.memory_space<vmem_shared>> -> memref<128x64xf32, #tpu.memory_space<vmem_shared>>
      %dma_start3A_49 = arith.constant 0 : i32
      %dma_start3A_50 = tpu.memref_slice %arg12[%add3A_27, %dma_start3A_49] : memref<10240x64xf32, #tpu.memory_space<vmem_shared>> -> memref<128x64xf32, #tpu.memory_space<vmem_shared>>
      tpu.enqueue_dma source(%arg11 : memref<128x64xf32, #tpu.memory_space<vmem>>) target(%dma_start3A_50 : memref<128x64xf32, #tpu.memory_space<vmem_shared>>) target_semaphore(%run_scoped3A : memref<!tpu.dma_semaphore, #tpu.memory_space<semaphore_mem>>)
      %dma_wait3A = arith.constant 0 : i32
      %dma_wait3A_51 = tpu.memref_slice %arg12[%add3A_27, %dma_wait3A] : memref<10240x64xf32, #tpu.memory_space<vmem_shared>> -> memref<128x64xf32, #tpu.memory_space<vmem_shared>>
      %dma_wait3A_52 = arith.constant 0 : i32
      %dma_wait3A_53 = tpu.memref_slice %arg12[%add3A_27, %dma_wait3A_52] : memref<10240x64xf32, #tpu.memory_space<vmem_shared>> -> memref<128x64xf32, #tpu.memory_space<vmem_shared>>
      tpu.wait_dma2 semaphore(%run_scoped3A : memref<!tpu.dma_semaphore, #tpu.memory_space<semaphore_mem>>) src(%arg11 : memref<128x64xf32, #tpu.memory_space<vmem>>) dst(%dma_wait3A_53 : memref<128x64xf32, #tpu.memory_space<vmem_shared>>)
      tpu.yield
    }) : () -> ()
    %mul3A_28 = arith.constant 640 : i32
    %mul3A_29 = arith.muli %arg1, %mul3A_28 : i32
    %add3A_30 = arith.constant 512 : i32
    %add3A_31 = arith.addi %mul3A_29, %add3A_30 : i32
    "tpu.region"() ({
      %run_scoped3A = tpu.sem_alloc : memref<!tpu.dma_semaphore, #tpu.memory_space<semaphore_mem>>
      %dma_start3A = arith.constant 0 : i32
      %dma_start3A_48 = tpu.memref_slice %arg12[%add3A_31, %dma_start3A] : memref<10240x64xf32, #tpu.memory_space<vmem_shared>> -> memref<128x64xf32, #tpu.memory_space<vmem_shared>>
      %dma_start3A_49 = arith.constant 0 : i32
      %dma_start3A_50 = tpu.memref_slice %arg12[%add3A_31, %dma_start3A_49] : memref<10240x64xf32, #tpu.memory_space<vmem_shared>> -> memref<128x64xf32, #tpu.memory_space<vmem_shared>>
      tpu.enqueue_dma source(%arg11 : memref<128x64xf32, #tpu.memory_space<vmem>>) target(%dma_start3A_50 : memref<128x64xf32, #tpu.memory_space<vmem_shared>>) target_semaphore(%run_scoped3A : memref<!tpu.dma_semaphore, #tpu.memory_space<semaphore_mem>>)
      %dma_wait3A = arith.constant 0 : i32
      %dma_wait3A_51 = tpu.memref_slice %arg12[%add3A_31, %dma_wait3A] : memref<10240x64xf32, #tpu.memory_space<vmem_shared>> -> memref<128x64xf32, #tpu.memory_space<vmem_shared>>
      %dma_wait3A_52 = arith.constant 0 : i32
      %dma_wait3A_53 = tpu.memref_slice %arg12[%add3A_31, %dma_wait3A_52] : memref<10240x64xf32, #tpu.memory_space<vmem_shared>> -> memref<128x64xf32, #tpu.memory_space<vmem_shared>>
      tpu.wait_dma2 semaphore(%run_scoped3A : memref<!tpu.dma_semaphore, #tpu.memory_space<semaphore_mem>>) src(%arg11 : memref<128x64xf32, #tpu.memory_space<vmem>>) dst(%dma_wait3A_53 : memref<128x64xf32, #tpu.memory_space<vmem_shared>>)
      tpu.yield
    }) : () -> ()
    %barrier3A = arith.constant 0 : index
    tpu.barrier barrier_id(%barrier3A)
    %while3A = arith.constant 0 : i32
    %while3A_32 = arith.constant 0 : i32
    %while3A_33 = arith.subi %add3A_4, %while3A : i32
    %while3A_34 = arith.addi %while3A, %while3A_33 : i32
    %while3A_35 = arith.constant 1 : i32
    %while3A_36 = arith.divsi %while3A_33, %while3A_35 : i32
    %while3A_37 = arith.muli %while3A_36, %while3A_35 : i32
    %while3A_38 = arith.addi %while3A, %while3A_37 : i32
    %while3A_39 = arith.constant 1 : i32
    %while3A_40 = scf.for %while3A_48 = %while3A to %while3A_38 step %while3A_39 iter_args(%while3A_49 = %while3A_32) -> (i32)  : i32 {
      %mul3A_50 = arith.constant 32 : i32
      %mul3A_51 = arith.muli %mul3A_50, %while3A_48 : i32
      %add3A_52 = arith.addi %add3A, %mul3A_51 : i32
      %mul3A_53 = arith.constant 128 : i32
      %mul3A_54 = arith.muli %add3A_52, %mul3A_53 : i32
      "tpu.region"() ({
        %run_scoped3A = tpu.sem_alloc : memref<!tpu.dma_semaphore, #tpu.memory_space<semaphore_mem>>
        %dma_start3A = tpu.memref_slice %arg4[%mul3A_54] : memref<320000xi32, #tpu.memory_space<hbm>> -> memref<128xi32, #tpu.memory_space<hbm>>
        %dma_start3A_63 = tpu.memref_slice %arg4[%mul3A_54] : memref<320000xi32, #tpu.memory_space<hbm>> -> memref<128xi32, #tpu.memory_space<hbm>>
        tpu.enqueue_dma source(%dma_start3A_63 : memref<128xi32, #tpu.memory_space<hbm>>) target(%arg7 : memref<128xi32, #tpu.memory_space<vmem>>) target_semaphore(%run_scoped3A : memref<!tpu.dma_semaphore, #tpu.memory_space<semaphore_mem>>)
        %dma_wait3A = tpu.memref_slice %arg4[%mul3A_54] : memref<320000xi32, #tpu.memory_space<hbm>> -> memref<128xi32, #tpu.memory_space<hbm>>
        %dma_wait3A_64 = tpu.memref_slice %arg4[%mul3A_54] : memref<320000xi32, #tpu.memory_space<hbm>> -> memref<128xi32, #tpu.memory_space<hbm>>
        tpu.wait_dma2 semaphore(%run_scoped3A : memref<!tpu.dma_semaphore, #tpu.memory_space<semaphore_mem>>) src(%dma_wait3A_64 : memref<128xi32, #tpu.memory_space<hbm>>) dst(%arg7 : memref<128xi32, #tpu.memory_space<vmem>>)
        tpu.yield
      }) : () -> ()
      "tpu.region"() ({
        %run_scoped3A = tpu.sem_alloc : memref<!tpu.dma_semaphore, #tpu.memory_space<semaphore_mem>>
        %dma_start3A = tpu.memref_slice %arg5[%mul3A_54] : memref<320000xi32, #tpu.memory_space<hbm>> -> memref<128xi32, #tpu.memory_space<hbm>>
        %dma_start3A_63 = tpu.memref_slice %arg5[%mul3A_54] : memref<320000xi32, #tpu.memory_space<hbm>> -> memref<128xi32, #tpu.memory_space<hbm>>
        tpu.enqueue_dma source(%dma_start3A_63 : memref<128xi32, #tpu.memory_space<hbm>>) target(%arg8 : memref<128xi32, #tpu.memory_space<vmem>>) target_semaphore(%run_scoped3A : memref<!tpu.dma_semaphore, #tpu.memory_space<semaphore_mem>>)
        %dma_wait3A = tpu.memref_slice %arg5[%mul3A_54] : memref<320000xi32, #tpu.memory_space<hbm>> -> memref<128xi32, #tpu.memory_space<hbm>>
        %dma_wait3A_64 = tpu.memref_slice %arg5[%mul3A_54] : memref<320000xi32, #tpu.memory_space<hbm>> -> memref<128xi32, #tpu.memory_space<hbm>>
        tpu.wait_dma2 semaphore(%run_scoped3A : memref<!tpu.dma_semaphore, #tpu.memory_space<semaphore_mem>>) src(%dma_wait3A_64 : memref<128xi32, #tpu.memory_space<hbm>>) dst(%arg8 : memref<128xi32, #tpu.memory_space<vmem>>)
        tpu.yield
      }) : () -> ()
      "tpu.region"() ({
        %run_scoped3A = tpu.sem_alloc : memref<!tpu.dma_semaphore, #tpu.memory_space<semaphore_mem>>
        %dma_start3A = arith.constant 0 : i32
        %dma_start3A_63 = arith.constant 0 : i32
        %dma_start3A_64 = tpu.memref_slice %arg2[%dma_start3A, %dma_start3A_63] : memref<10000x64xf32, #tpu.memory_space<hbm>> -> memref<10000x64xf32, #tpu.memory_space<hbm>>
        tpu.enqueue_indirect_dma source(%dma_start3A_64 : memref<10000x64xf32, #tpu.memory_space<hbm>>) target(%arg9 : memref<128x64xf32, #tpu.memory_space<vmem>>) offsets(%arg7 : memref<128xi32, #tpu.memory_space<vmem>>) semaphore(%run_scoped3A : memref<!tpu.dma_semaphore, #tpu.memory_space<semaphore_mem>>)
        %dma_wait3A = arith.constant 0 : i32
        %dma_wait3A_65 = arith.constant 0 : i32
        %dma_wait3A_66 = tpu.memref_slice %arg2[%dma_wait3A, %dma_wait3A_65] : memref<10000x64xf32, #tpu.memory_space<hbm>> -> memref<10000x64xf32, #tpu.memory_space<hbm>>
        tpu.wait_indirect_dma semaphore(%run_scoped3A : memref<!tpu.dma_semaphore, #tpu.memory_space<semaphore_mem>>) src(%dma_wait3A_66 : memref<10000x64xf32, #tpu.memory_space<hbm>>) dst(%arg9 : memref<128x64xf32, #tpu.memory_space<vmem>>)
        tpu.yield
      }) : () -> ()
      "tpu.region"() ({
        %run_scoped3A = tpu.sem_alloc : memref<!tpu.dma_semaphore, #tpu.memory_space<semaphore_mem>>
        %dma_start3A = arith.constant 0 : i32
        %dma_start3A_63 = tpu.memref_slice %arg3[%mul3A_54, %dma_start3A] : memref<320000x64xf32, #tpu.memory_space<hbm>> -> memref<128x64xf32, #tpu.memory_space<hbm>>
        %dma_start3A_64 = arith.constant 0 : i32
        %dma_start3A_65 = tpu.memref_slice %arg3[%mul3A_54, %dma_start3A_64] : memref<320000x64xf32, #tpu.memory_space<hbm>> -> memref<128x64xf32, #tpu.memory_space<hbm>>
        tpu.enqueue_dma source(%dma_start3A_65 : memref<128x64xf32, #tpu.memory_space<hbm>>) target(%arg10 : memref<128x64xf32, #tpu.memory_space<vmem>>) target_semaphore(%run_scoped3A : memref<!tpu.dma_semaphore, #tpu.memory_space<semaphore_mem>>)
        %dma_wait3A = arith.constant 0 : i32
        %dma_wait3A_66 = tpu.memref_slice %arg3[%mul3A_54, %dma_wait3A] : memref<320000x64xf32, #tpu.memory_space<hbm>> -> memref<128x64xf32, #tpu.memory_space<hbm>>
        %dma_wait3A_67 = arith.constant 0 : i32
        %dma_wait3A_68 = tpu.memref_slice %arg3[%mul3A_54, %dma_wait3A_67] : memref<320000x64xf32, #tpu.memory_space<hbm>> -> memref<128x64xf32, #tpu.memory_space<hbm>>
        tpu.wait_dma2 semaphore(%run_scoped3A : memref<!tpu.dma_semaphore, #tpu.memory_space<semaphore_mem>>) src(%dma_wait3A_68 : memref<128x64xf32, #tpu.memory_space<hbm>>) dst(%arg10 : memref<128x64xf32, #tpu.memory_space<vmem>>)
        tpu.yield
      }) : () -> ()
      %scan3A_55 = arith.constant 0 : i32
      %scan3A_56 = arith.constant 0 : i32
      %scan3A_57 = arith.constant 128 : i32
      %scan3A_58 = arith.addi %scan3A_56, %scan3A_57 : i32
      %scan3A_59 = arith.constant 1 : i32
      %scan3A_60 = scf.for %scan3A_63 = %scan3A_56 to %scan3A_58 step %scan3A_59 iter_args(%scan3A_64 = %scan3A_55) -> (i32)  : i32 {
        %get3A = arith.index_cast %scan3A_63 : i32 to index
        %get3A_65 = arith.constant 0 : index
        %get3A_66 = tpu.vector_load %arg9[%get3A, %get3A_65] {strides = array<i32>} : memref<128x64xf32, #tpu.memory_space<vmem>>, vector<1x16xf32>,
        %get3A_67 = vector.shape_cast %get3A_66 : vector<1x16xf32> to vector<16xf32>
        %get3A_68 = arith.index_cast %scan3A_63 : i32 to index
        %get3A_69 = arith.constant 0 : index
        %get3A_70 = tpu.vector_load %arg10[%get3A_68, %get3A_69] {strides = array<i32>} : memref<128x64xf32, #tpu.memory_space<vmem>>, vector<1x16xf32>,
        %get3A_71 = vector.shape_cast %get3A_70 : vector<1x16xf32> to vector<16xf32>
        %mul3A_72 = arith.mulf %get3A_67, %get3A_71 : vector<16xf32>
        %swap3A = arith.index_cast %scan3A_63 : i32 to index
        %swap3A_73 = arith.constant 0 : index
        %swap3A_74 = tpu.vector_load %arg9[%swap3A, %swap3A_73] {strides = array<i32>} : memref<128x64xf32, #tpu.memory_space<vmem>>, vector<1x16xf32>,
        %swap3A_75 = vector.shape_cast %swap3A_74 : vector<1x16xf32> to vector<16xf32>
        %swap3A_76 = vector.shape_cast %mul3A_72 : vector<16xf32> to vector<1x16xf32>
        tpu.vector_store %arg9[%swap3A, %swap3A_73], %swap3A_76 {strides = array<i32>} : memref<128x64xf32, #tpu.memory_space<vmem>>, vector<1x16xf32>,
        %get3A_77 = arith.index_cast %scan3A_63 : i32 to index
        %get3A_78 = arith.constant 16 : index
        %get3A_79 = tpu.vector_load %arg9[%get3A_77, %get3A_78] {strides = array<i32>} : memref<128x64xf32, #tpu.memory_space<vmem>>, vector<1x16xf32>,
        %get3A_80 = vector.shape_cast %get3A_79 : vector<1x16xf32> to vector<16xf32>
        %get3A_81 = arith.index_cast %scan3A_63 : i32 to index
        %get3A_82 = arith.constant 16 : index
        %get3A_83 = tpu.vector_load %arg10[%get3A_81, %get3A_82] {strides = array<i32>} : memref<128x64xf32, #tpu.memory_space<vmem>>, vector<1x16xf32>,
        %get3A_84 = vector.shape_cast %get3A_83 : vector<1x16xf32> to vector<16xf32>
        %mul3A_85 = arith.mulf %get3A_80, %get3A_84 : vector<16xf32>
        %swap3A_86 = arith.index_cast %scan3A_63 : i32 to index
        %swap3A_87 = arith.constant 16 : index
        %swap3A_88 = tpu.vector_load %arg9[%swap3A_86, %swap3A_87] {strides = array<i32>} : memref<128x64xf32, #tpu.memory_space<vmem>>, vector<1x16xf32>,
        %swap3A_89 = vector.shape_cast %swap3A_88 : vector<1x16xf32> to vector<16xf32>
        %swap3A_90 = vector.shape_cast %mul3A_85 : vector<16xf32> to vector<1x16xf32>
        tpu.vector_store %arg9[%swap3A_86, %swap3A_87], %swap3A_90 {strides = array<i32>} : memref<128x64xf32, #tpu.memory_space<vmem>>, vector<1x16xf32>,
        %get3A_91 = arith.index_cast %scan3A_63 : i32 to index
        %get3A_92 = arith.constant 32 : index
        %get3A_93 = tpu.vector_load %arg9[%get3A_91, %get3A_92] {strides = array<i32>} : memref<128x64xf32, #tpu.memory_space<vmem>>, vector<1x16xf32>,
        %get3A_94 = vector.shape_cast %get3A_93 : vector<1x16xf32> to vector<16xf32>
        %get3A_95 = arith.index_cast %scan3A_63 : i32 to index
        %get3A_96 = arith.constant 32 : index
        %get3A_97 = tpu.vector_load %arg10[%get3A_95, %get3A_96] {strides = array<i32>} : memref<128x64xf32, #tpu.memory_space<vmem>>, vector<1x16xf32>,
        %get3A_98 = vector.shape_cast %get3A_97 : vector<1x16xf32> to vector<16xf32>
        %mul3A_99 = arith.mulf %get3A_94, %get3A_98 : vector<16xf32>
        %swap3A_100 = arith.index_cast %scan3A_63 : i32 to index
        %swap3A_101 = arith.constant 32 : index
        %swap3A_102 = tpu.vector_load %arg9[%swap3A_100, %swap3A_101] {strides = array<i32>} : memref<128x64xf32, #tpu.memory_space<vmem>>, vector<1x16xf32>,
        %swap3A_103 = vector.shape_cast %swap3A_102 : vector<1x16xf32> to vector<16xf32>
        %swap3A_104 = vector.shape_cast %mul3A_99 : vector<16xf32> to vector<1x16xf32>
        tpu.vector_store %arg9[%swap3A_100, %swap3A_101], %swap3A_104 {strides = array<i32>} : memref<128x64xf32, #tpu.memory_space<vmem>>, vector<1x16xf32>,
        %get3A_105 = arith.index_cast %scan3A_63 : i32 to index
        %get3A_106 = arith.constant 48 : index
        %get3A_107 = tpu.vector_load %arg9[%get3A_105, %get3A_106] {strides = array<i32>} : memref<128x64xf32, #tpu.memory_space<vmem>>, vector<1x16xf32>,
        %get3A_108 = vector.shape_cast %get3A_107 : vector<1x16xf32> to vector<16xf32>
        %get3A_109 = arith.index_cast %scan3A_63 : i32 to index
        %get3A_110 = arith.constant 48 : index
        %get3A_111 = tpu.vector_load %arg10[%get3A_109, %get3A_110] {strides = array<i32>} : memref<128x64xf32, #tpu.memory_space<vmem>>, vector<1x16xf32>,
        %get3A_112 = vector.shape_cast %get3A_111 : vector<1x16xf32> to vector<16xf32>
        %mul3A_113 = arith.mulf %get3A_108, %get3A_112 : vector<16xf32>
        %swap3A_114 = arith.index_cast %scan3A_63 : i32 to index
        %swap3A_115 = arith.constant 48 : index
        %swap3A_116 = tpu.vector_load %arg9[%swap3A_114, %swap3A_115] {strides = array<i32>} : memref<128x64xf32, #tpu.memory_space<vmem>>, vector<1x16xf32>,
        %swap3A_117 = vector.shape_cast %swap3A_116 : vector<1x16xf32> to vector<16xf32>
        %swap3A_118 = vector.shape_cast %mul3A_113 : vector<16xf32> to vector<1x16xf32>
        tpu.vector_store %arg9[%swap3A_114, %swap3A_115], %swap3A_118 {strides = array<i32>} : memref<128x64xf32, #tpu.memory_space<vmem>>, vector<1x16xf32>,
        %scan3A_119 = arith.constant 0 : i32
        scf.yield %scan3A_119 : i32
      }
      %scan3A_61 = arith.constant 128 : i32
      "tpu.region"() ({
        %run_scoped3A = tpu.sem_alloc : memref<!tpu.dma_semaphore, #tpu.memory_space<semaphore_mem>>
        %dma_start3A = arith.constant 0 : i32
        %dma_start3A_63 = arith.constant 0 : i32
        %dma_start3A_64 = tpu.memref_slice %arg12[%dma_start3A, %dma_start3A_63] : memref<10240x64xf32, #tpu.memory_space<vmem_shared>> -> memref<10240x64xf32, #tpu.memory_space<vmem_shared>>
        tpu.enqueue_indirect_dma source(%arg9 : memref<128x64xf32, #tpu.memory_space<vmem>>) target(%dma_start3A_64 : memref<10240x64xf32, #tpu.memory_space<vmem_shared>>) offsets(%arg8 : memref<128xi32, #tpu.memory_space<vmem>>) semaphore(%run_scoped3A : memref<!tpu.dma_semaphore, #tpu.memory_space<semaphore_mem>>) {add = true}
        %dma_wait3A = arith.constant 0 : i32
        %dma_wait3A_65 = arith.constant 0 : i32
        %dma_wait3A_66 = tpu.memref_slice %arg12[%dma_wait3A, %dma_wait3A_65] : memref<10240x64xf32, #tpu.memory_space<vmem_shared>> -> memref<10240x64xf32, #tpu.memory_space<vmem_shared>>
        tpu.wait_indirect_dma semaphore(%run_scoped3A : memref<!tpu.dma_semaphore, #tpu.memory_space<semaphore_mem>>) src(%arg9 : memref<128x64xf32, #tpu.memory_space<vmem>>) dst(%dma_wait3A_66 : memref<10240x64xf32, #tpu.memory_space<vmem_shared>>)
        tpu.yield
      }) : () -> ()
      %while3A_62 = arith.constant 0 : i32
      scf.yield %while3A_62 : i32
    }
    %while3A_41 = arith.constant 1 : i32
    %while3A_42 = scf.for %while3A_48 = %while3A_38 to %while3A_34 step %while3A_41 iter_args(%while3A_49 = %while3A_40) -> (i32)  : i32 {
      %mul3A_50 = arith.constant 32 : i32
      %mul3A_51 = arith.muli %mul3A_50, %while3A_48 : i32
      %add3A_52 = arith.addi %add3A, %mul3A_51 : i32
      %mul3A_53 = arith.constant 128 : i32
      %mul3A_54 = arith.muli %add3A_52, %mul3A_53 : i32
      "tpu.region"() ({
        %run_scoped3A = tpu.sem_alloc : memref<!tpu.dma_semaphore, #tpu.memory_space<semaphore_mem>>
        %dma_start3A = tpu.memref_slice %arg4[%mul3A_54] : memref<320000xi32, #tpu.memory_space<hbm>> -> memref<128xi32, #tpu.memory_space<hbm>>
        %dma_start3A_63 = tpu.memref_slice %arg4[%mul3A_54] : memref<320000xi32, #tpu.memory_space<hbm>> -> memref<128xi32, #tpu.memory_space<hbm>>
        tpu.enqueue_dma source(%dma_start3A_63 : memref<128xi32, #tpu.memory_space<hbm>>) target(%arg7 : memref<128xi32, #tpu.memory_space<vmem>>) target_semaphore(%run_scoped3A : memref<!tpu.dma_semaphore, #tpu.memory_space<semaphore_mem>>)
        %dma_wait3A = tpu.memref_slice %arg4[%mul3A_54] : memref<320000xi32, #tpu.memory_space<hbm>> -> memref<128xi32, #tpu.memory_space<hbm>>
        %dma_wait3A_64 = tpu.memref_slice %arg4[%mul3A_54] : memref<320000xi32, #tpu.memory_space<hbm>> -> memref<128xi32, #tpu.memory_space<hbm>>
        tpu.wait_dma2 semaphore(%run_scoped3A : memref<!tpu.dma_semaphore, #tpu.memory_space<semaphore_mem>>) src(%dma_wait3A_64 : memref<128xi32, #tpu.memory_space<hbm>>) dst(%arg7 : memref<128xi32, #tpu.memory_space<vmem>>)
        tpu.yield
      }) : () -> ()
      "tpu.region"() ({
        %run_scoped3A = tpu.sem_alloc : memref<!tpu.dma_semaphore, #tpu.memory_space<semaphore_mem>>
        %dma_start3A = tpu.memref_slice %arg5[%mul3A_54] : memref<320000xi32, #tpu.memory_space<hbm>> -> memref<128xi32, #tpu.memory_space<hbm>>
        %dma_start3A_63 = tpu.memref_slice %arg5[%mul3A_54] : memref<320000xi32, #tpu.memory_space<hbm>> -> memref<128xi32, #tpu.memory_space<hbm>>
        tpu.enqueue_dma source(%dma_start3A_63 : memref<128xi32, #tpu.memory_space<hbm>>) target(%arg8 : memref<128xi32, #tpu.memory_space<vmem>>) target_semaphore(%run_scoped3A : memref<!tpu.dma_semaphore, #tpu.memory_space<semaphore_mem>>)
        %dma_wait3A = tpu.memref_slice %arg5[%mul3A_54] : memref<320000xi32, #tpu.memory_space<hbm>> -> memref<128xi32, #tpu.memory_space<hbm>>
        %dma_wait3A_64 = tpu.memref_slice %arg5[%mul3A_54] : memref<320000xi32, #tpu.memory_space<hbm>> -> memref<128xi32, #tpu.memory_space<hbm>>
        tpu.wait_dma2 semaphore(%run_scoped3A : memref<!tpu.dma_semaphore, #tpu.memory_space<semaphore_mem>>) src(%dma_wait3A_64 : memref<128xi32, #tpu.memory_space<hbm>>) dst(%arg8 : memref<128xi32, #tpu.memory_space<vmem>>)
        tpu.yield
      }) : () -> ()
      "tpu.region"() ({
        %run_scoped3A = tpu.sem_alloc : memref<!tpu.dma_semaphore, #tpu.memory_space<semaphore_mem>>
        %dma_start3A = arith.constant 0 : i32
        %dma_start3A_63 = arith.constant 0 : i32
        %dma_start3A_64 = tpu.memref_slice %arg2[%dma_start3A, %dma_start3A_63] : memref<10000x64xf32, #tpu.memory_space<hbm>> -> memref<10000x64xf32, #tpu.memory_space<hbm>>
        tpu.enqueue_indirect_dma source(%dma_start3A_64 : memref<10000x64xf32, #tpu.memory_space<hbm>>) target(%arg9 : memref<128x64xf32, #tpu.memory_space<vmem>>) offsets(%arg7 : memref<128xi32, #tpu.memory_space<vmem>>) semaphore(%run_scoped3A : memref<!tpu.dma_semaphore, #tpu.memory_space<semaphore_mem>>)
        %dma_wait3A = arith.constant 0 : i32
        %dma_wait3A_65 = arith.constant 0 : i32
        %dma_wait3A_66 = tpu.memref_slice %arg2[%dma_wait3A, %dma_wait3A_65] : memref<10000x64xf32, #tpu.memory_space<hbm>> -> memref<10000x64xf32, #tpu.memory_space<hbm>>
        tpu.wait_indirect_dma semaphore(%run_scoped3A : memref<!tpu.dma_semaphore, #tpu.memory_space<semaphore_mem>>) src(%dma_wait3A_66 : memref<10000x64xf32, #tpu.memory_space<hbm>>) dst(%arg9 : memref<128x64xf32, #tpu.memory_space<vmem>>)
        tpu.yield
      }) : () -> ()
      "tpu.region"() ({
        %run_scoped3A = tpu.sem_alloc : memref<!tpu.dma_semaphore, #tpu.memory_space<semaphore_mem>>
        %dma_start3A = arith.constant 0 : i32
        %dma_start3A_63 = tpu.memref_slice %arg3[%mul3A_54, %dma_start3A] : memref<320000x64xf32, #tpu.memory_space<hbm>> -> memref<128x64xf32, #tpu.memory_space<hbm>>
        %dma_start3A_64 = arith.constant 0 : i32
        %dma_start3A_65 = tpu.memref_slice %arg3[%mul3A_54, %dma_start3A_64] : memref<320000x64xf32, #tpu.memory_space<hbm>> -> memref<128x64xf32, #tpu.memory_space<hbm>>
        tpu.enqueue_dma source(%dma_start3A_65 : memref<128x64xf32, #tpu.memory_space<hbm>>) target(%arg10 : memref<128x64xf32, #tpu.memory_space<vmem>>) target_semaphore(%run_scoped3A : memref<!tpu.dma_semaphore, #tpu.memory_space<semaphore_mem>>)
        %dma_wait3A = arith.constant 0 : i32
        %dma_wait3A_66 = tpu.memref_slice %arg3[%mul3A_54, %dma_wait3A] : memref<320000x64xf32, #tpu.memory_space<hbm>> -> memref<128x64xf32, #tpu.memory_space<hbm>>
        %dma_wait3A_67 = arith.constant 0 : i32
        %dma_wait3A_68 = tpu.memref_slice %arg3[%mul3A_54, %dma_wait3A_67] : memref<320000x64xf32, #tpu.memory_space<hbm>> -> memref<128x64xf32, #tpu.memory_space<hbm>>
        tpu.wait_dma2 semaphore(%run_scoped3A : memref<!tpu.dma_semaphore, #tpu.memory_space<semaphore_mem>>) src(%dma_wait3A_68 : memref<128x64xf32, #tpu.memory_space<hbm>>) dst(%arg10 : memref<128x64xf32, #tpu.memory_space<vmem>>)
        tpu.yield
      }) : () -> ()
      %scan3A_55 = arith.constant 0 : i32
      %scan3A_56 = arith.constant 0 : i32
      %scan3A_57 = arith.constant 128 : i32
      %scan3A_58 = arith.addi %scan3A_56, %scan3A_57 : i32
      %scan3A_59 = arith.constant 1 : i32
      %scan3A_60 = scf.for %scan3A_63 = %scan3A_56 to %scan3A_58 step %scan3A_59 iter_args(%scan3A_64 = %scan3A_55) -> (i32)  : i32 {
        %get3A = arith.index_cast %scan3A_63 : i32 to index
        %get3A_65 = arith.constant 0 : index
        %get3A_66 = tpu.vector_load %arg9[%get3A, %get3A_65] {strides = array<i32>} : memref<128x64xf32, #tpu.memory_space<vmem>>, vector<1x16xf32>,
        %get3A_67 = vector.shape_cast %get3A_66 : vector<1x16xf32> to vector<16xf32>
        %get3A_68 = arith.index_cast %scan3A_63 : i32 to index
        %get3A_69 = arith.constant 0 : index
        %get3A_70 = tpu.vector_load %arg10[%get3A_68, %get3A_69] {strides = array<i32>} : memref<128x64xf32, #tpu.memory_space<vmem>>, vector<1x16xf32>,
        %get3A_71 = vector.shape_cast %get3A_70 : vector<1x16xf32> to vector<16xf32>
        %mul3A_72 = arith.mulf %get3A_67, %get3A_71 : vector<16xf32>
        %swap3A = arith.index_cast %scan3A_63 : i32 to index
        %swap3A_73 = arith.constant 0 : index
        %swap3A_74 = tpu.vector_load %arg9[%swap3A, %swap3A_73] {strides = array<i32>} : memref<128x64xf32, #tpu.memory_space<vmem>>, vector<1x16xf32>,
        %swap3A_75 = vector.shape_cast %swap3A_74 : vector<1x16xf32> to vector<16xf32>
        %swap3A_76 = vector.shape_cast %mul3A_72 : vector<16xf32> to vector<1x16xf32>
        tpu.vector_store %arg9[%swap3A, %swap3A_73], %swap3A_76 {strides = array<i32>} : memref<128x64xf32, #tpu.memory_space<vmem>>, vector<1x16xf32>,
        %get3A_77 = arith.index_cast %scan3A_63 : i32 to index
        %get3A_78 = arith.constant 16 : index
        %get3A_79 = tpu.vector_load %arg9[%get3A_77, %get3A_78] {strides = array<i32>} : memref<128x64xf32, #tpu.memory_space<vmem>>, vector<1x16xf32>,
        %get3A_80 = vector.shape_cast %get3A_79 : vector<1x16xf32> to vector<16xf32>
        %get3A_81 = arith.index_cast %scan3A_63 : i32 to index
        %get3A_82 = arith.constant 16 : index
        %get3A_83 = tpu.vector_load %arg10[%get3A_81, %get3A_82] {strides = array<i32>} : memref<128x64xf32, #tpu.memory_space<vmem>>, vector<1x16xf32>,
        %get3A_84 = vector.shape_cast %get3A_83 : vector<1x16xf32> to vector<16xf32>
        %mul3A_85 = arith.mulf %get3A_80, %get3A_84 : vector<16xf32>
        %swap3A_86 = arith.index_cast %scan3A_63 : i32 to index
        %swap3A_87 = arith.constant 16 : index
        %swap3A_88 = tpu.vector_load %arg9[%swap3A_86, %swap3A_87] {strides = array<i32>} : memref<128x64xf32, #tpu.memory_space<vmem>>, vector<1x16xf32>,
        %swap3A_89 = vector.shape_cast %swap3A_88 : vector<1x16xf32> to vector<16xf32>
        %swap3A_90 = vector.shape_cast %mul3A_85 : vector<16xf32> to vector<1x16xf32>
        tpu.vector_store %arg9[%swap3A_86, %swap3A_87], %swap3A_90 {strides = array<i32>} : memref<128x64xf32, #tpu.memory_space<vmem>>, vector<1x16xf32>,
        %get3A_91 = arith.index_cast %scan3A_63 : i32 to index
        %get3A_92 = arith.constant 32 : index
        %get3A_93 = tpu.vector_load %arg9[%get3A_91, %get3A_92] {strides = array<i32>} : memref<128x64xf32, #tpu.memory_space<vmem>>, vector<1x16xf32>,
        %get3A_94 = vector.shape_cast %get3A_93 : vector<1x16xf32> to vector<16xf32>
        %get3A_95 = arith.index_cast %scan3A_63 : i32 to index
        %get3A_96 = arith.constant 32 : index
        %get3A_97 = tpu.vector_load %arg10[%get3A_95, %get3A_96] {strides = array<i32>} : memref<128x64xf32, #tpu.memory_space<vmem>>, vector<1x16xf32>,
        %get3A_98 = vector.shape_cast %get3A_97 : vector<1x16xf32> to vector<16xf32>
        %mul3A_99 = arith.mulf %get3A_94, %get3A_98 : vector<16xf32>
        %swap3A_100 = arith.index_cast %scan3A_63 : i32 to index
        %swap3A_101 = arith.constant 32 : index
        %swap3A_102 = tpu.vector_load %arg9[%swap3A_100, %swap3A_101] {strides = array<i32>} : memref<128x64xf32, #tpu.memory_space<vmem>>, vector<1x16xf32>,
        %swap3A_103 = vector.shape_cast %swap3A_102 : vector<1x16xf32> to vector<16xf32>
        %swap3A_104 = vector.shape_cast %mul3A_99 : vector<16xf32> to vector<1x16xf32>
        tpu.vector_store %arg9[%swap3A_100, %swap3A_101], %swap3A_104 {strides = array<i32>} : memref<128x64xf32, #tpu.memory_space<vmem>>, vector<1x16xf32>,
        %get3A_105 = arith.index_cast %scan3A_63 : i32 to index
        %get3A_106 = arith.constant 48 : index
        %get3A_107 = tpu.vector_load %arg9[%get3A_105, %get3A_106] {strides = array<i32>} : memref<128x64xf32, #tpu.memory_space<vmem>>, vector<1x16xf32>,
        %get3A_108 = vector.shape_cast %get3A_107 : vector<1x16xf32> to vector<16xf32>
        %get3A_109 = arith.index_cast %scan3A_63 : i32 to index
        %get3A_110 = arith.constant 48 : index
        %get3A_111 = tpu.vector_load %arg10[%get3A_109, %get3A_110] {strides = array<i32>} : memref<128x64xf32, #tpu.memory_space<vmem>>, vector<1x16xf32>,
        %get3A_112 = vector.shape_cast %get3A_111 : vector<1x16xf32> to vector<16xf32>
        %mul3A_113 = arith.mulf %get3A_108, %get3A_112 : vector<16xf32>
        %swap3A_114 = arith.index_cast %scan3A_63 : i32 to index
        %swap3A_115 = arith.constant 48 : index
        %swap3A_116 = tpu.vector_load %arg9[%swap3A_114, %swap3A_115] {strides = array<i32>} : memref<128x64xf32, #tpu.memory_space<vmem>>, vector<1x16xf32>,
        %swap3A_117 = vector.shape_cast %swap3A_116 : vector<1x16xf32> to vector<16xf32>
        %swap3A_118 = vector.shape_cast %mul3A_113 : vector<16xf32> to vector<1x16xf32>
        tpu.vector_store %arg9[%swap3A_114, %swap3A_115], %swap3A_118 {strides = array<i32>} : memref<128x64xf32, #tpu.memory_space<vmem>>, vector<1x16xf32>,
        %scan3A_119 = arith.constant 0 : i32
        scf.yield %scan3A_119 : i32
      }
      %scan3A_61 = arith.constant 128 : i32
      "tpu.region"() ({
        %run_scoped3A = tpu.sem_alloc : memref<!tpu.dma_semaphore, #tpu.memory_space<semaphore_mem>>
        %dma_start3A = arith.constant 0 : i32
        %dma_start3A_63 = arith.constant 0 : i32
        %dma_start3A_64 = tpu.memref_slice %arg12[%dma_start3A, %dma_start3A_63] : memref<10240x64xf32, #tpu.memory_space<vmem_shared>> -> memref<10240x64xf32, #tpu.memory_space<vmem_shared>>
        tpu.enqueue_indirect_dma source(%arg9 : memref<128x64xf32, #tpu.memory_space<vmem>>) target(%dma_start3A_64 : memref<10240x64xf32, #tpu.memory_space<vmem_shared>>) offsets(%arg8 : memref<128xi32, #tpu.memory_space<vmem>>) semaphore(%run_scoped3A : memref<!tpu.dma_semaphore, #tpu.memory_space<semaphore_mem>>) {add = true}
        %dma_wait3A = arith.constant 0 : i32
        %dma_wait3A_65 = arith.constant 0 : i32
        %dma_wait3A_66 = tpu.memref_slice %arg12[%dma_wait3A, %dma_wait3A_65] : memref<10240x64xf32, #tpu.memory_space<vmem_shared>> -> memref<10240x64xf32, #tpu.memory_space<vmem_shared>>
        tpu.wait_indirect_dma semaphore(%run_scoped3A : memref<!tpu.dma_semaphore, #tpu.memory_space<semaphore_mem>>) src(%arg9 : memref<128x64xf32, #tpu.memory_space<vmem>>) dst(%dma_wait3A_66 : memref<10240x64xf32, #tpu.memory_space<vmem_shared>>)
        tpu.yield
      }) : () -> ()
      %while3A_62 = arith.constant 0 : i32
      scf.yield %while3A_62 : i32
    }
    %barrier3A_43 = arith.constant 0 : index
    tpu.barrier barrier_id(%barrier3A_43)
    %mul3A_44 = arith.constant 640 : i32
    %mul3A_45 = arith.muli %arg1, %mul3A_44 : i32
    %mul3A_46 = arith.constant 640 : i32
    %mul3A_47 = arith.muli %arg1, %mul3A_46 : i32
    "tpu.region"() ({
      %run_scoped3A = tpu.sem_alloc : memref<!tpu.dma_semaphore, #tpu.memory_space<semaphore_mem>>
      %dma_start3A = arith.constant 0 : i32
      %dma_start3A_48 = tpu.memref_slice %arg6[%arg0, %mul3A_47, %dma_start3A] : memref<2x10240x64xf32, #tpu.memory_space<hbm>> -> memref<1x640x64xf32, #tpu.memory_space<hbm>>
      %dma_start3A_49 = tpu.memref_squeeze %dma_start3A_48 : memref<1x640x64xf32, #tpu.memory_space<hbm>> -> memref<640x64xf32, #tpu.memory_space<hbm>>
      %dma_start3A_50 = arith.constant 0 : i32
      %dma_start3A_51 = tpu.memref_slice %arg12[%mul3A_45, %dma_start3A_50] : memref<10240x64xf32, #tpu.memory_space<vmem_shared>> -> memref<640x64xf32, #tpu.memory_space<vmem_shared>>
      tpu.enqueue_dma source(%dma_start3A_51 : memref<640x64xf32, #tpu.memory_space<vmem_shared>>) target(%dma_start3A_49 : memref<640x64xf32, #tpu.memory_space<hbm>>) target_semaphore(%run_scoped3A : memref<!tpu.dma_semaphore, #tpu.memory_space<semaphore_mem>>)
      %dma_wait3A = arith.constant 0 : i32
      %dma_wait3A_52 = tpu.memref_slice %arg6[%arg0, %mul3A_47, %dma_wait3A] : memref<2x10240x64xf32, #tpu.memory_space<hbm>> -> memref<1x640x64xf32, #tpu.memory_space<hbm>>
      %dma_wait3A_53 = tpu.memref_squeeze %dma_wait3A_52 : memref<1x640x64xf32, #tpu.memory_space<hbm>> -> memref<640x64xf32, #tpu.memory_space<hbm>>
      %dma_wait3A_54 = arith.constant 0 : i32
      %dma_wait3A_55 = tpu.memref_slice %arg12[%mul3A_45, %dma_wait3A_54] : memref<10240x64xf32, #tpu.memory_space<vmem_shared>> -> memref<640x64xf32, #tpu.memory_space<vmem_shared>>
      tpu.wait_dma2 semaphore(%run_scoped3A : memref<!tpu.dma_semaphore, #tpu.memory_space<semaphore_mem>>) src(%dma_wait3A_55 : memref<640x64xf32, #tpu.memory_space<vmem_shared>>) dst(%dma_wait3A_53 : memref<640x64xf32, #tpu.memory_space<hbm>>)
      tpu.yield
    }) : () -> ()
    return
  }
}

module attributes {stable_mosaic.version = 14 : i64} {
  func.func @body(%arg0: i32, %arg1: memref<2000x128xf32, #tpu.memory_space<vmem>>, %arg2: memref<2000x2xf32, #tpu.memory_space<vmem>>, %arg3: memref<128x64xf32, #tpu.memory_space<vmem>>, %arg4: memref<2x64xf32, #tpu.memory_space<vmem>>, %arg5: memref<1x64xf32, #tpu.memory_space<vmem>>, %arg6: memref<2000x64xf32, #tpu.memory_space<vmem>>) attributes {dimension_semantics = [#tpu.dimension_semantics<arbitrary>], iteration_bounds = array<i64: 5>, scalar_prefetch = 0 : i64, scratch_operands = 0 : i64, tpu.core_type = #tpu.core_type<tc>, window_params = [{transform_indices = @transform_0, window_bounds = array<i64: 2000, 128>}, {transform_indices = @transform_1, window_bounds = array<i64: 2000, 2>}, {pipeline_mode = #tpu.pipeline_mode<synchronous>, transform_indices = @transform_2, window_bounds = array<i64: 128, 64>}, {pipeline_mode = #tpu.pipeline_mode<synchronous>, transform_indices = @transform_3, window_bounds = array<i64: 2, 64>}, {pipeline_mode = #tpu.pipeline_mode<synchronous>, transform_indices = @transform_4, window_bounds = array<i64: 1, 64>}, {transform_indices = @transform_5, window_bounds = array<i64: 2000, 64>}]} {
    %get3A = arith.constant 0 : index
    %get3A_0 = arith.constant 0 : index
    %get3A_1 = vector.load %arg1[%get3A, %get3A_0] : memref<2000x128xf32, #tpu.memory_space<vmem>>, vector<2000x128xf32>
    %get3A_2 = arith.constant 0 : index
    %get3A_3 = arith.constant 0 : index
    %get3A_4 = vector.load %arg3[%get3A_2, %get3A_3] : memref<128x64xf32, #tpu.memory_space<vmem>>, vector<128x64xf32>
    %dot_general3A = arith.constant dense<0.000000e+00> : vector<2000x64xf32>
    %dot_general3A_5 = tpu.matmul %get3A_1, %get3A_4, %dot_general3A {dimension_numbers = #tpu.dot_dimension_numbers<[1], [0], [0], [1], [0, 0, 1, 1], [], []>, transpose_lhs_hint = false} : vector<2000x128xf32>, vector<128x64xf32>, vector<2000x64xf32> -> vector<2000x64xf32>
    %get3A_6 = arith.constant 0 : index
    %get3A_7 = arith.constant 0 : index
    %get3A_8 = vector.load %arg2[%get3A_6, %get3A_7] : memref<2000x2xf32, #tpu.memory_space<vmem>>, vector<2000x2xf32>
    %get3A_9 = arith.constant 0 : index
    %get3A_10 = arith.constant 0 : index
    %get3A_11 = vector.load %arg4[%get3A_9, %get3A_10] : memref<2x64xf32, #tpu.memory_space<vmem>>, vector<2x64xf32>
    %dot_general3A_12 = arith.constant dense<0.000000e+00> : vector<2000x64xf32>
    %dot_general3A_13 = tpu.matmul %get3A_8, %get3A_11, %dot_general3A_12 {dimension_numbers = #tpu.dot_dimension_numbers<[1], [0], [0], [1], [0, 0, 1, 1], [], []>, transpose_lhs_hint = false} : vector<2000x2xf32>, vector<2x64xf32>, vector<2000x64xf32> -> vector<2000x64xf32>
    %add3A = arith.addf %dot_general3A_5, %dot_general3A_13 : vector<2000x64xf32>
    %get3A_14 = arith.constant 0 : index
    %get3A_15 = arith.constant 0 : index
    %get3A_16 = vector.load %arg5[%get3A_14, %get3A_15] : memref<1x64xf32, #tpu.memory_space<vmem>>, vector<1x64xf32>
    %add3A_17 = vector.broadcast %get3A_16 : vector<1x64xf32> to vector<2000x64xf32>
    %add3A_18 = arith.addf %add3A, %add3A_17 : vector<2000x64xf32>
    %swap3A = arith.constant 0 : index
    %swap3A_19 = arith.constant 0 : index
    %swap3A_20 = vector.load %arg6[%swap3A, %swap3A_19] : memref<2000x64xf32, #tpu.memory_space<vmem>>, vector<2000x64xf32>
    tpu.vector_store %arg6[%swap3A, %swap3A_19], %add3A_18 {strides = array<i32>} : memref<2000x64xf32, #tpu.memory_space<vmem>>, vector<2000x64xf32>,
    return
  }
  func.func @transform_0(%arg0: i32) -> (i32, i32) {
    %c0_i32 = arith.constant 0 : i32
    %c0_i32_0 = arith.constant 0 : i32
    return %arg0, %c0_i32 : i32, i32
  }
  func.func @transform_1(%arg0: i32) -> (i32, i32) {
    %c0_i32 = arith.constant 0 : i32
    %c0_i32_0 = arith.constant 0 : i32
    return %arg0, %c0_i32 : i32, i32
  }
  func.func @transform_2(%arg0: i32) -> (i32, i32) {
    %c0_i32 = arith.constant 0 : i32
    %c0_i32_0 = arith.constant 0 : i32
    %c0_i32_1 = arith.constant 0 : i32
    return %c0_i32, %c0_i32_0 : i32, i32
  }
  func.func @transform_3(%arg0: i32) -> (i32, i32) {
    %c0_i32 = arith.constant 0 : i32
    %c0_i32_0 = arith.constant 0 : i32
    %c0_i32_1 = arith.constant 0 : i32
    return %c0_i32, %c0_i32_0 : i32, i32
  }
  func.func @transform_4(%arg0: i32) -> (i32, i32) {
    %c0_i32 = arith.constant 0 : i32
    %c0_i32_0 = arith.constant 0 : i32
    %c0_i32_1 = arith.constant 0 : i32
    return %c0_i32, %c0_i32_0 : i32, i32
  }
  func.func @transform_5(%arg0: i32) -> (i32, i32) {
    %c0_i32 = arith.constant 0 : i32
    %c0_i32_0 = arith.constant 0 : i32
    return %arg0, %c0_i32 : i32, i32
  }
}

module attributes {stable_mosaic.version = 14 : i64} {
  func.func @body(%arg0: i32, %arg1: i32, %arg2: memref<4000x2xf32, #tpu.memory_space<vmem>>, %arg3: memref<4000x2xf32, #tpu.memory_space<vmem>>, %arg4: memref<4000x1xf32, #tpu.memory_space<vmem>>, %arg5: memref<1x4x64xf32, #tpu.memory_space<vmem>>, %arg6: memref<1x1x64xf32, #tpu.memory_space<vmem>>, %arg7: memref<1x64x64xf32, #tpu.memory_space<vmem>>, %arg8: memref<1x1x64xf32, #tpu.memory_space<vmem>>, %arg9: memref<1x4000x64xf32, #tpu.memory_space<vmem>>) attributes {dimension_semantics = [#tpu.dimension_semantics<arbitrary>, #tpu.dimension_semantics<arbitrary>], iteration_bounds = array<i64: 4, 80>, scalar_prefetch = 0 : i64, scratch_operands = 0 : i64, tpu.core_type = #tpu.core_type<tc>, window_params = [{transform_indices = @transform_0, window_bounds = array<i64: 4000, 2>}, {transform_indices = @transform_1, window_bounds = array<i64: 4000, 2>}, {transform_indices = @transform_2, window_bounds = array<i64: 4000, 1>}, {transform_indices = @transform_3, window_bounds = array<i64: 1, 4, 64>}, {transform_indices = @transform_4, window_bounds = array<i64: 1, 1, 64>}, {transform_indices = @transform_5, window_bounds = array<i64: 1, 64, 64>}, {transform_indices = @transform_6, window_bounds = array<i64: 1, 1, 64>}, {transform_indices = @transform_7, window_bounds = array<i64: 1, 4000, 64>}]} {
    %get3A = arith.constant 0 : index
    %get3A_0 = arith.constant 0 : index
    %get3A_1 = vector.load %arg2[%get3A, %get3A_0] : memref<4000x2xf32, #tpu.memory_space<vmem>>, vector<4000x2xf32>
    %get3A_2 = arith.constant 0 : index
    %get3A_3 = arith.constant 0 : index
    %get3A_4 = arith.constant 0 : index
    %get3A_5 = vector.load %arg5[%get3A_2, %get3A_3, %get3A_4] : memref<1x4x64xf32, #tpu.memory_space<vmem>>, vector<1x2x64xf32>
    %get3A_6 = vector.shape_cast %get3A_5 : vector<1x2x64xf32> to vector<2x64xf32>
    %dot_general3A = arith.constant dense<0.000000e+00> : vector<4000x64xf32>
    %dot_general3A_7 = tpu.matmul %get3A_1, %get3A_6, %dot_general3A {dimension_numbers = #tpu.dot_dimension_numbers<[1], [0], [0], [1], [0, 0, 1, 1], [], []>, transpose_lhs_hint = false} : vector<4000x2xf32>, vector<2x64xf32>, vector<4000x64xf32> -> vector<4000x64xf32>
    %get3A_8 = arith.constant 0 : index
    %get3A_9 = arith.constant 0 : index
    %get3A_10 = vector.load %arg3[%get3A_8, %get3A_9] : memref<4000x2xf32, #tpu.memory_space<vmem>>, vector<4000x2xf32>
    %get3A_11 = arith.constant 0 : index
    %get3A_12 = arith.constant 2 : index
    %get3A_13 = arith.constant 0 : index
    %get3A_14 = vector.load %arg5[%get3A_11, %get3A_12, %get3A_13] : memref<1x4x64xf32, #tpu.memory_space<vmem>>, vector<1x2x64xf32>
    %get3A_15 = vector.shape_cast %get3A_14 : vector<1x2x64xf32> to vector<2x64xf32>
    %dot_general3A_16 = arith.constant dense<0.000000e+00> : vector<4000x64xf32>
    %dot_general3A_17 = tpu.matmul %get3A_10, %get3A_15, %dot_general3A_16 {dimension_numbers = #tpu.dot_dimension_numbers<[1], [0], [0], [1], [0, 0, 1, 1], [], []>, transpose_lhs_hint = false} : vector<4000x2xf32>, vector<2x64xf32>, vector<4000x64xf32> -> vector<4000x64xf32>
    %add3A = arith.addf %dot_general3A_7, %dot_general3A_17 : vector<4000x64xf32>
    %get3A_18 = arith.constant 0 : index
    %get3A_19 = arith.constant 0 : index
    %get3A_20 = arith.constant 0 : index
    %get3A_21 = vector.load %arg6[%get3A_18, %get3A_19, %get3A_20] : memref<1x1x64xf32, #tpu.memory_space<vmem>>, vector<1x1x64xf32>
    %get3A_22 = vector.shape_cast %get3A_21 : vector<1x1x64xf32> to vector<1x64xf32>
    %add3A_23 = vector.broadcast %get3A_22 : vector<1x64xf32> to vector<4000x64xf32>
    %add3A_24 = arith.addf %add3A, %add3A_23 : vector<4000x64xf32>
    %integer_pow3A = arith.mulf %add3A_24, %add3A_24 : vector<4000x64xf32>
    %integer_pow3A_25 = arith.mulf %add3A_24, %integer_pow3A : vector<4000x64xf32>
    %mul3A = arith.constant 4.471500e-02 : f32
    %mul3A_26 = vector.broadcast %mul3A : f32 to vector<4000x64xf32>
    %mul3A_27 = arith.mulf %mul3A_26, %integer_pow3A_25 : vector<4000x64xf32>
    %add3A_28 = arith.addf %add3A_24, %mul3A_27 : vector<4000x64xf32>
    %mul3A_29 = arith.constant 0.797884583 : f32
    %mul3A_30 = vector.broadcast %mul3A_29 : f32 to vector<4000x64xf32>
    %mul3A_31 = arith.mulf %mul3A_30, %add3A_28 : vector<4000x64xf32>
    %tanh3A = math.tanh %mul3A_31 : vector<4000x64xf32>
    %add3A_32 = arith.constant 1.000000e+00 : f32
    %add3A_33 = vector.broadcast %add3A_32 : f32 to vector<4000x64xf32>
    %add3A_34 = arith.addf %add3A_33, %tanh3A : vector<4000x64xf32>
    %mul3A_35 = arith.constant 5.000000e-01 : f32
    %mul3A_36 = vector.broadcast %mul3A_35 : f32 to vector<4000x64xf32>
    %mul3A_37 = arith.mulf %mul3A_36, %add3A_34 : vector<4000x64xf32>
    %mul3A_38 = arith.mulf %add3A_24, %mul3A_37 : vector<4000x64xf32>
    %get3A_39 = arith.constant 0 : index
    %get3A_40 = arith.constant 0 : index
    %get3A_41 = arith.constant 0 : index
    %get3A_42 = vector.load %arg7[%get3A_39, %get3A_40, %get3A_41] : memref<1x64x64xf32, #tpu.memory_space<vmem>>, vector<1x64x64xf32>
    %get3A_43 = vector.shape_cast %get3A_42 : vector<1x64x64xf32> to vector<64x64xf32>
    %dot_general3A_44 = arith.constant dense<0.000000e+00> : vector<4000x64xf32>
    %dot_general3A_45 = tpu.matmul %mul3A_38, %get3A_43, %dot_general3A_44 {dimension_numbers = #tpu.dot_dimension_numbers<[1], [0], [0], [1], [0, 0, 1, 1], [], []>, transpose_lhs_hint = false} : vector<4000x64xf32>, vector<64x64xf32>, vector<4000x64xf32> -> vector<4000x64xf32>
    %get3A_46 = arith.constant 0 : index
    %get3A_47 = arith.constant 0 : index
    %get3A_48 = arith.constant 0 : index
    %get3A_49 = vector.load %arg8[%get3A_46, %get3A_47, %get3A_48] : memref<1x1x64xf32, #tpu.memory_space<vmem>>, vector<1x1x64xf32>
    %get3A_50 = vector.shape_cast %get3A_49 : vector<1x1x64xf32> to vector<1x64xf32>
    %add3A_51 = vector.broadcast %get3A_50 : vector<1x64xf32> to vector<4000x64xf32>
    %add3A_52 = arith.addf %dot_general3A_45, %add3A_51 : vector<4000x64xf32>
    %get3A_53 = arith.constant 0 : index
    %get3A_54 = arith.constant 0 : index
    %get3A_55 = vector.load %arg4[%get3A_53, %get3A_54] : memref<4000x1xf32, #tpu.memory_space<vmem>>, vector<4000x1xf32>
    %mul3A_56 = vector.broadcast %get3A_55 : vector<4000x1xf32> to vector<4000x64xf32>
    %mul3A_57 = arith.mulf %add3A_52, %mul3A_56 : vector<4000x64xf32>
    %swap3A = arith.constant 0 : index
    %swap3A_58 = arith.constant 0 : index
    %swap3A_59 = arith.constant 0 : index
    %swap3A_60 = vector.load %arg9[%swap3A, %swap3A_58, %swap3A_59] : memref<1x4000x64xf32, #tpu.memory_space<vmem>>, vector<1x4000x64xf32>
    %swap3A_61 = vector.shape_cast %swap3A_60 : vector<1x4000x64xf32> to vector<4000x64xf32>
    %swap3A_62 = vector.shape_cast %mul3A_57 : vector<4000x64xf32> to vector<1x4000x64xf32>
    tpu.vector_store %arg9[%swap3A, %swap3A_58, %swap3A_59], %swap3A_62 {strides = array<i32>} : memref<1x4000x64xf32, #tpu.memory_space<vmem>>, vector<1x4000x64xf32>,
    return
  }
  func.func @transform_0(%arg0: i32, %arg1: i32) -> (i32, i32) {
    %c0_i32 = arith.constant 0 : i32
    %c0_i32_0 = arith.constant 0 : i32
    return %arg1, %c0_i32 : i32, i32
  }
  func.func @transform_1(%arg0: i32, %arg1: i32) -> (i32, i32) {
    %c0_i32 = arith.constant 0 : i32
    %c0_i32_0 = arith.constant 0 : i32
    return %arg1, %c0_i32 : i32, i32
  }
  func.func @transform_2(%arg0: i32, %arg1: i32) -> (i32, i32) {
    %c0_i32 = arith.constant 0 : i32
    %c0_i32_0 = arith.constant 0 : i32
    return %arg1, %c0_i32 : i32, i32
  }
  func.func @transform_3(%arg0: i32, %arg1: i32) -> (i32, i32, i32) {
    %c0_i32 = arith.constant 0 : i32
    %c0_i32_0 = arith.constant 0 : i32
    %c0_i32_1 = arith.constant 0 : i32
    return %arg0, %c0_i32, %c0_i32_0 : i32, i32, i32
  }
  func.func @transform_4(%arg0: i32, %arg1: i32) -> (i32, i32, i32) {
    %c0_i32 = arith.constant 0 : i32
    %c0_i32_0 = arith.constant 0 : i32
    %c0_i32_1 = arith.constant 0 : i32
    return %arg0, %c0_i32, %c0_i32_0 : i32, i32, i32
  }
  func.func @transform_5(%arg0: i32, %arg1: i32) -> (i32, i32, i32) {
    %c0_i32 = arith.constant 0 : i32
    %c0_i32_0 = arith.constant 0 : i32
    %c0_i32_1 = arith.constant 0 : i32
    return %arg0, %c0_i32, %c0_i32_0 : i32, i32, i32
  }
  func.func @transform_6(%arg0: i32, %arg1: i32) -> (i32, i32, i32) {
    %c0_i32 = arith.constant 0 : i32
    %c0_i32_0 = arith.constant 0 : i32
    %c0_i32_1 = arith.constant 0 : i32
    return %arg0, %c0_i32, %c0_i32_0 : i32, i32, i32
  }
  func.func @transform_7(%arg0: i32, %arg1: i32) -> (i32, i32, i32) {
    %c0_i32 = arith.constant 0 : i32
    %c0_i32_0 = arith.constant 0 : i32
    return %arg0, %arg1, %c0_i32 : i32, i32, i32
  }
}

module attributes {stable_mosaic.version = 14 : i64} {
  func.func @body(%arg0: i32, %arg1: memref<2x2000x64xf32, #tpu.memory_space<vmem>>, %arg2: memref<2x2000x16xf32, #tpu.memory_space<vmem>>, %arg3: memref<2000x64xf32, #tpu.memory_space<vmem>>, %arg4: memref<2000x64xf32, #tpu.memory_space<vmem>>) attributes {dimension_semantics = [#tpu.dimension_semantics<arbitrary>], iteration_bounds = array<i64: 5>, scalar_prefetch = 0 : i64, scratch_operands = 0 : i64, tpu.core_type = #tpu.core_type<tc>, window_params = [{transform_indices = @transform_0, window_bounds = array<i64: 2, 2000, 64>}, {transform_indices = @transform_1, window_bounds = array<i64: 2, 2000, 16>}, {transform_indices = @transform_2, window_bounds = array<i64: 2000, 64>}, {transform_indices = @transform_3, window_bounds = array<i64: 2000, 64>}]} {
    %get3A = arith.constant 0 : index
    %get3A_0 = arith.constant 0 : index
    %get3A_1 = arith.constant 0 : index
    %get3A_2 = vector.load %arg1[%get3A, %get3A_0, %get3A_1] : memref<2x2000x64xf32, #tpu.memory_space<vmem>>, vector<1x2000x64xf32>
    %get3A_3 = vector.shape_cast %get3A_2 : vector<1x2000x64xf32> to vector<2000x64xf32>
    %get3A_4 = arith.constant 1 : index
    %get3A_5 = arith.constant 0 : index
    %get3A_6 = arith.constant 0 : index
    %get3A_7 = vector.load %arg1[%get3A_4, %get3A_5, %get3A_6] : memref<2x2000x64xf32, #tpu.memory_space<vmem>>, vector<1x2000x64xf32>
    %get3A_8 = vector.shape_cast %get3A_7 : vector<1x2000x64xf32> to vector<2000x64xf32>
    %add3A = arith.addf %get3A_3, %get3A_8 : vector<2000x64xf32>
    %get3A_9 = arith.constant 0 : index
    %get3A_10 = arith.constant 0 : index
    %get3A_11 = arith.constant 0 : index
    %get3A_12 = vector.load %arg2[%get3A_9, %get3A_10, %get3A_11] : memref<2x2000x16xf32, #tpu.memory_space<vmem>>, vector<1x2000x1xf32>
    %get3A_13 = vector.shape_cast %get3A_12 : vector<1x2000x1xf32> to vector<2000x1xf32>
    %get3A_14 = arith.constant 1 : index
    %get3A_15 = arith.constant 0 : index
    %get3A_16 = arith.constant 0 : index
    %get3A_17 = vector.load %arg2[%get3A_14, %get3A_15, %get3A_16] : memref<2x2000x16xf32, #tpu.memory_space<vmem>>, vector<1x2000x1xf32>
    %get3A_18 = vector.shape_cast %get3A_17 : vector<1x2000x1xf32> to vector<2000x1xf32>
    %add3A_19 = arith.addf %get3A_13, %get3A_18 : vector<2000x1xf32>
    %jit3A = arith.constant 1.000000e+00 : f32
    %max3A = vector.broadcast %jit3A : f32 to vector<2000x1xf32>
    %max3A_20 = arith.maximumf %max3A, %add3A_19 : vector<2000x1xf32>
    %div3A = vector.broadcast %max3A_20 : vector<2000x1xf32> to vector<2000x64xf32>
    %div3A_21 = arith.divf %add3A, %div3A : vector<2000x64xf32>
    %get3A_22 = arith.constant 0 : index
    %get3A_23 = arith.constant 0 : index
    %get3A_24 = vector.load %arg3[%get3A_22, %get3A_23] : memref<2000x64xf32, #tpu.memory_space<vmem>>, vector<2000x64xf32>
    %add3A_25 = arith.addf %div3A_21, %get3A_24 : vector<2000x64xf32>
    %integer_pow3A = arith.mulf %add3A_25, %add3A_25 : vector<2000x64xf32>
    %integer_pow3A_26 = arith.mulf %add3A_25, %integer_pow3A : vector<2000x64xf32>
    %mul3A = arith.constant 4.471500e-02 : f32
    %mul3A_27 = vector.broadcast %mul3A : f32 to vector<2000x64xf32>
    %mul3A_28 = arith.mulf %mul3A_27, %integer_pow3A_26 : vector<2000x64xf32>
    %add3A_29 = arith.addf %add3A_25, %mul3A_28 : vector<2000x64xf32>
    %mul3A_30 = arith.constant 0.797884583 : f32
    %mul3A_31 = vector.broadcast %mul3A_30 : f32 to vector<2000x64xf32>
    %mul3A_32 = arith.mulf %mul3A_31, %add3A_29 : vector<2000x64xf32>
    %tanh3A = math.tanh %mul3A_32 : vector<2000x64xf32>
    %add3A_33 = arith.constant 1.000000e+00 : f32
    %add3A_34 = vector.broadcast %add3A_33 : f32 to vector<2000x64xf32>
    %add3A_35 = arith.addf %add3A_34, %tanh3A : vector<2000x64xf32>
    %mul3A_36 = arith.constant 5.000000e-01 : f32
    %mul3A_37 = vector.broadcast %mul3A_36 : f32 to vector<2000x64xf32>
    %mul3A_38 = arith.mulf %mul3A_37, %add3A_35 : vector<2000x64xf32>
    %mul3A_39 = arith.mulf %add3A_25, %mul3A_38 : vector<2000x64xf32>
    %swap3A = arith.constant 0 : index
    %swap3A_40 = arith.constant 0 : index
    %swap3A_41 = vector.load %arg4[%swap3A, %swap3A_40] : memref<2000x64xf32, #tpu.memory_space<vmem>>, vector<2000x64xf32>
    tpu.vector_store %arg4[%swap3A, %swap3A_40], %mul3A_39 {strides = array<i32>} : memref<2000x64xf32, #tpu.memory_space<vmem>>, vector<2000x64xf32>,
    return
  }
  func.func @transform_0(%arg0: i32) -> (i32, i32, i32) {
    %c0_i32 = arith.constant 0 : i32
    %c0_i32_0 = arith.constant 0 : i32
    %c0_i32_1 = arith.constant 0 : i32
    return %c0_i32, %arg0, %c0_i32_0 : i32, i32, i32
  }
  func.func @transform_1(%arg0: i32) -> (i32, i32, i32) {
    %c0_i32 = arith.constant 0 : i32
    %c0_i32_0 = arith.constant 0 : i32
    %c0_i32_1 = arith.constant 0 : i32
    return %c0_i32, %arg0, %c0_i32_0 : i32, i32, i32
  }
  func.func @transform_2(%arg0: i32) -> (i32, i32) {
    %c0_i32 = arith.constant 0 : i32
    %c0_i32_0 = arith.constant 0 : i32
    return %arg0, %c0_i32 : i32, i32
  }
  func.func @transform_3(%arg0: i32) -> (i32, i32) {
    %c0_i32 = arith.constant 0 : i32
    %c0_i32_0 = arith.constant 0 : i32
    return %arg0, %c0_i32 : i32, i32
  }
}

module attributes {stable_mosaic.version = 14 : i64} {
  func.func @body(%arg0: i32, %arg1: memref<2x2000x64xf32, #tpu.memory_space<vmem>>, %arg2: memref<2x2000x16xf32, #tpu.memory_space<vmem>>, %arg3: memref<2000x64xf32, #tpu.memory_space<vmem>>, %arg4: memref<64x1xf32, #tpu.memory_space<vmem>>, %arg5: memref<1x1xf32, #tpu.memory_space<vmem>>, %arg6: memref<2000x1xf32, #tpu.memory_space<vmem>>) attributes {dimension_semantics = [#tpu.dimension_semantics<arbitrary>], iteration_bounds = array<i64: 5>, scalar_prefetch = 0 : i64, scratch_operands = 0 : i64, tpu.core_type = #tpu.core_type<tc>, window_params = [{transform_indices = @transform_0, window_bounds = array<i64: 2, 2000, 64>}, {transform_indices = @transform_1, window_bounds = array<i64: 2, 2000, 16>}, {transform_indices = @transform_2, window_bounds = array<i64: 2000, 64>}, {pipeline_mode = #tpu.pipeline_mode<synchronous>, transform_indices = @transform_3, window_bounds = array<i64: 64, 1>}, {pipeline_mode = #tpu.pipeline_mode<synchronous>, transform_indices = @transform_4, window_bounds = array<i64: 1, 1>}, {transform_indices = @transform_5, window_bounds = array<i64: 2000, 1>}]} {
    %get3A = arith.constant 0 : index
    %get3A_0 = arith.constant 0 : index
    %get3A_1 = arith.constant 0 : index
    %get3A_2 = vector.load %arg1[%get3A, %get3A_0, %get3A_1] : memref<2x2000x64xf32, #tpu.memory_space<vmem>>, vector<1x2000x64xf32>
    %get3A_3 = vector.shape_cast %get3A_2 : vector<1x2000x64xf32> to vector<2000x64xf32>
    %get3A_4 = arith.constant 1 : index
    %get3A_5 = arith.constant 0 : index
    %get3A_6 = arith.constant 0 : index
    %get3A_7 = vector.load %arg1[%get3A_4, %get3A_5, %get3A_6] : memref<2x2000x64xf32, #tpu.memory_space<vmem>>, vector<1x2000x64xf32>
    %get3A_8 = vector.shape_cast %get3A_7 : vector<1x2000x64xf32> to vector<2000x64xf32>
    %add3A = arith.addf %get3A_3, %get3A_8 : vector<2000x64xf32>
    %get3A_9 = arith.constant 0 : index
    %get3A_10 = arith.constant 0 : index
    %get3A_11 = arith.constant 0 : index
    %get3A_12 = vector.load %arg2[%get3A_9, %get3A_10, %get3A_11] : memref<2x2000x16xf32, #tpu.memory_space<vmem>>, vector<1x2000x1xf32>
    %get3A_13 = vector.shape_cast %get3A_12 : vector<1x2000x1xf32> to vector<2000x1xf32>
    %get3A_14 = arith.constant 1 : index
    %get3A_15 = arith.constant 0 : index
    %get3A_16 = arith.constant 0 : index
    %get3A_17 = vector.load %arg2[%get3A_14, %get3A_15, %get3A_16] : memref<2x2000x16xf32, #tpu.memory_space<vmem>>, vector<1x2000x1xf32>
    %get3A_18 = vector.shape_cast %get3A_17 : vector<1x2000x1xf32> to vector<2000x1xf32>
    %add3A_19 = arith.addf %get3A_13, %get3A_18 : vector<2000x1xf32>
    %jit3A = arith.constant 1.000000e+00 : f32
    %max3A = vector.broadcast %jit3A : f32 to vector<2000x1xf32>
    %max3A_20 = arith.maximumf %max3A, %add3A_19 : vector<2000x1xf32>
    %div3A = vector.broadcast %max3A_20 : vector<2000x1xf32> to vector<2000x64xf32>
    %div3A_21 = arith.divf %add3A, %div3A : vector<2000x64xf32>
    %get3A_22 = arith.constant 0 : index
    %get3A_23 = arith.constant 0 : index
    %get3A_24 = vector.load %arg3[%get3A_22, %get3A_23] : memref<2000x64xf32, #tpu.memory_space<vmem>>, vector<2000x64xf32>
    %add3A_25 = arith.addf %div3A_21, %get3A_24 : vector<2000x64xf32>
    %integer_pow3A = arith.mulf %add3A_25, %add3A_25 : vector<2000x64xf32>
    %integer_pow3A_26 = arith.mulf %add3A_25, %integer_pow3A : vector<2000x64xf32>
    %mul3A = arith.constant 4.471500e-02 : f32
    %mul3A_27 = vector.broadcast %mul3A : f32 to vector<2000x64xf32>
    %mul3A_28 = arith.mulf %mul3A_27, %integer_pow3A_26 : vector<2000x64xf32>
    %add3A_29 = arith.addf %add3A_25, %mul3A_28 : vector<2000x64xf32>
    %mul3A_30 = arith.constant 0.797884583 : f32
    %mul3A_31 = vector.broadcast %mul3A_30 : f32 to vector<2000x64xf32>
    %mul3A_32 = arith.mulf %mul3A_31, %add3A_29 : vector<2000x64xf32>
    %tanh3A = math.tanh %mul3A_32 : vector<2000x64xf32>
    %add3A_33 = arith.constant 1.000000e+00 : f32
    %add3A_34 = vector.broadcast %add3A_33 : f32 to vector<2000x64xf32>
    %add3A_35 = arith.addf %add3A_34, %tanh3A : vector<2000x64xf32>
    %mul3A_36 = arith.constant 5.000000e-01 : f32
    %mul3A_37 = vector.broadcast %mul3A_36 : f32 to vector<2000x64xf32>
    %mul3A_38 = arith.mulf %mul3A_37, %add3A_35 : vector<2000x64xf32>
    %mul3A_39 = arith.mulf %add3A_25, %mul3A_38 : vector<2000x64xf32>
    %get3A_40 = arith.constant 0 : index
    %get3A_41 = arith.constant 0 : index
    %get3A_42 = vector.load %arg4[%get3A_40, %get3A_41] : memref<64x1xf32, #tpu.memory_space<vmem>>, vector<64x1xf32>
    %dot_general3A = arith.constant dense<0.000000e+00> : vector<2000x1xf32>
    %dot_general3A_43 = tpu.matmul %mul3A_39, %get3A_42, %dot_general3A {dimension_numbers = #tpu.dot_dimension_numbers<[1], [0], [0], [1], [0, 0, 1, 1], [], []>, transpose_lhs_hint = false} : vector<2000x64xf32>, vector<64x1xf32>, vector<2000x1xf32> -> vector<2000x1xf32>
    %get3A_44 = arith.constant 0 : index
    %get3A_45 = arith.constant 0 : index
    %get3A_46 = vector.load %arg5[%get3A_44, %get3A_45] : memref<1x1xf32, #tpu.memory_space<vmem>>, vector<1x1xf32>
    %add3A_47 = vector.broadcast %get3A_46 : vector<1x1xf32> to vector<2000x1xf32>
    %add3A_48 = arith.addf %dot_general3A_43, %add3A_47 : vector<2000x1xf32>
    %swap3A = arith.constant 0 : index
    %swap3A_49 = arith.constant 0 : index
    %swap3A_50 = vector.load %arg6[%swap3A, %swap3A_49] : memref<2000x1xf32, #tpu.memory_space<vmem>>, vector<2000x1xf32>
    tpu.vector_store %arg6[%swap3A, %swap3A_49], %add3A_48 {strides = array<i32>} : memref<2000x1xf32, #tpu.memory_space<vmem>>, vector<2000x1xf32>,
    return
  }
  func.func @transform_0(%arg0: i32) -> (i32, i32, i32) {
    %c0_i32 = arith.constant 0 : i32
    %c0_i32_0 = arith.constant 0 : i32
    %c0_i32_1 = arith.constant 0 : i32
    return %c0_i32, %arg0, %c0_i32_0 : i32, i32, i32
  }
  func.func @transform_1(%arg0: i32) -> (i32, i32, i32) {
    %c0_i32 = arith.constant 0 : i32
    %c0_i32_0 = arith.constant 0 : i32
    %c0_i32_1 = arith.constant 0 : i32
    return %c0_i32, %arg0, %c0_i32_0 : i32, i32, i32
  }
  func.func @transform_2(%arg0: i32) -> (i32, i32) {
    %c0_i32 = arith.constant 0 : i32
    %c0_i32_0 = arith.constant 0 : i32
    return %arg0, %c0_i32 : i32, i32
  }
  func.func @transform_3(%arg0: i32) -> (i32, i32) {
    %c0_i32 = arith.constant 0 : i32
    %c0_i32_0 = arith.constant 0 : i32
    %c0_i32_1 = arith.constant 0 : i32
    return %c0_i32, %c0_i32_0 : i32, i32
  }
  func.func @transform_4(%arg0: i32) -> (i32, i32) {
    %c0_i32 = arith.constant 0 : i32
    %c0_i32_0 = arith.constant 0 : i32
    %c0_i32_1 = arith.constant 0 : i32
    return %c0_i32, %c0_i32_0 : i32, i32
  }
  func.func @transform_5(%arg0: i32) -> (i32, i32) {
    %c0_i32 = arith.constant 0 : i32
    %c0_i32_0 = arith.constant 0 : i32
    return %arg0, %c0_i32 : i32, i32
  }
}

</mosaic_0001>

<sc_bundles>
// kernel: kernel.13.cloned.1.call-start
scs
__scs_entry_jumppad:
0x0: {  	(pc) =	sbr.rel $0x88, $3  }
0x1: {  	(tag) =	ssettag $0x0;
	lr =	simm.s32 $0x1  }
0x2: {  	[smem:$0x3F95] =	sst lr;
	_ =	strace $0xD0000000  }
0x3: {  	_ = 	snop  }
0x4: {  	_ = 	snop  }
0x5: {  	_ = 	snop  }
0x6: {  	_ = 	snop  }
0x7: {  	_ = 	snop  }
__scs_overlays_trampoline_lowered:
0x8: {  	[smem:$0x3FA4] =	sst s0  }
0x9: {  	[smem:$0x3FA5] =	sst s1  }
0xa: {  	[smem:$0x3FA6] =	sst s2  }
0xb: {  	[smem:$0x3FA7] =	sst s3  }
0xc: {  	[smem:$0x3FA8] =	sst s4  }
0xd: {  	[smem:$0x3FA9] =	sst s5  }
0xe: {  	[smem:$0x3FAA] =	sst s6  }
0xf: {  	[smem:$0x3FAB] =	sst s7  }
0x10: {  	[smem:$0x3FAC] =	sst s8  }
0x11: {  	[smem:$0x3FAD] =	sst s9;
	s0 =	simm.s32 @!p0 $0x0  }
0x12: {  	s1 =	sld [smem:$0x3F93];
	s0 =	simm.s32 @p0 $0x1  }
0x13: {  	[smem:$0x3FAE] =	sst s0;
	s0 =	simm.s32 @!p1 $0x0  }
0x14: {  	s2 =	sld [smem:$0x3F92];
	s0 =	simm.s32 @p1 $0x1  }
0x15: {  	[smem:$0x3FAF] =	sst s0;
	s0 =	simm.s32 @!p2 $0x0  }
0x16: {  	s3 =	sld [smem:$0x3FDB];
	s0 =	simm.s32 @p2 $0x1  }
0x17: {  	s4 =	simm.s32 $0x1BF5;
	[smem:$0x3FB1] =	sst s0  }
0x18: {  	s0 =	sld [smem:$0x3F94];
	_ =	swait.ge [sflag:s4], $0x0  }
0x19: {  	s7 =	sld [smem:$0x3F95]  }
0x1a: {  	s8 =	sadd.s32 $0xFFFFE003, lr  }
0x1b: {  	s9 =	sadd.s32 $0xFFFFFEF7, lr;
	s5 =	simm.s32 $0xFFFFFFFF;
	p2 =	slt.u32 s8, $0xFFFFF086  }
0x1c: {  	p1 =	slt.u32 s9, $0xF7A;
	s5 =	simm.s32 @!p2 $0x0  }
0x1d: {  	s5 =	simm.s32 @p1 $0x1;
	p0 =	seq.s32 s7, s2  }
0x1e: {  	s7 =	smul.u32 @!p0 $0xF7A, s2;
	p2 =	seq.s32 @!p0 s5, $0x0  }
0x1f: {  	s9 =	smul.u32 $0xF7A, s1;
	s8 =	simm.s32 @!p0 $0x1BF5;
	p2 =	por !p2, p0  }
0x20: {  	[sflag:s8] =	ssyncset.s32 @!p0 $0xFFFFF086;
	s6 =	sadd.s32 @!p0 s3, s7;
	s7 =	simm.s32 @!p0 $0x108  }
0x21: {  	s3 =	sadd.s32 s3, s9;
	s6 =	sadd.s32 @!p0 $0x88, s6;
	s7 =	simm.s32 @p2 $0x1082  }
0x22: {  	[simem:s7], [sflag:s8] =	dma.local @!p0 [hbm:s6], $0xF7A  }
0x23: {  	s9 =	sor.u32 $0xD0000000, s2;
	s6 =	simm.s32 $0x108;
	_ =	swait.ge @!p0 [sflag:s8], $0x0  }
0x24: {  	s3 =	sadd.s32 $0x88, s3;
	s6 =	simm.s32 @!p1 $0x1082;
	[sflag:s4] =	ssyncset.s32 $0xFFFFF086  }
0x25: {  	[simem:s6], [sflag:s4] =	dma.local [hbm:s3], $0xF7A  }
0x26: {  	[smem:$0x3F95] =	sst s1;
	(tag) =	ssettag s2;
	_ =	strace s9  }
0x27: {  	s1 =	sld [smem:$0x3FA5]  }
0x28: {  	s2 =	sld [smem:$0x3FA6]  }
0x29: {  	s4 =	sld [smem:$0x3FA8]  }
0x2a: {  	p0 =	seq.s32 s5, $0x0;
	s5 =	sld [smem:$0x3FA9]  }
0x2b: {  	s6 =	sld [smem:$0x3FAA]  }
0x2c: {  	s7 =	sld [smem:$0x3FAB]  }
0x2d: {  	s3 =	simm.s32 $0x108;
	s8 =	sld [smem:$0x3FAC]  }
0x2e: {  	s3 =	simm.s32 @!p0 $0x1082;
	s9 =	sld [smem:$0x3FAD]  }
0x2f: {  	lr =	sadd.s32 s0, s3;
	s0 =	sld [smem:$0x3FA4]  }
0x30: {  	s3 =	sld [smem:$0x3FA7]  }
0x31: {  	[smem:$0x3FB0] =	sst s10  }
0x32: {  	s10 =	sld [smem:$0x3FAE];
	_ =	sdelay $0x3  }
0x33: {  	p0 =	seq.s32 s10, $0x1;
	s10 =	sld [smem:$0x3FB0];
	_ =	sdelay $0x3  }
0x34: {  	[smem:$0x3FB0] =	sst s10  }
0x35: {  	s10 =	sld [smem:$0x3FAF];
	_ =	sdelay $0x3  }
0x36: {  	p1 =	seq.s32 s10, $0x1;
	s10 =	sld [smem:$0x3FB0];
	_ =	sdelay $0x3  }
0x37: {  	[smem:$0x3FB0] =	sst s10  }
0x38: {  	s10 =	sld [smem:$0x3FB1]  }
0x39: {  	_ = 	snop;
	(pc) =	sbr.ind lr, $3  }
0x3a: {  	_ = 	snop  }
0x3b: {  	_ = 	snop  }
0x3c: {  	p2 =	seq.s32 s10, $0x1;
	s10 =	sld [smem:$0x3FB0]  }
0x3d: {  	_ =	shalt  }
0x3e: {  	_ =	shalt  }
0x3f: {  	_ =	shalt  }
0x40: {  	_ =	shalt  }
0x41: {  	_ =	shalt  }
0x42: {  	_ =	shalt  }
0x43: {  	_ =	shalt  }
0x44: {  	_ =	shalt  }
0x45: {  	_ =	shalt  }
0x46: {  	_ =	shalt  }
0x47: {  	_ =	shalt  }
0x48: {  	_ =	shalt  }
0x49: {  	_ =	shalt  }
0x4a: {  	_ =	shalt  }
0x4b: {  	_ =	shalt  }
0x4c: {  	_ =	shalt  }
0x4d: {  	_ =	shalt  }
0x4e: {  	_ =	shalt  }
0x4f: {  	_ =	shalt  }
0x50: {  	_ =	shalt  }
0x51: {  	_ =	shalt  }
0x52: {  	_ =	shalt  }
0x53: {  	_ =	shalt  }
0x54: {  	_ =	shalt  }
0x55: {  	_ =	shalt  }
0x56: {  	_ =	shalt  }
0x57: {  	_ =	shalt  }
0x58: {  	_ =	shalt  }
0x59: {  	_ =	shalt  }
0x5a: {  	_ =	shalt  }
0x5b: {  	_ =	shalt  }
0x5c: {  	_ =	shalt  }
0x5d: {  	_ =	shalt  }
0x5e: {  	_ =	shalt  }
0x5f: {  	_ =	shalt  }
0x60: {  	_ =	shalt  }
0x61: {  	_ =	shalt  }
0x62: {  	_ =	shalt  }
0x63: {  	_ =	shalt  }
0x64: {  	_ =	shalt  }
0x65: {  	_ =	shalt  }
0x66: {  	_ =	shalt  }
0x67: {  	_ =	shalt  }
0x68: {  	_ =	shalt  }
0x69: {  	_ =	shalt  }
0x6a: {  	_ =	shalt  }
0x6b: {  	_ =	shalt  }
0x6c: {  	_ =	shalt  }
0x6d: {  	_ =	shalt  }
0x6e: {  	_ =	shalt  }
0x6f: {  	_ =	shalt  }
0x70: {  	_ =	shalt  }
0x71: {  	_ =	shalt  }
0x72: {  	_ =	shalt  }
0x73: {  	_ =	shalt  }
0x74: {  	_ =	shalt  }
0x75: {  	_ =	shalt  }
0x76: {  	_ =	shalt  }
0x77: {  	_ =	shalt  }
0x78: {  	_ =	shalt  }
0x79: {  	_ =	shalt  }
0x7a: {  	_ =	shalt  }
0x7b: {  	_ =	shalt  }
0x7c: {  	_ =	shalt  }
0x7d: {  	_ =	shalt  }
0x7e: {  	_ =	shalt  }
0x7f: {  	_ =	shalt  }
0x80: {  	_ =	shalt  }
0x81: {  	_ =	shalt  }
0x82: {  	_ =	shalt  }
0x83: {  	_ =	shalt  }
0x84: {  	_ =	shalt  }
0x85: {  	_ =	shalt  }
0x86: {  	_ =	shalt  }
0x87: {  	_ =	shalt  }
.Lfunc_end0:
.L_simem_size_0:
called_computation_lowered:
.L_overlay_start_0:
0x88: {  	s2 =	sld [smem:$0x3FD9]  }
0x89: {  	s3 =	sld [smem:$0x3FFE];
	_ =	sdelay $0x1  }
0x8a: {  	s1 =	srdreg.scid  }
0x8b: {  	s0 =	sand.u32 $0x1, s1  }
0x8c: {  	s16 =	sshll.u32 s0, $0xA;
	s2 =	sadd.s32 s3, s2  }
0x8d: {  	s2 =	sadd.s32 s2, s16  }
0x8e: {  	[smem:$0x3FBC] =	sst s2  }
0x8f: {  	_ = 	snop  }
0x90: {  	(tm) =	ssettm $0x1  }
0x91: {  	s17 =	sld [smem:$0x3FFB];
	_ =	sdelay $0x3  }
0x92: {  	_ =	strace s17  }
0x93: {  	s2 =	sld [smem:$0x3FFC];
	_ =	sdelay $0x3  }
0x94: {  	_ =	strace s2  }
0x95: {  	s2 =	sld [smem:$0x3FFD];
	_ =	sdelay $0x3  }
0x96: {  	_ =	strace s2  }
0x97: {  	_ =	strace $0x8FFFFFFF  }
0x98: {  	s18 =	sld [smem:$0x3FDB];
	_ =	sdelay $0x1  }
0x99: {  	s19 =	simm.s32 $_scs_section_size  }
0x9a: {  	s4 =	simm.s32 $_size__tile_overlayer_lowered;
	s5 =	simm.s32 $_tile_overlayer_lowered  }
0x9b: {  	s22 =	simm.s32 $0x1BFF;
	s21 =	sshll.u32 s5, $0x1;
	s2 =	sadd.s32 s19, s18  }
0x9c: {  	s6 =	simm.s32 $0x0;
	s20 =	sshll.u32 s4, $0x1;
	s4 =	sadd.s32 s21, s2  }
0x9d: {  	[timem:s6], [sflag:s22] =	dma.local [hbm:s4], s20  }
0x9e: {  	_ =	swait.ge [sflag:s22], s20  }
0x9f: {  	s3 =	ssub.s32 $0x0, s20;
	[sflag:s22] =	ssyncset.done $0x0  }
0xa0: {  	[sflag:s22] =	ssyncadd.s32 s3;
	_ =	sdelay $0x1  }
0xa1: {  	s23 =	simm.s32 $0x1B8B  }
0xa2: {  	_ =	swait.ge [sflag:s23], $0x1  }
0xa3: {  	[sflag:s23] =	ssyncset.done $0x0  }
0xa4: {  	s25 =	simm.s32 $0x1B8E;
	s24 =	sld [smem:$0x3FFE];
	[sflag:s23] =	ssyncadd.s32 $0xFFFFFFFF  }
0xa5: {  	s26 =	simm.s32 $execute0_lowered;
	[smem:$0x3FD2] =	sst s25  }
0xa6: {  	s4 =	sshll.u32 s26, $0x1;
	_ =	strace $0x80000046;
	[dreg:$0x1] =	wrdreg $0xFFFFFFFF  }
0xa7: {  	s28 =	simm.s32 $_size_execute0_lowered;
	s2 =	sadd.s32 s2, s4;
	[dreg:$0x0] =	wrdreg $0x0  }
0xa8: {  	s4 =	sshll.u32 s28, $0x1;
	[dreg:$0x2] =	wrdreg s2  }
0xa9: {  	[dreg:$0x3] =	wrdreg s4  }
0xaa: {  	[dreg:$0x4] =	wrdreg $0xC0  }
0xab: {  	_ =	task [dreg:s6], $0x5FFFF  }
0xac: {  	[dreg:$0x1] =	wrdreg $0xFFFFFFFF  }
0xad: {  	[dreg:$0x0] =	wrdreg $0x60  }
0xae: {  	[dreg:$0x2] =	wrdreg s24  }
0xaf: {  	[dreg:$0x3] =	wrdreg $0x19000  }
0xb0: {  	[dreg:$0x4] =	wrdreg $0x9  }
0xb1: {  	_ =	task.clear_ibuf [dreg:s6], $0x5FFFF;
	_ =	strace $0x90000046  }
0xb2: {  	s29 =	simm.s32 $0x9;
	_ =	strace $0x80000048  }
0xb3: {  	_ =	swait.ge [sflag:s29], $0x1  }
0xb4: {  	[sflag:s29] =	ssyncadd.s32 $0xFFFFFFFF  }
0xb5: {  	_ =	strace $0x90000048  }
0xb6: {  	_ =	sfence  }
0xb7: {  	s30 =	sld [smem:$0x0];
	_ =	sdelay $0x2  }
0xb8: {  	s31 =	sshll.u32 s1, $0xD;
	s1 =	sshrl.u32 s1, $0x2  }
0xb9: {  	s3 =	sand.u32 $0x4000, s31;
	s1 =	sadd.s32 s1, s30  }
0xba: {  	s0 =	sor.u32 s3, s0;
	s1 =	sshll.u32 s1, $0x11  }
0xbb: {  	s0 =	sor.u32 s1, s0  }
0xbc: {  	s0 =	sadd.s32 $0x8F2B, s0  }
0xbd: {  	[sflag:s0] =	ssyncadd.remote.s32 $0x1  }
0xbe: {  	_ =	sfence.sel $0xFFFF  }
0xbf: {  	[dreg:$0x0] =	wrdreg $0xFFFFFFFF;
	(pc) =	sbr.abs _section_cstart, $3  }
0xc0: {  	[dreg:$0x1] =	wrdreg $0xFFFFFFFF  }
0xc1: {  	_ =	task.clear_ibuf [dreg:s6], $0x2FFFF;
	_ =	strace $0x9FFFFFFF  }
0xc2: {  	(tm) =	ssettm $0x7FFFFFFF  }
0xc3: {  	_ =	shalt  }
tec
execute0_lowered:
.L_overlay_start_1:
0x0: {  	(tag) =	ssettag $0x1  }
0x1: {  	s5 =	rddreg [dreg:$0x0]  }
0x2: {  	s2 =	rddreg [dreg:$0x1]  }
0x3: {  	s0 =	rddreg [dreg:$0x2];
	s4 =	srdreg.scid  }
0x4: {  	s3 =	simm.s32 $0x0;
	s1 =	stileid.u32;
	s17 =	simm.s32 $0x1100  }
0x5: {  	s18 =	simm.s32 $0x1;
	s19 =	simm.s32 $0x80;
	s20 =	simm.s32 $0x100  }
0x6: {  	s21 =	simm.s32 $0x500;
	s22 =	simm.s32 $0x900;
	s23 =	simm.s32 $0x0  }
0x7: {  	s6 =	sand.u32 $0x1, s4;
	s7 =	sshll.u32 s1, $0x8;
	s8 =	smul.u32 $0x2800, s1  }
0x8: {  	[smem:$0x7FF] =	sst s3;
	s4 =	sadd.s32 $0x17C00, s5;
	s11 =	smul.u32 $0xA000, s1  }
0x9: {  	p0 =	slt.u32 s1, $0x2;
	s12 =	sshll.u32 s6, $0x7;
	s10 =	smul.u32 $0x28000, s6  }
0xa: {  	_ =	strace $0x80000047;
	s6 =	ssub.s32 $0x2, s6;
	s13 =	sadd.s32 s7, s5  }
0xb: {  	s9 =	sor.u32 s12, s7;
	s28 =	sshrl.u32 s6, $0x1;
	s29 =	sshrl.u32 s11, $0x2  }
0xc: {  	s31 =	sadd.s32 s12, s13;
	s9 =	sshrl.u32 s9, $0x3;
	s26 =	sadd.s32 s8, s10  }
0xd: {  	s15 =	ssub.s32 s6, s28;
	s6 =	sadd.s32 s8, s2;
	s30 =	sadd.s32 s29, s2  }
0xe: {  	s13 =	sadd.s32 $0x1A400, s31;
	s16 =	sadd.s32 s9, s5;
	s9 =	sshrl.u32 s26, $0x3  }
0xf: {  	s7 =	sadd.s32 $0x800, s30;
	s8 =	sadd.s32 $0x1000, s30;
	s10 =	sadd.s32 $0x2000, s30  }
0x10: {  	s12 =	smax.u32 s15, $0x1;
	s14 =	sadd.s32 s9, s5;
	s5 =	simm.s32 $0x4F  }
0x11: {  	s9 =	sadd.s32 $0x1800, s30;
	s15 =	sadd.s32 $0x4000, s16;
	s16 =	sadd.s32 $0xDE00, s16  }
0x12: {  	v0 =	vimm.f32 $1.000000000e+00;
	v1 =	vimm.f32 $0.0e+00;
	s5 =	simm.s32 @!p0 $0x4E;
	s11 =	sadd.s32 $0xB6800, s14;
	s14 =	sadd.s32 $0x68600, s31  }
.LBB2_1:
0x13: {  	s24 =	simm.s32 $0x40;
	s25 =	simm.s32 $0x0  }
.LBB2_2:
0x14: {  	p0 =	sne.s32 s24, $0x1FC0;
	[tilespmem:s25+$0x900] =	vst v0;
	s26 =	smov.u32 s24;
	s24 =	sadd.s32 $0x40, s24  }
.Ltmp0:
0x15: {  	[tilespmem:s25+$0x1100] =	vst v1;
	(pc) =	sbr.rel @p0 .LBB2_2-.Ltmp0, $2  }
0x16: {  	_ =	sdelay $0x2  }
0x17: {  	s25 =	sshra.s32 s26, $0x2  }
0x18: {  	[tilespmem:s25+$0x900] =	vst v0  }
0x19: {  	[tilespmem:s25+$0x1100] =	vst v1  }
0x1a: {  	[spmem:s6] =	stream.linear.scatter [tilespmem:s17], [sflag:$0x1], $0x800, $0x38;
	[tilespmem:$0x4100] =	vst v63  }
0x1b: {  	_ =	swait.ge [sflag:s18], $0x800  }
0x1c: {  	[sflag:s18] =	ssyncset.done $0x0  }
0x1d: {  	[sflag:s18] =	ssyncadd.s32 $0xFFFFF800  }
0x1e: {  	[spmem:s7] =	stream.linear.scatter [tilespmem:s17], [sflag:$0x1], $0x800, $0x38;
	[tilespmem:$0x4100] =	vst v63  }
0x1f: {  	_ =	swait.ge [sflag:s18], $0x800  }
0x20: {  	[sflag:s18] =	ssyncset.done $0x0  }
0x21: {  	[sflag:s18] =	ssyncadd.s32 $0xFFFFF800  }
0x22: {  	[spmem:s8] =	stream.linear.scatter [tilespmem:s17], [sflag:$0x1], $0x800, $0x38;
	[tilespmem:$0x4100] =	vst v63  }
0x23: {  	_ =	swait.ge [sflag:s18], $0x800  }
0x24: {  	[sflag:s18] =	ssyncset.done $0x0  }
0x25: {  	[sflag:s18] =	ssyncadd.s32 $0xFFFFF800  }
0x26: {  	[spmem:s9] =	stream.linear.scatter [tilespmem:s17], [sflag:$0x1], $0x800, $0x38;
	[tilespmem:$0x4100] =	vst v63  }
0x27: {  	_ =	swait.ge [sflag:s18], $0x800  }
0x28: {  	[sflag:s18] =	ssyncset.done $0x0  }
0x29: {  	[sflag:s18] =	ssyncadd.s32 $0xFFFFF800  }
0x2a: {  	[spmem:s10] =	stream.linear.scatter [tilespmem:s17], [sflag:$0x1], $0x800, $0x38;
	[tilespmem:$0x4100] =	vst v63  }
0x2b: {  	_ =	swait.ge [sflag:s18], $0x800  }
0x2c: {  	[sflag:s18] =	ssyncset.done $0x0  }
0x2d: {  	[sflag:s18] =	ssyncadd.s32 $0xFFFFF800  }
0x2e: {  	[bflag:$0x0] =	sbarrier.arrive $0xFFFF  }
0x2f: {  	[tilespmem:s3], [sflag:$0x1] =	stream.linear.gather [hbm4b:s16+s3], $0x80, $0x38;
	[tilespmem:$0x4100] =	vst v63  }
0x30: {  	_ =	swait.ge [sflag:s18], $0x80  }
0x31: {  	[sflag:s18] =	ssyncset.done $0x0  }
0x32: {  	[sflag:s18] =	ssyncadd.s32 $0xFFFFFF80  }
0x33: {  	[tilespmem:s19], [sflag:$0x1] =	stream.linear.gather [hbm4b:s15+s3], $0x80, $0x38;
	[tilespmem:$0x4100] =	vst v63  }
0x34: {  	_ =	swait.ge [sflag:s18], $0x80  }
0x35: {  	[sflag:s18] =	ssyncset.done $0x0  }
0x36: {  	[sflag:s18] =	ssyncadd.s32 $0xFFFFFF80  }
0x37: {  	[tilespmem:s20], [sflag:$0x1] =	stream.indirect.gather [hbm4b:s4+s19], $0x2, s3, s19, $0xb8;
	[tilespmem:$0x4100] =	vst v63  }
0x38: {  	_ =	swait.ge [sflag:s18], $0x100  }
0x39: {  	[sflag:s18] =	ssyncset.done $0x0  }
0x3a: {  	[sflag:s18] =	ssyncadd.s32 $0xFFFFFF00  }
0x3b: {  	[tilespmem:s21], [sflag:$0x1] =	stream.indirect.gather [hbm4b:s4+s19], $0x2, s19, s19, $0xb8;
	[tilespmem:$0x4100] =	vst v63  }
0x3c: {  	_ =	swait.ge [sflag:s18], $0x100  }
0x3d: {  	[sflag:s18] =	ssyncset.done $0x0  }
0x3e: {  	[sflag:s18] =	ssyncadd.s32 $0xFFFFFF00  }
0x3f: {  	[hbm4b:s14+s3] =	stream.linear.scatter [tilespmem:s20], [sflag:$0x1], $0x400, $0x38;
	[tilespmem:$0x4100] =	vst v63  }
0x40: {  	_ =	swait.ge [sflag:s18], $0x400  }
0x41: {  	[sflag:s18] =	ssyncset.done $0x0  }
0x42: {  	[sflag:s18] =	ssyncadd.s32 $0xFFFFFC00  }
0x43: {  	[hbm4b:s13+s3] =	stream.linear.scatter [tilespmem:s21], [sflag:$0x1], $0x400, $0x38;
	[tilespmem:$0x4100] =	vst v63  }
0x44: {  	p0 =	sne.s32 s5, $0x1;
	_ =	swait.ge [sflag:s18], $0x400  }
.Ltmp1:
0x45: {  	[sflag:s18] =	ssyncset.done $0x0;
	(pc) =	sbr.rel @!p0 .LBB2_5-.Ltmp1, $4  }
0x46: {  	s24 =	sadd.s32 $0xFFFFFFFF, s5;
	[sflag:s18] =	ssyncadd.s32 $0xFFFFFC00  }
0x47: {  	[spmem:s2] =	stream.indirect.scatter.add.f32 [tilespmem:s22], [sflag:$0x1], $0x10, s19, s19, $0xb8;
	[tilespmem:$0x4100] =	vst v63  }
0x48: {  	s25 =	sadd.s32 $0x200, s15;
	s26 =	sadd.s32 $0x200, s16;
	_ =	swait.ge [sflag:s18], $0x800  }
0x49: {  	s28 =	smov.u32 s13;
	s29 =	smov.u32 s14;
	[sflag:s18] =	ssyncset.done $0x0  }
.LBB2_4:
0x4a: {  	[sflag:s18] =	ssyncadd.s32 $0xFFFFF800;
	s28 =	sadd.s32 $0x1000, s28;
	s29 =	sadd.s32 $0x1000, s29  }
0x4b: {  	[tilespmem:s3], [sflag:$0x1] =	stream.linear.gather [hbm4b:s26+s3], $0x80, $0x38;
	[tilespmem:$0x4100] =	vst v63  }
0x4c: {  	p0 =	sne.s32 s24, $0x1;
	s24 =	sadd.s32 $0xFFFFFFFF, s24;
	_ =	swait.ge [sflag:s18], $0x80  }
0x4d: {  	[sflag:s18] =	ssyncset.done $0x0  }
0x4e: {  	[sflag:s18] =	ssyncadd.s32 $0xFFFFFF80  }
0x4f: {  	[tilespmem:s19], [sflag:$0x1] =	stream.linear.gather [hbm4b:s25+s3], $0x80, $0x38;
	[tilespmem:$0x4100] =	vst v63  }
0x50: {  	_ =	swait.ge [sflag:s18], $0x80  }
0x51: {  	[sflag:s18] =	ssyncset.done $0x0  }
0x52: {  	[sflag:s18] =	ssyncadd.s32 $0xFFFFFF80  }
0x53: {  	[tilespmem:s20], [sflag:$0x1] =	stream.indirect.gather [hbm4b:s4+s19], $0x2, s3, s19, $0xb8;
	[tilespmem:$0x4100] =	vst v63  }
0x54: {  	_ =	swait.ge [sflag:s18], $0x100  }
0x55: {  	[sflag:s18] =	ssyncset.done $0x0  }
0x56: {  	[sflag:s18] =	ssyncadd.s32 $0xFFFFFF00  }
0x57: {  	[tilespmem:s21], [sflag:$0x1] =	stream.indirect.gather [hbm4b:s4+s19], $0x2, s19, s19, $0xb8;
	[tilespmem:$0x4100] =	vst v63  }
0x58: {  	_ =	swait.ge [sflag:s18], $0x100  }
0x59: {  	[sflag:s18] =	ssyncset.done $0x0  }
0x5a: {  	[sflag:s18] =	ssyncadd.s32 $0xFFFFFF00  }
0x5b: {  	[hbm4b:s29+s3] =	stream.linear.scatter [tilespmem:s20], [sflag:$0x1], $0x400, $0x38;
	[tilespmem:$0x4100] =	vst v63  }
0x5c: {  	_ =	swait.ge [sflag:s18], $0x400  }
0x5d: {  	[sflag:s18] =	ssyncset.done $0x0  }
0x5e: {  	[sflag:s18] =	ssyncadd.s32 $0xFFFFFC00  }
0x5f: {  	[hbm4b:s28+s3] =	stream.linear.scatter [tilespmem:s21], [sflag:$0x1], $0x400, $0x38;
	[tilespmem:$0x4100] =	vst v63  }
0x60: {  	_ =	swait.ge [sflag:s18], $0x400  }
.Ltmp2:
0x61: {  	[sflag:s18] =	ssyncset.done $0x0;
	(pc) =	sbr.rel @p0 .LBB2_4-.Ltmp2, $4  }
0x62: {  	[sflag:s18] =	ssyncadd.s32 $0xFFFFFC00  }
0x63: {  	[spmem:s2] =	stream.indirect.scatter.add.f32 [tilespmem:s22], [sflag:$0x1], $0x10, s19, s19, $0xb8;
	[tilespmem:$0x4100] =	vst v63  }
0x64: {  	_ =	swait.ge [sflag:s18], $0x800  }
0x65: {  	s26 =	sadd.s32 $0x200, s26;
	s25 =	sadd.s32 $0x200, s25;
	[sflag:s18] =	ssyncset.done $0x0  }
.LBB2_5:
0x66: {  	[sflag:s18] =	ssyncadd.s32 $0xFFFFF800;
	s23 =	sadd.s32 $0x1, s23  }
0x67: {  	s24 =	sshll.u32 s1, $0x6;
	s25 =	sshrl.u32 s6, $0x3;
	p0 =	sne.s32 s23, s12  }
.Ltmp3:
0x68: {  	[bflag:$0x0] =	sbarrier.arrive $0xFFFF;
	s24 =	sor.u32 $0x1C01, s24;
	(pc) =	sbr.rel @p0 .LBB2_1-.Ltmp3, $4  }
0x69: {  	[hbm:s11], [sflag:s24] =	dma.local [spmem:s25], $0x500  }
0x6a: {  	_ =	swait.ge [sflag:s18], $0x500  }
0x6b: {  	[sflag:s18] =	ssyncset.done $0x0  }
0x6c: {  	[sflag:s18] =	ssyncadd.s32 $0xFFFFFB00  }
0x6d: {  	_ =	sfence.sel $0x180000  }
0x6e: {  	[bflag:$0x0] =	sbarrier.arrive $0xFFFF  }
0x6f: {  	p0 =	sne.s32 s1, $0x0;
	_ =	strace $0x90000047  }
0x70: {  	s0 =	sadd.s32 @!p0 $0x100000, s0;
	[bflag:$0x2] =	sbarrier.arrive $0xFFFF  }
0x71: {  	[sflag:s0] =	ssyncadd.tile.s32 @!p0 $0x1;
	_ =	shalt  }
.Lfunc_end2:
_tile_overlayer_lowered:
.L_overlay_start_2:
0x72: {  	(tag) =	ssettag $0x2  }
0x73: {  	s0 =	rddreg [dreg:$0x0];
	s2 =	stileid.u32  }
0x74: {  	s1 =	rddreg [dreg:$0x1];
	p0 =	sne.s32 s2, $0x0  }
0x75: {  	s3 =	rddreg [dreg:$0x2];
	[bflag:$0x3] =	sbarrier.arrive $0xFFFF;
	s2 =	simm.s32 @!p0 $0x1C01  }
0x76: {  	[timem:s3], [sflag:s2] =	dma.local @!p0 [hbm:s0], s1  }
0x77: {  	s0 =	simm.s32 @!p0 $0x1  }
0x78: {  	_ =	swait.ge @!p0 [sflag:s0], s1  }
0x79: {  	s1 =	ssub.s32 @!p0 $0x0, s1;
	[sflag:s0] =	ssyncset.done @!p0 $0x0  }
0x7a: {  	[sflag:s0] =	ssyncadd.s32 @!p0 s1  }
0x7b: {  	[bflag:$0x3] =	sbarrier.arrive $0xFFFF  }
0x7c: {  	_ =	shalt  }

// kernel: kernel.16.cloned.1.call-start
scs
__scs_entry_jumppad:
0x0: {  	(pc) =	sbr.rel $0x88, $3  }
0x1: {  	(tag) =	ssettag $0x0;
	lr =	simm.s32 $0x1  }
0x2: {  	[smem:$0x3F95] =	sst lr;
	_ =	strace $0xD0000000  }
0x3: {  	_ = 	snop  }
0x4: {  	_ = 	snop  }
0x5: {  	_ = 	snop  }
0x6: {  	_ = 	snop  }
0x7: {  	_ = 	snop  }
__scs_overlays_trampoline_lowered:
0x8: {  	[smem:$0x3FA4] =	sst s0  }
0x9: {  	[smem:$0x3FA5] =	sst s1  }
0xa: {  	[smem:$0x3FA6] =	sst s2  }
0xb: {  	[smem:$0x3FA7] =	sst s3  }
0xc: {  	[smem:$0x3FA8] =	sst s4  }
0xd: {  	[smem:$0x3FA9] =	sst s5  }
0xe: {  	[smem:$0x3FAA] =	sst s6  }
0xf: {  	[smem:$0x3FAB] =	sst s7  }
0x10: {  	[smem:$0x3FAC] =	sst s8  }
0x11: {  	[smem:$0x3FAD] =	sst s9;
	s0 =	simm.s32 @!p0 $0x0  }
0x12: {  	s1 =	sld [smem:$0x3F93];
	s0 =	simm.s32 @p0 $0x1  }
0x13: {  	[smem:$0x3FAE] =	sst s0;
	s0 =	simm.s32 @!p1 $0x0  }
0x14: {  	s2 =	sld [smem:$0x3F92];
	s0 =	simm.s32 @p1 $0x1  }
0x15: {  	[smem:$0x3FAF] =	sst s0;
	s0 =	simm.s32 @!p2 $0x0  }
0x16: {  	s3 =	sld [smem:$0x3FDB];
	s0 =	simm.s32 @p2 $0x1  }
0x17: {  	s4 =	simm.s32 $0x1BF5;
	[smem:$0x3FB1] =	sst s0  }
0x18: {  	s0 =	sld [smem:$0x3F94];
	_ =	swait.ge [sflag:s4], $0x0  }
0x19: {  	s7 =	sld [smem:$0x3F95]  }
0x1a: {  	s8 =	sadd.s32 $0xFFFFE003, lr  }
0x1b: {  	s9 =	sadd.s32 $0xFFFFFEF7, lr;
	s5 =	simm.s32 $0xFFFFFFFF;
	p2 =	slt.u32 s8, $0xFFFFF086  }
0x1c: {  	p1 =	slt.u32 s9, $0xF7A;
	s5 =	simm.s32 @!p2 $0x0  }
0x1d: {  	s5 =	simm.s32 @p1 $0x1;
	p0 =	seq.s32 s7, s2  }
0x1e: {  	s7 =	smul.u32 @!p0 $0xF7A, s2;
	p2 =	seq.s32 @!p0 s5, $0x0  }
0x1f: {  	s9 =	smul.u32 $0xF7A, s1;
	s8 =	simm.s32 @!p0 $0x1BF5;
	p2 =	por !p2, p0  }
0x20: {  	[sflag:s8] =	ssyncset.s32 @!p0 $0xFFFFF086;
	s6 =	sadd.s32 @!p0 s3, s7;
	s7 =	simm.s32 @!p0 $0x108  }
0x21: {  	s3 =	sadd.s32 s3, s9;
	s6 =	sadd.s32 @!p0 $0x88, s6;
	s7 =	simm.s32 @p2 $0x1082  }
0x22: {  	[simem:s7], [sflag:s8] =	dma.local @!p0 [hbm:s6], $0xF7A  }
0x23: {  	s9 =	sor.u32 $0xD0000000, s2;
	s6 =	simm.s32 $0x108;
	_ =	swait.ge @!p0 [sflag:s8], $0x0  }
0x24: {  	s3 =	sadd.s32 $0x88, s3;
	s6 =	simm.s32 @!p1 $0x1082;
	[sflag:s4] =	ssyncset.s32 $0xFFFFF086  }
0x25: {  	[simem:s6], [sflag:s4] =	dma.local [hbm:s3], $0xF7A  }
0x26: {  	[smem:$0x3F95] =	sst s1;
	(tag) =	ssettag s2;
	_ =	strace s9  }
0x27: {  	s1 =	sld [smem:$0x3FA5]  }
0x28: {  	s2 =	sld [smem:$0x3FA6]  }
0x29: {  	s4 =	sld [smem:$0x3FA8]  }
0x2a: {  	p0 =	seq.s32 s5, $0x0;
	s5 =	sld [smem:$0x3FA9]  }
0x2b: {  	s6 =	sld [smem:$0x3FAA]  }
0x2c: {  	s7 =	sld [smem:$0x3FAB]  }
0x2d: {  	s3 =	simm.s32 $0x108;
	s8 =	sld [smem:$0x3FAC]  }
0x2e: {  	s3 =	simm.s32 @!p0 $0x1082;
	s9 =	sld [smem:$0x3FAD]  }
0x2f: {  	lr =	sadd.s32 s0, s3;
	s0 =	sld [smem:$0x3FA4]  }
0x30: {  	s3 =	sld [smem:$0x3FA7]  }
0x31: {  	[smem:$0x3FB0] =	sst s10  }
0x32: {  	s10 =	sld [smem:$0x3FAE];
	_ =	sdelay $0x3  }
0x33: {  	p0 =	seq.s32 s10, $0x1;
	s10 =	sld [smem:$0x3FB0];
	_ =	sdelay $0x3  }
0x34: {  	[smem:$0x3FB0] =	sst s10  }
0x35: {  	s10 =	sld [smem:$0x3FAF];
	_ =	sdelay $0x3  }
0x36: {  	p1 =	seq.s32 s10, $0x1;
	s10 =	sld [smem:$0x3FB0];
	_ =	sdelay $0x3  }
0x37: {  	[smem:$0x3FB0] =	sst s10  }
0x38: {  	s10 =	sld [smem:$0x3FB1]  }
0x39: {  	_ = 	snop;
	(pc) =	sbr.ind lr, $3  }
0x3a: {  	_ = 	snop  }
0x3b: {  	_ = 	snop  }
0x3c: {  	p2 =	seq.s32 s10, $0x1;
	s10 =	sld [smem:$0x3FB0]  }
0x3d: {  	_ =	shalt  }
0x3e: {  	_ =	shalt  }
0x3f: {  	_ =	shalt  }
0x40: {  	_ =	shalt  }
0x41: {  	_ =	shalt  }
0x42: {  	_ =	shalt  }
0x43: {  	_ =	shalt  }
0x44: {  	_ =	shalt  }
0x45: {  	_ =	shalt  }
0x46: {  	_ =	shalt  }
0x47: {  	_ =	shalt  }
0x48: {  	_ =	shalt  }
0x49: {  	_ =	shalt  }
0x4a: {  	_ =	shalt  }
0x4b: {  	_ =	shalt  }
0x4c: {  	_ =	shalt  }
0x4d: {  	_ =	shalt  }
0x4e: {  	_ =	shalt  }
0x4f: {  	_ =	shalt  }
0x50: {  	_ =	shalt  }
0x51: {  	_ =	shalt  }
0x52: {  	_ =	shalt  }
0x53: {  	_ =	shalt  }
0x54: {  	_ =	shalt  }
0x55: {  	_ =	shalt  }
0x56: {  	_ =	shalt  }
0x57: {  	_ =	shalt  }
0x58: {  	_ =	shalt  }
0x59: {  	_ =	shalt  }
0x5a: {  	_ =	shalt  }
0x5b: {  	_ =	shalt  }
0x5c: {  	_ =	shalt  }
0x5d: {  	_ =	shalt  }
0x5e: {  	_ =	shalt  }
0x5f: {  	_ =	shalt  }
0x60: {  	_ =	shalt  }
0x61: {  	_ =	shalt  }
0x62: {  	_ =	shalt  }
0x63: {  	_ =	shalt  }
0x64: {  	_ =	shalt  }
0x65: {  	_ =	shalt  }
0x66: {  	_ =	shalt  }
0x67: {  	_ =	shalt  }
0x68: {  	_ =	shalt  }
0x69: {  	_ =	shalt  }
0x6a: {  	_ =	shalt  }
0x6b: {  	_ =	shalt  }
0x6c: {  	_ =	shalt  }
0x6d: {  	_ =	shalt  }
0x6e: {  	_ =	shalt  }
0x6f: {  	_ =	shalt  }
0x70: {  	_ =	shalt  }
0x71: {  	_ =	shalt  }
0x72: {  	_ =	shalt  }
0x73: {  	_ =	shalt  }
0x74: {  	_ =	shalt  }
0x75: {  	_ =	shalt  }
0x76: {  	_ =	shalt  }
0x77: {  	_ =	shalt  }
0x78: {  	_ =	shalt  }
0x79: {  	_ =	shalt  }
0x7a: {  	_ =	shalt  }
0x7b: {  	_ =	shalt  }
0x7c: {  	_ =	shalt  }
0x7d: {  	_ =	shalt  }
0x7e: {  	_ =	shalt  }
0x7f: {  	_ =	shalt  }
0x80: {  	_ =	shalt  }
0x81: {  	_ =	shalt  }
0x82: {  	_ =	shalt  }
0x83: {  	_ =	shalt  }
0x84: {  	_ =	shalt  }
0x85: {  	_ =	shalt  }
0x86: {  	_ =	shalt  }
0x87: {  	_ =	shalt  }
.Lfunc_end0:
.L_simem_size_0:
called_computation.1_lowered:
.L_overlay_start_0:
0x88: {  	s2 =	sld [smem:$0x3FD9]  }
0x89: {  	s3 =	sld [smem:$0x3FFE];
	_ =	sdelay $0x1  }
0x8a: {  	s1 =	srdreg.scid  }
0x8b: {  	s0 =	sand.u32 $0x1, s1  }
0x8c: {  	s16 =	sshll.u32 s0, $0xA;
	s2 =	sadd.s32 s3, s2  }
0x8d: {  	s2 =	sadd.s32 s2, s16  }
0x8e: {  	[smem:$0x3FBC] =	sst s2  }
0x8f: {  	_ = 	snop  }
0x90: {  	(tm) =	ssettm $0x1  }
0x91: {  	s17 =	sld [smem:$0x3FFB];
	_ =	sdelay $0x3  }
0x92: {  	_ =	strace s17  }
0x93: {  	s2 =	sld [smem:$0x3FFC];
	_ =	sdelay $0x3  }
0x94: {  	_ =	strace s2  }
0x95: {  	s2 =	sld [smem:$0x3FFD];
	_ =	sdelay $0x3  }
0x96: {  	_ =	strace s2  }
0x97: {  	_ =	strace $0x8FFFFFFF  }
0x98: {  	s18 =	sld [smem:$0x3FDB];
	_ =	sdelay $0x1  }
0x99: {  	s19 =	simm.s32 $_scs_section_size  }
0x9a: {  	s4 =	simm.s32 $_size__tile_overlayer_lowered;
	s5 =	simm.s32 $_tile_overlayer_lowered  }
0x9b: {  	s22 =	simm.s32 $0x1BFF;
	s21 =	sshll.u32 s5, $0x1;
	s2 =	sadd.s32 s19, s18  }
0x9c: {  	s6 =	simm.s32 $0x0;
	s20 =	sshll.u32 s4, $0x1;
	s4 =	sadd.s32 s21, s2  }
0x9d: {  	[timem:s6], [sflag:s22] =	dma.local [hbm:s4], s20  }
0x9e: {  	_ =	swait.ge [sflag:s22], s20  }
0x9f: {  	s3 =	ssub.s32 $0x0, s20;
	[sflag:s22] =	ssyncset.done $0x0  }
0xa0: {  	[sflag:s22] =	ssyncadd.s32 s3;
	_ =	sdelay $0x1  }
0xa1: {  	s23 =	simm.s32 $0x1B8B  }
0xa2: {  	_ =	swait.ge [sflag:s23], $0x1  }
0xa3: {  	[sflag:s23] =	ssyncset.done $0x0  }
0xa4: {  	s25 =	simm.s32 $0x1B8E;
	s24 =	sld [smem:$0x3FFE];
	[sflag:s23] =	ssyncadd.s32 $0xFFFFFFFF  }
0xa5: {  	s26 =	simm.s32 $execute0_lowered;
	[smem:$0x3FD2] =	sst s25  }
0xa6: {  	s4 =	sshll.u32 s26, $0x1;
	_ =	strace $0x80000049;
	[dreg:$0x1] =	wrdreg $0xFFFFFFFF  }
0xa7: {  	s28 =	simm.s32 $_size_execute0_lowered;
	s2 =	sadd.s32 s2, s4;
	[dreg:$0x0] =	wrdreg $0x0  }
0xa8: {  	s4 =	sshll.u32 s28, $0x1;
	[dreg:$0x2] =	wrdreg s2  }
0xa9: {  	[dreg:$0x3] =	wrdreg s4  }
0xaa: {  	[dreg:$0x4] =	wrdreg $0xC0  }
0xab: {  	_ =	task [dreg:s6], $0x5FFFF  }
0xac: {  	[dreg:$0x1] =	wrdreg $0xFFFFFFFF  }
0xad: {  	[dreg:$0x0] =	wrdreg $0x60  }
0xae: {  	[dreg:$0x2] =	wrdreg s24  }
0xaf: {  	[dreg:$0x3] =	wrdreg $0x61000  }
0xb0: {  	[dreg:$0x4] =	wrdreg $0x9  }
0xb1: {  	_ =	task.clear_ibuf [dreg:s6], $0x5FFFF;
	_ =	strace $0x90000049  }
0xb2: {  	s29 =	simm.s32 $0x9;
	_ =	strace $0x8000004B  }
0xb3: {  	_ =	swait.ge [sflag:s29], $0x1  }
0xb4: {  	[sflag:s29] =	ssyncadd.s32 $0xFFFFFFFF  }
0xb5: {  	_ =	strace $0x9000004B  }
0xb6: {  	_ =	sfence  }
0xb7: {  	s30 =	sld [smem:$0x0];
	_ =	sdelay $0x2  }
0xb8: {  	s31 =	sshll.u32 s1, $0xD;
	s1 =	sshrl.u32 s1, $0x2  }
0xb9: {  	s3 =	sand.u32 $0x4000, s31;
	s1 =	sadd.s32 s1, s30  }
0xba: {  	s0 =	sor.u32 s3, s0;
	s1 =	sshll.u32 s1, $0x11  }
0xbb: {  	s0 =	sor.u32 s1, s0  }
0xbc: {  	s0 =	sadd.s32 $0x8F2B, s0  }
0xbd: {  	[sflag:s0] =	ssyncadd.remote.s32 $0x1  }
0xbe: {  	_ =	sfence.sel $0xFFFF  }
0xbf: {  	[dreg:$0x0] =	wrdreg $0xFFFFFFFF;
	(pc) =	sbr.abs _section_cstart, $3  }
0xc0: {  	[dreg:$0x1] =	wrdreg $0xFFFFFFFF  }
0xc1: {  	_ =	task.clear_ibuf [dreg:s6], $0x2FFFF;
	_ =	strace $0x9FFFFFFF  }
0xc2: {  	(tm) =	ssettm $0x7FFFFFFF  }
0xc3: {  	_ =	shalt  }
tec
execute0_lowered:
.L_overlay_start_1:
0x0: {  	(tag) =	ssettag $0x1  }
0x1: {  	s8 =	rddreg [dreg:$0x0]  }
0x2: {  	s2 =	rddreg [dreg:$0x1]  }
0x3: {  	s0 =	rddreg [dreg:$0x2]  }
0x4: {  	s4 =	srdreg.scid;
	s1 =	stileid.u32;
	s3 =	simm.s32 $0x0  }
0x5: {  	s19 =	simm.s32 $0x80;
	s20 =	simm.s32 $0x100;
	s21 =	simm.s32 $0x2100  }
0x6: {  	s13 =	sand.u32 $0x1, s4;
	s9 =	smul.u32 $0xA000, s1;
	s4 =	sadd.s32 $0x5C9A00, s8  }
0x7: {  	[smem:$0x7FF] =	sst s3;
	s5 =	sadd.s32 $0xFA1400, s8;
	s6 =	sadd.s32 $0xDE00, s8  }
0x8: {  	s12 =	smul.u32 $0x28000, s1;
	p0 =	slt.u32 s1, $0x2;
	s17 =	sshll.u32 s1, $0x8  }
0x9: {  	s7 =	smul.u32 $0xA0000, s13;
	_ =	strace $0x8000004A;
	s11 =	ssub.s32 $0x2, s13  }
0xa: {  	s18 =	sshll.u32 s13, $0x7;
	s31 =	sshrl.u32 s11, $0x1;
	s12 =	sshrl.u32 s12, $0x2  }
0xb: {  	s7 =	sadd.s32 s9, s7;
	s16 =	ssub.s32 s11, s31;
	s14 =	sadd.s32 s12, s2  }
0xc: {  	s9 =	sadd.s32 s9, s2;
	s10 =	sshrl.u32 s7, $0x3;
	s7 =	sadd.s32 $0x4000, s8  }
0xd: {  	s11 =	sadd.s32 $0x4000, s14;
	s12 =	sadd.s32 $0x6000, s14;
	s13 =	sadd.s32 $0x8000, s14  }
0xe: {  	s16 =	smax.u32 s16, $0x1;
	s15 =	sadd.s32 s10, s8;
	s8 =	simm.s32 $0x4F  }
0xf: {  	s10 =	sadd.s32 $0x2000, s14;
	s14 =	sor.u32 s18, s17;
	s17 =	simm.s32 $0x4100  }
0x10: {  	v0 =	vimm.f32 $0.0e+00;
	s18 =	simm.s32 $0x1;
	s8 =	simm.s32 @!p0 $0x4E;
	s15 =	sadd.s32 $0x17C00, s15  }
.LBB2_1:
0x11: {  	s23 =	simm.s32 $0x100;
	s22 =	simm.s32 $0x0  }
.LBB2_2:
0x12: {  	p0 =	sne.s32 s23, $0x7F00;
	[tilespmem:s22+$0x4130] =	vst v0;
	s24 =	smov.u32 s23;
	s23 =	sadd.s32 $0x100, s23  }
.Ltmp0:
0x13: {  	[tilespmem:s22+$0x4120] =	vst v0;
	(pc) =	sbr.rel @p0 .LBB2_2-.Ltmp0, $3  }
0x14: {  	[tilespmem:s22+$0x4100] =	vst v0  }
0x15: {  	[tilespmem:s22+$0x4110] =	vst v0;
	_ =	sdelay $0x1  }
0x16: {  	s22 =	sshra.s32 s24, $0x2  }
0x17: {  	[tilespmem:s22+$0x4130] =	vst v0  }
0x18: {  	[tilespmem:s22+$0x4120] =	vst v0  }
0x19: {  	[tilespmem:s22+$0x4100] =	vst v0  }
0x1a: {  	[tilespmem:s22+$0x4110] =	vst v0  }
0x1b: {  	[spmem:s9] =	stream.linear.scatter [tilespmem:s17], [sflag:$0x1], $0x2000, $0x38;
	[tilespmem:$0x10100] =	vst v63  }
0x1c: {  	_ =	swait.ge [sflag:s18], $0x2000  }
0x1d: {  	[sflag:s18] =	ssyncset.done $0x0  }
0x1e: {  	[sflag:s18] =	ssyncadd.s32 $0xFFFFE000  }
0x1f: {  	[spmem:s10] =	stream.linear.scatter [tilespmem:s17], [sflag:$0x1], $0x2000, $0x38;
	[tilespmem:$0x10100] =	vst v63  }
0x20: {  	_ =	swait.ge [sflag:s18], $0x2000  }
0x21: {  	[sflag:s18] =	ssyncset.done $0x0  }
0x22: {  	[sflag:s18] =	ssyncadd.s32 $0xFFFFE000  }
0x23: {  	[spmem:s11] =	stream.linear.scatter [tilespmem:s17], [sflag:$0x1], $0x2000, $0x38;
	[tilespmem:$0x10100] =	vst v63  }
0x24: {  	_ =	swait.ge [sflag:s18], $0x2000  }
0x25: {  	[sflag:s18] =	ssyncset.done $0x0  }
0x26: {  	[sflag:s18] =	ssyncadd.s32 $0xFFFFE000  }
0x27: {  	[spmem:s12] =	stream.linear.scatter [tilespmem:s17], [sflag:$0x1], $0x2000, $0x38;
	[tilespmem:$0x10100] =	vst v63  }
0x28: {  	_ =	swait.ge [sflag:s18], $0x2000  }
0x29: {  	[sflag:s18] =	ssyncset.done $0x0  }
0x2a: {  	[sflag:s18] =	ssyncadd.s32 $0xFFFFE000  }
0x2b: {  	[spmem:s13] =	stream.linear.scatter [tilespmem:s17], [sflag:$0x1], $0x2000, $0x38;
	[tilespmem:$0x10100] =	vst v63  }
0x2c: {  	_ =	swait.ge [sflag:s18], $0x2000  }
0x2d: {  	[sflag:s18] =	ssyncset.done $0x0  }
0x2e: {  	[sflag:s18] =	ssyncadd.s32 $0xFFFFE000  }
0x2f: {  	s22 =	simm.s32 $0x0;
	s23 =	simm.s32 $0x0;
	[bflag:$0x0] =	sbarrier.arrive $0xFFFF  }
.LBB2_4:
0x30: {  	s24 =	sshll.u32 s23, $0xC  }
0x31: {  	s24 =	sor.u32 s14, s24  }
0x32: {  	s25 =	sshrl.u32 s24, $0x3  }
0x33: {  	s26 =	sadd.s32 s6, s25  }
0x34: {  	[tilespmem:s22], [sflag:$0x1] =	stream.linear.gather [hbm4b:s26+s22], $0x80, $0x38;
	[tilespmem:$0x10100] =	vst v63  }
0x35: {  	_ =	swait.ge [sflag:s18], $0x80  }
0x36: {  	[sflag:s18] =	ssyncset.done $0x0  }
0x37: {  	s25 =	sadd.s32 s7, s25;
	[sflag:s18] =	ssyncadd.s32 $0xFFFFFF80  }
0x38: {  	[tilespmem:s19], [sflag:$0x1] =	stream.linear.gather [hbm4b:s25+s22], $0x80, $0x38;
	[tilespmem:$0x10100] =	vst v63  }
0x39: {  	_ =	swait.ge [sflag:s18], $0x80  }
0x3a: {  	[sflag:s18] =	ssyncset.done $0x0  }
0x3b: {  	[sflag:s18] =	ssyncadd.s32 $0xFFFFFF80  }
0x3c: {  	[tilespmem:s20], [sflag:$0x1] =	stream.indirect.gather [hbm4b:s4+s19], $0x40, s22, s19, $0xb8;
	[tilespmem:$0x10100] =	vst v63  }
0x3d: {  	_ =	swait.ge [sflag:s18], $0x2000  }
0x3e: {  	s24 =	sshll.u32 s24, $0x3;
	[sflag:s18] =	ssyncset.done $0x0  }
0x3f: {  	s24 =	sadd.s32 s5, s24;
	[sflag:s18] =	ssyncadd.s32 $0xFFFFE000  }
0x40: {  	[tilespmem:s21], [sflag:$0x1] =	stream.linear.gather [hbm4b:s24+s22], $0x2000, $0x38;
	[tilespmem:$0x10100] =	vst v63  }
0x41: {  	_ =	swait.ge [sflag:s18], $0x2000  }
0x42: {  	[sflag:s18] =	ssyncset.done $0x0  }
0x43: {  	s24 =	simm.s32 $0x0;
	[sflag:s18] =	ssyncadd.s32 $0xFFFFE000  }
0x44: {  	v6 =	vld [tilespmem:s24+$0x2100]  }
0x45: {  	v7 =	vld [tilespmem:s24+$0x2110]  }
0x46: {  	v2 =	vld [tilespmem:s24+$0x2120]  }
0x47: {  	v1 =	vld [tilespmem:s24+$0x2130]  }
0x48: {  	v3 =	vld [tilespmem:s24+$0x100]  }
0x49: {  	v5 =	vld [tilespmem:s24+$0x110]  }
0x4a: {  	s25 =	simm.s32 $0x100;
	v4 =	vld [tilespmem:s24+$0x120]  }
.LBB2_5:
0x4b: {  	s26 =	sshra.s32 s25, $0x2;
	p0 =	sne.s32 s25, $0x7F00;
	v8 =	vld [tilespmem:s24+$0x130];
	v9 =	vmov v2  }
0x4c: {  	v10 =	vld [tilespmem:s26+$0x2100];
	v11 =	vmov v1  }
0x4d: {  	v12 =	vld [tilespmem:s26+$0x2110];
	v3 =	vmul.f32 v6, v3  }
.Ltmp1:
0x4e: {  	v2 =	vld [tilespmem:s26+$0x2120];
	v5 =	vmul.f32 v7, v5;
	(pc) =	sbr.rel @p0 .LBB2_5-.Ltmp1, $4  }
0x4f: {  	v1 =	vld [tilespmem:s26+$0x2130];
	[tilespmem:s24+$0x100] =	vst v3;
	v4 =	vmul.f32 v9, v4  }
0x50: {  	v3 =	vld [tilespmem:s26+$0x100];
	[tilespmem:s24+$0x110] =	vst v5;
	v8 =	vmul.f32 v11, v8  }
0x51: {  	v5 =	vld [tilespmem:s26+$0x110];
	[tilespmem:s24+$0x120] =	vst v4;
	v6 =	vmov v10  }
0x52: {  	s25 =	sadd.s32 $0x100, s25;
	v4 =	vld [tilespmem:s26+$0x120];
	[tilespmem:s24+$0x130] =	vst v8;
	v7 =	vmov v12;
	s24 =	smov.u32 s26  }
0x53: {  	v8 =	vld [tilespmem:s24+$0x130];
	_ =	sdelay $0x1  }
0x54: {  	v3 =	vmul.f32 v6, v3  }
0x55: {  	v5 =	vmul.f32 v7, v5  }
0x56: {  	[tilespmem:s24+$0x100] =	vst v3;
	v2 =	vmul.f32 v2, v4  }
0x57: {  	s23 =	sadd.s32 $0x1, s23;
	[tilespmem:s24+$0x110] =	vst v5;
	v1 =	vmul.f32 v1, v8  }
0x58: {  	p0 =	sne.s32 s23, s8;
	[tilespmem:s24+$0x120] =	vst v2  }
.Ltmp2:
0x59: {  	[tilespmem:s24+$0x130] =	vst v1;
	(pc) =	sbr.rel @p0 .LBB2_4-.Ltmp2, $4  }
0x5a: {  	[spmem:s2] =	stream.indirect.scatter.add.f32 [tilespmem:s20], [sflag:$0x1], $0x40, s19, s19, $0xb8;
	[tilespmem:$0x10100] =	vst v63  }
0x5b: {  	_ =	swait.ge [sflag:s18], $0x2000  }
0x5c: {  	[sflag:s18] =	ssyncset.done $0x0  }
0x5d: {  	[sflag:s18] =	ssyncadd.s32 $0xFFFFE000  }
0x5e: {  	s3 =	sadd.s32 $0x1, s3  }
0x5f: {  	s22 =	sshll.u32 s1, $0x6;
	[bflag:$0x0] =	sbarrier.arrive $0xFFFF;
	p0 =	sne.s32 s3, s16  }
.Ltmp3:
0x60: {  	s23 =	sshrl.u32 s9, $0x3;
	s22 =	sor.u32 $0x1C01, s22;
	(pc) =	sbr.rel @p0 .LBB2_1-.Ltmp3, $4  }
0x61: {  	[hbm:s15], [sflag:s22] =	dma.local [spmem:s23], $0x1400  }
0x62: {  	_ =	swait.ge [sflag:s18], $0x1400  }
0x63: {  	[sflag:s18] =	ssyncset.done $0x0  }
0x64: {  	[sflag:s18] =	ssyncadd.s32 $0xFFFFEC00  }
0x65: {  	_ =	sfence.sel $0x180000  }
0x66: {  	[bflag:$0x0] =	sbarrier.arrive $0xFFFF  }
0x67: {  	p0 =	sne.s32 s1, $0x0;
	_ =	strace $0x9000004A  }
0x68: {  	s0 =	sadd.s32 @!p0 $0x100000, s0;
	[bflag:$0x2] =	sbarrier.arrive $0xFFFF  }
0x69: {  	[sflag:s0] =	ssyncadd.tile.s32 @!p0 $0x1;
	_ =	shalt  }
.Lfunc_end2:
_tile_overlayer_lowered:
.L_overlay_start_2:
0x6a: {  	(tag) =	ssettag $0x2  }
0x6b: {  	s0 =	rddreg [dreg:$0x0];
	s2 =	stileid.u32  }
0x6c: {  	s1 =	rddreg [dreg:$0x1];
	p0 =	sne.s32 s2, $0x0  }
0x6d: {  	s3 =	rddreg [dreg:$0x2];
	[bflag:$0x3] =	sbarrier.arrive $0xFFFF;
	s2 =	simm.s32 @!p0 $0x1C01  }
0x6e: {  	[timem:s3], [sflag:s2] =	dma.local @!p0 [hbm:s0], s1  }
0x6f: {  	s0 =	simm.s32 @!p0 $0x1  }
0x70: {  	_ =	swait.ge @!p0 [sflag:s0], s1  }
0x71: {  	s1 =	ssub.s32 @!p0 $0x0, s1;
	[sflag:s0] =	ssyncset.done @!p0 $0x0  }
0x72: {  	[sflag:s0] =	ssyncadd.s32 @!p0 s1  }
0x73: {  	[bflag:$0x3] =	sbarrier.arrive $0xFFFF  }
0x74: {  	_ =	shalt  }

// kernel: kernel.19.cloned.1.call-start
scs
__scs_entry_jumppad:
0x0: {  	(pc) =	sbr.rel $0x88, $3  }
0x1: {  	(tag) =	ssettag $0x0;
	lr =	simm.s32 $0x1  }
0x2: {  	[smem:$0x3F95] =	sst lr;
	_ =	strace $0xD0000000  }
0x3: {  	_ = 	snop  }
0x4: {  	_ = 	snop  }
0x5: {  	_ = 	snop  }
0x6: {  	_ = 	snop  }
0x7: {  	_ = 	snop  }
__scs_overlays_trampoline_lowered:
0x8: {  	[smem:$0x3FA4] =	sst s0  }
0x9: {  	[smem:$0x3FA5] =	sst s1  }
0xa: {  	[smem:$0x3FA6] =	sst s2  }
0xb: {  	[smem:$0x3FA7] =	sst s3  }
0xc: {  	[smem:$0x3FA8] =	sst s4  }
0xd: {  	[smem:$0x3FA9] =	sst s5  }
0xe: {  	[smem:$0x3FAA] =	sst s6  }
0xf: {  	[smem:$0x3FAB] =	sst s7  }
0x10: {  	[smem:$0x3FAC] =	sst s8  }
0x11: {  	[smem:$0x3FAD] =	sst s9;
	s0 =	simm.s32 @!p0 $0x0  }
0x12: {  	s1 =	sld [smem:$0x3F93];
	s0 =	simm.s32 @p0 $0x1  }
0x13: {  	[smem:$0x3FAE] =	sst s0;
	s0 =	simm.s32 @!p1 $0x0  }
0x14: {  	s2 =	sld [smem:$0x3F92];
	s0 =	simm.s32 @p1 $0x1  }
0x15: {  	[smem:$0x3FAF] =	sst s0;
	s0 =	simm.s32 @!p2 $0x0  }
0x16: {  	s3 =	sld [smem:$0x3FDB];
	s0 =	simm.s32 @p2 $0x1  }
0x17: {  	s4 =	simm.s32 $0x1BF5;
	[smem:$0x3FB1] =	sst s0  }
0x18: {  	s0 =	sld [smem:$0x3F94];
	_ =	swait.ge [sflag:s4], $0x0  }
0x19: {  	s7 =	sld [smem:$0x3F95]  }
0x1a: {  	s8 =	sadd.s32 $0xFFFFE003, lr  }
0x1b: {  	s9 =	sadd.s32 $0xFFFFFEF7, lr;
	s5 =	simm.s32 $0xFFFFFFFF;
	p2 =	slt.u32 s8, $0xFFFFF086  }
0x1c: {  	p1 =	slt.u32 s9, $0xF7A;
	s5 =	simm.s32 @!p2 $0x0  }
0x1d: {  	s5 =	simm.s32 @p1 $0x1;
	p0 =	seq.s32 s7, s2  }
0x1e: {  	s7 =	smul.u32 @!p0 $0xF7A, s2;
	p2 =	seq.s32 @!p0 s5, $0x0  }
0x1f: {  	s9 =	smul.u32 $0xF7A, s1;
	s8 =	simm.s32 @!p0 $0x1BF5;
	p2 =	por !p2, p0  }
0x20: {  	[sflag:s8] =	ssyncset.s32 @!p0 $0xFFFFF086;
	s6 =	sadd.s32 @!p0 s3, s7;
	s7 =	simm.s32 @!p0 $0x108  }
0x21: {  	s3 =	sadd.s32 s3, s9;
	s6 =	sadd.s32 @!p0 $0x88, s6;
	s7 =	simm.s32 @p2 $0x1082  }
0x22: {  	[simem:s7], [sflag:s8] =	dma.local @!p0 [hbm:s6], $0xF7A  }
0x23: {  	s9 =	sor.u32 $0xD0000000, s2;
	s6 =	simm.s32 $0x108;
	_ =	swait.ge @!p0 [sflag:s8], $0x0  }
0x24: {  	s3 =	sadd.s32 $0x88, s3;
	s6 =	simm.s32 @!p1 $0x1082;
	[sflag:s4] =	ssyncset.s32 $0xFFFFF086  }
0x25: {  	[simem:s6], [sflag:s4] =	dma.local [hbm:s3], $0xF7A  }
0x26: {  	[smem:$0x3F95] =	sst s1;
	(tag) =	ssettag s2;
	_ =	strace s9  }
0x27: {  	s1 =	sld [smem:$0x3FA5]  }
0x28: {  	s2 =	sld [smem:$0x3FA6]  }
0x29: {  	s4 =	sld [smem:$0x3FA8]  }
0x2a: {  	p0 =	seq.s32 s5, $0x0;
	s5 =	sld [smem:$0x3FA9]  }
0x2b: {  	s6 =	sld [smem:$0x3FAA]  }
0x2c: {  	s7 =	sld [smem:$0x3FAB]  }
0x2d: {  	s3 =	simm.s32 $0x108;
	s8 =	sld [smem:$0x3FAC]  }
0x2e: {  	s3 =	simm.s32 @!p0 $0x1082;
	s9 =	sld [smem:$0x3FAD]  }
0x2f: {  	lr =	sadd.s32 s0, s3;
	s0 =	sld [smem:$0x3FA4]  }
0x30: {  	s3 =	sld [smem:$0x3FA7]  }
0x31: {  	[smem:$0x3FB0] =	sst s10  }
0x32: {  	s10 =	sld [smem:$0x3FAE];
	_ =	sdelay $0x3  }
0x33: {  	p0 =	seq.s32 s10, $0x1;
	s10 =	sld [smem:$0x3FB0];
	_ =	sdelay $0x3  }
0x34: {  	[smem:$0x3FB0] =	sst s10  }
0x35: {  	s10 =	sld [smem:$0x3FAF];
	_ =	sdelay $0x3  }
0x36: {  	p1 =	seq.s32 s10, $0x1;
	s10 =	sld [smem:$0x3FB0];
	_ =	sdelay $0x3  }
0x37: {  	[smem:$0x3FB0] =	sst s10  }
0x38: {  	s10 =	sld [smem:$0x3FB1]  }
0x39: {  	_ = 	snop;
	(pc) =	sbr.ind lr, $3  }
0x3a: {  	_ = 	snop  }
0x3b: {  	_ = 	snop  }
0x3c: {  	p2 =	seq.s32 s10, $0x1;
	s10 =	sld [smem:$0x3FB0]  }
0x3d: {  	_ =	shalt  }
0x3e: {  	_ =	shalt  }
0x3f: {  	_ =	shalt  }
0x40: {  	_ =	shalt  }
0x41: {  	_ =	shalt  }
0x42: {  	_ =	shalt  }
0x43: {  	_ =	shalt  }
0x44: {  	_ =	shalt  }
0x45: {  	_ =	shalt  }
0x46: {  	_ =	shalt  }
0x47: {  	_ =	shalt  }
0x48: {  	_ =	shalt  }
0x49: {  	_ =	shalt  }
0x4a: {  	_ =	shalt  }
0x4b: {  	_ =	shalt  }
0x4c: {  	_ =	shalt  }
0x4d: {  	_ =	shalt  }
0x4e: {  	_ =	shalt  }
0x4f: {  	_ =	shalt  }
0x50: {  	_ =	shalt  }
0x51: {  	_ =	shalt  }
0x52: {  	_ =	shalt  }
0x53: {  	_ =	shalt  }
0x54: {  	_ =	shalt  }
0x55: {  	_ =	shalt  }
0x56: {  	_ =	shalt  }
0x57: {  	_ =	shalt  }
0x58: {  	_ =	shalt  }
0x59: {  	_ =	shalt  }
0x5a: {  	_ =	shalt  }
0x5b: {  	_ =	shalt  }
0x5c: {  	_ =	shalt  }
0x5d: {  	_ =	shalt  }
0x5e: {  	_ =	shalt  }
0x5f: {  	_ =	shalt  }
0x60: {  	_ =	shalt  }
0x61: {  	_ =	shalt  }
0x62: {  	_ =	shalt  }
0x63: {  	_ =	shalt  }
0x64: {  	_ =	shalt  }
0x65: {  	_ =	shalt  }
0x66: {  	_ =	shalt  }
0x67: {  	_ =	shalt  }
0x68: {  	_ =	shalt  }
0x69: {  	_ =	shalt  }
0x6a: {  	_ =	shalt  }
0x6b: {  	_ =	shalt  }
0x6c: {  	_ =	shalt  }
0x6d: {  	_ =	shalt  }
0x6e: {  	_ =	shalt  }
0x6f: {  	_ =	shalt  }
0x70: {  	_ =	shalt  }
0x71: {  	_ =	shalt  }
0x72: {  	_ =	shalt  }
0x73: {  	_ =	shalt  }
0x74: {  	_ =	shalt  }
0x75: {  	_ =	shalt  }
0x76: {  	_ =	shalt  }
0x77: {  	_ =	shalt  }
0x78: {  	_ =	shalt  }
0x79: {  	_ =	shalt  }
0x7a: {  	_ =	shalt  }
0x7b: {  	_ =	shalt  }
0x7c: {  	_ =	shalt  }
0x7d: {  	_ =	shalt  }
0x7e: {  	_ =	shalt  }
0x7f: {  	_ =	shalt  }
0x80: {  	_ =	shalt  }
0x81: {  	_ =	shalt  }
0x82: {  	_ =	shalt  }
0x83: {  	_ =	shalt  }
0x84: {  	_ =	shalt  }
0x85: {  	_ =	shalt  }
0x86: {  	_ =	shalt  }
0x87: {  	_ =	shalt  }
.Lfunc_end0:
.L_simem_size_0:
called_computation.2_lowered:
.L_overlay_start_0:
0x88: {  	s2 =	sld [smem:$0x3FD9]  }
0x89: {  	s3 =	sld [smem:$0x3FFE];
	_ =	sdelay $0x1  }
0x8a: {  	s1 =	srdreg.scid  }
0x8b: {  	s0 =	sand.u32 $0x1, s1  }
0x8c: {  	s16 =	sshll.u32 s0, $0xA;
	s2 =	sadd.s32 s3, s2  }
0x8d: {  	s2 =	sadd.s32 s2, s16  }
0x8e: {  	[smem:$0x3FBC] =	sst s2  }
0x8f: {  	_ = 	snop  }
0x90: {  	(tm) =	ssettm $0x1  }
0x91: {  	s17 =	sld [smem:$0x3FFB];
	_ =	sdelay $0x3  }
0x92: {  	_ =	strace s17  }
0x93: {  	s2 =	sld [smem:$0x3FFC];
	_ =	sdelay $0x3  }
0x94: {  	_ =	strace s2  }
0x95: {  	s2 =	sld [smem:$0x3FFD];
	_ =	sdelay $0x3  }
0x96: {  	_ =	strace s2  }
0x97: {  	_ =	strace $0x8FFFFFFF  }
0x98: {  	s18 =	sld [smem:$0x3FDB];
	_ =	sdelay $0x1  }
0x99: {  	s19 =	simm.s32 $_scs_section_size  }
0x9a: {  	s4 =	simm.s32 $_size__tile_overlayer_lowered;
	s5 =	simm.s32 $_tile_overlayer_lowered  }
0x9b: {  	s22 =	simm.s32 $0x1BFF;
	s21 =	sshll.u32 s5, $0x1;
	s2 =	sadd.s32 s19, s18  }
0x9c: {  	s6 =	simm.s32 $0x0;
	s20 =	sshll.u32 s4, $0x1;
	s4 =	sadd.s32 s21, s2  }
0x9d: {  	[timem:s6], [sflag:s22] =	dma.local [hbm:s4], s20  }
0x9e: {  	_ =	swait.ge [sflag:s22], s20  }
0x9f: {  	s3 =	ssub.s32 $0x0, s20;
	[sflag:s22] =	ssyncset.done $0x0  }
0xa0: {  	[sflag:s22] =	ssyncadd.s32 s3;
	_ =	sdelay $0x1  }
0xa1: {  	s23 =	simm.s32 $0x1B8B  }
0xa2: {  	_ =	swait.ge [sflag:s23], $0x1  }
0xa3: {  	[sflag:s23] =	ssyncset.done $0x0  }
0xa4: {  	s25 =	simm.s32 $0x1B8E;
	s24 =	sld [smem:$0x3FFE];
	[sflag:s23] =	ssyncadd.s32 $0xFFFFFFFF  }
0xa5: {  	s26 =	simm.s32 $execute0_lowered;
	[smem:$0x3FD2] =	sst s25  }
0xa6: {  	s4 =	sshll.u32 s26, $0x1;
	_ =	strace $0x8000004C;
	[dreg:$0x1] =	wrdreg $0xFFFFFFFF  }
0xa7: {  	s28 =	simm.s32 $_size_execute0_lowered;
	s2 =	sadd.s32 s2, s4;
	[dreg:$0x0] =	wrdreg $0x0  }
0xa8: {  	s4 =	sshll.u32 s28, $0x1;
	[dreg:$0x2] =	wrdreg s2  }
0xa9: {  	[dreg:$0x3] =	wrdreg s4  }
0xaa: {  	[dreg:$0x4] =	wrdreg $0xC0  }
0xab: {  	_ =	task [dreg:s6], $0x5FFFF  }
0xac: {  	[dreg:$0x1] =	wrdreg $0xFFFFFFFF  }
0xad: {  	[dreg:$0x0] =	wrdreg $0x60  }
0xae: {  	[dreg:$0x2] =	wrdreg s24  }
0xaf: {  	[dreg:$0x3] =	wrdreg $0x61000  }
0xb0: {  	[dreg:$0x4] =	wrdreg $0x9  }
0xb1: {  	_ =	task.clear_ibuf [dreg:s6], $0x5FFFF;
	_ =	strace $0x9000004C  }
0xb2: {  	s29 =	simm.s32 $0x9;
	_ =	strace $0x8000004E  }
0xb3: {  	_ =	swait.ge [sflag:s29], $0x1  }
0xb4: {  	[sflag:s29] =	ssyncadd.s32 $0xFFFFFFFF  }
0xb5: {  	_ =	strace $0x9000004E  }
0xb6: {  	_ =	sfence  }
0xb7: {  	s30 =	sld [smem:$0x0];
	_ =	sdelay $0x2  }
0xb8: {  	s31 =	sshll.u32 s1, $0xD;
	s1 =	sshrl.u32 s1, $0x2  }
0xb9: {  	s3 =	sand.u32 $0x4000, s31;
	s1 =	sadd.s32 s1, s30  }
0xba: {  	s0 =	sor.u32 s3, s0;
	s1 =	sshll.u32 s1, $0x11  }
0xbb: {  	s0 =	sor.u32 s1, s0  }
0xbc: {  	s0 =	sadd.s32 $0x8F2B, s0  }
0xbd: {  	[sflag:s0] =	ssyncadd.remote.s32 $0x1  }
0xbe: {  	_ =	sfence.sel $0xFFFF  }
0xbf: {  	[dreg:$0x0] =	wrdreg $0xFFFFFFFF;
	(pc) =	sbr.abs _section_cstart, $3  }
0xc0: {  	[dreg:$0x1] =	wrdreg $0xFFFFFFFF  }
0xc1: {  	_ =	task.clear_ibuf [dreg:s6], $0x2FFFF;
	_ =	strace $0x9FFFFFFF  }
0xc2: {  	(tm) =	ssettm $0x7FFFFFFF  }
0xc3: {  	_ =	shalt  }
tec
execute0_lowered:
.L_overlay_start_1:
0x0: {  	(tag) =	ssettag $0x1  }
0x1: {  	s8 =	rddreg [dreg:$0x0]  }
0x2: {  	s2 =	rddreg [dreg:$0x1]  }
0x3: {  	s0 =	rddreg [dreg:$0x2]  }
0x4: {  	s4 =	srdreg.scid;
	s1 =	stileid.u32;
	s3 =	simm.s32 $0x0  }
0x5: {  	s19 =	simm.s32 $0x80;
	s20 =	simm.s32 $0x100;
	s21 =	simm.s32 $0x2100  }
0x6: {  	s13 =	sand.u32 $0x1, s4;
	s9 =	smul.u32 $0xA000, s1;
	[smem:$0x7FF] =	sst s3  }
0x7: {  	s4 =	sadd.s32 $0x300C00, s8;
	s5 =	sadd.s32 $0x8FC00, s8;
	s6 =	sadd.s32 $0xDE00, s8  }
0x8: {  	s12 =	smul.u32 $0x28000, s1;
	p0 =	slt.u32 s1, $0x2;
	s17 =	sshll.u32 s1, $0x8  }
0x9: {  	s7 =	smul.u32 $0xA0000, s13;
	_ =	strace $0x8000004D;
	s11 =	ssub.s32 $0x2, s13  }
0xa: {  	s18 =	sshll.u32 s13, $0x7;
	s31 =	sshrl.u32 s11, $0x1;
	s12 =	sshrl.u32 s12, $0x2  }
0xb: {  	s7 =	sadd.s32 s9, s7;
	s16 =	ssub.s32 s11, s31;
	s14 =	sadd.s32 s12, s2  }
0xc: {  	s9 =	sadd.s32 s9, s2;
	s10 =	sshrl.u32 s7, $0x3;
	s7 =	sadd.s32 $0x4000, s8  }
0xd: {  	s11 =	sadd.s32 $0x4000, s14;
	s12 =	sadd.s32 $0x6000, s14;
	s13 =	sadd.s32 $0x8000, s14  }
0xe: {  	s16 =	smax.u32 s16, $0x1;
	s15 =	sadd.s32 s10, s8;
	s8 =	simm.s32 $0x4F  }
0xf: {  	s10 =	sadd.s32 $0x2000, s14;
	s14 =	sor.u32 s18, s17;
	s17 =	simm.s32 $0x4100  }
0x10: {  	v0 =	vimm.f32 $0.0e+00;
	s18 =	simm.s32 $0x1;
	s8 =	simm.s32 @!p0 $0x4E;
	s15 =	sadd.s32 $0x314600, s15  }
.LBB2_1:
0x11: {  	s23 =	simm.s32 $0x100;
	s22 =	simm.s32 $0x0  }
.LBB2_2:
0x12: {  	p0 =	sne.s32 s23, $0x7F00;
	[tilespmem:s22+$0x4130] =	vst v0;
	s24 =	smov.u32 s23;
	s23 =	sadd.s32 $0x100, s23  }
.Ltmp0:
0x13: {  	[tilespmem:s22+$0x4120] =	vst v0;
	(pc) =	sbr.rel @p0 .LBB2_2-.Ltmp0, $3  }
0x14: {  	[tilespmem:s22+$0x4100] =	vst v0  }
0x15: {  	[tilespmem:s22+$0x4110] =	vst v0;
	_ =	sdelay $0x1  }
0x16: {  	s22 =	sshra.s32 s24, $0x2  }
0x17: {  	[tilespmem:s22+$0x4130] =	vst v0  }
0x18: {  	[tilespmem:s22+$0x4120] =	vst v0  }
0x19: {  	[tilespmem:s22+$0x4100] =	vst v0  }
0x1a: {  	[tilespmem:s22+$0x4110] =	vst v0  }
0x1b: {  	[spmem:s9] =	stream.linear.scatter [tilespmem:s17], [sflag:$0x1], $0x2000, $0x38;
	[tilespmem:$0x10100] =	vst v63  }
0x1c: {  	_ =	swait.ge [sflag:s18], $0x2000  }
0x1d: {  	[sflag:s18] =	ssyncset.done $0x0  }
0x1e: {  	[sflag:s18] =	ssyncadd.s32 $0xFFFFE000  }
0x1f: {  	[spmem:s10] =	stream.linear.scatter [tilespmem:s17], [sflag:$0x1], $0x2000, $0x38;
	[tilespmem:$0x10100] =	vst v63  }
0x20: {  	_ =	swait.ge [sflag:s18], $0x2000  }
0x21: {  	[sflag:s18] =	ssyncset.done $0x0  }
0x22: {  	[sflag:s18] =	ssyncadd.s32 $0xFFFFE000  }
0x23: {  	[spmem:s11] =	stream.linear.scatter [tilespmem:s17], [sflag:$0x1], $0x2000, $0x38;
	[tilespmem:$0x10100] =	vst v63  }
0x24: {  	_ =	swait.ge [sflag:s18], $0x2000  }
0x25: {  	[sflag:s18] =	ssyncset.done $0x0  }
0x26: {  	[sflag:s18] =	ssyncadd.s32 $0xFFFFE000  }
0x27: {  	[spmem:s12] =	stream.linear.scatter [tilespmem:s17], [sflag:$0x1], $0x2000, $0x38;
	[tilespmem:$0x10100] =	vst v63  }
0x28: {  	_ =	swait.ge [sflag:s18], $0x2000  }
0x29: {  	[sflag:s18] =	ssyncset.done $0x0  }
0x2a: {  	[sflag:s18] =	ssyncadd.s32 $0xFFFFE000  }
0x2b: {  	[spmem:s13] =	stream.linear.scatter [tilespmem:s17], [sflag:$0x1], $0x2000, $0x38;
	[tilespmem:$0x10100] =	vst v63  }
0x2c: {  	_ =	swait.ge [sflag:s18], $0x2000  }
0x2d: {  	[sflag:s18] =	ssyncset.done $0x0  }
0x2e: {  	[sflag:s18] =	ssyncadd.s32 $0xFFFFE000  }
0x2f: {  	s22 =	simm.s32 $0x0;
	s23 =	simm.s32 $0x0;
	[bflag:$0x0] =	sbarrier.arrive $0xFFFF  }
.LBB2_4:
0x30: {  	s24 =	sshll.u32 s23, $0xC  }
0x31: {  	s24 =	sor.u32 s14, s24  }
0x32: {  	s25 =	sshrl.u32 s24, $0x3  }
0x33: {  	s26 =	sadd.s32 s6, s25  }
0x34: {  	[tilespmem:s22], [sflag:$0x1] =	stream.linear.gather [hbm4b:s26+s22], $0x80, $0x38;
	[tilespmem:$0x10100] =	vst v63  }
0x35: {  	_ =	swait.ge [sflag:s18], $0x80  }
0x36: {  	[sflag:s18] =	ssyncset.done $0x0  }
0x37: {  	s25 =	sadd.s32 s7, s25;
	[sflag:s18] =	ssyncadd.s32 $0xFFFFFF80  }
0x38: {  	[tilespmem:s19], [sflag:$0x1] =	stream.linear.gather [hbm4b:s25+s22], $0x80, $0x38;
	[tilespmem:$0x10100] =	vst v63  }
0x39: {  	_ =	swait.ge [sflag:s18], $0x80  }
0x3a: {  	[sflag:s18] =	ssyncset.done $0x0  }
0x3b: {  	[sflag:s18] =	ssyncadd.s32 $0xFFFFFF80  }
0x3c: {  	[tilespmem:s20], [sflag:$0x1] =	stream.indirect.gather [hbm4b:s4+s19], $0x40, s22, s19, $0xb8;
	[tilespmem:$0x10100] =	vst v63  }
0x3d: {  	_ =	swait.ge [sflag:s18], $0x2000  }
0x3e: {  	s24 =	sshll.u32 s24, $0x3;
	[sflag:s18] =	ssyncset.done $0x0  }
0x3f: {  	s24 =	sadd.s32 s5, s24;
	[sflag:s18] =	ssyncadd.s32 $0xFFFFE000  }
0x40: {  	[tilespmem:s21], [sflag:$0x1] =	stream.linear.gather [hbm4b:s24+s22], $0x2000, $0x38;
	[tilespmem:$0x10100] =	vst v63  }
0x41: {  	_ =	swait.ge [sflag:s18], $0x2000  }
0x42: {  	[sflag:s18] =	ssyncset.done $0x0  }
0x43: {  	s24 =	simm.s32 $0x0;
	[sflag:s18] =	ssyncadd.s32 $0xFFFFE000  }
0x44: {  	v6 =	vld [tilespmem:s24+$0x2100]  }
0x45: {  	v7 =	vld [tilespmem:s24+$0x2110]  }
0x46: {  	v2 =	vld [tilespmem:s24+$0x2120]  }
0x47: {  	v1 =	vld [tilespmem:s24+$0x2130]  }
0x48: {  	v3 =	vld [tilespmem:s24+$0x100]  }
0x49: {  	v5 =	vld [tilespmem:s24+$0x110]  }
0x4a: {  	s25 =	simm.s32 $0x100;
	v4 =	vld [tilespmem:s24+$0x120]  }
.LBB2_5:
0x4b: {  	s26 =	sshra.s32 s25, $0x2;
	p0 =	sne.s32 s25, $0x7F00;
	v8 =	vld [tilespmem:s24+$0x130];
	v9 =	vmov v2  }
0x4c: {  	v10 =	vld [tilespmem:s26+$0x2100];
	v11 =	vmov v1  }
0x4d: {  	v12 =	vld [tilespmem:s26+$0x2110];
	v3 =	vmul.f32 v6, v3  }
.Ltmp1:
0x4e: {  	v2 =	vld [tilespmem:s26+$0x2120];
	v5 =	vmul.f32 v7, v5;
	(pc) =	sbr.rel @p0 .LBB2_5-.Ltmp1, $4  }
0x4f: {  	v1 =	vld [tilespmem:s26+$0x2130];
	[tilespmem:s24+$0x100] =	vst v3;
	v4 =	vmul.f32 v9, v4  }
0x50: {  	v3 =	vld [tilespmem:s26+$0x100];
	[tilespmem:s24+$0x110] =	vst v5;
	v8 =	vmul.f32 v11, v8  }
0x51: {  	v5 =	vld [tilespmem:s26+$0x110];
	[tilespmem:s24+$0x120] =	vst v4;
	v6 =	vmov v10  }
0x52: {  	s25 =	sadd.s32 $0x100, s25;
	v4 =	vld [tilespmem:s26+$0x120];
	[tilespmem:s24+$0x130] =	vst v8;
	v7 =	vmov v12;
	s24 =	smov.u32 s26  }
0x53: {  	v8 =	vld [tilespmem:s24+$0x130];
	_ =	sdelay $0x1  }
0x54: {  	v3 =	vmul.f32 v6, v3  }
0x55: {  	v5 =	vmul.f32 v7, v5  }
0x56: {  	[tilespmem:s24+$0x100] =	vst v3;
	v2 =	vmul.f32 v2, v4  }
0x57: {  	s23 =	sadd.s32 $0x1, s23;
	[tilespmem:s24+$0x110] =	vst v5;
	v1 =	vmul.f32 v1, v8  }
0x58: {  	p0 =	sne.s32 s23, s8;
	[tilespmem:s24+$0x120] =	vst v2  }
.Ltmp2:
0x59: {  	[tilespmem:s24+$0x130] =	vst v1;
	(pc) =	sbr.rel @p0 .LBB2_4-.Ltmp2, $4  }
0x5a: {  	[spmem:s2] =	stream.indirect.scatter.add.f32 [tilespmem:s20], [sflag:$0x1], $0x40, s19, s19, $0xb8;
	[tilespmem:$0x10100] =	vst v63  }
0x5b: {  	_ =	swait.ge [sflag:s18], $0x2000  }
0x5c: {  	[sflag:s18] =	ssyncset.done $0x0  }
0x5d: {  	[sflag:s18] =	ssyncadd.s32 $0xFFFFE000  }
0x5e: {  	s3 =	sadd.s32 $0x1, s3  }
0x5f: {  	s22 =	sshll.u32 s1, $0x6;
	[bflag:$0x0] =	sbarrier.arrive $0xFFFF;
	p0 =	sne.s32 s3, s16  }
.Ltmp3:
0x60: {  	s23 =	sshrl.u32 s9, $0x3;
	s22 =	sor.u32 $0x1C01, s22;
	(pc) =	sbr.rel @p0 .LBB2_1-.Ltmp3, $4  }
0x61: {  	[hbm:s15], [sflag:s22] =	dma.local [spmem:s23], $0x1400  }
0x62: {  	_ =	swait.ge [sflag:s18], $0x1400  }
0x63: {  	[sflag:s18] =	ssyncset.done $0x0  }
0x64: {  	[sflag:s18] =	ssyncadd.s32 $0xFFFFEC00  }
0x65: {  	_ =	sfence.sel $0x180000  }
0x66: {  	[bflag:$0x0] =	sbarrier.arrive $0xFFFF  }
0x67: {  	p0 =	sne.s32 s1, $0x0;
	_ =	strace $0x9000004D  }
0x68: {  	s0 =	sadd.s32 @!p0 $0x100000, s0;
	[bflag:$0x2] =	sbarrier.arrive $0xFFFF  }
0x69: {  	[sflag:s0] =	ssyncadd.tile.s32 @!p0 $0x1;
	_ =	shalt  }
.Lfunc_end2:
_tile_overlayer_lowered:
.L_overlay_start_2:
0x6a: {  	(tag) =	ssettag $0x2  }
0x6b: {  	s0 =	rddreg [dreg:$0x0];
	s2 =	stileid.u32  }
0x6c: {  	s1 =	rddreg [dreg:$0x1];
	p0 =	sne.s32 s2, $0x0  }
0x6d: {  	s3 =	rddreg [dreg:$0x2];
	[bflag:$0x3] =	sbarrier.arrive $0xFFFF;
	s2 =	simm.s32 @!p0 $0x1C01  }
0x6e: {  	[timem:s3], [sflag:s2] =	dma.local @!p0 [hbm:s0], s1  }
0x6f: {  	s0 =	simm.s32 @!p0 $0x1  }
0x70: {  	_ =	swait.ge @!p0 [sflag:s0], s1  }
0x71: {  	s1 =	ssub.s32 @!p0 $0x0, s1;
	[sflag:s0] =	ssyncset.done @!p0 $0x0  }
0x72: {  	[sflag:s0] =	ssyncadd.s32 @!p0 s1  }
0x73: {  	[bflag:$0x3] =	sbarrier.arrive $0xFFFF  }
0x74: {  	_ =	shalt  }

// kernel: kernel.22.cloned.1.call-start
scs
__scs_entry_jumppad:
0x0: {  	(pc) =	sbr.rel $0x88, $3  }
0x1: {  	(tag) =	ssettag $0x0;
	lr =	simm.s32 $0x1  }
0x2: {  	[smem:$0x3F95] =	sst lr;
	_ =	strace $0xD0000000  }
0x3: {  	_ = 	snop  }
0x4: {  	_ = 	snop  }
0x5: {  	_ = 	snop  }
0x6: {  	_ = 	snop  }
0x7: {  	_ = 	snop  }
__scs_overlays_trampoline_lowered:
0x8: {  	[smem:$0x3FA4] =	sst s0  }
0x9: {  	[smem:$0x3FA5] =	sst s1  }
0xa: {  	[smem:$0x3FA6] =	sst s2  }
0xb: {  	[smem:$0x3FA7] =	sst s3  }
0xc: {  	[smem:$0x3FA8] =	sst s4  }
0xd: {  	[smem:$0x3FA9] =	sst s5  }
0xe: {  	[smem:$0x3FAA] =	sst s6  }
0xf: {  	[smem:$0x3FAB] =	sst s7  }
0x10: {  	[smem:$0x3FAC] =	sst s8  }
0x11: {  	[smem:$0x3FAD] =	sst s9;
	s0 =	simm.s32 @!p0 $0x0  }
0x12: {  	s1 =	sld [smem:$0x3F93];
	s0 =	simm.s32 @p0 $0x1  }
0x13: {  	[smem:$0x3FAE] =	sst s0;
	s0 =	simm.s32 @!p1 $0x0  }
0x14: {  	s2 =	sld [smem:$0x3F92];
	s0 =	simm.s32 @p1 $0x1  }
0x15: {  	[smem:$0x3FAF] =	sst s0;
	s0 =	simm.s32 @!p2 $0x0  }
0x16: {  	s3 =	sld [smem:$0x3FDB];
	s0 =	simm.s32 @p2 $0x1  }
0x17: {  	s4 =	simm.s32 $0x1BF5;
	[smem:$0x3FB1] =	sst s0  }
0x18: {  	s0 =	sld [smem:$0x3F94];
	_ =	swait.ge [sflag:s4], $0x0  }
0x19: {  	s7 =	sld [smem:$0x3F95]  }
0x1a: {  	s8 =	sadd.s32 $0xFFFFE003, lr  }
0x1b: {  	s9 =	sadd.s32 $0xFFFFFEF7, lr;
	s5 =	simm.s32 $0xFFFFFFFF;
	p2 =	slt.u32 s8, $0xFFFFF086  }
0x1c: {  	p1 =	slt.u32 s9, $0xF7A;
	s5 =	simm.s32 @!p2 $0x0  }
0x1d: {  	s5 =	simm.s32 @p1 $0x1;
	p0 =	seq.s32 s7, s2  }
0x1e: {  	s7 =	smul.u32 @!p0 $0xF7A, s2;
	p2 =	seq.s32 @!p0 s5, $0x0  }
0x1f: {  	s9 =	smul.u32 $0xF7A, s1;
	s8 =	simm.s32 @!p0 $0x1BF5;
	p2 =	por !p2, p0  }
0x20: {  	[sflag:s8] =	ssyncset.s32 @!p0 $0xFFFFF086;
	s6 =	sadd.s32 @!p0 s3, s7;
	s7 =	simm.s32 @!p0 $0x108  }
0x21: {  	s3 =	sadd.s32 s3, s9;
	s6 =	sadd.s32 @!p0 $0x88, s6;
	s7 =	simm.s32 @p2 $0x1082  }
0x22: {  	[simem:s7], [sflag:s8] =	dma.local @!p0 [hbm:s6], $0xF7A  }
0x23: {  	s9 =	sor.u32 $0xD0000000, s2;
	s6 =	simm.s32 $0x108;
	_ =	swait.ge @!p0 [sflag:s8], $0x0  }
0x24: {  	s3 =	sadd.s32 $0x88, s3;
	s6 =	simm.s32 @!p1 $0x1082;
	[sflag:s4] =	ssyncset.s32 $0xFFFFF086  }
0x25: {  	[simem:s6], [sflag:s4] =	dma.local [hbm:s3], $0xF7A  }
0x26: {  	[smem:$0x3F95] =	sst s1;
	(tag) =	ssettag s2;
	_ =	strace s9  }
0x27: {  	s1 =	sld [smem:$0x3FA5]  }
0x28: {  	s2 =	sld [smem:$0x3FA6]  }
0x29: {  	s4 =	sld [smem:$0x3FA8]  }
0x2a: {  	p0 =	seq.s32 s5, $0x0;
	s5 =	sld [smem:$0x3FA9]  }
0x2b: {  	s6 =	sld [smem:$0x3FAA]  }
0x2c: {  	s7 =	sld [smem:$0x3FAB]  }
0x2d: {  	s3 =	simm.s32 $0x108;
	s8 =	sld [smem:$0x3FAC]  }
0x2e: {  	s3 =	simm.s32 @!p0 $0x1082;
	s9 =	sld [smem:$0x3FAD]  }
0x2f: {  	lr =	sadd.s32 s0, s3;
	s0 =	sld [smem:$0x3FA4]  }
0x30: {  	s3 =	sld [smem:$0x3FA7]  }
0x31: {  	[smem:$0x3FB0] =	sst s10  }
0x32: {  	s10 =	sld [smem:$0x3FAE];
	_ =	sdelay $0x3  }
0x33: {  	p0 =	seq.s32 s10, $0x1;
	s10 =	sld [smem:$0x3FB0];
	_ =	sdelay $0x3  }
0x34: {  	[smem:$0x3FB0] =	sst s10  }
0x35: {  	s10 =	sld [smem:$0x3FAF];
	_ =	sdelay $0x3  }
0x36: {  	p1 =	seq.s32 s10, $0x1;
	s10 =	sld [smem:$0x3FB0];
	_ =	sdelay $0x3  }
0x37: {  	[smem:$0x3FB0] =	sst s10  }
0x38: {  	s10 =	sld [smem:$0x3FB1]  }
0x39: {  	_ = 	snop;
	(pc) =	sbr.ind lr, $3  }
0x3a: {  	_ = 	snop  }
0x3b: {  	_ = 	snop  }
0x3c: {  	p2 =	seq.s32 s10, $0x1;
	s10 =	sld [smem:$0x3FB0]  }
0x3d: {  	_ =	shalt  }
0x3e: {  	_ =	shalt  }
0x3f: {  	_ =	shalt  }
0x40: {  	_ =	shalt  }
0x41: {  	_ =	shalt  }
0x42: {  	_ =	shalt  }
0x43: {  	_ =	shalt  }
0x44: {  	_ =	shalt  }
0x45: {  	_ =	shalt  }
0x46: {  	_ =	shalt  }
0x47: {  	_ =	shalt  }
0x48: {  	_ =	shalt  }
0x49: {  	_ =	shalt  }
0x4a: {  	_ =	shalt  }
0x4b: {  	_ =	shalt  }
0x4c: {  	_ =	shalt  }
0x4d: {  	_ =	shalt  }
0x4e: {  	_ =	shalt  }
0x4f: {  	_ =	shalt  }
0x50: {  	_ =	shalt  }
0x51: {  	_ =	shalt  }
0x52: {  	_ =	shalt  }
0x53: {  	_ =	shalt  }
0x54: {  	_ =	shalt  }
0x55: {  	_ =	shalt  }
0x56: {  	_ =	shalt  }
0x57: {  	_ =	shalt  }
0x58: {  	_ =	shalt  }
0x59: {  	_ =	shalt  }
0x5a: {  	_ =	shalt  }
0x5b: {  	_ =	shalt  }
0x5c: {  	_ =	shalt  }
0x5d: {  	_ =	shalt  }
0x5e: {  	_ =	shalt  }
0x5f: {  	_ =	shalt  }
0x60: {  	_ =	shalt  }
0x61: {  	_ =	shalt  }
0x62: {  	_ =	shalt  }
0x63: {  	_ =	shalt  }
0x64: {  	_ =	shalt  }
0x65: {  	_ =	shalt  }
0x66: {  	_ =	shalt  }
0x67: {  	_ =	shalt  }
0x68: {  	_ =	shalt  }
0x69: {  	_ =	shalt  }
0x6a: {  	_ =	shalt  }
0x6b: {  	_ =	shalt  }
0x6c: {  	_ =	shalt  }
0x6d: {  	_ =	shalt  }
0x6e: {  	_ =	shalt  }
0x6f: {  	_ =	shalt  }
0x70: {  	_ =	shalt  }
0x71: {  	_ =	shalt  }
0x72: {  	_ =	shalt  }
0x73: {  	_ =	shalt  }
0x74: {  	_ =	shalt  }
0x75: {  	_ =	shalt  }
0x76: {  	_ =	shalt  }
0x77: {  	_ =	shalt  }
0x78: {  	_ =	shalt  }
0x79: {  	_ =	shalt  }
0x7a: {  	_ =	shalt  }
0x7b: {  	_ =	shalt  }
0x7c: {  	_ =	shalt  }
0x7d: {  	_ =	shalt  }
0x7e: {  	_ =	shalt  }
0x7f: {  	_ =	shalt  }
0x80: {  	_ =	shalt  }
0x81: {  	_ =	shalt  }
0x82: {  	_ =	shalt  }
0x83: {  	_ =	shalt  }
0x84: {  	_ =	shalt  }
0x85: {  	_ =	shalt  }
0x86: {  	_ =	shalt  }
0x87: {  	_ =	shalt  }
.Lfunc_end0:
.L_simem_size_0:
called_computation.3_lowered:
.L_overlay_start_0:
0x88: {  	s2 =	sld [smem:$0x3FD9]  }
0x89: {  	s3 =	sld [smem:$0x3FFE];
	_ =	sdelay $0x1  }
0x8a: {  	s1 =	srdreg.scid  }
0x8b: {  	s0 =	sand.u32 $0x1, s1  }
0x8c: {  	s16 =	sshll.u32 s0, $0xA;
	s2 =	sadd.s32 s3, s2  }
0x8d: {  	s2 =	sadd.s32 s2, s16  }
0x8e: {  	[smem:$0x3FBC] =	sst s2  }
0x8f: {  	_ = 	snop  }
0x90: {  	(tm) =	ssettm $0x1  }
0x91: {  	s17 =	sld [smem:$0x3FFB];
	_ =	sdelay $0x3  }
0x92: {  	_ =	strace s17  }
0x93: {  	s2 =	sld [smem:$0x3FFC];
	_ =	sdelay $0x3  }
0x94: {  	_ =	strace s2  }
0x95: {  	s2 =	sld [smem:$0x3FFD];
	_ =	sdelay $0x3  }
0x96: {  	_ =	strace s2  }
0x97: {  	_ =	strace $0x8FFFFFFF  }
0x98: {  	s18 =	sld [smem:$0x3FDB];
	_ =	sdelay $0x1  }
0x99: {  	s19 =	simm.s32 $_scs_section_size  }
0x9a: {  	s4 =	simm.s32 $_size__tile_overlayer_lowered;
	s5 =	simm.s32 $_tile_overlayer_lowered  }
0x9b: {  	s22 =	simm.s32 $0x1BFF;
	s21 =	sshll.u32 s5, $0x1;
	s2 =	sadd.s32 s19, s18  }
0x9c: {  	s6 =	simm.s32 $0x0;
	s20 =	sshll.u32 s4, $0x1;
	s4 =	sadd.s32 s21, s2  }
0x9d: {  	[timem:s6], [sflag:s22] =	dma.local [hbm:s4], s20  }
0x9e: {  	_ =	swait.ge [sflag:s22], s20  }
0x9f: {  	s3 =	ssub.s32 $0x0, s20;
	[sflag:s22] =	ssyncset.done $0x0  }
0xa0: {  	[sflag:s22] =	ssyncadd.s32 s3;
	_ =	sdelay $0x1  }
0xa1: {  	s23 =	simm.s32 $0x1B8B  }
0xa2: {  	_ =	swait.ge [sflag:s23], $0x1  }
0xa3: {  	[sflag:s23] =	ssyncset.done $0x0  }
0xa4: {  	s25 =	simm.s32 $0x1B8E;
	s24 =	sld [smem:$0x3FFE];
	[sflag:s23] =	ssyncadd.s32 $0xFFFFFFFF  }
0xa5: {  	s26 =	simm.s32 $execute0_lowered;
	[smem:$0x3FD2] =	sst s25  }
0xa6: {  	s4 =	sshll.u32 s26, $0x1;
	_ =	strace $0x8000004F;
	[dreg:$0x1] =	wrdreg $0xFFFFFFFF  }
0xa7: {  	s28 =	simm.s32 $_size_execute0_lowered;
	s2 =	sadd.s32 s2, s4;
	[dreg:$0x0] =	wrdreg $0x0  }
0xa8: {  	s4 =	sshll.u32 s28, $0x1;
	[dreg:$0x2] =	wrdreg s2  }
0xa9: {  	[dreg:$0x3] =	wrdreg s4  }
0xaa: {  	[dreg:$0x4] =	wrdreg $0xC0  }
0xab: {  	_ =	task [dreg:s6], $0x5FFFF  }
0xac: {  	[dreg:$0x1] =	wrdreg $0xFFFFFFFF  }
0xad: {  	[dreg:$0x0] =	wrdreg $0x60  }
0xae: {  	[dreg:$0x2] =	wrdreg s24  }
0xaf: {  	[dreg:$0x3] =	wrdreg $0x61000  }
0xb0: {  	[dreg:$0x4] =	wrdreg $0x9  }
0xb1: {  	_ =	task.clear_ibuf [dreg:s6], $0x5FFFF;
	_ =	strace $0x9000004F  }
0xb2: {  	s29 =	simm.s32 $0x9;
	_ =	strace $0x80000051  }
0xb3: {  	_ =	swait.ge [sflag:s29], $0x1  }
0xb4: {  	[sflag:s29] =	ssyncadd.s32 $0xFFFFFFFF  }
0xb5: {  	_ =	strace $0x90000051  }
0xb6: {  	_ =	sfence  }
0xb7: {  	s30 =	sld [smem:$0x0];
	_ =	sdelay $0x2  }
0xb8: {  	s31 =	sshll.u32 s1, $0xD;
	s1 =	sshrl.u32 s1, $0x2  }
0xb9: {  	s3 =	sand.u32 $0x4000, s31;
	s1 =	sadd.s32 s1, s30  }
0xba: {  	s0 =	sor.u32 s3, s0;
	s1 =	sshll.u32 s1, $0x11  }
0xbb: {  	s0 =	sor.u32 s1, s0  }
0xbc: {  	s0 =	sadd.s32 $0x8F2B, s0  }
0xbd: {  	[sflag:s0] =	ssyncadd.remote.s32 $0x1  }
0xbe: {  	_ =	sfence.sel $0xFFFF  }
0xbf: {  	[dreg:$0x0] =	wrdreg $0xFFFFFFFF;
	(pc) =	sbr.abs _section_cstart, $3  }
0xc0: {  	[dreg:$0x1] =	wrdreg $0xFFFFFFFF  }
0xc1: {  	_ =	task.clear_ibuf [dreg:s6], $0x2FFFF;
	_ =	strace $0x9FFFFFFF  }
0xc2: {  	(tm) =	ssettm $0x7FFFFFFF  }
0xc3: {  	_ =	shalt  }
tec
execute0_lowered:
.L_overlay_start_1:
0x0: {  	(tag) =	ssettag $0x1  }
0x1: {  	s8 =	rddreg [dreg:$0x0]  }
0x2: {  	s2 =	rddreg [dreg:$0x1]  }
0x3: {  	s0 =	rddreg [dreg:$0x2]  }
0x4: {  	s4 =	srdreg.scid;
	s1 =	stileid.u32;
	s3 =	simm.s32 $0x0  }
0x5: {  	s19 =	simm.s32 $0x80;
	s20 =	simm.s32 $0x100;
	s21 =	simm.s32 $0x2100  }
0x6: {  	s13 =	sand.u32 $0x1, s4;
	s9 =	smul.u32 $0xA000, s1;
	[smem:$0x7FF] =	sst s3  }
0x7: {  	s4 =	sadd.s32 $0x8FC00, s8;
	s5 =	sadd.s32 $0x33C600, s8;
	s6 =	sadd.s32 $0xDE00, s8  }
0x8: {  	s12 =	smul.u32 $0x28000, s1;
	p0 =	slt.u32 s1, $0x2;
	s17 =	sshll.u32 s1, $0x8  }
0x9: {  	s7 =	smul.u32 $0xA0000, s13;
	_ =	strace $0x80000050;
	s11 =	ssub.s32 $0x2, s13  }
0xa: {  	s18 =	sshll.u32 s13, $0x7;
	s31 =	sshrl.u32 s11, $0x1;
	s12 =	sshrl.u32 s12, $0x2  }
0xb: {  	s7 =	sadd.s32 s9, s7;
	s16 =	ssub.s32 s11, s31;
	s14 =	sadd.s32 s12, s2  }
0xc: {  	s9 =	sadd.s32 s9, s2;
	s10 =	sshrl.u32 s7, $0x3;
	s7 =	sadd.s32 $0x4000, s8  }
0xd: {  	s11 =	sadd.s32 $0x4000, s14;
	s12 =	sadd.s32 $0x6000, s14;
	s13 =	sadd.s32 $0x8000, s14  }
0xe: {  	s16 =	smax.u32 s16, $0x1;
	s15 =	sadd.s32 s10, s8;
	s8 =	simm.s32 $0x4F  }
0xf: {  	s10 =	sadd.s32 $0x2000, s14;
	s14 =	sor.u32 s18, s17;
	s17 =	simm.s32 $0x4100  }
0x10: {  	v0 =	vimm.f32 $0.0e+00;
	s18 =	simm.s32 $0x1;
	s8 =	simm.s32 @!p0 $0x4E;
	s15 =	sadd.s32 $0xA3600, s15  }
.LBB2_1:
0x11: {  	s23 =	simm.s32 $0x100;
	s22 =	simm.s32 $0x0  }
.LBB2_2:
0x12: {  	p0 =	sne.s32 s23, $0x7F00;
	[tilespmem:s22+$0x4130] =	vst v0;
	s24 =	smov.u32 s23;
	s23 =	sadd.s32 $0x100, s23  }
.Ltmp0:
0x13: {  	[tilespmem:s22+$0x4120] =	vst v0;
	(pc) =	sbr.rel @p0 .LBB2_2-.Ltmp0, $3  }
0x14: {  	[tilespmem:s22+$0x4100] =	vst v0  }
0x15: {  	[tilespmem:s22+$0x4110] =	vst v0;
	_ =	sdelay $0x1  }
0x16: {  	s22 =	sshra.s32 s24, $0x2  }
0x17: {  	[tilespmem:s22+$0x4130] =	vst v0  }
0x18: {  	[tilespmem:s22+$0x4120] =	vst v0  }
0x19: {  	[tilespmem:s22+$0x4100] =	vst v0  }
0x1a: {  	[tilespmem:s22+$0x4110] =	vst v0  }
0x1b: {  	[spmem:s9] =	stream.linear.scatter [tilespmem:s17], [sflag:$0x1], $0x2000, $0x38;
	[tilespmem:$0x10100] =	vst v63  }
0x1c: {  	_ =	swait.ge [sflag:s18], $0x2000  }
0x1d: {  	[sflag:s18] =	ssyncset.done $0x0  }
0x1e: {  	[sflag:s18] =	ssyncadd.s32 $0xFFFFE000  }
0x1f: {  	[spmem:s10] =	stream.linear.scatter [tilespmem:s17], [sflag:$0x1], $0x2000, $0x38;
	[tilespmem:$0x10100] =	vst v63  }
0x20: {  	_ =	swait.ge [sflag:s18], $0x2000  }
0x21: {  	[sflag:s18] =	ssyncset.done $0x0  }
0x22: {  	[sflag:s18] =	ssyncadd.s32 $0xFFFFE000  }
0x23: {  	[spmem:s11] =	stream.linear.scatter [tilespmem:s17], [sflag:$0x1], $0x2000, $0x38;
	[tilespmem:$0x10100] =	vst v63  }
0x24: {  	_ =	swait.ge [sflag:s18], $0x2000  }
0x25: {  	[sflag:s18] =	ssyncset.done $0x0  }
0x26: {  	[sflag:s18] =	ssyncadd.s32 $0xFFFFE000  }
0x27: {  	[spmem:s12] =	stream.linear.scatter [tilespmem:s17], [sflag:$0x1], $0x2000, $0x38;
	[tilespmem:$0x10100] =	vst v63  }
0x28: {  	_ =	swait.ge [sflag:s18], $0x2000  }
0x29: {  	[sflag:s18] =	ssyncset.done $0x0  }
0x2a: {  	[sflag:s18] =	ssyncadd.s32 $0xFFFFE000  }
0x2b: {  	[spmem:s13] =	stream.linear.scatter [tilespmem:s17], [sflag:$0x1], $0x2000, $0x38;
	[tilespmem:$0x10100] =	vst v63  }
0x2c: {  	_ =	swait.ge [sflag:s18], $0x2000  }
0x2d: {  	[sflag:s18] =	ssyncset.done $0x0  }
0x2e: {  	[sflag:s18] =	ssyncadd.s32 $0xFFFFE000  }
0x2f: {  	s22 =	simm.s32 $0x0;
	s23 =	simm.s32 $0x0;
	[bflag:$0x0] =	sbarrier.arrive $0xFFFF  }
.LBB2_4:
0x30: {  	s24 =	sshll.u32 s23, $0xC  }
0x31: {  	s24 =	sor.u32 s14, s24  }
0x32: {  	s25 =	sshrl.u32 s24, $0x3  }
0x33: {  	s26 =	sadd.s32 s6, s25  }
0x34: {  	[tilespmem:s22], [sflag:$0x1] =	stream.linear.gather [hbm4b:s26+s22], $0x80, $0x38;
	[tilespmem:$0x10100] =	vst v63  }
0x35: {  	_ =	swait.ge [sflag:s18], $0x80  }
0x36: {  	[sflag:s18] =	ssyncset.done $0x0  }
0x37: {  	s25 =	sadd.s32 s7, s25;
	[sflag:s18] =	ssyncadd.s32 $0xFFFFFF80  }
0x38: {  	[tilespmem:s19], [sflag:$0x1] =	stream.linear.gather [hbm4b:s25+s22], $0x80, $0x38;
	[tilespmem:$0x10100] =	vst v63  }
0x39: {  	_ =	swait.ge [sflag:s18], $0x80  }
0x3a: {  	[sflag:s18] =	ssyncset.done $0x0  }
0x3b: {  	[sflag:s18] =	ssyncadd.s32 $0xFFFFFF80  }
0x3c: {  	[tilespmem:s20], [sflag:$0x1] =	stream.indirect.gather [hbm4b:s4+s19], $0x40, s22, s19, $0xb8;
	[tilespmem:$0x10100] =	vst v63  }
0x3d: {  	_ =	swait.ge [sflag:s18], $0x2000  }
0x3e: {  	s24 =	sshll.u32 s24, $0x3;
	[sflag:s18] =	ssyncset.done $0x0  }
0x3f: {  	s24 =	sadd.s32 s5, s24;
	[sflag:s18] =	ssyncadd.s32 $0xFFFFE000  }
0x40: {  	[tilespmem:s21], [sflag:$0x1] =	stream.linear.gather [hbm4b:s24+s22], $0x2000, $0x38;
	[tilespmem:$0x10100] =	vst v63  }
0x41: {  	_ =	swait.ge [sflag:s18], $0x2000  }
0x42: {  	[sflag:s18] =	ssyncset.done $0x0  }
0x43: {  	s24 =	simm.s32 $0x0;
	[sflag:s18] =	ssyncadd.s32 $0xFFFFE000  }
0x44: {  	v6 =	vld [tilespmem:s24+$0x2100]  }
0x45: {  	v7 =	vld [tilespmem:s24+$0x2110]  }
0x46: {  	v2 =	vld [tilespmem:s24+$0x2120]  }
0x47: {  	v1 =	vld [tilespmem:s24+$0x2130]  }
0x48: {  	v3 =	vld [tilespmem:s24+$0x100]  }
0x49: {  	v5 =	vld [tilespmem:s24+$0x110]  }
0x4a: {  	s25 =	simm.s32 $0x100;
	v4 =	vld [tilespmem:s24+$0x120]  }
.LBB2_5:
0x4b: {  	s26 =	sshra.s32 s25, $0x2;
	p0 =	sne.s32 s25, $0x7F00;
	v8 =	vld [tilespmem:s24+$0x130];
	v9 =	vmov v2  }
0x4c: {  	v10 =	vld [tilespmem:s26+$0x2100];
	v11 =	vmov v1  }
0x4d: {  	v12 =	vld [tilespmem:s26+$0x2110];
	v3 =	vmul.f32 v6, v3  }
.Ltmp1:
0x4e: {  	v2 =	vld [tilespmem:s26+$0x2120];
	v5 =	vmul.f32 v7, v5;
	(pc) =	sbr.rel @p0 .LBB2_5-.Ltmp1, $4  }
0x4f: {  	v1 =	vld [tilespmem:s26+$0x2130];
	[tilespmem:s24+$0x100] =	vst v3;
	v4 =	vmul.f32 v9, v4  }
0x50: {  	v3 =	vld [tilespmem:s26+$0x100];
	[tilespmem:s24+$0x110] =	vst v5;
	v8 =	vmul.f32 v11, v8  }
0x51: {  	v5 =	vld [tilespmem:s26+$0x110];
	[tilespmem:s24+$0x120] =	vst v4;
	v6 =	vmov v10  }
0x52: {  	s25 =	sadd.s32 $0x100, s25;
	v4 =	vld [tilespmem:s26+$0x120];
	[tilespmem:s24+$0x130] =	vst v8;
	v7 =	vmov v12;
	s24 =	smov.u32 s26  }
0x53: {  	v8 =	vld [tilespmem:s24+$0x130];
	_ =	sdelay $0x1  }
0x54: {  	v3 =	vmul.f32 v6, v3  }
0x55: {  	v5 =	vmul.f32 v7, v5  }
0x56: {  	[tilespmem:s24+$0x100] =	vst v3;
	v2 =	vmul.f32 v2, v4  }
0x57: {  	s23 =	sadd.s32 $0x1, s23;
	[tilespmem:s24+$0x110] =	vst v5;
	v1 =	vmul.f32 v1, v8  }
0x58: {  	p0 =	sne.s32 s23, s8;
	[tilespmem:s24+$0x120] =	vst v2  }
.Ltmp2:
0x59: {  	[tilespmem:s24+$0x130] =	vst v1;
	(pc) =	sbr.rel @p0 .LBB2_4-.Ltmp2, $4  }
0x5a: {  	[spmem:s2] =	stream.indirect.scatter.add.f32 [tilespmem:s20], [sflag:$0x1], $0x40, s19, s19, $0xb8;
	[tilespmem:$0x10100] =	vst v63  }
0x5b: {  	_ =	swait.ge [sflag:s18], $0x2000  }
0x5c: {  	[sflag:s18] =	ssyncset.done $0x0  }
0x5d: {  	[sflag:s18] =	ssyncadd.s32 $0xFFFFE000  }
0x5e: {  	s3 =	sadd.s32 $0x1, s3  }
0x5f: {  	s22 =	sshll.u32 s1, $0x6;
	[bflag:$0x0] =	sbarrier.arrive $0xFFFF;
	p0 =	sne.s32 s3, s16  }
.Ltmp3:
0x60: {  	s23 =	sshrl.u32 s9, $0x3;
	s22 =	sor.u32 $0x1C01, s22;
	(pc) =	sbr.rel @p0 .LBB2_1-.Ltmp3, $4  }
0x61: {  	[hbm:s15], [sflag:s22] =	dma.local [spmem:s23], $0x1400  }
0x62: {  	_ =	swait.ge [sflag:s18], $0x1400  }
0x63: {  	[sflag:s18] =	ssyncset.done $0x0  }
0x64: {  	[sflag:s18] =	ssyncadd.s32 $0xFFFFEC00  }
0x65: {  	_ =	sfence.sel $0x180000  }
0x66: {  	[bflag:$0x0] =	sbarrier.arrive $0xFFFF  }
0x67: {  	p0 =	sne.s32 s1, $0x0;
	_ =	strace $0x90000050  }
0x68: {  	s0 =	sadd.s32 @!p0 $0x100000, s0;
	[bflag:$0x2] =	sbarrier.arrive $0xFFFF  }
0x69: {  	[sflag:s0] =	ssyncadd.tile.s32 @!p0 $0x1;
	_ =	shalt  }
.Lfunc_end2:
_tile_overlayer_lowered:
.L_overlay_start_2:
0x6a: {  	(tag) =	ssettag $0x2  }
0x6b: {  	s0 =	rddreg [dreg:$0x0];
	s2 =	stileid.u32  }
0x6c: {  	s1 =	rddreg [dreg:$0x1];
	p0 =	sne.s32 s2, $0x0  }
0x6d: {  	s3 =	rddreg [dreg:$0x2];
	[bflag:$0x3] =	sbarrier.arrive $0xFFFF;
	s2 =	simm.s32 @!p0 $0x1C01  }
0x6e: {  	[timem:s3], [sflag:s2] =	dma.local @!p0 [hbm:s0], s1  }
0x6f: {  	s0 =	simm.s32 @!p0 $0x1  }
0x70: {  	_ =	swait.ge @!p0 [sflag:s0], s1  }
0x71: {  	s1 =	ssub.s32 @!p0 $0x0, s1;
	[sflag:s0] =	ssyncset.done @!p0 $0x0  }
0x72: {  	[sflag:s0] =	ssyncadd.s32 @!p0 s1  }
0x73: {  	[bflag:$0x3] =	sbarrier.arrive $0xFFFF  }
0x74: {  	_ =	shalt  }

// kernel: kernel.25.cloned.1.call-start
scs
__scs_entry_jumppad:
0x0: {  	(pc) =	sbr.rel $0x88, $3  }
0x1: {  	(tag) =	ssettag $0x0;
	lr =	simm.s32 $0x1  }
0x2: {  	[smem:$0x3F95] =	sst lr;
	_ =	strace $0xD0000000  }
0x3: {  	_ = 	snop  }
0x4: {  	_ = 	snop  }
0x5: {  	_ = 	snop  }
0x6: {  	_ = 	snop  }
0x7: {  	_ = 	snop  }
__scs_overlays_trampoline_lowered:
0x8: {  	[smem:$0x3FA4] =	sst s0  }
0x9: {  	[smem:$0x3FA5] =	sst s1  }
0xa: {  	[smem:$0x3FA6] =	sst s2  }
0xb: {  	[smem:$0x3FA7] =	sst s3  }
0xc: {  	[smem:$0x3FA8] =	sst s4  }
0xd: {  	[smem:$0x3FA9] =	sst s5  }
0xe: {  	[smem:$0x3FAA] =	sst s6  }
0xf: {  	[smem:$0x3FAB] =	sst s7  }
0x10: {  	[smem:$0x3FAC] =	sst s8  }
0x11: {  	[smem:$0x3FAD] =	sst s9;
	s0 =	simm.s32 @!p0 $0x0  }
0x12: {  	s1 =	sld [smem:$0x3F93];
	s0 =	simm.s32 @p0 $0x1  }
0x13: {  	[smem:$0x3FAE] =	sst s0;
	s0 =	simm.s32 @!p1 $0x0  }
0x14: {  	s2 =	sld [smem:$0x3F92];
	s0 =	simm.s32 @p1 $0x1  }
0x15: {  	[smem:$0x3FAF] =	sst s0;
	s0 =	simm.s32 @!p2 $0x0  }
0x16: {  	s3 =	sld [smem:$0x3FDB];
	s0 =	simm.s32 @p2 $0x1  }
0x17: {  	s4 =	simm.s32 $0x1BF5;
	[smem:$0x3FB1] =	sst s0  }
0x18: {  	s0 =	sld [smem:$0x3F94];
	_ =	swait.ge [sflag:s4], $0x0  }
0x19: {  	s7 =	sld [smem:$0x3F95]  }
0x1a: {  	s8 =	sadd.s32 $0xFFFFE003, lr  }
0x1b: {  	s9 =	sadd.s32 $0xFFFFFEF7, lr;
	s5 =	simm.s32 $0xFFFFFFFF;
	p2 =	slt.u32 s8, $0xFFFFF086  }
0x1c: {  	p1 =	slt.u32 s9, $0xF7A;
	s5 =	simm.s32 @!p2 $0x0  }
0x1d: {  	s5 =	simm.s32 @p1 $0x1;
	p0 =	seq.s32 s7, s2  }
0x1e: {  	s7 =	smul.u32 @!p0 $0xF7A, s2;
	p2 =	seq.s32 @!p0 s5, $0x0  }
0x1f: {  	s9 =	smul.u32 $0xF7A, s1;
	s8 =	simm.s32 @!p0 $0x1BF5;
	p2 =	por !p2, p0  }
0x20: {  	[sflag:s8] =	ssyncset.s32 @!p0 $0xFFFFF086;
	s6 =	sadd.s32 @!p0 s3, s7;
	s7 =	simm.s32 @!p0 $0x108  }
0x21: {  	s3 =	sadd.s32 s3, s9;
	s6 =	sadd.s32 @!p0 $0x88, s6;
	s7 =	simm.s32 @p2 $0x1082  }
0x22: {  	[simem:s7], [sflag:s8] =	dma.local @!p0 [hbm:s6], $0xF7A  }
0x23: {  	s9 =	sor.u32 $0xD0000000, s2;
	s6 =	simm.s32 $0x108;
	_ =	swait.ge @!p0 [sflag:s8], $0x0  }
0x24: {  	s3 =	sadd.s32 $0x88, s3;
	s6 =	simm.s32 @!p1 $0x1082;
	[sflag:s4] =	ssyncset.s32 $0xFFFFF086  }
0x25: {  	[simem:s6], [sflag:s4] =	dma.local [hbm:s3], $0xF7A  }
0x26: {  	[smem:$0x3F95] =	sst s1;
	(tag) =	ssettag s2;
	_ =	strace s9  }
0x27: {  	s1 =	sld [smem:$0x3FA5]  }
0x28: {  	s2 =	sld [smem:$0x3FA6]  }
0x29: {  	s4 =	sld [smem:$0x3FA8]  }
0x2a: {  	p0 =	seq.s32 s5, $0x0;
	s5 =	sld [smem:$0x3FA9]  }
0x2b: {  	s6 =	sld [smem:$0x3FAA]  }
0x2c: {  	s7 =	sld [smem:$0x3FAB]  }
0x2d: {  	s3 =	simm.s32 $0x108;
	s8 =	sld [smem:$0x3FAC]  }
0x2e: {  	s3 =	simm.s32 @!p0 $0x1082;
	s9 =	sld [smem:$0x3FAD]  }
0x2f: {  	lr =	sadd.s32 s0, s3;
	s0 =	sld [smem:$0x3FA4]  }
0x30: {  	s3 =	sld [smem:$0x3FA7]  }
0x31: {  	[smem:$0x3FB0] =	sst s10  }
0x32: {  	s10 =	sld [smem:$0x3FAE];
	_ =	sdelay $0x3  }
0x33: {  	p0 =	seq.s32 s10, $0x1;
	s10 =	sld [smem:$0x3FB0];
	_ =	sdelay $0x3  }
0x34: {  	[smem:$0x3FB0] =	sst s10  }
0x35: {  	s10 =	sld [smem:$0x3FAF];
	_ =	sdelay $0x3  }
0x36: {  	p1 =	seq.s32 s10, $0x1;
	s10 =	sld [smem:$0x3FB0];
	_ =	sdelay $0x3  }
0x37: {  	[smem:$0x3FB0] =	sst s10  }
0x38: {  	s10 =	sld [smem:$0x3FB1]  }
0x39: {  	_ = 	snop;
	(pc) =	sbr.ind lr, $3  }
0x3a: {  	_ = 	snop  }
0x3b: {  	_ = 	snop  }
0x3c: {  	p2 =	seq.s32 s10, $0x1;
	s10 =	sld [smem:$0x3FB0]  }
0x3d: {  	_ =	shalt  }
0x3e: {  	_ =	shalt  }
0x3f: {  	_ =	shalt  }
0x40: {  	_ =	shalt  }
0x41: {  	_ =	shalt  }
0x42: {  	_ =	shalt  }
0x43: {  	_ =	shalt  }
0x44: {  	_ =	shalt  }
0x45: {  	_ =	shalt  }
0x46: {  	_ =	shalt  }
0x47: {  	_ =	shalt  }
0x48: {  	_ =	shalt  }
0x49: {  	_ =	shalt  }
0x4a: {  	_ =	shalt  }
0x4b: {  	_ =	shalt  }
0x4c: {  	_ =	shalt  }
0x4d: {  	_ =	shalt  }
0x4e: {  	_ =	shalt  }
0x4f: {  	_ =	shalt  }
0x50: {  	_ =	shalt  }
0x51: {  	_ =	shalt  }
0x52: {  	_ =	shalt  }
0x53: {  	_ =	shalt  }
0x54: {  	_ =	shalt  }
0x55: {  	_ =	shalt  }
0x56: {  	_ =	shalt  }
0x57: {  	_ =	shalt  }
0x58: {  	_ =	shalt  }
0x59: {  	_ =	shalt  }
0x5a: {  	_ =	shalt  }
0x5b: {  	_ =	shalt  }
0x5c: {  	_ =	shalt  }
0x5d: {  	_ =	shalt  }
0x5e: {  	_ =	shalt  }
0x5f: {  	_ =	shalt  }
0x60: {  	_ =	shalt  }
0x61: {  	_ =	shalt  }
0x62: {  	_ =	shalt  }
0x63: {  	_ =	shalt  }
0x64: {  	_ =	shalt  }
0x65: {  	_ =	shalt  }
0x66: {  	_ =	shalt  }
0x67: {  	_ =	shalt  }
0x68: {  	_ =	shalt  }
0x69: {  	_ =	shalt  }
0x6a: {  	_ =	shalt  }
0x6b: {  	_ =	shalt  }
0x6c: {  	_ =	shalt  }
0x6d: {  	_ =	shalt  }
0x6e: {  	_ =	shalt  }
0x6f: {  	_ =	shalt  }
0x70: {  	_ =	shalt  }
0x71: {  	_ =	shalt  }
0x72: {  	_ =	shalt  }
0x73: {  	_ =	shalt  }
0x74: {  	_ =	shalt  }
0x75: {  	_ =	shalt  }
0x76: {  	_ =	shalt  }
0x77: {  	_ =	shalt  }
0x78: {  	_ =	shalt  }
0x79: {  	_ =	shalt  }
0x7a: {  	_ =	shalt  }
0x7b: {  	_ =	shalt  }
0x7c: {  	_ =	shalt  }
0x7d: {  	_ =	shalt  }
0x7e: {  	_ =	shalt  }
0x7f: {  	_ =	shalt  }
0x80: {  	_ =	shalt  }
0x81: {  	_ =	shalt  }
0x82: {  	_ =	shalt  }
0x83: {  	_ =	shalt  }
0x84: {  	_ =	shalt  }
0x85: {  	_ =	shalt  }
0x86: {  	_ =	shalt  }
0x87: {  	_ =	shalt  }
.Lfunc_end0:
.L_simem_size_0:
called_computation.4_lowered:
.L_overlay_start_0:
0x88: {  	s2 =	sld [smem:$0x3FD9]  }
0x89: {  	s3 =	sld [smem:$0x3FFE];
	_ =	sdelay $0x1  }
0x8a: {  	s1 =	srdreg.scid  }
0x8b: {  	s0 =	sand.u32 $0x1, s1  }
0x8c: {  	s16 =	sshll.u32 s0, $0xA;
	s2 =	sadd.s32 s3, s2  }
0x8d: {  	s2 =	sadd.s32 s2, s16  }
0x8e: {  	[smem:$0x3FBC] =	sst s2  }
0x8f: {  	_ = 	snop  }
0x90: {  	(tm) =	ssettm $0x1  }
0x91: {  	s17 =	sld [smem:$0x3FFB];
	_ =	sdelay $0x3  }
0x92: {  	_ =	strace s17  }
0x93: {  	s2 =	sld [smem:$0x3FFC];
	_ =	sdelay $0x3  }
0x94: {  	_ =	strace s2  }
0x95: {  	s2 =	sld [smem:$0x3FFD];
	_ =	sdelay $0x3  }
0x96: {  	_ =	strace s2  }
0x97: {  	_ =	strace $0x8FFFFFFF  }
0x98: {  	s18 =	sld [smem:$0x3FDB];
	_ =	sdelay $0x1  }
0x99: {  	s19 =	simm.s32 $_scs_section_size  }
0x9a: {  	s4 =	simm.s32 $_size__tile_overlayer_lowered;
	s5 =	simm.s32 $_tile_overlayer_lowered  }
0x9b: {  	s22 =	simm.s32 $0x1BFF;
	s21 =	sshll.u32 s5, $0x1;
	s2 =	sadd.s32 s19, s18  }
0x9c: {  	s6 =	simm.s32 $0x0;
	s20 =	sshll.u32 s4, $0x1;
	s4 =	sadd.s32 s21, s2  }
0x9d: {  	[timem:s6], [sflag:s22] =	dma.local [hbm:s4], s20  }
0x9e: {  	_ =	swait.ge [sflag:s22], s20  }
0x9f: {  	s3 =	ssub.s32 $0x0, s20;
	[sflag:s22] =	ssyncset.done $0x0  }
0xa0: {  	[sflag:s22] =	ssyncadd.s32 s3;
	_ =	sdelay $0x1  }
0xa1: {  	s23 =	simm.s32 $0x1B8B  }
0xa2: {  	_ =	swait.ge [sflag:s23], $0x1  }
0xa3: {  	[sflag:s23] =	ssyncset.done $0x0  }
0xa4: {  	s25 =	simm.s32 $0x1B8E;
	s24 =	sld [smem:$0x3FFE];
	[sflag:s23] =	ssyncadd.s32 $0xFFFFFFFF  }
0xa5: {  	s26 =	simm.s32 $execute0_lowered;
	[smem:$0x3FD2] =	sst s25  }
0xa6: {  	s4 =	sshll.u32 s26, $0x1;
	_ =	strace $0x80000052;
	[dreg:$0x1] =	wrdreg $0xFFFFFFFF  }
0xa7: {  	s28 =	simm.s32 $_size_execute0_lowered;
	s2 =	sadd.s32 s2, s4;
	[dreg:$0x0] =	wrdreg $0x0  }
0xa8: {  	s4 =	sshll.u32 s28, $0x1;
	[dreg:$0x2] =	wrdreg s2  }
0xa9: {  	[dreg:$0x3] =	wrdreg s4  }
0xaa: {  	[dreg:$0x4] =	wrdreg $0xC0  }
0xab: {  	_ =	task [dreg:s6], $0x5FFFF  }
0xac: {  	[dreg:$0x1] =	wrdreg $0xFFFFFFFF  }
0xad: {  	[dreg:$0x0] =	wrdreg $0x60  }
0xae: {  	[dreg:$0x2] =	wrdreg s24  }
0xaf: {  	[dreg:$0x3] =	wrdreg $0x61000  }
0xb0: {  	[dreg:$0x4] =	wrdreg $0x9  }
0xb1: {  	_ =	task.clear_ibuf [dreg:s6], $0x5FFFF;
	_ =	strace $0x90000052  }
0xb2: {  	s29 =	simm.s32 $0x9;
	_ =	strace $0x80000054  }
0xb3: {  	_ =	swait.ge [sflag:s29], $0x1  }
0xb4: {  	[sflag:s29] =	ssyncadd.s32 $0xFFFFFFFF  }
0xb5: {  	_ =	strace $0x90000054  }
0xb6: {  	_ =	sfence  }
0xb7: {  	s30 =	sld [smem:$0x0];
	_ =	sdelay $0x2  }
0xb8: {  	s31 =	sshll.u32 s1, $0xD;
	s1 =	sshrl.u32 s1, $0x2  }
0xb9: {  	s3 =	sand.u32 $0x4000, s31;
	s1 =	sadd.s32 s1, s30  }
0xba: {  	s0 =	sor.u32 s3, s0;
	s1 =	sshll.u32 s1, $0x11  }
0xbb: {  	s0 =	sor.u32 s1, s0  }
0xbc: {  	s0 =	sadd.s32 $0x8F2B, s0  }
0xbd: {  	[sflag:s0] =	ssyncadd.remote.s32 $0x1  }
0xbe: {  	_ =	sfence.sel $0xFFFF  }
0xbf: {  	[dreg:$0x0] =	wrdreg $0xFFFFFFFF;
	(pc) =	sbr.abs _section_cstart, $3  }
0xc0: {  	[dreg:$0x1] =	wrdreg $0xFFFFFFFF  }
0xc1: {  	_ =	task.clear_ibuf [dreg:s6], $0x2FFFF;
	_ =	strace $0x9FFFFFFF  }
0xc2: {  	(tm) =	ssettm $0x7FFFFFFF  }
0xc3: {  	_ =	shalt  }
tec
execute0_lowered:
.L_overlay_start_1:
0x0: {  	(tag) =	ssettag $0x1  }
0x1: {  	s8 =	rddreg [dreg:$0x0]  }
0x2: {  	s2 =	rddreg [dreg:$0x1]  }
0x3: {  	s0 =	rddreg [dreg:$0x2]  }
0x4: {  	s4 =	srdreg.scid;
	s1 =	stileid.u32;
	s3 =	simm.s32 $0x0  }
0x5: {  	s19 =	simm.s32 $0x80;
	s20 =	simm.s32 $0x100;
	s21 =	simm.s32 $0x2100  }
0x6: {  	s13 =	sand.u32 $0x1, s4;
	s9 =	smul.u32 $0xA000, s1;
	[smem:$0x7FF] =	sst s3  }
0x7: {  	s4 =	sadd.s32 $0x17C00, s8;
	s5 =	sadd.s32 $0xCB600, s8;
	s6 =	sadd.s32 $0xDE00, s8  }
0x8: {  	s12 =	smul.u32 $0x28000, s1;
	p0 =	slt.u32 s1, $0x2;
	s17 =	sshll.u32 s1, $0x8  }
0x9: {  	s7 =	smul.u32 $0xA0000, s13;
	_ =	strace $0x80000053;
	s11 =	ssub.s32 $0x2, s13  }
0xa: {  	s18 =	sshll.u32 s13, $0x7;
	s31 =	sshrl.u32 s11, $0x1;
	s12 =	sshrl.u32 s12, $0x2  }
0xb: {  	s7 =	sadd.s32 s9, s7;
	s16 =	ssub.s32 s11, s31;
	s14 =	sadd.s32 s12, s2  }
0xc: {  	s9 =	sadd.s32 s9, s2;
	s10 =	sshrl.u32 s7, $0x3;
	s7 =	sadd.s32 $0x4000, s8  }
0xd: {  	s11 =	sadd.s32 $0x4000, s14;
	s12 =	sadd.s32 $0x6000, s14;
	s13 =	sadd.s32 $0x8000, s14  }
0xe: {  	s16 =	smax.u32 s16, $0x1;
	s15 =	sadd.s32 s10, s8;
	s8 =	simm.s32 $0x4F  }
0xf: {  	s10 =	sadd.s32 $0x2000, s14;
	s14 =	sor.u32 s18, s17;
	s17 =	simm.s32 $0x4100  }
0x10: {  	v0 =	vimm.f32 $0.0e+00;
	s18 =	simm.s32 $0x1;
	s8 =	simm.s32 @!p0 $0x4E;
	s15 =	sadd.s32 $0x8FC00, s15  }
.LBB2_1:
0x11: {  	s23 =	simm.s32 $0x100;
	s22 =	simm.s32 $0x0  }
.LBB2_2:
0x12: {  	p0 =	sne.s32 s23, $0x7F00;
	[tilespmem:s22+$0x4130] =	vst v0;
	s24 =	smov.u32 s23;
	s23 =	sadd.s32 $0x100, s23  }
.Ltmp0:
0x13: {  	[tilespmem:s22+$0x4120] =	vst v0;
	(pc) =	sbr.rel @p0 .LBB2_2-.Ltmp0, $3  }
0x14: {  	[tilespmem:s22+$0x4100] =	vst v0  }
0x15: {  	[tilespmem:s22+$0x4110] =	vst v0;
	_ =	sdelay $0x1  }
0x16: {  	s22 =	sshra.s32 s24, $0x2  }
0x17: {  	[tilespmem:s22+$0x4130] =	vst v0  }
0x18: {  	[tilespmem:s22+$0x4120] =	vst v0  }
0x19: {  	[tilespmem:s22+$0x4100] =	vst v0  }
0x1a: {  	[tilespmem:s22+$0x4110] =	vst v0  }
0x1b: {  	[spmem:s9] =	stream.linear.scatter [tilespmem:s17], [sflag:$0x1], $0x2000, $0x38;
	[tilespmem:$0x10100] =	vst v63  }
0x1c: {  	_ =	swait.ge [sflag:s18], $0x2000  }
0x1d: {  	[sflag:s18] =	ssyncset.done $0x0  }
0x1e: {  	[sflag:s18] =	ssyncadd.s32 $0xFFFFE000  }
0x1f: {  	[spmem:s10] =	stream.linear.scatter [tilespmem:s17], [sflag:$0x1], $0x2000, $0x38;
	[tilespmem:$0x10100] =	vst v63  }
0x20: {  	_ =	swait.ge [sflag:s18], $0x2000  }
0x21: {  	[sflag:s18] =	ssyncset.done $0x0  }
0x22: {  	[sflag:s18] =	ssyncadd.s32 $0xFFFFE000  }
0x23: {  	[spmem:s11] =	stream.linear.scatter [tilespmem:s17], [sflag:$0x1], $0x2000, $0x38;
	[tilespmem:$0x10100] =	vst v63  }
0x24: {  	_ =	swait.ge [sflag:s18], $0x2000  }
0x25: {  	[sflag:s18] =	ssyncset.done $0x0  }
0x26: {  	[sflag:s18] =	ssyncadd.s32 $0xFFFFE000  }
0x27: {  	[spmem:s12] =	stream.linear.scatter [tilespmem:s17], [sflag:$0x1], $0x2000, $0x38;
	[tilespmem:$0x10100] =	vst v63  }
0x28: {  	_ =	swait.ge [sflag:s18], $0x2000  }
0x29: {  	[sflag:s18] =	ssyncset.done $0x0  }
0x2a: {  	[sflag:s18] =	ssyncadd.s32 $0xFFFFE000  }
0x2b: {  	[spmem:s13] =	stream.linear.scatter [tilespmem:s17], [sflag:$0x1], $0x2000, $0x38;
	[tilespmem:$0x10100] =	vst v63  }
0x2c: {  	_ =	swait.ge [sflag:s18], $0x2000  }
0x2d: {  	[sflag:s18] =	ssyncset.done $0x0  }
0x2e: {  	[sflag:s18] =	ssyncadd.s32 $0xFFFFE000  }
0x2f: {  	s22 =	simm.s32 $0x0;
	s23 =	simm.s32 $0x0;
	[bflag:$0x0] =	sbarrier.arrive $0xFFFF  }
.LBB2_4:
0x30: {  	s24 =	sshll.u32 s23, $0xC  }
0x31: {  	s24 =	sor.u32 s14, s24  }
0x32: {  	s25 =	sshrl.u32 s24, $0x3  }
0x33: {  	s26 =	sadd.s32 s6, s25  }
0x34: {  	[tilespmem:s22], [sflag:$0x1] =	stream.linear.gather [hbm4b:s26+s22], $0x80, $0x38;
	[tilespmem:$0x10100] =	vst v63  }
0x35: {  	_ =	swait.ge [sflag:s18], $0x80  }
0x36: {  	[sflag:s18] =	ssyncset.done $0x0  }
0x37: {  	s25 =	sadd.s32 s7, s25;
	[sflag:s18] =	ssyncadd.s32 $0xFFFFFF80  }
0x38: {  	[tilespmem:s19], [sflag:$0x1] =	stream.linear.gather [hbm4b:s25+s22], $0x80, $0x38;
	[tilespmem:$0x10100] =	vst v63  }
0x39: {  	_ =	swait.ge [sflag:s18], $0x80  }
0x3a: {  	[sflag:s18] =	ssyncset.done $0x0  }
0x3b: {  	[sflag:s18] =	ssyncadd.s32 $0xFFFFFF80  }
0x3c: {  	[tilespmem:s20], [sflag:$0x1] =	stream.indirect.gather [hbm4b:s4+s19], $0x40, s22, s19, $0xb8;
	[tilespmem:$0x10100] =	vst v63  }
0x3d: {  	_ =	swait.ge [sflag:s18], $0x2000  }
0x3e: {  	s24 =	sshll.u32 s24, $0x3;
	[sflag:s18] =	ssyncset.done $0x0  }
0x3f: {  	s24 =	sadd.s32 s5, s24;
	[sflag:s18] =	ssyncadd.s32 $0xFFFFE000  }
0x40: {  	[tilespmem:s21], [sflag:$0x1] =	stream.linear.gather [hbm4b:s24+s22], $0x2000, $0x38;
	[tilespmem:$0x10100] =	vst v63  }
0x41: {  	_ =	swait.ge [sflag:s18], $0x2000  }
0x42: {  	[sflag:s18] =	ssyncset.done $0x0  }
0x43: {  	s24 =	simm.s32 $0x0;
	[sflag:s18] =	ssyncadd.s32 $0xFFFFE000  }
0x44: {  	v6 =	vld [tilespmem:s24+$0x2100]  }
0x45: {  	v7 =	vld [tilespmem:s24+$0x2110]  }
0x46: {  	v2 =	vld [tilespmem:s24+$0x2120]  }
0x47: {  	v1 =	vld [tilespmem:s24+$0x2130]  }
0x48: {  	v3 =	vld [tilespmem:s24+$0x100]  }
0x49: {  	v5 =	vld [tilespmem:s24+$0x110]  }
0x4a: {  	s25 =	simm.s32 $0x100;
	v4 =	vld [tilespmem:s24+$0x120]  }
.LBB2_5:
0x4b: {  	s26 =	sshra.s32 s25, $0x2;
	p0 =	sne.s32 s25, $0x7F00;
	v8 =	vld [tilespmem:s24+$0x130];
	v9 =	vmov v2  }
0x4c: {  	v10 =	vld [tilespmem:s26+$0x2100];
	v11 =	vmov v1  }
0x4d: {  	v12 =	vld [tilespmem:s26+$0x2110];
	v3 =	vmul.f32 v6, v3  }
.Ltmp1:
0x4e: {  	v2 =	vld [tilespmem:s26+$0x2120];
	v5 =	vmul.f32 v7, v5;
	(pc) =	sbr.rel @p0 .LBB2_5-.Ltmp1, $4  }
0x4f: {  	v1 =	vld [tilespmem:s26+$0x2130];
	[tilespmem:s24+$0x100] =	vst v3;
	v4 =	vmul.f32 v9, v4  }
0x50: {  	v3 =	vld [tilespmem:s26+$0x100];
	[tilespmem:s24+$0x110] =	vst v5;
	v8 =	vmul.f32 v11, v8  }
0x51: {  	v5 =	vld [tilespmem:s26+$0x110];
	[tilespmem:s24+$0x120] =	vst v4;
	v6 =	vmov v10  }
0x52: {  	s25 =	sadd.s32 $0x100, s25;
	v4 =	vld [tilespmem:s26+$0x120];
	[tilespmem:s24+$0x130] =	vst v8;
	v7 =	vmov v12;
	s24 =	smov.u32 s26  }
0x53: {  	v8 =	vld [tilespmem:s24+$0x130];
	_ =	sdelay $0x1  }
0x54: {  	v3 =	vmul.f32 v6, v3  }
0x55: {  	v5 =	vmul.f32 v7, v5  }
0x56: {  	[tilespmem:s24+$0x100] =	vst v3;
	v2 =	vmul.f32 v2, v4  }
0x57: {  	s23 =	sadd.s32 $0x1, s23;
	[tilespmem:s24+$0x110] =	vst v5;
	v1 =	vmul.f32 v1, v8  }
0x58: {  	p0 =	sne.s32 s23, s8;
	[tilespmem:s24+$0x120] =	vst v2  }
.Ltmp2:
0x59: {  	[tilespmem:s24+$0x130] =	vst v1;
	(pc) =	sbr.rel @p0 .LBB2_4-.Ltmp2, $4  }
0x5a: {  	[spmem:s2] =	stream.indirect.scatter.add.f32 [tilespmem:s20], [sflag:$0x1], $0x40, s19, s19, $0xb8;
	[tilespmem:$0x10100] =	vst v63  }
0x5b: {  	_ =	swait.ge [sflag:s18], $0x2000  }
0x5c: {  	[sflag:s18] =	ssyncset.done $0x0  }
0x5d: {  	[sflag:s18] =	ssyncadd.s32 $0xFFFFE000  }
0x5e: {  	s3 =	sadd.s32 $0x1, s3  }
0x5f: {  	s22 =	sshll.u32 s1, $0x6;
	[bflag:$0x0] =	sbarrier.arrive $0xFFFF;
	p0 =	sne.s32 s3, s16  }
.Ltmp3:
0x60: {  	s23 =	sshrl.u32 s9, $0x3;
	s22 =	sor.u32 $0x1C01, s22;
	(pc) =	sbr.rel @p0 .LBB2_1-.Ltmp3, $4  }
0x61: {  	[hbm:s15], [sflag:s22] =	dma.local [spmem:s23], $0x1400  }
0x62: {  	_ =	swait.ge [sflag:s18], $0x1400  }
0x63: {  	[sflag:s18] =	ssyncset.done $0x0  }
0x64: {  	[sflag:s18] =	ssyncadd.s32 $0xFFFFEC00  }
0x65: {  	_ =	sfence.sel $0x180000  }
0x66: {  	[bflag:$0x0] =	sbarrier.arrive $0xFFFF  }
0x67: {  	p0 =	sne.s32 s1, $0x0;
	_ =	strace $0x90000053  }
0x68: {  	s0 =	sadd.s32 @!p0 $0x100000, s0;
	[bflag:$0x2] =	sbarrier.arrive $0xFFFF  }
0x69: {  	[sflag:s0] =	ssyncadd.tile.s32 @!p0 $0x1;
	_ =	shalt  }
.Lfunc_end2:
_tile_overlayer_lowered:
.L_overlay_start_2:
0x6a: {  	(tag) =	ssettag $0x2  }
0x6b: {  	s0 =	rddreg [dreg:$0x0];
	s2 =	stileid.u32  }
0x6c: {  	s1 =	rddreg [dreg:$0x1];
	p0 =	sne.s32 s2, $0x0  }
0x6d: {  	s3 =	rddreg [dreg:$0x2];
	[bflag:$0x3] =	sbarrier.arrive $0xFFFF;
	s2 =	simm.s32 @!p0 $0x1C01  }
0x6e: {  	[timem:s3], [sflag:s2] =	dma.local @!p0 [hbm:s0], s1  }
0x6f: {  	s0 =	simm.s32 @!p0 $0x1  }
0x70: {  	_ =	swait.ge @!p0 [sflag:s0], s1  }
0x71: {  	s1 =	ssub.s32 @!p0 $0x0, s1;
	[sflag:s0] =	ssyncset.done @!p0 $0x0  }
0x72: {  	[sflag:s0] =	ssyncadd.s32 @!p0 s1  }
0x73: {  	[bflag:$0x3] =	sbarrier.arrive $0xFFFF  }
0x74: {  	_ =	shalt  }

</sc_bundles>
